<compile_context>
chip_gen: v7x
topology: tpu7x:2x2x1
jax: 0.10.2.dev20260603
libtpu: 0.0.44.dev20260713+nightly
codegen_flags: <defaults>
</compile_context>

<pallas_src>
import functools

import jax
import jax.numpy as jnp
from jax import lax
from jax.experimental import pallas as pl
from jax.experimental.pallas import tpu as pltpu
from jax.experimental.pallas import tpu_sc as plsc

KNB = 20
KPAD = 32
NBATCH = 4
NPTS = 1024
ROWT = 1024

_F32 = jnp.float32
_BF16 = jnp.bfloat16


def _t1_body(xr_ref, idx_ref):
    b = pl.program_id(0)
    xr = xr_ref[0]
    d2r = jnp.sum(xr * xr, axis=1, keepdims=True)
    d2c = jnp.transpose(d2r, (1, 0))
    xb = xr.astype(_BF16)
    g = lax.dot_general(xb, xb, (((1,), (1,)), ((), ())),
                        preferred_element_type=_F32)
    dist = d2r + d2c - 2.0 * g
    r, n = dist.shape
    cols = lax.broadcasted_iota(jnp.int32, (r, n), 1)
    slot = lax.broadcasted_iota(jnp.int32, (r, KPAD), 1)

    def body(kk, carry):
        d, acc = carry
        m = jnp.min(d, axis=1, keepdims=True)
        j = jnp.min(jnp.where(d == m, cols, n), axis=1, keepdims=True)
        d = jnp.where(cols == j, jnp.inf, d)
        acc = jnp.where(slot == kk, j, acc)
        return d, acc

    _, acc = lax.fori_loop(0, KNB, body,
                           (dist, jnp.zeros((r, KPAD), jnp.int32)))
    idx_ref[...] = acc[:, :KNB] + b * n


def _t1(xp):
    bq, nq, d = xp.shape
    return pl.pallas_call(
        _t1_body,
        grid=(bq,),
        in_specs=[
            pl.BlockSpec((1, nq, d), lambda b: (b, 0, 0)),
        ],
        out_specs=pl.BlockSpec((nq, KNB), lambda b: (b, 0)),
        out_shape=jax.ShapeDtypeStruct((bq * nq, KNB), jnp.int32),
    )(xp)


def _sc_gather(table, idxe):
    nrows = idxe.shape[0]
    dp = table.shape[1]
    nw = 32
    rpw = nrows // nw
    grp = 128
    ngrp = rpw // grp
    sds = jax.ShapeDtypeStruct((nrows, dp), _F32)
    mesh = plsc.VectorSubcoreMesh(core_axis_name="c", subcore_axis_name="s")

    @functools.partial(
        pl.kernel,
        out_type=sds,
        mesh=mesh,
        scratch_types=[
            pltpu.VMEM((rpw,), jnp.int32),
            pltpu.VMEM((grp, dp), _F32),
            pltpu.VMEM((grp, dp), _F32),
            pltpu.SemaphoreType.DMA,
            pltpu.SemaphoreType.DMA,
            pltpu.SemaphoreType.DMA,
            pltpu.SemaphoreType.DMA,
        ],
        compiler_params=pltpu.CompilerParams(use_tc_tiling_on_sc=False),
    )
    def k(table_h, idx_h, out_h, idxv, buf0, buf1, gs0, gs1, ws0, ws1):
        wid = lax.axis_index("s") * 2 + lax.axis_index("c")
        base = wid * rpw
        pltpu.sync_copy(idx_h.at[pl.ds(base, rpw)], idxv)
        pltpu.async_copy(table_h.at[idxv.at[pl.ds(0, grp)]], buf0, gs0)
        bufs = ((buf0, gs0, ws0), (buf1, gs1, ws1))

        def do_group(gg, s):
            buf, gs, ws = bufs[s]
            obuf, ogs, ows = bufs[1 - s]

            @pl.when(gg >= 1)
            def _():
                pltpu.make_async_copy(
                    obuf, out_h.at[pl.ds(base + (gg - 1) * grp, grp)],
                    ows).wait()

            @pl.when(gg + 1 < ngrp)
            def _():
                pltpu.async_copy(
                    table_h.at[idxv.at[pl.ds((gg + 1) * grp, grp)]],
                    obuf, ogs)

            pltpu.make_async_copy(
                table_h.at[idxv.at[pl.ds(gg * grp, grp)]], buf, gs).wait()
            pltpu.async_copy(buf, out_h.at[pl.ds(base + gg * grp, grp)], ws)

        def pair(t, _):
            do_group(2 * t, 0)
            do_group(2 * t + 1, 1)
            return 0

        lax.fori_loop(0, ngrp // 2, pair, 0)
        lbuf, _, lws = bufs[(ngrp - 1) % 2]
        pltpu.make_async_copy(
            lbuf, out_h.at[pl.ds(base + (ngrp - 1) * grp, grp)], lws).wait()

    return k(table, idxe)


def _edge_body(x_ref, xg_ref, wa_ref, wb_ref,
               fmax_ref, cs_ref, cq_ref, acc_s, acc_q):
    t = pl.program_id(0)
    nt = pl.num_programs(0)

    @pl.when(t == 0)
    def _():
        acc_s[...] = jnp.zeros_like(acc_s)
        acc_q[...] = jnp.zeros_like(acc_q)

    xi = x_ref[...]
    dn = (((1,), (0,)), ((), ()))
    fb = lax.dot_general(xi.astype(_BF16), wb_ref[...], dn,
                         preferred_element_type=_F32)
    fmax = None
    fsum = None
    fsq = None
    for kk in range(KNB):
        e1 = (xg_ref[kk] - xi).astype(_BF16)
        fk = lax.dot_general(e1, wa_ref[...], dn,
                             preferred_element_type=_F32) + fb
        if kk == 0:
            fmax, fsum, fsq = fk, fk, fk * fk
        else:
            fmax = jnp.maximum(fmax, fk)
            fsum = fsum + fk
            fsq = fsq + fk * fk
    fmax_ref[...] = fmax
    acc_s[...] += jnp.sum(fsum, axis=0, keepdims=True)
    acc_q[...] += jnp.sum(fsq, axis=0, keepdims=True)

    @pl.when(t == nt - 1)
    def _():
        cs_ref[...] = acc_s[...]
        cq_ref[...] = acc_q[...]


def _edge(x2d, xg3d, wa_bf, wb_bf):
    bn, d = x2d.shape
    c = wa_bf.shape[1]
    nt = bn // ROWT
    return pl.pallas_call(
        _edge_body,
        grid=(nt,),
        in_specs=[
            pl.BlockSpec((ROWT, d), lambda t: (t, 0)),
            pl.BlockSpec((KNB, ROWT, d), lambda t: (0, t, 0)),
            pl.BlockSpec((d, c), lambda t: (0, 0)),
            pl.BlockSpec((d, c), lambda t: (0, 0)),
        ],
        out_specs=[
            pl.BlockSpec((ROWT, c), lambda t: (t, 0)),
            pl.BlockSpec((1, c), lambda t: (0, 0)),
            pl.BlockSpec((1, c), lambda t: (0, 0)),
        ],
        out_shape=[
            jax.ShapeDtypeStruct((bn, c), _F32),
            jax.ShapeDtypeStruct((1, c), _F32),
            jax.ShapeDtypeStruct((1, c), _F32),
        ],
        scratch_shapes=[pltpu.VMEM((1, c), _F32), pltpu.VMEM((1, c), _F32)],
    )(x2d, xg3d, wa_bf, wb_bf)


def _bn_body(fmax_ref, cs_ref, cq_ref, g_ref, b_ref, o_ref):
    m = float(fmax_ref.shape[0] * KNB)
    mean = cs_ref[...] / m
    var = cq_ref[...] / m - mean * mean
    inv = lax.rsqrt(var + 1e-5)
    y = (fmax_ref[...] - mean) * inv * g_ref[...] + b_ref[...]
    o_ref[...] = jnp.where(y >= 0, y, 0.2 * y)


def _bn(fmax, cs, cq, gamma, beta):
    bn, c = fmax.shape
    return pl.pallas_call(
        _bn_body,
        out_shape=jax.ShapeDtypeStruct((bn, c), _F32),
    )(fmax, cs, cq, gamma, beta)


def _t3_body(x1_ref, x2_ref, x3_ref, x4_ref, w1_ref, w2_ref, w3_ref, w4_ref,
             g_ref, b_ref, o_ref, cs_ref, cq_ref):
    bb = pl.program_id(0)
    dn = (((1,), (0,)), ((), ()))
    y = (lax.dot_general(x1_ref[...].astype(_BF16), w1_ref[...], dn,
                         preferred_element_type=_F32)
         + lax.dot_general(x2_ref[...].astype(_BF16), w2_ref[...], dn,
                           preferred_element_type=_F32)
         + lax.dot_general(x3_ref[...].astype(_BF16), w3_ref[...], dn,
                           preferred_element_type=_F32)
         + lax.dot_general(x4_ref[...].astype(_BF16), w4_ref[...], dn,
                           preferred_element_type=_F32))

    @pl.when(bb == 0)
    def _():
        cs_ref[...] = jnp.zeros_like(cs_ref)
        cq_ref[...] = jnp.zeros_like(cq_ref)

    cs_ref[...] += jnp.sum(y, axis=0, keepdims=True)
    cq_ref[...] += jnp.sum(y * y, axis=0, keepdims=True)
    o_ref[pl.ds(bb, 1), :] = jnp.max(y, axis=0, keepdims=True)

    @pl.when(bb == NBATCH - 1)
    def _():
        m = float(NBATCH * NPTS)
        mean = cs_ref[...] / m
        var = cq_ref[...] / m - mean * mean
        inv = lax.rsqrt(var + 1e-5)
        v = (o_ref[...] - mean) * inv * g_ref[...] + b_ref[...]
        o_ref[...] = jnp.where(v >= 0, v, 0.2 * v)


def _t3(x1, x2, x3, x4, w_parts, gamma, beta):
    w1t, w2t, w3t, w4t = w_parts
    cdim = w1t.shape[1]
    specs = []
    for xin in (x1, x2, x3, x4):
        cc = xin.shape[1]
        specs.append(pl.BlockSpec((NPTS, cc), lambda b: (b, 0)))
    for wt in (w1t, w2t, w3t, w4t):
        dd = wt.shape[0]
        specs.append(pl.BlockSpec((dd, cdim), lambda b: (0, 0)))
    specs.append(pl.BlockSpec((1, cdim), lambda b: (0, 0)))
    specs.append(pl.BlockSpec((1, cdim), lambda b: (0, 0)))
    return pl.pallas_call(
        _t3_body,
        grid=(NBATCH,),
        in_specs=specs,
        out_specs=pl.BlockSpec((NBATCH, cdim), lambda b: (0, 0)),
        out_shape=jax.ShapeDtypeStruct((NBATCH, cdim), _F32),
        scratch_shapes=[pltpu.VMEM((1, cdim), _F32),
                        pltpu.VMEM((1, cdim), _F32)],
    )(x1, x2, x3, x4, w1t, w2t, w3t, w4t, gamma, beta)


def _run_block(x3d, w, gamma, beta):
    bq, nq, d = x3d.shape
    dp = 16 if d < 16 else d
    if dp != d:
        x3d = jnp.pad(x3d, ((0, 0), (0, 0), (0, dp - d)))
    idx2 = _t1(x3d)
    idxk = jnp.transpose(idx2, (1, 0)).reshape(-1)
    x2d = x3d.reshape(bq * nq, dp)
    xg = _sc_gather(x2d, idxk)
    wa_bf = jnp.pad(w[:, :d].T.astype(_BF16), ((0, dp - d), (0, 0)))
    wb_bf = jnp.pad(w[:, d:].T.astype(_BF16), ((0, dp - d), (0, 0)))
    fmax, cs, cq = _edge(x2d, xg.reshape(KNB, bq * nq, dp), wa_bf, wb_bf)
    return _bn(fmax, cs, cq, gamma.reshape(1, -1), beta.reshape(1, -1))


def kernel(x, fc1_w, fc2_w, fc3_w, fc4_w, fc5_w,
           bn1_g, bn1_b, bn2_g, bn2_b, bn3_g, bn3_b,
           bn4_g, bn4_b, bn5_g, bn5_b):
    bq, nq, _ = x.shape
    x1 = _run_block(x, fc1_w, bn1_g, bn1_b)
    x2 = _run_block(x1.reshape(bq, nq, -1), fc2_w, bn2_g, bn2_b)
    x3 = _run_block(x2.reshape(bq, nq, -1), fc3_w, bn3_g, bn3_b)
    x4 = _run_block(x3.reshape(bq, nq, -1), fc4_w, bn4_g, bn4_b)
    w5_parts = (fc5_w[:, :64].T.astype(_BF16),
                fc5_w[:, 64:128].T.astype(_BF16),
                fc5_w[:, 128:256].T.astype(_BF16),
                fc5_w[:, 256:].T.astype(_BF16))
    return _t3(x1, x2, x3, x4, w5_parts,
               bn5_g.reshape(1, -1), bn5_b.reshape(1, -1))

# --- scband reference (transcript-rebuilt; emitter-appended) ---
"""Pipeline reference for scband-dgcnnencoder-40785009443187 (READ-ONLY COPY).

The authoritative reference and input builder live on the scoring server;
editing this copy changes nothing except your own understanding.
"""

import jax, jax.numpy as jnp
import numpy as np

K_NEIGHBORS = 20


def knn_idx(x, k):
    # x: (B, N, D) -> indices of k nearest neighbors (including self), ascending distance
    d2 = jnp.sum(x * x, axis=-1)
    dist = d2[:, :, None] + d2[:, None, :] - 2.0 * jnp.einsum('bnd,bmd->bnm', x, x)
    _, idx = jax.lax.top_k(-dist, k)
    return idx


def knn_gather(x, idx):
    # x: (B, N, D), idx: (B, N, K) -> (B, N, K, D)
    return jax.vmap(lambda xb, ib: xb[ib])(x, idx)


def get_graph_feature(x, k):
    idx = knn_idx(x, k)
    feats = knn_gather(x, idx)
    xc = jnp.broadcast_to(x[:, :, None, :], feats.shape)
    return jnp.concatenate([feats - xc, xc], axis=3)


def batchnorm1d(x, gamma, beta, eps=1e-5):
    # x: (B, C, L), training-mode batch statistics over (batch, spatial)
    mean = jnp.mean(x, axis=(0, 2), keepdims=True)
    var = jnp.var(x, axis=(0, 2), keepdims=True)
    xn = (x - mean) / jnp.sqrt(var + eps)
    return xn * gamma[None, :, None] + beta[None, :, None]


def leaky_relu(x, slope=0.2):
    return jnp.where(x >= 0, x, slope * x)


def block_forward(x, W, gamma, beta, k):
    B, N, _ = x.shape
    f = get_graph_feature(x, k)          # (B, N, K, 2D)
    f = f @ W.T                           # (B, N, K, C) linear, no bias
    C = W.shape[0]
    f = jnp.transpose(f.reshape(B, N * k, C), (0, 2, 1))  # b d (n k)
    f = leaky_relu(batchnorm1d(f, gamma, beta))
    f = f.reshape(B, C, N, k).max(axis=-1)  # max over neighbors -> (B, C, N)
    return jnp.transpose(f, (0, 2, 1))       # (B, N, C)


def setup_inputs(seed: int = 0):
    key = jax.random.key(seed)
    ks = jax.random.split(key, 8)
    B, N = 4, 1024
    inp = {}
    inp['x'] = jax.random.normal(ks[0], (B, N, 3), dtype=jnp.float32)
    inp['fc1_w'] = jax.random.normal(ks[1], (64, 6), dtype=jnp.float32) * 0.1
    inp['fc2_w'] = jax.random.normal(ks[2], (64, 128), dtype=jnp.float32) * 0.1
    inp['fc3_w'] = jax.random.normal(ks[3], (128, 128), dtype=jnp.float32) * 0.1
    inp['fc4_w'] = jax.random.normal(ks[4], (256, 256), dtype=jnp.float32) * 0.1
    inp['fc5_w'] = jax.random.normal(ks[5], (1024, 512), dtype=jnp.float32) * 0.05
    for i, c in zip(range(1, 6), [64, 64, 128, 256, 1024]):
        inp['bn%d_g' % i] = jnp.ones((c,), dtype=jnp.float32)
        inp['bn%d_b' % i] = jnp.zeros((c,), dtype=jnp.float32)
    return inp


def reference(x, fc1_w, fc2_w, fc3_w, fc4_w, fc5_w,
              bn1_g, bn1_b, bn2_g, bn2_b, bn3_g, bn3_b,
              bn4_g, bn4_b, bn5_g, bn5_b):
    k = K_NEIGHBORS
    x1 = block_forward(x, fc1_w, bn1_g, bn1_b, k)
    x2 = block_forward(x1, fc2_w, bn2_g, bn2_b, k)
    x3 = block_forward(x2, fc3_w, bn3_g, bn3_b, k)
    x4 = block_forward(x3, fc4_w, bn4_g, bn4_b, k)
    x5 = jnp.concatenate([x1, x2, x3, x4], axis=-1) @ fc5_w.T  # (B, N, 1024)
    x5 = jnp.transpose(x5, (0, 2, 1))                          # (B, 1024, N)
    feat = leaky_relu(batchnorm1d(x5, bn5_g, bn5_b))
    global_feature = feat.max(axis=-1)                          # adaptive_max_pool1d(., 1)
    return global_feature

if __name__ == "__main__":
    import jax
    _d = setup_inputs()
    print(jax.jit(kernel)(*tuple(_d.values())))

</pallas_src>

<mosaic_0001>
#map = affine_map<(d0, d1) -> (0, 0)>
#map1 = affine_map<(d0, d1) -> (0)>
module attributes {stable_mosaic.version = 14 : i64} {
  func.func @k(%arg0: i32, %arg1: i32, %arg2: memref<4096x64xf32, #tpu.memory_space<hbm>>, %arg3: memref<81920xi32, #tpu.memory_space<hbm>>, %arg4: memref<81920x64xf32, #tpu.memory_space<hbm>>, %arg5: memref<2560xi32, #tpu.memory_space<vmem>>, %arg6: memref<128x64xf32, #tpu.memory_space<vmem>>, %arg7: memref<128x64xf32, #tpu.memory_space<vmem>>, %arg8: memref<!tpu.dma_semaphore, #tpu.memory_space<semaphore_mem>>, %arg9: memref<!tpu.dma_semaphore, #tpu.memory_space<semaphore_mem>>, %arg10: memref<!tpu.dma_semaphore, #tpu.memory_space<semaphore_mem>>, %arg11: memref<!tpu.dma_semaphore, #tpu.memory_space<semaphore_mem>>) attributes {dimension_semantics = [#tpu.dimension_semantics<core_parallel>, #tpu.dimension_semantics<subcore_parallel>], iteration_bounds = array<i64: 2, 16>, scalar_prefetch = 0 : i64, scratch_operands = 7 : i64, tpu.core_type = #tpu.core_type<sc_vector_subcore>, window_params = [{transform_indices = #map}, {transform_indices = #map1}, {transform_indices = #map}]} {
    %mul3A = arith.constant 2 : i32
    %mul3A_0 = arith.muli %arg1, %mul3A : i32
    %add3A = arith.addi %mul3A_0, %arg0 : i32
    %mul3A_1 = arith.constant 2560 : i32
    %mul3A_2 = arith.muli %add3A, %mul3A_1 : i32
    "tpu.region"() ({
      %run_scoped3A = tpu.sem_alloc : memref<!tpu.dma_semaphore, #tpu.memory_space<semaphore_mem>>
      %dma_start3A_18 = tpu.memref_slice %arg3[%mul3A_2] : memref<81920xi32, #tpu.memory_space<hbm>> -> memref<2560xi32, #tpu.memory_space<hbm>>
      %dma_start3A_19 = tpu.memref_slice %arg3[%mul3A_2] : memref<81920xi32, #tpu.memory_space<hbm>> -> memref<2560xi32, #tpu.memory_space<hbm>>
      tpu.enqueue_dma source(%dma_start3A_19 : memref<2560xi32, #tpu.memory_space<hbm>>) target(%arg5 : memref<2560xi32, #tpu.memory_space<vmem>>) target_semaphore(%run_scoped3A : memref<!tpu.dma_semaphore, #tpu.memory_space<semaphore_mem>>)
      %dma_wait3A_20 = tpu.memref_slice %arg3[%mul3A_2] : memref<81920xi32, #tpu.memory_space<hbm>> -> memref<2560xi32, #tpu.memory_space<hbm>>
      %dma_wait3A_21 = tpu.memref_slice %arg3[%mul3A_2] : memref<81920xi32, #tpu.memory_space<hbm>> -> memref<2560xi32, #tpu.memory_space<hbm>>
      tpu.wait_dma2 semaphore(%run_scoped3A : memref<!tpu.dma_semaphore, #tpu.memory_space<semaphore_mem>>) src(%dma_wait3A_21 : memref<2560xi32, #tpu.memory_space<hbm>>) dst(%arg5 : memref<2560xi32, #tpu.memory_space<vmem>>)
      tpu.yield
    }) : () -> ()
    %dma_start3A = arith.constant 0 : i32
    %dma_start3A_3 = tpu.memref_slice %arg5[%dma_start3A] : memref<2560xi32, #tpu.memory_space<vmem>> -> memref<128xi32, #tpu.memory_space<vmem>>
    %dma_start3A_4 = arith.constant 0 : i32
    %dma_start3A_5 = arith.constant 0 : i32
    %dma_start3A_6 = tpu.memref_slice %arg2[%dma_start3A_4, %dma_start3A_5] : memref<4096x64xf32, #tpu.memory_space<hbm>> -> memref<4096x64xf32, #tpu.memory_space<hbm>>
    tpu.enqueue_indirect_dma source(%dma_start3A_6 : memref<4096x64xf32, #tpu.memory_space<hbm>>) target(%arg6 : memref<128x64xf32, #tpu.memory_space<vmem>>) offsets(%dma_start3A_3 : memref<128xi32, #tpu.memory_space<vmem>>) semaphore(%arg8 : memref<!tpu.dma_semaphore, #tpu.memory_space<semaphore_mem>>)
    %scan3A = arith.constant 0 : i32
    %scan3A_7 = arith.constant 0 : i32
    %scan3A_8 = arith.constant 10 : i32
    %scan3A_9 = arith.addi %scan3A_7, %scan3A_8 : i32
    %scan3A_10 = arith.constant 1 : i32
    %scan3A_11 = scf.for %scan3A_18 = %scan3A_7 to %scan3A_9 step %scan3A_10 iter_args(%scan3A_19 = %scan3A) -> (i32)  : i32 {
      %mul3A_20 = arith.constant 2 : i32
      %mul3A_21 = arith.muli %mul3A_20, %scan3A_18 : i32
      %ge3A = arith.constant 1 : i32
      %ge3A_22 = arith.cmpi sge, %mul3A_21, %ge3A : i32
      %convert_element_type3A = arith.extui %ge3A_22 : i1 to i32
      %cond3A = arith.constant 0 : i32
      %cond3A_23 = arith.cmpi ne, %convert_element_type3A, %cond3A : i32
      scf.if %cond3A_23 {
        %sub3A = arith.constant 1 : i32
        %sub3A_73 = arith.subi %mul3A_21, %sub3A : i32
        %mul3A_74 = arith.constant 128 : i32
        %mul3A_75 = arith.muli %sub3A_73, %mul3A_74 : i32
        %add3A_76 = arith.addi %mul3A_2, %mul3A_75 : i32
        %dma_wait3A_77 = arith.constant 0 : i32
        %dma_wait3A_78 = tpu.memref_slice %arg4[%add3A_76, %dma_wait3A_77] : memref<81920x64xf32, #tpu.memory_space<hbm>> -> memref<128x64xf32, #tpu.memory_space<hbm>>
        %dma_wait3A_79 = arith.constant 0 : i32
        %dma_wait3A_80 = tpu.memref_slice %arg4[%add3A_76, %dma_wait3A_79] : memref<81920x64xf32, #tpu.memory_space<hbm>> -> memref<128x64xf32, #tpu.memory_space<hbm>>
        tpu.wait_dma2 semaphore(%arg11 : memref<!tpu.dma_semaphore, #tpu.memory_space<semaphore_mem>>) src(%arg7 : memref<128x64xf32, #tpu.memory_space<vmem>>) dst(%dma_wait3A_80 : memref<128x64xf32, #tpu.memory_space<hbm>>)
      } else {
      }
      %add3A_24 = arith.constant 1 : i32
      %add3A_25 = arith.addi %mul3A_21, %add3A_24 : i32
      %lt3A = arith.constant 20 : i32
      %lt3A_26 = arith.cmpi slt, %add3A_25, %lt3A : i32
      %convert_element_type3A_27 = arith.extui %lt3A_26 : i1 to i32
      %cond3A_28 = arith.constant 0 : i32
      %cond3A_29 = arith.cmpi ne, %convert_element_type3A_27, %cond3A_28 : i32
      scf.if %cond3A_29 {
        %add3A_73 = arith.constant 1 : i32
        %add3A_74 = arith.addi %mul3A_21, %add3A_73 : i32
        %mul3A_75 = arith.constant 128 : i32
        %mul3A_76 = arith.muli %add3A_74, %mul3A_75 : i32
        %dma_start3A_77 = tpu.memref_slice %arg5[%mul3A_76] : memref<2560xi32, #tpu.memory_space<vmem>> -> memref<128xi32, #tpu.memory_space<vmem>>
        %dma_start3A_78 = arith.constant 0 : i32
        %dma_start3A_79 = arith.constant 0 : i32
        %dma_start3A_80 = tpu.memref_slice %arg2[%dma_start3A_78, %dma_start3A_79] : memref<4096x64xf32, #tpu.memory_space<hbm>> -> memref<4096x64xf32, #tpu.memory_space<hbm>>
        tpu.enqueue_indirect_dma source(%dma_start3A_80 : memref<4096x64xf32, #tpu.memory_space<hbm>>) target(%arg7 : memref<128x64xf32, #tpu.memory_space<vmem>>) offsets(%dma_start3A_77 : memref<128xi32, #tpu.memory_space<vmem>>) semaphore(%arg9 : memref<!tpu.dma_semaphore, #tpu.memory_space<semaphore_mem>>)
      } else {
      }
      %mul3A_30 = arith.constant 128 : i32
      %mul3A_31 = arith.muli %mul3A_21, %mul3A_30 : i32
      %dma_wait3A_32 = tpu.memref_slice %arg5[%mul3A_31] : memref<2560xi32, #tpu.memory_space<vmem>> -> memref<128xi32, #tpu.memory_space<vmem>>
      %dma_wait3A_33 = arith.constant 0 : i32
      %dma_wait3A_34 = arith.constant 0 : i32
      %dma_wait3A_35 = tpu.memref_slice %arg2[%dma_wait3A_33, %dma_wait3A_34] : memref<4096x64xf32, #tpu.memory_space<hbm>> -> memref<4096x64xf32, #tpu.memory_space<hbm>>
      tpu.wait_indirect_dma semaphore(%arg8 : memref<!tpu.dma_semaphore, #tpu.memory_space<semaphore_mem>>) src(%dma_wait3A_35 : memref<4096x64xf32, #tpu.memory_space<hbm>>) dst(%arg6 : memref<128x64xf32, #tpu.memory_space<vmem>>)
      %mul3A_36 = arith.constant 128 : i32
      %mul3A_37 = arith.muli %mul3A_21, %mul3A_36 : i32
      %add3A_38 = arith.addi %mul3A_2, %mul3A_37 : i32
      %dma_start3A_39 = arith.constant 0 : i32
      %dma_start3A_40 = tpu.memref_slice %arg4[%add3A_38, %dma_start3A_39] : memref<81920x64xf32, #tpu.memory_space<hbm>> -> memref<128x64xf32, #tpu.memory_space<hbm>>
      %dma_start3A_41 = arith.constant 0 : i32
      %dma_start3A_42 = tpu.memref_slice %arg4[%add3A_38, %dma_start3A_41] : memref<81920x64xf32, #tpu.memory_space<hbm>> -> memref<128x64xf32, #tpu.memory_space<hbm>>
      tpu.enqueue_dma source(%arg6 : memref<128x64xf32, #tpu.memory_space<vmem>>) target(%dma_start3A_42 : memref<128x64xf32, #tpu.memory_space<hbm>>) target_semaphore(%arg10 : memref<!tpu.dma_semaphore, #tpu.memory_space<semaphore_mem>>)
      %mul3A_43 = arith.constant 2 : i32
      %mul3A_44 = arith.muli %mul3A_43, %scan3A_18 : i32
      %add3A_45 = arith.constant 1 : i32
      %add3A_46 = arith.addi %mul3A_44, %add3A_45 : i32
      %ge3A_47 = arith.constant 1 : i32
      %ge3A_48 = arith.cmpi sge, %add3A_46, %ge3A_47 : i32
      %convert_element_type3A_49 = arith.extui %ge3A_48 : i1 to i32
      %cond3A_50 = arith.constant 0 : i32
      %cond3A_51 = arith.cmpi ne, %convert_element_type3A_49, %cond3A_50 : i32
      scf.if %cond3A_51 {
        %sub3A = arith.constant 1 : i32
        %sub3A_73 = arith.subi %add3A_46, %sub3A : i32
        %mul3A_74 = arith.constant 128 : i32
        %mul3A_75 = arith.muli %sub3A_73, %mul3A_74 : i32
        %add3A_76 = arith.addi %mul3A_2, %mul3A_75 : i32
        %dma_wait3A_77 = arith.constant 0 : i32
        %dma_wait3A_78 = tpu.memref_slice %arg4[%add3A_76, %dma_wait3A_77] : memref<81920x64xf32, #tpu.memory_space<hbm>> -> memref<128x64xf32, #tpu.memory_space<hbm>>
        %dma_wait3A_79 = arith.constant 0 : i32
        %dma_wait3A_80 = tpu.memref_slice %arg4[%add3A_76, %dma_wait3A_79] : memref<81920x64xf32, #tpu.memory_space<hbm>> -> memref<128x64xf32, #tpu.memory_space<hbm>>
        tpu.wait_dma2 semaphore(%arg10 : memref<!tpu.dma_semaphore, #tpu.memory_space<semaphore_mem>>) src(%arg6 : memref<128x64xf32, #tpu.memory_space<vmem>>) dst(%dma_wait3A_80 : memref<128x64xf32, #tpu.memory_space<hbm>>)
      } else {
      }
      %add3A_52 = arith.constant 1 : i32
      %add3A_53 = arith.addi %add3A_46, %add3A_52 : i32
      %lt3A_54 = arith.constant 20 : i32
      %lt3A_55 = arith.cmpi slt, %add3A_53, %lt3A_54 : i32
      %convert_element_type3A_56 = arith.extui %lt3A_55 : i1 to i32
      %cond3A_57 = arith.constant 0 : i32
      %cond3A_58 = arith.cmpi ne, %convert_element_type3A_56, %cond3A_57 : i32
      scf.if %cond3A_58 {
        %add3A_73 = arith.constant 1 : i32
        %add3A_74 = arith.addi %add3A_46, %add3A_73 : i32
        %mul3A_75 = arith.constant 128 : i32
        %mul3A_76 = arith.muli %add3A_74, %mul3A_75 : i32
        %dma_start3A_77 = tpu.memref_slice %arg5[%mul3A_76] : memref<2560xi32, #tpu.memory_space<vmem>> -> memref<128xi32, #tpu.memory_space<vmem>>
        %dma_start3A_78 = arith.constant 0 : i32
        %dma_start3A_79 = arith.constant 0 : i32
        %dma_start3A_80 = tpu.memref_slice %arg2[%dma_start3A_78, %dma_start3A_79] : memref<4096x64xf32, #tpu.memory_space<hbm>> -> memref<4096x64xf32, #tpu.memory_space<hbm>>
        tpu.enqueue_indirect_dma source(%dma_start3A_80 : memref<4096x64xf32, #tpu.memory_space<hbm>>) target(%arg6 : memref<128x64xf32, #tpu.memory_space<vmem>>) offsets(%dma_start3A_77 : memref<128xi32, #tpu.memory_space<vmem>>) semaphore(%arg8 : memref<!tpu.dma_semaphore, #tpu.memory_space<semaphore_mem>>)
      } else {
      }
      %mul3A_59 = arith.constant 128 : i32
      %mul3A_60 = arith.muli %add3A_46, %mul3A_59 : i32
      %dma_wait3A_61 = tpu.memref_slice %arg5[%mul3A_60] : memref<2560xi32, #tpu.memory_space<vmem>> -> memref<128xi32, #tpu.memory_space<vmem>>
      %dma_wait3A_62 = arith.constant 0 : i32
      %dma_wait3A_63 = arith.constant 0 : i32
      %dma_wait3A_64 = tpu.memref_slice %arg2[%dma_wait3A_62, %dma_wait3A_63] : memref<4096x64xf32, #tpu.memory_space<hbm>> -> memref<4096x64xf32, #tpu.memory_space<hbm>>
      tpu.wait_indirect_dma semaphore(%arg9 : memref<!tpu.dma_semaphore, #tpu.memory_space<semaphore_mem>>) src(%dma_wait3A_64 : memref<4096x64xf32, #tpu.memory_space<hbm>>) dst(%arg7 : memref<128x64xf32, #tpu.memory_space<vmem>>)
      %mul3A_65 = arith.constant 128 : i32
      %mul3A_66 = arith.muli %add3A_46, %mul3A_65 : i32
      %add3A_67 = arith.addi %mul3A_2, %mul3A_66 : i32
      %dma_start3A_68 = arith.constant 0 : i32
      %dma_start3A_69 = tpu.memref_slice %arg4[%add3A_67, %dma_start3A_68] : memref<81920x64xf32, #tpu.memory_space<hbm>> -> memref<128x64xf32, #tpu.memory_space<hbm>>
      %dma_start3A_70 = arith.constant 0 : i32
      %dma_start3A_71 = tpu.memref_slice %arg4[%add3A_67, %dma_start3A_70] : memref<81920x64xf32, #tpu.memory_space<hbm>> -> memref<128x64xf32, #tpu.memory_space<hbm>>
      tpu.enqueue_dma source(%arg7 : memref<128x64xf32, #tpu.memory_space<vmem>>) target(%dma_start3A_71 : memref<128x64xf32, #tpu.memory_space<hbm>>) target_semaphore(%arg11 : memref<!tpu.dma_semaphore, #tpu.memory_space<semaphore_mem>>)
      %scan3A_72 = arith.constant 0 : i32
      scf.yield %scan3A_72 : i32
    }
    %scan3A_12 = arith.constant 10 : i32
    %add3A_13 = arith.constant 2432 : i32
    %add3A_14 = arith.addi %mul3A_2, %add3A_13 : i32
    %dma_wait3A = arith.constant 0 : i32
    %dma_wait3A_15 = tpu.memref_slice %arg4[%add3A_14, %dma_wait3A] : memref<81920x64xf32, #tpu.memory_space<hbm>> -> memref<128x64xf32, #tpu.memory_space<hbm>>
    %dma_wait3A_16 = arith.constant 0 : i32
    %dma_wait3A_17 = tpu.memref_slice %arg4[%add3A_14, %dma_wait3A_16] : memref<81920x64xf32, #tpu.memory_space<hbm>> -> memref<128x64xf32, #tpu.memory_space<hbm>>
    tpu.wait_dma2 semaphore(%arg11 : memref<!tpu.dma_semaphore, #tpu.memory_space<semaphore_mem>>) src(%arg7 : memref<128x64xf32, #tpu.memory_space<vmem>>) dst(%dma_wait3A_17 : memref<128x64xf32, #tpu.memory_space<hbm>>)
    return
  }
}

#map = affine_map<(d0, d1) -> (0, 0)>
#map1 = affine_map<(d0, d1) -> (0)>
module attributes {stable_mosaic.version = 14 : i64} {
  func.func @k(%arg0: i32, %arg1: i32, %arg2: memref<4096x128xf32, #tpu.memory_space<hbm>>, %arg3: memref<81920xi32, #tpu.memory_space<hbm>>, %arg4: memref<81920x128xf32, #tpu.memory_space<hbm>>, %arg5: memref<2560xi32, #tpu.memory_space<vmem>>, %arg6: memref<128x128xf32, #tpu.memory_space<vmem>>, %arg7: memref<128x128xf32, #tpu.memory_space<vmem>>, %arg8: memref<!tpu.dma_semaphore, #tpu.memory_space<semaphore_mem>>, %arg9: memref<!tpu.dma_semaphore, #tpu.memory_space<semaphore_mem>>, %arg10: memref<!tpu.dma_semaphore, #tpu.memory_space<semaphore_mem>>, %arg11: memref<!tpu.dma_semaphore, #tpu.memory_space<semaphore_mem>>) attributes {dimension_semantics = [#tpu.dimension_semantics<core_parallel>, #tpu.dimension_semantics<subcore_parallel>], iteration_bounds = array<i64: 2, 16>, scalar_prefetch = 0 : i64, scratch_operands = 7 : i64, tpu.core_type = #tpu.core_type<sc_vector_subcore>, window_params = [{transform_indices = #map}, {transform_indices = #map1}, {transform_indices = #map}]} {
    %mul3A = arith.constant 2 : i32
    %mul3A_0 = arith.muli %arg1, %mul3A : i32
    %add3A = arith.addi %mul3A_0, %arg0 : i32
    %mul3A_1 = arith.constant 2560 : i32
    %mul3A_2 = arith.muli %add3A, %mul3A_1 : i32
    "tpu.region"() ({
      %run_scoped3A = tpu.sem_alloc : memref<!tpu.dma_semaphore, #tpu.memory_space<semaphore_mem>>
      %dma_start3A_18 = tpu.memref_slice %arg3[%mul3A_2] : memref<81920xi32, #tpu.memory_space<hbm>> -> memref<2560xi32, #tpu.memory_space<hbm>>
      %dma_start3A_19 = tpu.memref_slice %arg3[%mul3A_2] : memref<81920xi32, #tpu.memory_space<hbm>> -> memref<2560xi32, #tpu.memory_space<hbm>>
      tpu.enqueue_dma source(%dma_start3A_19 : memref<2560xi32, #tpu.memory_space<hbm>>) target(%arg5 : memref<2560xi32, #tpu.memory_space<vmem>>) target_semaphore(%run_scoped3A : memref<!tpu.dma_semaphore, #tpu.memory_space<semaphore_mem>>)
      %dma_wait3A_20 = tpu.memref_slice %arg3[%mul3A_2] : memref<81920xi32, #tpu.memory_space<hbm>> -> memref<2560xi32, #tpu.memory_space<hbm>>
      %dma_wait3A_21 = tpu.memref_slice %arg3[%mul3A_2] : memref<81920xi32, #tpu.memory_space<hbm>> -> memref<2560xi32, #tpu.memory_space<hbm>>
      tpu.wait_dma2 semaphore(%run_scoped3A : memref<!tpu.dma_semaphore, #tpu.memory_space<semaphore_mem>>) src(%dma_wait3A_21 : memref<2560xi32, #tpu.memory_space<hbm>>) dst(%arg5 : memref<2560xi32, #tpu.memory_space<vmem>>)
      tpu.yield
    }) : () -> ()
    %dma_start3A = arith.constant 0 : i32
    %dma_start3A_3 = tpu.memref_slice %arg5[%dma_start3A] : memref<2560xi32, #tpu.memory_space<vmem>> -> memref<128xi32, #tpu.memory_space<vmem>>
    %dma_start3A_4 = arith.constant 0 : i32
    %dma_start3A_5 = arith.constant 0 : i32
    %dma_start3A_6 = tpu.memref_slice %arg2[%dma_start3A_4, %dma_start3A_5] : memref<4096x128xf32, #tpu.memory_space<hbm>> -> memref<4096x128xf32, #tpu.memory_space<hbm>>
    tpu.enqueue_indirect_dma source(%dma_start3A_6 : memref<4096x128xf32, #tpu.memory_space<hbm>>) target(%arg6 : memref<128x128xf32, #tpu.memory_space<vmem>>) offsets(%dma_start3A_3 : memref<128xi32, #tpu.memory_space<vmem>>) semaphore(%arg8 : memref<!tpu.dma_semaphore, #tpu.memory_space<semaphore_mem>>)
    %scan3A = arith.constant 0 : i32
    %scan3A_7 = arith.constant 0 : i32
    %scan3A_8 = arith.constant 10 : i32
    %scan3A_9 = arith.addi %scan3A_7, %scan3A_8 : i32
    %scan3A_10 = arith.constant 1 : i32
    %scan3A_11 = scf.for %scan3A_18 = %scan3A_7 to %scan3A_9 step %scan3A_10 iter_args(%scan3A_19 = %scan3A) -> (i32)  : i32 {
      %mul3A_20 = arith.constant 2 : i32
      %mul3A_21 = arith.muli %mul3A_20, %scan3A_18 : i32
      %ge3A = arith.constant 1 : i32
      %ge3A_22 = arith.cmpi sge, %mul3A_21, %ge3A : i32
      %convert_element_type3A = arith.extui %ge3A_22 : i1 to i32
      %cond3A = arith.constant 0 : i32
      %cond3A_23 = arith.cmpi ne, %convert_element_type3A, %cond3A : i32
      scf.if %cond3A_23 {
        %sub3A = arith.constant 1 : i32
        %sub3A_73 = arith.subi %mul3A_21, %sub3A : i32
        %mul3A_74 = arith.constant 128 : i32
        %mul3A_75 = arith.muli %sub3A_73, %mul3A_74 : i32
        %add3A_76 = arith.addi %mul3A_2, %mul3A_75 : i32
        %dma_wait3A_77 = arith.constant 0 : i32
        %dma_wait3A_78 = tpu.memref_slice %arg4[%add3A_76, %dma_wait3A_77] : memref<81920x128xf32, #tpu.memory_space<hbm>> -> memref<128x128xf32, #tpu.memory_space<hbm>>
        %dma_wait3A_79 = arith.constant 0 : i32
        %dma_wait3A_80 = tpu.memref_slice %arg4[%add3A_76, %dma_wait3A_79] : memref<81920x128xf32, #tpu.memory_space<hbm>> -> memref<128x128xf32, #tpu.memory_space<hbm>>
        tpu.wait_dma2 semaphore(%arg11 : memref<!tpu.dma_semaphore, #tpu.memory_space<semaphore_mem>>) src(%arg7 : memref<128x128xf32, #tpu.memory_space<vmem>>) dst(%dma_wait3A_80 : memref<128x128xf32, #tpu.memory_space<hbm>>)
      } else {
      }
      %add3A_24 = arith.constant 1 : i32
      %add3A_25 = arith.addi %mul3A_21, %add3A_24 : i32
      %lt3A = arith.constant 20 : i32
      %lt3A_26 = arith.cmpi slt, %add3A_25, %lt3A : i32
      %convert_element_type3A_27 = arith.extui %lt3A_26 : i1 to i32
      %cond3A_28 = arith.constant 0 : i32
      %cond3A_29 = arith.cmpi ne, %convert_element_type3A_27, %cond3A_28 : i32
      scf.if %cond3A_29 {
        %add3A_73 = arith.constant 1 : i32
        %add3A_74 = arith.addi %mul3A_21, %add3A_73 : i32
        %mul3A_75 = arith.constant 128 : i32
        %mul3A_76 = arith.muli %add3A_74, %mul3A_75 : i32
        %dma_start3A_77 = tpu.memref_slice %arg5[%mul3A_76] : memref<2560xi32, #tpu.memory_space<vmem>> -> memref<128xi32, #tpu.memory_space<vmem>>
        %dma_start3A_78 = arith.constant 0 : i32
        %dma_start3A_79 = arith.constant 0 : i32
        %dma_start3A_80 = tpu.memref_slice %arg2[%dma_start3A_78, %dma_start3A_79] : memref<4096x128xf32, #tpu.memory_space<hbm>> -> memref<4096x128xf32, #tpu.memory_space<hbm>>
        tpu.enqueue_indirect_dma source(%dma_start3A_80 : memref<4096x128xf32, #tpu.memory_space<hbm>>) target(%arg7 : memref<128x128xf32, #tpu.memory_space<vmem>>) offsets(%dma_start3A_77 : memref<128xi32, #tpu.memory_space<vmem>>) semaphore(%arg9 : memref<!tpu.dma_semaphore, #tpu.memory_space<semaphore_mem>>)
      } else {
      }
      %mul3A_30 = arith.constant 128 : i32
      %mul3A_31 = arith.muli %mul3A_21, %mul3A_30 : i32
      %dma_wait3A_32 = tpu.memref_slice %arg5[%mul3A_31] : memref<2560xi32, #tpu.memory_space<vmem>> -> memref<128xi32, #tpu.memory_space<vmem>>
      %dma_wait3A_33 = arith.constant 0 : i32
      %dma_wait3A_34 = arith.constant 0 : i32
      %dma_wait3A_35 = tpu.memref_slice %arg2[%dma_wait3A_33, %dma_wait3A_34] : memref<4096x128xf32, #tpu.memory_space<hbm>> -> memref<4096x128xf32, #tpu.memory_space<hbm>>
      tpu.wait_indirect_dma semaphore(%arg8 : memref<!tpu.dma_semaphore, #tpu.memory_space<semaphore_mem>>) src(%dma_wait3A_35 : memref<4096x128xf32, #tpu.memory_space<hbm>>) dst(%arg6 : memref<128x128xf32, #tpu.memory_space<vmem>>)
      %mul3A_36 = arith.constant 128 : i32
      %mul3A_37 = arith.muli %mul3A_21, %mul3A_36 : i32
      %add3A_38 = arith.addi %mul3A_2, %mul3A_37 : i32
      %dma_start3A_39 = arith.constant 0 : i32
      %dma_start3A_40 = tpu.memref_slice %arg4[%add3A_38, %dma_start3A_39] : memref<81920x128xf32, #tpu.memory_space<hbm>> -> memref<128x128xf32, #tpu.memory_space<hbm>>
      %dma_start3A_41 = arith.constant 0 : i32
      %dma_start3A_42 = tpu.memref_slice %arg4[%add3A_38, %dma_start3A_41] : memref<81920x128xf32, #tpu.memory_space<hbm>> -> memref<128x128xf32, #tpu.memory_space<hbm>>
      tpu.enqueue_dma source(%arg6 : memref<128x128xf32, #tpu.memory_space<vmem>>) target(%dma_start3A_42 : memref<128x128xf32, #tpu.memory_space<hbm>>) target_semaphore(%arg10 : memref<!tpu.dma_semaphore, #tpu.memory_space<semaphore_mem>>)
      %mul3A_43 = arith.constant 2 : i32
      %mul3A_44 = arith.muli %mul3A_43, %scan3A_18 : i32
      %add3A_45 = arith.constant 1 : i32
      %add3A_46 = arith.addi %mul3A_44, %add3A_45 : i32
      %ge3A_47 = arith.constant 1 : i32
      %ge3A_48 = arith.cmpi sge, %add3A_46, %ge3A_47 : i32
      %convert_element_type3A_49 = arith.extui %ge3A_48 : i1 to i32
      %cond3A_50 = arith.constant 0 : i32
      %cond3A_51 = arith.cmpi ne, %convert_element_type3A_49, %cond3A_50 : i32
      scf.if %cond3A_51 {
        %sub3A = arith.constant 1 : i32
        %sub3A_73 = arith.subi %add3A_46, %sub3A : i32
        %mul3A_74 = arith.constant 128 : i32
        %mul3A_75 = arith.muli %sub3A_73, %mul3A_74 : i32
        %add3A_76 = arith.addi %mul3A_2, %mul3A_75 : i32
        %dma_wait3A_77 = arith.constant 0 : i32
        %dma_wait3A_78 = tpu.memref_slice %arg4[%add3A_76, %dma_wait3A_77] : memref<81920x128xf32, #tpu.memory_space<hbm>> -> memref<128x128xf32, #tpu.memory_space<hbm>>
        %dma_wait3A_79 = arith.constant 0 : i32
        %dma_wait3A_80 = tpu.memref_slice %arg4[%add3A_76, %dma_wait3A_79] : memref<81920x128xf32, #tpu.memory_space<hbm>> -> memref<128x128xf32, #tpu.memory_space<hbm>>
        tpu.wait_dma2 semaphore(%arg10 : memref<!tpu.dma_semaphore, #tpu.memory_space<semaphore_mem>>) src(%arg6 : memref<128x128xf32, #tpu.memory_space<vmem>>) dst(%dma_wait3A_80 : memref<128x128xf32, #tpu.memory_space<hbm>>)
      } else {
      }
      %add3A_52 = arith.constant 1 : i32
      %add3A_53 = arith.addi %add3A_46, %add3A_52 : i32
      %lt3A_54 = arith.constant 20 : i32
      %lt3A_55 = arith.cmpi slt, %add3A_53, %lt3A_54 : i32
      %convert_element_type3A_56 = arith.extui %lt3A_55 : i1 to i32
      %cond3A_57 = arith.constant 0 : i32
      %cond3A_58 = arith.cmpi ne, %convert_element_type3A_56, %cond3A_57 : i32
      scf.if %cond3A_58 {
        %add3A_73 = arith.constant 1 : i32
        %add3A_74 = arith.addi %add3A_46, %add3A_73 : i32
        %mul3A_75 = arith.constant 128 : i32
        %mul3A_76 = arith.muli %add3A_74, %mul3A_75 : i32
        %dma_start3A_77 = tpu.memref_slice %arg5[%mul3A_76] : memref<2560xi32, #tpu.memory_space<vmem>> -> memref<128xi32, #tpu.memory_space<vmem>>
        %dma_start3A_78 = arith.constant 0 : i32
        %dma_start3A_79 = arith.constant 0 : i32
        %dma_start3A_80 = tpu.memref_slice %arg2[%dma_start3A_78, %dma_start3A_79] : memref<4096x128xf32, #tpu.memory_space<hbm>> -> memref<4096x128xf32, #tpu.memory_space<hbm>>
        tpu.enqueue_indirect_dma source(%dma_start3A_80 : memref<4096x128xf32, #tpu.memory_space<hbm>>) target(%arg6 : memref<128x128xf32, #tpu.memory_space<vmem>>) offsets(%dma_start3A_77 : memref<128xi32, #tpu.memory_space<vmem>>) semaphore(%arg8 : memref<!tpu.dma_semaphore, #tpu.memory_space<semaphore_mem>>)
      } else {
      }
      %mul3A_59 = arith.constant 128 : i32
      %mul3A_60 = arith.muli %add3A_46, %mul3A_59 : i32
      %dma_wait3A_61 = tpu.memref_slice %arg5[%mul3A_60] : memref<2560xi32, #tpu.memory_space<vmem>> -> memref<128xi32, #tpu.memory_space<vmem>>
      %dma_wait3A_62 = arith.constant 0 : i32
      %dma_wait3A_63 = arith.constant 0 : i32
      %dma_wait3A_64 = tpu.memref_slice %arg2[%dma_wait3A_62, %dma_wait3A_63] : memref<4096x128xf32, #tpu.memory_space<hbm>> -> memref<4096x128xf32, #tpu.memory_space<hbm>>
      tpu.wait_indirect_dma semaphore(%arg9 : memref<!tpu.dma_semaphore, #tpu.memory_space<semaphore_mem>>) src(%dma_wait3A_64 : memref<4096x128xf32, #tpu.memory_space<hbm>>) dst(%arg7 : memref<128x128xf32, #tpu.memory_space<vmem>>)
      %mul3A_65 = arith.constant 128 : i32
      %mul3A_66 = arith.muli %add3A_46, %mul3A_65 : i32
      %add3A_67 = arith.addi %mul3A_2, %mul3A_66 : i32
      %dma_start3A_68 = arith.constant 0 : i32
      %dma_start3A_69 = tpu.memref_slice %arg4[%add3A_67, %dma_start3A_68] : memref<81920x128xf32, #tpu.memory_space<hbm>> -> memref<128x128xf32, #tpu.memory_space<hbm>>
      %dma_start3A_70 = arith.constant 0 : i32
      %dma_start3A_71 = tpu.memref_slice %arg4[%add3A_67, %dma_start3A_70] : memref<81920x128xf32, #tpu.memory_space<hbm>> -> memref<128x128xf32, #tpu.memory_space<hbm>>
      tpu.enqueue_dma source(%arg7 : memref<128x128xf32, #tpu.memory_space<vmem>>) target(%dma_start3A_71 : memref<128x128xf32, #tpu.memory_space<hbm>>) target_semaphore(%arg11 : memref<!tpu.dma_semaphore, #tpu.memory_space<semaphore_mem>>)
      %scan3A_72 = arith.constant 0 : i32
      scf.yield %scan3A_72 : i32
    }
    %scan3A_12 = arith.constant 10 : i32
    %add3A_13 = arith.constant 2432 : i32
    %add3A_14 = arith.addi %mul3A_2, %add3A_13 : i32
    %dma_wait3A = arith.constant 0 : i32
    %dma_wait3A_15 = tpu.memref_slice %arg4[%add3A_14, %dma_wait3A] : memref<81920x128xf32, #tpu.memory_space<hbm>> -> memref<128x128xf32, #tpu.memory_space<hbm>>
    %dma_wait3A_16 = arith.constant 0 : i32
    %dma_wait3A_17 = tpu.memref_slice %arg4[%add3A_14, %dma_wait3A_16] : memref<81920x128xf32, #tpu.memory_space<hbm>> -> memref<128x128xf32, #tpu.memory_space<hbm>>
    tpu.wait_dma2 semaphore(%arg11 : memref<!tpu.dma_semaphore, #tpu.memory_space<semaphore_mem>>) src(%arg7 : memref<128x128xf32, #tpu.memory_space<vmem>>) dst(%dma_wait3A_17 : memref<128x128xf32, #tpu.memory_space<hbm>>)
    return
  }
}

#map = affine_map<(d0, d1) -> (0, 0)>
#map1 = affine_map<(d0, d1) -> (0)>
module attributes {stable_mosaic.version = 14 : i64} {
  func.func @k(%arg0: i32, %arg1: i32, %arg2: memref<4096x16xf32, #tpu.memory_space<hbm>>, %arg3: memref<81920xi32, #tpu.memory_space<hbm>>, %arg4: memref<81920x16xf32, #tpu.memory_space<hbm>>, %arg5: memref<2560xi32, #tpu.memory_space<vmem>>, %arg6: memref<128x16xf32, #tpu.memory_space<vmem>>, %arg7: memref<128x16xf32, #tpu.memory_space<vmem>>, %arg8: memref<!tpu.dma_semaphore, #tpu.memory_space<semaphore_mem>>, %arg9: memref<!tpu.dma_semaphore, #tpu.memory_space<semaphore_mem>>, %arg10: memref<!tpu.dma_semaphore, #tpu.memory_space<semaphore_mem>>, %arg11: memref<!tpu.dma_semaphore, #tpu.memory_space<semaphore_mem>>) attributes {dimension_semantics = [#tpu.dimension_semantics<core_parallel>, #tpu.dimension_semantics<subcore_parallel>], iteration_bounds = array<i64: 2, 16>, scalar_prefetch = 0 : i64, scratch_operands = 7 : i64, tpu.core_type = #tpu.core_type<sc_vector_subcore>, window_params = [{transform_indices = #map}, {transform_indices = #map1}, {transform_indices = #map}]} {
    %mul3A = arith.constant 2 : i32
    %mul3A_0 = arith.muli %arg1, %mul3A : i32
    %add3A = arith.addi %mul3A_0, %arg0 : i32
    %mul3A_1 = arith.constant 2560 : i32
    %mul3A_2 = arith.muli %add3A, %mul3A_1 : i32
    "tpu.region"() ({
      %run_scoped3A = tpu.sem_alloc : memref<!tpu.dma_semaphore, #tpu.memory_space<semaphore_mem>>
      %dma_start3A_18 = tpu.memref_slice %arg3[%mul3A_2] : memref<81920xi32, #tpu.memory_space<hbm>> -> memref<2560xi32, #tpu.memory_space<hbm>>
      %dma_start3A_19 = tpu.memref_slice %arg3[%mul3A_2] : memref<81920xi32, #tpu.memory_space<hbm>> -> memref<2560xi32, #tpu.memory_space<hbm>>
      tpu.enqueue_dma source(%dma_start3A_19 : memref<2560xi32, #tpu.memory_space<hbm>>) target(%arg5 : memref<2560xi32, #tpu.memory_space<vmem>>) target_semaphore(%run_scoped3A : memref<!tpu.dma_semaphore, #tpu.memory_space<semaphore_mem>>)
      %dma_wait3A_20 = tpu.memref_slice %arg3[%mul3A_2] : memref<81920xi32, #tpu.memory_space<hbm>> -> memref<2560xi32, #tpu.memory_space<hbm>>
      %dma_wait3A_21 = tpu.memref_slice %arg3[%mul3A_2] : memref<81920xi32, #tpu.memory_space<hbm>> -> memref<2560xi32, #tpu.memory_space<hbm>>
      tpu.wait_dma2 semaphore(%run_scoped3A : memref<!tpu.dma_semaphore, #tpu.memory_space<semaphore_mem>>) src(%dma_wait3A_21 : memref<2560xi32, #tpu.memory_space<hbm>>) dst(%arg5 : memref<2560xi32, #tpu.memory_space<vmem>>)
      tpu.yield
    }) : () -> ()
    %dma_start3A = arith.constant 0 : i32
    %dma_start3A_3 = tpu.memref_slice %arg5[%dma_start3A] : memref<2560xi32, #tpu.memory_space<vmem>> -> memref<128xi32, #tpu.memory_space<vmem>>
    %dma_start3A_4 = arith.constant 0 : i32
    %dma_start3A_5 = arith.constant 0 : i32
    %dma_start3A_6 = tpu.memref_slice %arg2[%dma_start3A_4, %dma_start3A_5] : memref<4096x16xf32, #tpu.memory_space<hbm>> -> memref<4096x16xf32, #tpu.memory_space<hbm>>
    tpu.enqueue_indirect_dma source(%dma_start3A_6 : memref<4096x16xf32, #tpu.memory_space<hbm>>) target(%arg6 : memref<128x16xf32, #tpu.memory_space<vmem>>) offsets(%dma_start3A_3 : memref<128xi32, #tpu.memory_space<vmem>>) semaphore(%arg8 : memref<!tpu.dma_semaphore, #tpu.memory_space<semaphore_mem>>)
    %scan3A = arith.constant 0 : i32
    %scan3A_7 = arith.constant 0 : i32
    %scan3A_8 = arith.constant 10 : i32
    %scan3A_9 = arith.addi %scan3A_7, %scan3A_8 : i32
    %scan3A_10 = arith.constant 1 : i32
    %scan3A_11 = scf.for %scan3A_18 = %scan3A_7 to %scan3A_9 step %scan3A_10 iter_args(%scan3A_19 = %scan3A) -> (i32)  : i32 {
      %mul3A_20 = arith.constant 2 : i32
      %mul3A_21 = arith.muli %mul3A_20, %scan3A_18 : i32
      %ge3A = arith.constant 1 : i32
      %ge3A_22 = arith.cmpi sge, %mul3A_21, %ge3A : i32
      %convert_element_type3A = arith.extui %ge3A_22 : i1 to i32
      %cond3A = arith.constant 0 : i32
      %cond3A_23 = arith.cmpi ne, %convert_element_type3A, %cond3A : i32
      scf.if %cond3A_23 {
        %sub3A = arith.constant 1 : i32
        %sub3A_73 = arith.subi %mul3A_21, %sub3A : i32
        %mul3A_74 = arith.constant 128 : i32
        %mul3A_75 = arith.muli %sub3A_73, %mul3A_74 : i32
        %add3A_76 = arith.addi %mul3A_2, %mul3A_75 : i32
        %dma_wait3A_77 = arith.constant 0 : i32
        %dma_wait3A_78 = tpu.memref_slice %arg4[%add3A_76, %dma_wait3A_77] : memref<81920x16xf32, #tpu.memory_space<hbm>> -> memref<128x16xf32, #tpu.memory_space<hbm>>
        %dma_wait3A_79 = arith.constant 0 : i32
        %dma_wait3A_80 = tpu.memref_slice %arg4[%add3A_76, %dma_wait3A_79] : memref<81920x16xf32, #tpu.memory_space<hbm>> -> memref<128x16xf32, #tpu.memory_space<hbm>>
        tpu.wait_dma2 semaphore(%arg11 : memref<!tpu.dma_semaphore, #tpu.memory_space<semaphore_mem>>) src(%arg7 : memref<128x16xf32, #tpu.memory_space<vmem>>) dst(%dma_wait3A_80 : memref<128x16xf32, #tpu.memory_space<hbm>>)
      } else {
      }
      %add3A_24 = arith.constant 1 : i32
      %add3A_25 = arith.addi %mul3A_21, %add3A_24 : i32
      %lt3A = arith.constant 20 : i32
      %lt3A_26 = arith.cmpi slt, %add3A_25, %lt3A : i32
      %convert_element_type3A_27 = arith.extui %lt3A_26 : i1 to i32
      %cond3A_28 = arith.constant 0 : i32
      %cond3A_29 = arith.cmpi ne, %convert_element_type3A_27, %cond3A_28 : i32
      scf.if %cond3A_29 {
        %add3A_73 = arith.constant 1 : i32
        %add3A_74 = arith.addi %mul3A_21, %add3A_73 : i32
        %mul3A_75 = arith.constant 128 : i32
        %mul3A_76 = arith.muli %add3A_74, %mul3A_75 : i32
        %dma_start3A_77 = tpu.memref_slice %arg5[%mul3A_76] : memref<2560xi32, #tpu.memory_space<vmem>> -> memref<128xi32, #tpu.memory_space<vmem>>
        %dma_start3A_78 = arith.constant 0 : i32
        %dma_start3A_79 = arith.constant 0 : i32
        %dma_start3A_80 = tpu.memref_slice %arg2[%dma_start3A_78, %dma_start3A_79] : memref<4096x16xf32, #tpu.memory_space<hbm>> -> memref<4096x16xf32, #tpu.memory_space<hbm>>
        tpu.enqueue_indirect_dma source(%dma_start3A_80 : memref<4096x16xf32, #tpu.memory_space<hbm>>) target(%arg7 : memref<128x16xf32, #tpu.memory_space<vmem>>) offsets(%dma_start3A_77 : memref<128xi32, #tpu.memory_space<vmem>>) semaphore(%arg9 : memref<!tpu.dma_semaphore, #tpu.memory_space<semaphore_mem>>)
      } else {
      }
      %mul3A_30 = arith.constant 128 : i32
      %mul3A_31 = arith.muli %mul3A_21, %mul3A_30 : i32
      %dma_wait3A_32 = tpu.memref_slice %arg5[%mul3A_31] : memref<2560xi32, #tpu.memory_space<vmem>> -> memref<128xi32, #tpu.memory_space<vmem>>
      %dma_wait3A_33 = arith.constant 0 : i32
      %dma_wait3A_34 = arith.constant 0 : i32
      %dma_wait3A_35 = tpu.memref_slice %arg2[%dma_wait3A_33, %dma_wait3A_34] : memref<4096x16xf32, #tpu.memory_space<hbm>> -> memref<4096x16xf32, #tpu.memory_space<hbm>>
      tpu.wait_indirect_dma semaphore(%arg8 : memref<!tpu.dma_semaphore, #tpu.memory_space<semaphore_mem>>) src(%dma_wait3A_35 : memref<4096x16xf32, #tpu.memory_space<hbm>>) dst(%arg6 : memref<128x16xf32, #tpu.memory_space<vmem>>)
      %mul3A_36 = arith.constant 128 : i32
      %mul3A_37 = arith.muli %mul3A_21, %mul3A_36 : i32
      %add3A_38 = arith.addi %mul3A_2, %mul3A_37 : i32
      %dma_start3A_39 = arith.constant 0 : i32
      %dma_start3A_40 = tpu.memref_slice %arg4[%add3A_38, %dma_start3A_39] : memref<81920x16xf32, #tpu.memory_space<hbm>> -> memref<128x16xf32, #tpu.memory_space<hbm>>
      %dma_start3A_41 = arith.constant 0 : i32
      %dma_start3A_42 = tpu.memref_slice %arg4[%add3A_38, %dma_start3A_41] : memref<81920x16xf32, #tpu.memory_space<hbm>> -> memref<128x16xf32, #tpu.memory_space<hbm>>
      tpu.enqueue_dma source(%arg6 : memref<128x16xf32, #tpu.memory_space<vmem>>) target(%dma_start3A_42 : memref<128x16xf32, #tpu.memory_space<hbm>>) target_semaphore(%arg10 : memref<!tpu.dma_semaphore, #tpu.memory_space<semaphore_mem>>)
      %mul3A_43 = arith.constant 2 : i32
      %mul3A_44 = arith.muli %mul3A_43, %scan3A_18 : i32
      %add3A_45 = arith.constant 1 : i32
      %add3A_46 = arith.addi %mul3A_44, %add3A_45 : i32
      %ge3A_47 = arith.constant 1 : i32
      %ge3A_48 = arith.cmpi sge, %add3A_46, %ge3A_47 : i32
      %convert_element_type3A_49 = arith.extui %ge3A_48 : i1 to i32
      %cond3A_50 = arith.constant 0 : i32
      %cond3A_51 = arith.cmpi ne, %convert_element_type3A_49, %cond3A_50 : i32
      scf.if %cond3A_51 {
        %sub3A = arith.constant 1 : i32
        %sub3A_73 = arith.subi %add3A_46, %sub3A : i32
        %mul3A_74 = arith.constant 128 : i32
        %mul3A_75 = arith.muli %sub3A_73, %mul3A_74 : i32
        %add3A_76 = arith.addi %mul3A_2, %mul3A_75 : i32
        %dma_wait3A_77 = arith.constant 0 : i32
        %dma_wait3A_78 = tpu.memref_slice %arg4[%add3A_76, %dma_wait3A_77] : memref<81920x16xf32, #tpu.memory_space<hbm>> -> memref<128x16xf32, #tpu.memory_space<hbm>>
        %dma_wait3A_79 = arith.constant 0 : i32
        %dma_wait3A_80 = tpu.memref_slice %arg4[%add3A_76, %dma_wait3A_79] : memref<81920x16xf32, #tpu.memory_space<hbm>> -> memref<128x16xf32, #tpu.memory_space<hbm>>
        tpu.wait_dma2 semaphore(%arg10 : memref<!tpu.dma_semaphore, #tpu.memory_space<semaphore_mem>>) src(%arg6 : memref<128x16xf32, #tpu.memory_space<vmem>>) dst(%dma_wait3A_80 : memref<128x16xf32, #tpu.memory_space<hbm>>)
      } else {
      }
      %add3A_52 = arith.constant 1 : i32
      %add3A_53 = arith.addi %add3A_46, %add3A_52 : i32
      %lt3A_54 = arith.constant 20 : i32
      %lt3A_55 = arith.cmpi slt, %add3A_53, %lt3A_54 : i32
      %convert_element_type3A_56 = arith.extui %lt3A_55 : i1 to i32
      %cond3A_57 = arith.constant 0 : i32
      %cond3A_58 = arith.cmpi ne, %convert_element_type3A_56, %cond3A_57 : i32
      scf.if %cond3A_58 {
        %add3A_73 = arith.constant 1 : i32
        %add3A_74 = arith.addi %add3A_46, %add3A_73 : i32
        %mul3A_75 = arith.constant 128 : i32
        %mul3A_76 = arith.muli %add3A_74, %mul3A_75 : i32
        %dma_start3A_77 = tpu.memref_slice %arg5[%mul3A_76] : memref<2560xi32, #tpu.memory_space<vmem>> -> memref<128xi32, #tpu.memory_space<vmem>>
        %dma_start3A_78 = arith.constant 0 : i32
        %dma_start3A_79 = arith.constant 0 : i32
        %dma_start3A_80 = tpu.memref_slice %arg2[%dma_start3A_78, %dma_start3A_79] : memref<4096x16xf32, #tpu.memory_space<hbm>> -> memref<4096x16xf32, #tpu.memory_space<hbm>>
        tpu.enqueue_indirect_dma source(%dma_start3A_80 : memref<4096x16xf32, #tpu.memory_space<hbm>>) target(%arg6 : memref<128x16xf32, #tpu.memory_space<vmem>>) offsets(%dma_start3A_77 : memref<128xi32, #tpu.memory_space<vmem>>) semaphore(%arg8 : memref<!tpu.dma_semaphore, #tpu.memory_space<semaphore_mem>>)
      } else {
      }
      %mul3A_59 = arith.constant 128 : i32
      %mul3A_60 = arith.muli %add3A_46, %mul3A_59 : i32
      %dma_wait3A_61 = tpu.memref_slice %arg5[%mul3A_60] : memref<2560xi32, #tpu.memory_space<vmem>> -> memref<128xi32, #tpu.memory_space<vmem>>
      %dma_wait3A_62 = arith.constant 0 : i32
      %dma_wait3A_63 = arith.constant 0 : i32
      %dma_wait3A_64 = tpu.memref_slice %arg2[%dma_wait3A_62, %dma_wait3A_63] : memref<4096x16xf32, #tpu.memory_space<hbm>> -> memref<4096x16xf32, #tpu.memory_space<hbm>>
      tpu.wait_indirect_dma semaphore(%arg9 : memref<!tpu.dma_semaphore, #tpu.memory_space<semaphore_mem>>) src(%dma_wait3A_64 : memref<4096x16xf32, #tpu.memory_space<hbm>>) dst(%arg7 : memref<128x16xf32, #tpu.memory_space<vmem>>)
      %mul3A_65 = arith.constant 128 : i32
      %mul3A_66 = arith.muli %add3A_46, %mul3A_65 : i32
      %add3A_67 = arith.addi %mul3A_2, %mul3A_66 : i32
      %dma_start3A_68 = arith.constant 0 : i32
      %dma_start3A_69 = tpu.memref_slice %arg4[%add3A_67, %dma_start3A_68] : memref<81920x16xf32, #tpu.memory_space<hbm>> -> memref<128x16xf32, #tpu.memory_space<hbm>>
      %dma_start3A_70 = arith.constant 0 : i32
      %dma_start3A_71 = tpu.memref_slice %arg4[%add3A_67, %dma_start3A_70] : memref<81920x16xf32, #tpu.memory_space<hbm>> -> memref<128x16xf32, #tpu.memory_space<hbm>>
      tpu.enqueue_dma source(%arg7 : memref<128x16xf32, #tpu.memory_space<vmem>>) target(%dma_start3A_71 : memref<128x16xf32, #tpu.memory_space<hbm>>) target_semaphore(%arg11 : memref<!tpu.dma_semaphore, #tpu.memory_space<semaphore_mem>>)
      %scan3A_72 = arith.constant 0 : i32
      scf.yield %scan3A_72 : i32
    }
    %scan3A_12 = arith.constant 10 : i32
    %add3A_13 = arith.constant 2432 : i32
    %add3A_14 = arith.addi %mul3A_2, %add3A_13 : i32
    %dma_wait3A = arith.constant 0 : i32
    %dma_wait3A_15 = tpu.memref_slice %arg4[%add3A_14, %dma_wait3A] : memref<81920x16xf32, #tpu.memory_space<hbm>> -> memref<128x16xf32, #tpu.memory_space<hbm>>
    %dma_wait3A_16 = arith.constant 0 : i32
    %dma_wait3A_17 = tpu.memref_slice %arg4[%add3A_14, %dma_wait3A_16] : memref<81920x16xf32, #tpu.memory_space<hbm>> -> memref<128x16xf32, #tpu.memory_space<hbm>>
    tpu.wait_dma2 semaphore(%arg11 : memref<!tpu.dma_semaphore, #tpu.memory_space<semaphore_mem>>) src(%arg7 : memref<128x16xf32, #tpu.memory_space<vmem>>) dst(%dma_wait3A_17 : memref<128x16xf32, #tpu.memory_space<hbm>>)
    return
  }
}

#map = affine_map<(d0, d1) -> (0, 0)>
#map1 = affine_map<(d0, d1) -> (0)>
module attributes {stable_mosaic.version = 14 : i64} {
  func.func @k(%arg0: i32, %arg1: i32, %arg2: memref<4096x64xf32, #tpu.memory_space<hbm>>, %arg3: memref<81920xi32, #tpu.memory_space<hbm>>, %arg4: memref<81920x64xf32, #tpu.memory_space<hbm>>, %arg5: memref<2560xi32, #tpu.memory_space<vmem>>, %arg6: memref<128x64xf32, #tpu.memory_space<vmem>>, %arg7: memref<128x64xf32, #tpu.memory_space<vmem>>, %arg8: memref<!tpu.dma_semaphore, #tpu.memory_space<semaphore_mem>>, %arg9: memref<!tpu.dma_semaphore, #tpu.memory_space<semaphore_mem>>, %arg10: memref<!tpu.dma_semaphore, #tpu.memory_space<semaphore_mem>>, %arg11: memref<!tpu.dma_semaphore, #tpu.memory_space<semaphore_mem>>) attributes {dimension_semantics = [#tpu.dimension_semantics<core_parallel>, #tpu.dimension_semantics<subcore_parallel>], iteration_bounds = array<i64: 2, 16>, scalar_prefetch = 0 : i64, scratch_operands = 7 : i64, tpu.core_type = #tpu.core_type<sc_vector_subcore>, window_params = [{transform_indices = #map}, {transform_indices = #map1}, {transform_indices = #map}]} {
    %mul3A = arith.constant 2 : i32
    %mul3A_0 = arith.muli %arg1, %mul3A : i32
    %add3A = arith.addi %mul3A_0, %arg0 : i32
    %mul3A_1 = arith.constant 2560 : i32
    %mul3A_2 = arith.muli %add3A, %mul3A_1 : i32
    "tpu.region"() ({
      %run_scoped3A = tpu.sem_alloc : memref<!tpu.dma_semaphore, #tpu.memory_space<semaphore_mem>>
      %dma_start3A_18 = tpu.memref_slice %arg3[%mul3A_2] : memref<81920xi32, #tpu.memory_space<hbm>> -> memref<2560xi32, #tpu.memory_space<hbm>>
      %dma_start3A_19 = tpu.memref_slice %arg3[%mul3A_2] : memref<81920xi32, #tpu.memory_space<hbm>> -> memref<2560xi32, #tpu.memory_space<hbm>>
      tpu.enqueue_dma source(%dma_start3A_19 : memref<2560xi32, #tpu.memory_space<hbm>>) target(%arg5 : memref<2560xi32, #tpu.memory_space<vmem>>) target_semaphore(%run_scoped3A : memref<!tpu.dma_semaphore, #tpu.memory_space<semaphore_mem>>)
      %dma_wait3A_20 = tpu.memref_slice %arg3[%mul3A_2] : memref<81920xi32, #tpu.memory_space<hbm>> -> memref<2560xi32, #tpu.memory_space<hbm>>
      %dma_wait3A_21 = tpu.memref_slice %arg3[%mul3A_2] : memref<81920xi32, #tpu.memory_space<hbm>> -> memref<2560xi32, #tpu.memory_space<hbm>>
      tpu.wait_dma2 semaphore(%run_scoped3A : memref<!tpu.dma_semaphore, #tpu.memory_space<semaphore_mem>>) src(%dma_wait3A_21 : memref<2560xi32, #tpu.memory_space<hbm>>) dst(%arg5 : memref<2560xi32, #tpu.memory_space<vmem>>)
      tpu.yield
    }) : () -> ()
    %dma_start3A = arith.constant 0 : i32
    %dma_start3A_3 = tpu.memref_slice %arg5[%dma_start3A] : memref<2560xi32, #tpu.memory_space<vmem>> -> memref<128xi32, #tpu.memory_space<vmem>>
    %dma_start3A_4 = arith.constant 0 : i32
    %dma_start3A_5 = arith.constant 0 : i32
    %dma_start3A_6 = tpu.memref_slice %arg2[%dma_start3A_4, %dma_start3A_5] : memref<4096x64xf32, #tpu.memory_space<hbm>> -> memref<4096x64xf32, #tpu.memory_space<hbm>>
    tpu.enqueue_indirect_dma source(%dma_start3A_6 : memref<4096x64xf32, #tpu.memory_space<hbm>>) target(%arg6 : memref<128x64xf32, #tpu.memory_space<vmem>>) offsets(%dma_start3A_3 : memref<128xi32, #tpu.memory_space<vmem>>) semaphore(%arg8 : memref<!tpu.dma_semaphore, #tpu.memory_space<semaphore_mem>>)
    %scan3A = arith.constant 0 : i32
    %scan3A_7 = arith.constant 0 : i32
    %scan3A_8 = arith.constant 10 : i32
    %scan3A_9 = arith.addi %scan3A_7, %scan3A_8 : i32
    %scan3A_10 = arith.constant 1 : i32
    %scan3A_11 = scf.for %scan3A_18 = %scan3A_7 to %scan3A_9 step %scan3A_10 iter_args(%scan3A_19 = %scan3A) -> (i32)  : i32 {
      %mul3A_20 = arith.constant 2 : i32
      %mul3A_21 = arith.muli %mul3A_20, %scan3A_18 : i32
      %ge3A = arith.constant 1 : i32
      %ge3A_22 = arith.cmpi sge, %mul3A_21, %ge3A : i32
      %convert_element_type3A = arith.extui %ge3A_22 : i1 to i32
      %cond3A = arith.constant 0 : i32
      %cond3A_23 = arith.cmpi ne, %convert_element_type3A, %cond3A : i32
      scf.if %cond3A_23 {
        %sub3A = arith.constant 1 : i32
        %sub3A_73 = arith.subi %mul3A_21, %sub3A : i32
        %mul3A_74 = arith.constant 128 : i32
        %mul3A_75 = arith.muli %sub3A_73, %mul3A_74 : i32
        %add3A_76 = arith.addi %mul3A_2, %mul3A_75 : i32
        %dma_wait3A_77 = arith.constant 0 : i32
        %dma_wait3A_78 = tpu.memref_slice %arg4[%add3A_76, %dma_wait3A_77] : memref<81920x64xf32, #tpu.memory_space<hbm>> -> memref<128x64xf32, #tpu.memory_space<hbm>>
        %dma_wait3A_79 = arith.constant 0 : i32
        %dma_wait3A_80 = tpu.memref_slice %arg4[%add3A_76, %dma_wait3A_79] : memref<81920x64xf32, #tpu.memory_space<hbm>> -> memref<128x64xf32, #tpu.memory_space<hbm>>
        tpu.wait_dma2 semaphore(%arg11 : memref<!tpu.dma_semaphore, #tpu.memory_space<semaphore_mem>>) src(%arg7 : memref<128x64xf32, #tpu.memory_space<vmem>>) dst(%dma_wait3A_80 : memref<128x64xf32, #tpu.memory_space<hbm>>)
      } else {
      }
      %add3A_24 = arith.constant 1 : i32
      %add3A_25 = arith.addi %mul3A_21, %add3A_24 : i32
      %lt3A = arith.constant 20 : i32
      %lt3A_26 = arith.cmpi slt, %add3A_25, %lt3A : i32
      %convert_element_type3A_27 = arith.extui %lt3A_26 : i1 to i32
      %cond3A_28 = arith.constant 0 : i32
      %cond3A_29 = arith.cmpi ne, %convert_element_type3A_27, %cond3A_28 : i32
      scf.if %cond3A_29 {
        %add3A_73 = arith.constant 1 : i32
        %add3A_74 = arith.addi %mul3A_21, %add3A_73 : i32
        %mul3A_75 = arith.constant 128 : i32
        %mul3A_76 = arith.muli %add3A_74, %mul3A_75 : i32
        %dma_start3A_77 = tpu.memref_slice %arg5[%mul3A_76] : memref<2560xi32, #tpu.memory_space<vmem>> -> memref<128xi32, #tpu.memory_space<vmem>>
        %dma_start3A_78 = arith.constant 0 : i32
        %dma_start3A_79 = arith.constant 0 : i32
        %dma_start3A_80 = tpu.memref_slice %arg2[%dma_start3A_78, %dma_start3A_79] : memref<4096x64xf32, #tpu.memory_space<hbm>> -> memref<4096x64xf32, #tpu.memory_space<hbm>>
        tpu.enqueue_indirect_dma source(%dma_start3A_80 : memref<4096x64xf32, #tpu.memory_space<hbm>>) target(%arg7 : memref<128x64xf32, #tpu.memory_space<vmem>>) offsets(%dma_start3A_77 : memref<128xi32, #tpu.memory_space<vmem>>) semaphore(%arg9 : memref<!tpu.dma_semaphore, #tpu.memory_space<semaphore_mem>>)
      } else {
      }
      %mul3A_30 = arith.constant 128 : i32
      %mul3A_31 = arith.muli %mul3A_21, %mul3A_30 : i32
      %dma_wait3A_32 = tpu.memref_slice %arg5[%mul3A_31] : memref<2560xi32, #tpu.memory_space<vmem>> -> memref<128xi32, #tpu.memory_space<vmem>>
      %dma_wait3A_33 = arith.constant 0 : i32
      %dma_wait3A_34 = arith.constant 0 : i32
      %dma_wait3A_35 = tpu.memref_slice %arg2[%dma_wait3A_33, %dma_wait3A_34] : memref<4096x64xf32, #tpu.memory_space<hbm>> -> memref<4096x64xf32, #tpu.memory_space<hbm>>
      tpu.wait_indirect_dma semaphore(%arg8 : memref<!tpu.dma_semaphore, #tpu.memory_space<semaphore_mem>>) src(%dma_wait3A_35 : memref<4096x64xf32, #tpu.memory_space<hbm>>) dst(%arg6 : memref<128x64xf32, #tpu.memory_space<vmem>>)
      %mul3A_36 = arith.constant 128 : i32
      %mul3A_37 = arith.muli %mul3A_21, %mul3A_36 : i32
      %add3A_38 = arith.addi %mul3A_2, %mul3A_37 : i32
      %dma_start3A_39 = arith.constant 0 : i32
      %dma_start3A_40 = tpu.memref_slice %arg4[%add3A_38, %dma_start3A_39] : memref<81920x64xf32, #tpu.memory_space<hbm>> -> memref<128x64xf32, #tpu.memory_space<hbm>>
      %dma_start3A_41 = arith.constant 0 : i32
      %dma_start3A_42 = tpu.memref_slice %arg4[%add3A_38, %dma_start3A_41] : memref<81920x64xf32, #tpu.memory_space<hbm>> -> memref<128x64xf32, #tpu.memory_space<hbm>>
      tpu.enqueue_dma source(%arg6 : memref<128x64xf32, #tpu.memory_space<vmem>>) target(%dma_start3A_42 : memref<128x64xf32, #tpu.memory_space<hbm>>) target_semaphore(%arg10 : memref<!tpu.dma_semaphore, #tpu.memory_space<semaphore_mem>>)
      %mul3A_43 = arith.constant 2 : i32
      %mul3A_44 = arith.muli %mul3A_43, %scan3A_18 : i32
      %add3A_45 = arith.constant 1 : i32
      %add3A_46 = arith.addi %mul3A_44, %add3A_45 : i32
      %ge3A_47 = arith.constant 1 : i32
      %ge3A_48 = arith.cmpi sge, %add3A_46, %ge3A_47 : i32
      %convert_element_type3A_49 = arith.extui %ge3A_48 : i1 to i32
      %cond3A_50 = arith.constant 0 : i32
      %cond3A_51 = arith.cmpi ne, %convert_element_type3A_49, %cond3A_50 : i32
      scf.if %cond3A_51 {
        %sub3A = arith.constant 1 : i32
        %sub3A_73 = arith.subi %add3A_46, %sub3A : i32
        %mul3A_74 = arith.constant 128 : i32
        %mul3A_75 = arith.muli %sub3A_73, %mul3A_74 : i32
        %add3A_76 = arith.addi %mul3A_2, %mul3A_75 : i32
        %dma_wait3A_77 = arith.constant 0 : i32
        %dma_wait3A_78 = tpu.memref_slice %arg4[%add3A_76, %dma_wait3A_77] : memref<81920x64xf32, #tpu.memory_space<hbm>> -> memref<128x64xf32, #tpu.memory_space<hbm>>
        %dma_wait3A_79 = arith.constant 0 : i32
        %dma_wait3A_80 = tpu.memref_slice %arg4[%add3A_76, %dma_wait3A_79] : memref<81920x64xf32, #tpu.memory_space<hbm>> -> memref<128x64xf32, #tpu.memory_space<hbm>>
        tpu.wait_dma2 semaphore(%arg10 : memref<!tpu.dma_semaphore, #tpu.memory_space<semaphore_mem>>) src(%arg6 : memref<128x64xf32, #tpu.memory_space<vmem>>) dst(%dma_wait3A_80 : memref<128x64xf32, #tpu.memory_space<hbm>>)
      } else {
      }
      %add3A_52 = arith.constant 1 : i32
      %add3A_53 = arith.addi %add3A_46, %add3A_52 : i32
      %lt3A_54 = arith.constant 20 : i32
      %lt3A_55 = arith.cmpi slt, %add3A_53, %lt3A_54 : i32
      %convert_element_type3A_56 = arith.extui %lt3A_55 : i1 to i32
      %cond3A_57 = arith.constant 0 : i32
      %cond3A_58 = arith.cmpi ne, %convert_element_type3A_56, %cond3A_57 : i32
      scf.if %cond3A_58 {
        %add3A_73 = arith.constant 1 : i32
        %add3A_74 = arith.addi %add3A_46, %add3A_73 : i32
        %mul3A_75 = arith.constant 128 : i32
        %mul3A_76 = arith.muli %add3A_74, %mul3A_75 : i32
        %dma_start3A_77 = tpu.memref_slice %arg5[%mul3A_76] : memref<2560xi32, #tpu.memory_space<vmem>> -> memref<128xi32, #tpu.memory_space<vmem>>
        %dma_start3A_78 = arith.constant 0 : i32
        %dma_start3A_79 = arith.constant 0 : i32
        %dma_start3A_80 = tpu.memref_slice %arg2[%dma_start3A_78, %dma_start3A_79] : memref<4096x64xf32, #tpu.memory_space<hbm>> -> memref<4096x64xf32, #tpu.memory_space<hbm>>
        tpu.enqueue_indirect_dma source(%dma_start3A_80 : memref<4096x64xf32, #tpu.memory_space<hbm>>) target(%arg6 : memref<128x64xf32, #tpu.memory_space<vmem>>) offsets(%dma_start3A_77 : memref<128xi32, #tpu.memory_space<vmem>>) semaphore(%arg8 : memref<!tpu.dma_semaphore, #tpu.memory_space<semaphore_mem>>)
      } else {
      }
      %mul3A_59 = arith.constant 128 : i32
      %mul3A_60 = arith.muli %add3A_46, %mul3A_59 : i32
      %dma_wait3A_61 = tpu.memref_slice %arg5[%mul3A_60] : memref<2560xi32, #tpu.memory_space<vmem>> -> memref<128xi32, #tpu.memory_space<vmem>>
      %dma_wait3A_62 = arith.constant 0 : i32
      %dma_wait3A_63 = arith.constant 0 : i32
      %dma_wait3A_64 = tpu.memref_slice %arg2[%dma_wait3A_62, %dma_wait3A_63] : memref<4096x64xf32, #tpu.memory_space<hbm>> -> memref<4096x64xf32, #tpu.memory_space<hbm>>
      tpu.wait_indirect_dma semaphore(%arg9 : memref<!tpu.dma_semaphore, #tpu.memory_space<semaphore_mem>>) src(%dma_wait3A_64 : memref<4096x64xf32, #tpu.memory_space<hbm>>) dst(%arg7 : memref<128x64xf32, #tpu.memory_space<vmem>>)
      %mul3A_65 = arith.constant 128 : i32
      %mul3A_66 = arith.muli %add3A_46, %mul3A_65 : i32
      %add3A_67 = arith.addi %mul3A_2, %mul3A_66 : i32
      %dma_start3A_68 = arith.constant 0 : i32
      %dma_start3A_69 = tpu.memref_slice %arg4[%add3A_67, %dma_start3A_68] : memref<81920x64xf32, #tpu.memory_space<hbm>> -> memref<128x64xf32, #tpu.memory_space<hbm>>
      %dma_start3A_70 = arith.constant 0 : i32
      %dma_start3A_71 = tpu.memref_slice %arg4[%add3A_67, %dma_start3A_70] : memref<81920x64xf32, #tpu.memory_space<hbm>> -> memref<128x64xf32, #tpu.memory_space<hbm>>
      tpu.enqueue_dma source(%arg7 : memref<128x64xf32, #tpu.memory_space<vmem>>) target(%dma_start3A_71 : memref<128x64xf32, #tpu.memory_space<hbm>>) target_semaphore(%arg11 : memref<!tpu.dma_semaphore, #tpu.memory_space<semaphore_mem>>)
      %scan3A_72 = arith.constant 0 : i32
      scf.yield %scan3A_72 : i32
    }
    %scan3A_12 = arith.constant 10 : i32
    %add3A_13 = arith.constant 2432 : i32
    %add3A_14 = arith.addi %mul3A_2, %add3A_13 : i32
    %dma_wait3A = arith.constant 0 : i32
    %dma_wait3A_15 = tpu.memref_slice %arg4[%add3A_14, %dma_wait3A] : memref<81920x64xf32, #tpu.memory_space<hbm>> -> memref<128x64xf32, #tpu.memory_space<hbm>>
    %dma_wait3A_16 = arith.constant 0 : i32
    %dma_wait3A_17 = tpu.memref_slice %arg4[%add3A_14, %dma_wait3A_16] : memref<81920x64xf32, #tpu.memory_space<hbm>> -> memref<128x64xf32, #tpu.memory_space<hbm>>
    tpu.wait_dma2 semaphore(%arg11 : memref<!tpu.dma_semaphore, #tpu.memory_space<semaphore_mem>>) src(%arg7 : memref<128x64xf32, #tpu.memory_space<vmem>>) dst(%dma_wait3A_17 : memref<128x64xf32, #tpu.memory_space<hbm>>)
    return
  }
}

module attributes {stable_mosaic.version = 14 : i64} {
  func.func @_t1_body(%arg0: i32, %arg1: memref<1x1024x16xf32, #tpu.memory_space<vmem>>, %arg2: memref<1024x20xi32, #tpu.memory_space<vmem>>) attributes {dimension_semantics = [#tpu.dimension_semantics<arbitrary>], iteration_bounds = array<i64: 4>, scalar_prefetch = 0 : i64, scratch_operands = 0 : i64, tpu.core_type = #tpu.core_type<tc>, window_params = [{transform_indices = @transform_0, window_bounds = array<i64: 1, 1024, 16>}, {transform_indices = @transform_1, window_bounds = array<i64: 1024, 20>}]} {
    %get3A = arith.constant 0 : index
    %get3A_0 = arith.constant 0 : index
    %get3A_1 = arith.constant 0 : index
    %get3A_2 = vector.load %arg1[%get3A, %get3A_0, %get3A_1] : memref<1x1024x16xf32, #tpu.memory_space<vmem>>, vector<1x1024x16xf32>
    %get3A_3 = vector.shape_cast %get3A_2 : vector<1x1024x16xf32> to vector<1024x16xf32>
    %mul3A = arith.mulf %get3A_3, %get3A_3 : vector<1024x16xf32>
    %reduce_sum3A = arith.constant dense<0.000000e+00> : vector<1024xf32>
    %reduce_sum3A_4 = vector.multi_reduction <add>, %mul3A, %reduce_sum3A [1] : vector<1024x16xf32> to vector<1024xf32>
    %broadcast_in_dim3A = vector.shape_cast %reduce_sum3A_4 : vector<1024xf32> to vector<1024x1xf32>
    %transpose3A = tpu.transpose %broadcast_in_dim3A, [1, 0] : vector<1024x1xf32> -> vector<1x1024xf32>
    %convert_element_type3A = arith.truncf %get3A_3 : vector<1024x16xf32> to vector<1024x16xbf16>
    %dot_general3A = arith.constant dense<0.000000e+00> : vector<1024x1024xf32>
    %dot_general3A_5 = tpu.matmul %convert_element_type3A, %convert_element_type3A, %dot_general3A {dimension_numbers = #tpu.dot_dimension_numbers<[1], [1], [0], [0], [0, 0, 1, 0], [], []>, transpose_lhs_hint = false} : vector<1024x16xbf16>, vector<1024x16xbf16>, vector<1024x1024xf32> -> vector<1024x1024xf32>
    %add3A = vector.broadcast %broadcast_in_dim3A : vector<1024x1xf32> to vector<1024x1024xf32>
    %add3A_6 = vector.broadcast %transpose3A : vector<1x1024xf32> to vector<1024x1024xf32>
    %add3A_7 = arith.addf %add3A, %add3A_6 : vector<1024x1024xf32>
    %mul3A_8 = arith.constant 2.000000e+00 : f32
    %mul3A_9 = vector.broadcast %mul3A_8 : f32 to vector<1024x1024xf32>
    %mul3A_10 = arith.mulf %mul3A_9, %dot_general3A_5 : vector<1024x1024xf32>
    %sub3A = arith.subf %add3A_7, %mul3A_10 : vector<1024x1024xf32>
    %iota3A = tpu.iota {dimensions = array<i32: 1>} : vector<1024x1024xi32>
    %iota3A_11 = tpu.iota {dimensions = array<i32: 1>} : vector<1024x32xi32>
    %broadcast_in_dim3A_12 = arith.constant 0 : i32
    %broadcast_in_dim3A_13 = vector.broadcast %broadcast_in_dim3A_12 : i32 to vector<1024x32xi32>
    %scan3A = arith.constant 0 : i32
    %scan3A_14 = arith.constant 20 : i32
    %scan3A_15 = arith.addi %scan3A, %scan3A_14 : i32
    %scan3A_16 = arith.constant 1 : i32
    %scan3A_17:2 = scf.for %scan3A_25 = %scan3A to %scan3A_15 step %scan3A_16 iter_args(%scan3A_26 = %sub3A, %scan3A_27 = %broadcast_in_dim3A_13) -> (vector<1024x1024xf32>, vector<1024x32xi32>)  : i32 {
      %reduce_min3A = arith.constant dense<0x7F800000> : vector<1024xf32>
      %reduce_min3A_28 = vector.multi_reduction <minimumf>, %scan3A_26, %reduce_min3A [1] : vector<1024x1024xf32> to vector<1024xf32>
      %broadcast_in_dim3A_29 = vector.shape_cast %reduce_min3A_28 : vector<1024xf32> to vector<1024x1xf32>
      %eq3A = vector.broadcast %broadcast_in_dim3A_29 : vector<1024x1xf32> to vector<1024x1024xf32>
      %eq3A_30 = arith.cmpf oeq, %scan3A_26, %eq3A : vector<1024x1024xf32>
      %jit3A = arith.constant 1024 : i32
      %broadcast_in_dim3A_31 = vector.broadcast %jit3A : i32 to vector<1024x1024xi32>
      %select_n3A = arith.select %eq3A_30, %iota3A, %broadcast_in_dim3A_31 : vector<1024x1024xi1>, vector<1024x1024xi32>
      %reduce_min3A_32 = arith.constant dense<2147483647> : vector<1024xi32>
      %reduce_min3A_33 = vector.multi_reduction <minsi>, %select_n3A, %reduce_min3A_32 [1] : vector<1024x1024xi32> to vector<1024xi32>
      %broadcast_in_dim3A_34 = vector.shape_cast %reduce_min3A_33 : vector<1024xi32> to vector<1024x1xi32>
      %eq3A_35 = vector.broadcast %broadcast_in_dim3A_34 : vector<1024x1xi32> to vector<1024x1024xi32>
      %eq3A_36 = arith.cmpi eq, %iota3A, %eq3A_35 : vector<1024x1024xi32>
      %jit3A_37 = arith.constant 0x7F800000 : f32
      %broadcast_in_dim3A_38 = vector.broadcast %jit3A_37 : f32 to vector<1024x1024xf32>
      %select_n3A_39 = arith.select %eq3A_36, %broadcast_in_dim3A_38, %scan3A_26 : vector<1024x1024xi1>, vector<1024x1024xf32>
      %eq3A_40 = vector.broadcast %scan3A_25 : i32 to vector<1024x32xi32>
      %eq3A_41 = arith.cmpi eq, %iota3A_11, %eq3A_40 : vector<1024x32xi32>
      %broadcast_in_dim3A_42 = vector.shape_cast %broadcast_in_dim3A_34 : vector<1024x1xi32> to vector<1024x1xi32>
      %broadcast_in_dim3A_43 = vector.broadcast %broadcast_in_dim3A_42 : vector<1024x1xi32> to vector<1024x32xi32>
      %select_n3A_44 = arith.select %eq3A_41, %broadcast_in_dim3A_43, %scan3A_27 : vector<1024x32xi1>, vector<1024x32xi32>
      scf.yield %select_n3A_39, %select_n3A_44 : vector<1024x1024xf32>, vector<1024x32xi32>
    }
    %scan3A_18 = arith.constant 20 : i32
    %slice3A = vector.extract_strided_slice %scan3A_17#1 {offsets = [0, 0], sizes = [1024, 20], strides = [1, 1]} : vector<1024x32xi32> to vector<1024x20xi32>
    %mul3A_19 = arith.constant 1024 : i32
    %mul3A_20 = arith.muli %arg0, %mul3A_19 : i32
    %add3A_21 = vector.broadcast %mul3A_20 : i32 to vector<1024x20xi32>
    %add3A_22 = arith.addi %slice3A, %add3A_21 : vector<1024x20xi32>
    %swap3A = arith.constant 0 : index
    %swap3A_23 = arith.constant 0 : index
    %swap3A_24 = vector.load %arg2[%swap3A, %swap3A_23] : memref<1024x20xi32, #tpu.memory_space<vmem>>, vector<1024x20xi32>
    tpu.vector_store %arg2[%swap3A, %swap3A_23], %add3A_22 {strides = array<i32>} : memref<1024x20xi32, #tpu.memory_space<vmem>>, vector<1024x20xi32>,
    return
  }
  func.func @transform_0(%arg0: i32) -> (i32, i32, i32) {
    %c0_i32 = arith.constant 0 : i32
    %c0_i32_0 = arith.constant 0 : i32
    %c0_i32_1 = arith.constant 0 : i32
    return %arg0, %c0_i32, %c0_i32_0 : i32, i32, i32
  }
  func.func @transform_1(%arg0: i32) -> (i32, i32) {
    %c0_i32 = arith.constant 0 : i32
    %c0_i32_0 = arith.constant 0 : i32
    return %arg0, %c0_i32 : i32, i32
  }
}

module attributes {stable_mosaic.version = 14 : i64} {
  func.func @_edge_body(%arg0: i32, %arg1: memref<1024x16xf32, #tpu.memory_space<vmem>>, %arg2: memref<20x1024x16xf32, #tpu.memory_space<vmem>>, %arg3: memref<16x64xbf16, #tpu.memory_space<vmem>>, %arg4: memref<16x64xbf16, #tpu.memory_space<vmem>>, %arg5: memref<1024x64xf32, #tpu.memory_space<vmem>>, %arg6: memref<1x64xf32, #tpu.memory_space<vmem>>, %arg7: memref<1x64xf32, #tpu.memory_space<vmem>>, %arg8: memref<1x64xf32, #tpu.memory_space<vmem>>, %arg9: memref<1x64xf32, #tpu.memory_space<vmem>>) attributes {dimension_semantics = [#tpu.dimension_semantics<arbitrary>], iteration_bounds = array<i64: 4>, scalar_prefetch = 0 : i64, scratch_operands = 2 : i64, tpu.core_type = #tpu.core_type<tc>, window_params = [{transform_indices = @transform_0, window_bounds = array<i64: 1024, 16>}, {transform_indices = @transform_1, window_bounds = array<i64: 20, 1024, 16>}, {pipeline_mode = #tpu.pipeline_mode<synchronous>, transform_indices = @transform_2, window_bounds = array<i64: 16, 64>}, {pipeline_mode = #tpu.pipeline_mode<synchronous>, transform_indices = @transform_3, window_bounds = array<i64: 16, 64>}, {transform_indices = @transform_4, window_bounds = array<i64: 1024, 64>}, {pipeline_mode = #tpu.pipeline_mode<synchronous>, transform_indices = @transform_5, window_bounds = array<i64: 1, 64>}, {pipeline_mode = #tpu.pipeline_mode<synchronous>, transform_indices = @transform_6, window_bounds = array<i64: 1, 64>}]} {
    %eq3A = arith.constant 0 : i32
    %eq3A_0 = arith.cmpi eq, %arg0, %eq3A : i32
    %convert_element_type3A = arith.extui %eq3A_0 : i1 to i32
    %cond3A = arith.constant 0 : i32
    %cond3A_1 = arith.cmpi ne, %convert_element_type3A, %cond3A : i32
    scf.if %cond3A_1 {
      %broadcast_in_dim3A_367 = arith.constant 0.000000e+00 : f32
      %broadcast_in_dim3A_368 = vector.broadcast %broadcast_in_dim3A_367 : f32 to vector<1x64xf32>
      %swap3A_369 = arith.constant 0 : index
      %swap3A_370 = arith.constant 0 : index
      %swap3A_371 = vector.load %arg8[%swap3A_369, %swap3A_370] : memref<1x64xf32, #tpu.memory_space<vmem>>, vector<1x64xf32>
      tpu.vector_store %arg8[%swap3A_369, %swap3A_370], %broadcast_in_dim3A_368 {strides = array<i32>} : memref<1x64xf32, #tpu.memory_space<vmem>>, vector<1x64xf32>,
      %broadcast_in_dim3A_372 = arith.constant 0.000000e+00 : f32
      %broadcast_in_dim3A_373 = vector.broadcast %broadcast_in_dim3A_372 : f32 to vector<1x64xf32>
      %swap3A_374 = arith.constant 0 : index
      %swap3A_375 = arith.constant 0 : index
      %swap3A_376 = vector.load %arg9[%swap3A_374, %swap3A_375] : memref<1x64xf32, #tpu.memory_space<vmem>>, vector<1x64xf32>
      tpu.vector_store %arg9[%swap3A_374, %swap3A_375], %broadcast_in_dim3A_373 {strides = array<i32>} : memref<1x64xf32, #tpu.memory_space<vmem>>, vector<1x64xf32>,
    } else {
    }
    %get3A = arith.constant 0 : index
    %get3A_2 = arith.constant 0 : index
    %get3A_3 = vector.load %arg1[%get3A, %get3A_2] : memref<1024x16xf32, #tpu.memory_space<vmem>>, vector<1024x16xf32>
    %convert_element_type3A_4 = arith.truncf %get3A_3 : vector<1024x16xf32> to vector<1024x16xbf16>
    %get3A_5 = arith.constant 0 : index
    %get3A_6 = arith.constant 0 : index
    %get3A_7 = vector.load %arg4[%get3A_5, %get3A_6] : memref<16x64xbf16, #tpu.memory_space<vmem>>, vector<16x64xbf16>
    %dot_general3A = arith.constant dense<0.000000e+00> : vector<1024x64xf32>
    %dot_general3A_8 = tpu.matmul %convert_element_type3A_4, %get3A_7, %dot_general3A {dimension_numbers = #tpu.dot_dimension_numbers<[1], [0], [0], [1], [0, 0, 1, 1], [], []>, transpose_lhs_hint = false} : vector<1024x16xbf16>, vector<16x64xbf16>, vector<1024x64xf32> -> vector<1024x64xf32>
    %get3A_9 = arith.constant 0 : index
    %get3A_10 = arith.constant 0 : index
    %get3A_11 = arith.constant 0 : index
    %get3A_12 = vector.load %arg2[%get3A_9, %get3A_10, %get3A_11] : memref<20x1024x16xf32, #tpu.memory_space<vmem>>, vector<1x1024x16xf32>
    %get3A_13 = vector.shape_cast %get3A_12 : vector<1x1024x16xf32> to vector<1024x16xf32>
    %sub3A = arith.subf %get3A_13, %get3A_3 : vector<1024x16xf32>
    %convert_element_type3A_14 = arith.truncf %sub3A : vector<1024x16xf32> to vector<1024x16xbf16>
    %get3A_15 = arith.constant 0 : index
    %get3A_16 = arith.constant 0 : index
    %get3A_17 = vector.load %arg3[%get3A_15, %get3A_16] : memref<16x64xbf16, #tpu.memory_space<vmem>>, vector<16x64xbf16>
    %dot_general3A_18 = arith.constant dense<0.000000e+00> : vector<1024x64xf32>
    %dot_general3A_19 = tpu.matmul %convert_element_type3A_14, %get3A_17, %dot_general3A_18 {dimension_numbers = #tpu.dot_dimension_numbers<[1], [0], [0], [1], [0, 0, 1, 1], [], []>, transpose_lhs_hint = false} : vector<1024x16xbf16>, vector<16x64xbf16>, vector<1024x64xf32> -> vector<1024x64xf32>
    %add3A = arith.addf %dot_general3A_19, %dot_general3A_8 : vector<1024x64xf32>
    %mul3A = arith.mulf %add3A, %add3A : vector<1024x64xf32>
    %get3A_20 = arith.constant 1 : index
    %get3A_21 = arith.constant 0 : index
    %get3A_22 = arith.constant 0 : index
    %get3A_23 = vector.load %arg2[%get3A_20, %get3A_21, %get3A_22] : memref<20x1024x16xf32, #tpu.memory_space<vmem>>, vector<1x1024x16xf32>
    %get3A_24 = vector.shape_cast %get3A_23 : vector<1x1024x16xf32> to vector<1024x16xf32>
    %sub3A_25 = arith.subf %get3A_24, %get3A_3 : vector<1024x16xf32>
    %convert_element_type3A_26 = arith.truncf %sub3A_25 : vector<1024x16xf32> to vector<1024x16xbf16>
    %get3A_27 = arith.constant 0 : index
    %get3A_28 = arith.constant 0 : index
    %get3A_29 = vector.load %arg3[%get3A_27, %get3A_28] : memref<16x64xbf16, #tpu.memory_space<vmem>>, vector<16x64xbf16>
    %dot_general3A_30 = arith.constant dense<0.000000e+00> : vector<1024x64xf32>
    %dot_general3A_31 = tpu.matmul %convert_element_type3A_26, %get3A_29, %dot_general3A_30 {dimension_numbers = #tpu.dot_dimension_numbers<[1], [0], [0], [1], [0, 0, 1, 1], [], []>, transpose_lhs_hint = false} : vector<1024x16xbf16>, vector<16x64xbf16>, vector<1024x64xf32> -> vector<1024x64xf32>
    %add3A_32 = arith.addf %dot_general3A_31, %dot_general3A_8 : vector<1024x64xf32>
    %max3A = arith.maximumf %add3A, %add3A_32 : vector<1024x64xf32>
    %add3A_33 = arith.addf %add3A, %add3A_32 : vector<1024x64xf32>
    %mul3A_34 = arith.mulf %add3A_32, %add3A_32 : vector<1024x64xf32>
    %add3A_35 = arith.addf %mul3A, %mul3A_34 : vector<1024x64xf32>
    %get3A_36 = arith.constant 2 : index
    %get3A_37 = arith.constant 0 : index
    %get3A_38 = arith.constant 0 : index
    %get3A_39 = vector.load %arg2[%get3A_36, %get3A_37, %get3A_38] : memref<20x1024x16xf32, #tpu.memory_space<vmem>>, vector<1x1024x16xf32>
    %get3A_40 = vector.shape_cast %get3A_39 : vector<1x1024x16xf32> to vector<1024x16xf32>
    %sub3A_41 = arith.subf %get3A_40, %get3A_3 : vector<1024x16xf32>
    %convert_element_type3A_42 = arith.truncf %sub3A_41 : vector<1024x16xf32> to vector<1024x16xbf16>
    %get3A_43 = arith.constant 0 : index
    %get3A_44 = arith.constant 0 : index
    %get3A_45 = vector.load %arg3[%get3A_43, %get3A_44] : memref<16x64xbf16, #tpu.memory_space<vmem>>, vector<16x64xbf16>
    %dot_general3A_46 = arith.constant dense<0.000000e+00> : vector<1024x64xf32>
    %dot_general3A_47 = tpu.matmul %convert_element_type3A_42, %get3A_45, %dot_general3A_46 {dimension_numbers = #tpu.dot_dimension_numbers<[1], [0], [0], [1], [0, 0, 1, 1], [], []>, transpose_lhs_hint = false} : vector<1024x16xbf16>, vector<16x64xbf16>, vector<1024x64xf32> -> vector<1024x64xf32>
    %add3A_48 = arith.addf %dot_general3A_47, %dot_general3A_8 : vector<1024x64xf32>
    %max3A_49 = arith.maximumf %max3A, %add3A_48 : vector<1024x64xf32>
    %add3A_50 = arith.addf %add3A_33, %add3A_48 : vector<1024x64xf32>
    %mul3A_51 = arith.mulf %add3A_48, %add3A_48 : vector<1024x64xf32>
    %add3A_52 = arith.addf %add3A_35, %mul3A_51 : vector<1024x64xf32>
    %get3A_53 = arith.constant 3 : index
    %get3A_54 = arith.constant 0 : index
    %get3A_55 = arith.constant 0 : index
    %get3A_56 = vector.load %arg2[%get3A_53, %get3A_54, %get3A_55] : memref<20x1024x16xf32, #tpu.memory_space<vmem>>, vector<1x1024x16xf32>
    %get3A_57 = vector.shape_cast %get3A_56 : vector<1x1024x16xf32> to vector<1024x16xf32>
    %sub3A_58 = arith.subf %get3A_57, %get3A_3 : vector<1024x16xf32>
    %convert_element_type3A_59 = arith.truncf %sub3A_58 : vector<1024x16xf32> to vector<1024x16xbf16>
    %get3A_60 = arith.constant 0 : index
    %get3A_61 = arith.constant 0 : index
    %get3A_62 = vector.load %arg3[%get3A_60, %get3A_61] : memref<16x64xbf16, #tpu.memory_space<vmem>>, vector<16x64xbf16>
    %dot_general3A_63 = arith.constant dense<0.000000e+00> : vector<1024x64xf32>
    %dot_general3A_64 = tpu.matmul %convert_element_type3A_59, %get3A_62, %dot_general3A_63 {dimension_numbers = #tpu.dot_dimension_numbers<[1], [0], [0], [1], [0, 0, 1, 1], [], []>, transpose_lhs_hint = false} : vector<1024x16xbf16>, vector<16x64xbf16>, vector<1024x64xf32> -> vector<1024x64xf32>
    %add3A_65 = arith.addf %dot_general3A_64, %dot_general3A_8 : vector<1024x64xf32>
    %max3A_66 = arith.maximumf %max3A_49, %add3A_65 : vector<1024x64xf32>
    %add3A_67 = arith.addf %add3A_50, %add3A_65 : vector<1024x64xf32>
    %mul3A_68 = arith.mulf %add3A_65, %add3A_65 : vector<1024x64xf32>
    %add3A_69 = arith.addf %add3A_52, %mul3A_68 : vector<1024x64xf32>
    %get3A_70 = arith.constant 4 : index
    %get3A_71 = arith.constant 0 : index
    %get3A_72 = arith.constant 0 : index
    %get3A_73 = vector.load %arg2[%get3A_70, %get3A_71, %get3A_72] : memref<20x1024x16xf32, #tpu.memory_space<vmem>>, vector<1x1024x16xf32>
    %get3A_74 = vector.shape_cast %get3A_73 : vector<1x1024x16xf32> to vector<1024x16xf32>
    %sub3A_75 = arith.subf %get3A_74, %get3A_3 : vector<1024x16xf32>
    %convert_element_type3A_76 = arith.truncf %sub3A_75 : vector<1024x16xf32> to vector<1024x16xbf16>
    %get3A_77 = arith.constant 0 : index
    %get3A_78 = arith.constant 0 : index
    %get3A_79 = vector.load %arg3[%get3A_77, %get3A_78] : memref<16x64xbf16, #tpu.memory_space<vmem>>, vector<16x64xbf16>
    %dot_general3A_80 = arith.constant dense<0.000000e+00> : vector<1024x64xf32>
    %dot_general3A_81 = tpu.matmul %convert_element_type3A_76, %get3A_79, %dot_general3A_80 {dimension_numbers = #tpu.dot_dimension_numbers<[1], [0], [0], [1], [0, 0, 1, 1], [], []>, transpose_lhs_hint = false} : vector<1024x16xbf16>, vector<16x64xbf16>, vector<1024x64xf32> -> vector<1024x64xf32>
    %add3A_82 = arith.addf %dot_general3A_81, %dot_general3A_8 : vector<1024x64xf32>
    %max3A_83 = arith.maximumf %max3A_66, %add3A_82 : vector<1024x64xf32>
    %add3A_84 = arith.addf %add3A_67, %add3A_82 : vector<1024x64xf32>
    %mul3A_85 = arith.mulf %add3A_82, %add3A_82 : vector<1024x64xf32>
    %add3A_86 = arith.addf %add3A_69, %mul3A_85 : vector<1024x64xf32>
    %get3A_87 = arith.constant 5 : index
    %get3A_88 = arith.constant 0 : index
    %get3A_89 = arith.constant 0 : index
    %get3A_90 = vector.load %arg2[%get3A_87, %get3A_88, %get3A_89] : memref<20x1024x16xf32, #tpu.memory_space<vmem>>, vector<1x1024x16xf32>
    %get3A_91 = vector.shape_cast %get3A_90 : vector<1x1024x16xf32> to vector<1024x16xf32>
    %sub3A_92 = arith.subf %get3A_91, %get3A_3 : vector<1024x16xf32>
    %convert_element_type3A_93 = arith.truncf %sub3A_92 : vector<1024x16xf32> to vector<1024x16xbf16>
    %get3A_94 = arith.constant 0 : index
    %get3A_95 = arith.constant 0 : index
    %get3A_96 = vector.load %arg3[%get3A_94, %get3A_95] : memref<16x64xbf16, #tpu.memory_space<vmem>>, vector<16x64xbf16>
    %dot_general3A_97 = arith.constant dense<0.000000e+00> : vector<1024x64xf32>
    %dot_general3A_98 = tpu.matmul %convert_element_type3A_93, %get3A_96, %dot_general3A_97 {dimension_numbers = #tpu.dot_dimension_numbers<[1], [0], [0], [1], [0, 0, 1, 1], [], []>, transpose_lhs_hint = false} : vector<1024x16xbf16>, vector<16x64xbf16>, vector<1024x64xf32> -> vector<1024x64xf32>
    %add3A_99 = arith.addf %dot_general3A_98, %dot_general3A_8 : vector<1024x64xf32>
    %max3A_100 = arith.maximumf %max3A_83, %add3A_99 : vector<1024x64xf32>
    %add3A_101 = arith.addf %add3A_84, %add3A_99 : vector<1024x64xf32>
    %mul3A_102 = arith.mulf %add3A_99, %add3A_99 : vector<1024x64xf32>
    %add3A_103 = arith.addf %add3A_86, %mul3A_102 : vector<1024x64xf32>
    %get3A_104 = arith.constant 6 : index
    %get3A_105 = arith.constant 0 : index
    %get3A_106 = arith.constant 0 : index
    %get3A_107 = vector.load %arg2[%get3A_104, %get3A_105, %get3A_106] : memref<20x1024x16xf32, #tpu.memory_space<vmem>>, vector<1x1024x16xf32>
    %get3A_108 = vector.shape_cast %get3A_107 : vector<1x1024x16xf32> to vector<1024x16xf32>
    %sub3A_109 = arith.subf %get3A_108, %get3A_3 : vector<1024x16xf32>
    %convert_element_type3A_110 = arith.truncf %sub3A_109 : vector<1024x16xf32> to vector<1024x16xbf16>
    %get3A_111 = arith.constant 0 : index
    %get3A_112 = arith.constant 0 : index
    %get3A_113 = vector.load %arg3[%get3A_111, %get3A_112] : memref<16x64xbf16, #tpu.memory_space<vmem>>, vector<16x64xbf16>
    %dot_general3A_114 = arith.constant dense<0.000000e+00> : vector<1024x64xf32>
    %dot_general3A_115 = tpu.matmul %convert_element_type3A_110, %get3A_113, %dot_general3A_114 {dimension_numbers = #tpu.dot_dimension_numbers<[1], [0], [0], [1], [0, 0, 1, 1], [], []>, transpose_lhs_hint = false} : vector<1024x16xbf16>, vector<16x64xbf16>, vector<1024x64xf32> -> vector<1024x64xf32>
    %add3A_116 = arith.addf %dot_general3A_115, %dot_general3A_8 : vector<1024x64xf32>
    %max3A_117 = arith.maximumf %max3A_100, %add3A_116 : vector<1024x64xf32>
    %add3A_118 = arith.addf %add3A_101, %add3A_116 : vector<1024x64xf32>
    %mul3A_119 = arith.mulf %add3A_116, %add3A_116 : vector<1024x64xf32>
    %add3A_120 = arith.addf %add3A_103, %mul3A_119 : vector<1024x64xf32>
    %get3A_121 = arith.constant 7 : index
    %get3A_122 = arith.constant 0 : index
    %get3A_123 = arith.constant 0 : index
    %get3A_124 = vector.load %arg2[%get3A_121, %get3A_122, %get3A_123] : memref<20x1024x16xf32, #tpu.memory_space<vmem>>, vector<1x1024x16xf32>
    %get3A_125 = vector.shape_cast %get3A_124 : vector<1x1024x16xf32> to vector<1024x16xf32>
    %sub3A_126 = arith.subf %get3A_125, %get3A_3 : vector<1024x16xf32>
    %convert_element_type3A_127 = arith.truncf %sub3A_126 : vector<1024x16xf32> to vector<1024x16xbf16>
    %get3A_128 = arith.constant 0 : index
    %get3A_129 = arith.constant 0 : index
    %get3A_130 = vector.load %arg3[%get3A_128, %get3A_129] : memref<16x64xbf16, #tpu.memory_space<vmem>>, vector<16x64xbf16>
    %dot_general3A_131 = arith.constant dense<0.000000e+00> : vector<1024x64xf32>
    %dot_general3A_132 = tpu.matmul %convert_element_type3A_127, %get3A_130, %dot_general3A_131 {dimension_numbers = #tpu.dot_dimension_numbers<[1], [0], [0], [1], [0, 0, 1, 1], [], []>, transpose_lhs_hint = false} : vector<1024x16xbf16>, vector<16x64xbf16>, vector<1024x64xf32> -> vector<1024x64xf32>
    %add3A_133 = arith.addf %dot_general3A_132, %dot_general3A_8 : vector<1024x64xf32>
    %max3A_134 = arith.maximumf %max3A_117, %add3A_133 : vector<1024x64xf32>
    %add3A_135 = arith.addf %add3A_118, %add3A_133 : vector<1024x64xf32>
    %mul3A_136 = arith.mulf %add3A_133, %add3A_133 : vector<1024x64xf32>
    %add3A_137 = arith.addf %add3A_120, %mul3A_136 : vector<1024x64xf32>
    %get3A_138 = arith.constant 8 : index
    %get3A_139 = arith.constant 0 : index
    %get3A_140 = arith.constant 0 : index
    %get3A_141 = vector.load %arg2[%get3A_138, %get3A_139, %get3A_140] : memref<20x1024x16xf32, #tpu.memory_space<vmem>>, vector<1x1024x16xf32>
    %get3A_142 = vector.shape_cast %get3A_141 : vector<1x1024x16xf32> to vector<1024x16xf32>
    %sub3A_143 = arith.subf %get3A_142, %get3A_3 : vector<1024x16xf32>
    %convert_element_type3A_144 = arith.truncf %sub3A_143 : vector<1024x16xf32> to vector<1024x16xbf16>
    %get3A_145 = arith.constant 0 : index
    %get3A_146 = arith.constant 0 : index
    %get3A_147 = vector.load %arg3[%get3A_145, %get3A_146] : memref<16x64xbf16, #tpu.memory_space<vmem>>, vector<16x64xbf16>
    %dot_general3A_148 = arith.constant dense<0.000000e+00> : vector<1024x64xf32>
    %dot_general3A_149 = tpu.matmul %convert_element_type3A_144, %get3A_147, %dot_general3A_148 {dimension_numbers = #tpu.dot_dimension_numbers<[1], [0], [0], [1], [0, 0, 1, 1], [], []>, transpose_lhs_hint = false} : vector<1024x16xbf16>, vector<16x64xbf16>, vector<1024x64xf32> -> vector<1024x64xf32>
    %add3A_150 = arith.addf %dot_general3A_149, %dot_general3A_8 : vector<1024x64xf32>
    %max3A_151 = arith.maximumf %max3A_134, %add3A_150 : vector<1024x64xf32>
    %add3A_152 = arith.addf %add3A_135, %add3A_150 : vector<1024x64xf32>
    %mul3A_153 = arith.mulf %add3A_150, %add3A_150 : vector<1024x64xf32>
    %add3A_154 = arith.addf %add3A_137, %mul3A_153 : vector<1024x64xf32>
    %get3A_155 = arith.constant 9 : index
    %get3A_156 = arith.constant 0 : index
    %get3A_157 = arith.constant 0 : index
    %get3A_158 = vector.load %arg2[%get3A_155, %get3A_156, %get3A_157] : memref<20x1024x16xf32, #tpu.memory_space<vmem>>, vector<1x1024x16xf32>
    %get3A_159 = vector.shape_cast %get3A_158 : vector<1x1024x16xf32> to vector<1024x16xf32>
    %sub3A_160 = arith.subf %get3A_159, %get3A_3 : vector<1024x16xf32>
    %convert_element_type3A_161 = arith.truncf %sub3A_160 : vector<1024x16xf32> to vector<1024x16xbf16>
    %get3A_162 = arith.constant 0 : index
    %get3A_163 = arith.constant 0 : index
    %get3A_164 = vector.load %arg3[%get3A_162, %get3A_163] : memref<16x64xbf16, #tpu.memory_space<vmem>>, vector<16x64xbf16>
    %dot_general3A_165 = arith.constant dense<0.000000e+00> : vector<1024x64xf32>
    %dot_general3A_166 = tpu.matmul %convert_element_type3A_161, %get3A_164, %dot_general3A_165 {dimension_numbers = #tpu.dot_dimension_numbers<[1], [0], [0], [1], [0, 0, 1, 1], [], []>, transpose_lhs_hint = false} : vector<1024x16xbf16>, vector<16x64xbf16>, vector<1024x64xf32> -> vector<1024x64xf32>
    %add3A_167 = arith.addf %dot_general3A_166, %dot_general3A_8 : vector<1024x64xf32>
    %max3A_168 = arith.maximumf %max3A_151, %add3A_167 : vector<1024x64xf32>
    %add3A_169 = arith.addf %add3A_152, %add3A_167 : vector<1024x64xf32>
    %mul3A_170 = arith.mulf %add3A_167, %add3A_167 : vector<1024x64xf32>
    %add3A_171 = arith.addf %add3A_154, %mul3A_170 : vector<1024x64xf32>
    %get3A_172 = arith.constant 10 : index
    %get3A_173 = arith.constant 0 : index
    %get3A_174 = arith.constant 0 : index
    %get3A_175 = vector.load %arg2[%get3A_172, %get3A_173, %get3A_174] : memref<20x1024x16xf32, #tpu.memory_space<vmem>>, vector<1x1024x16xf32>
    %get3A_176 = vector.shape_cast %get3A_175 : vector<1x1024x16xf32> to vector<1024x16xf32>
    %sub3A_177 = arith.subf %get3A_176, %get3A_3 : vector<1024x16xf32>
    %convert_element_type3A_178 = arith.truncf %sub3A_177 : vector<1024x16xf32> to vector<1024x16xbf16>
    %get3A_179 = arith.constant 0 : index
    %get3A_180 = arith.constant 0 : index
    %get3A_181 = vector.load %arg3[%get3A_179, %get3A_180] : memref<16x64xbf16, #tpu.memory_space<vmem>>, vector<16x64xbf16>
    %dot_general3A_182 = arith.constant dense<0.000000e+00> : vector<1024x64xf32>
    %dot_general3A_183 = tpu.matmul %convert_element_type3A_178, %get3A_181, %dot_general3A_182 {dimension_numbers = #tpu.dot_dimension_numbers<[1], [0], [0], [1], [0, 0, 1, 1], [], []>, transpose_lhs_hint = false} : vector<1024x16xbf16>, vector<16x64xbf16>, vector<1024x64xf32> -> vector<1024x64xf32>
    %add3A_184 = arith.addf %dot_general3A_183, %dot_general3A_8 : vector<1024x64xf32>
    %max3A_185 = arith.maximumf %max3A_168, %add3A_184 : vector<1024x64xf32>
    %add3A_186 = arith.addf %add3A_169, %add3A_184 : vector<1024x64xf32>
    %mul3A_187 = arith.mulf %add3A_184, %add3A_184 : vector<1024x64xf32>
    %add3A_188 = arith.addf %add3A_171, %mul3A_187 : vector<1024x64xf32>
    %get3A_189 = arith.constant 11 : index
    %get3A_190 = arith.constant 0 : index
    %get3A_191 = arith.constant 0 : index
    %get3A_192 = vector.load %arg2[%get3A_189, %get3A_190, %get3A_191] : memref<20x1024x16xf32, #tpu.memory_space<vmem>>, vector<1x1024x16xf32>
    %get3A_193 = vector.shape_cast %get3A_192 : vector<1x1024x16xf32> to vector<1024x16xf32>
    %sub3A_194 = arith.subf %get3A_193, %get3A_3 : vector<1024x16xf32>
    %convert_element_type3A_195 = arith.truncf %sub3A_194 : vector<1024x16xf32> to vector<1024x16xbf16>
    %get3A_196 = arith.constant 0 : index
    %get3A_197 = arith.constant 0 : index
    %get3A_198 = vector.load %arg3[%get3A_196, %get3A_197] : memref<16x64xbf16, #tpu.memory_space<vmem>>, vector<16x64xbf16>
    %dot_general3A_199 = arith.constant dense<0.000000e+00> : vector<1024x64xf32>
    %dot_general3A_200 = tpu.matmul %convert_element_type3A_195, %get3A_198, %dot_general3A_199 {dimension_numbers = #tpu.dot_dimension_numbers<[1], [0], [0], [1], [0, 0, 1, 1], [], []>, transpose_lhs_hint = false} : vector<1024x16xbf16>, vector<16x64xbf16>, vector<1024x64xf32> -> vector<1024x64xf32>
    %add3A_201 = arith.addf %dot_general3A_200, %dot_general3A_8 : vector<1024x64xf32>
    %max3A_202 = arith.maximumf %max3A_185, %add3A_201 : vector<1024x64xf32>
    %add3A_203 = arith.addf %add3A_186, %add3A_201 : vector<1024x64xf32>
    %mul3A_204 = arith.mulf %add3A_201, %add3A_201 : vector<1024x64xf32>
    %add3A_205 = arith.addf %add3A_188, %mul3A_204 : vector<1024x64xf32>
    %get3A_206 = arith.constant 12 : index
    %get3A_207 = arith.constant 0 : index
    %get3A_208 = arith.constant 0 : index
    %get3A_209 = vector.load %arg2[%get3A_206, %get3A_207, %get3A_208] : memref<20x1024x16xf32, #tpu.memory_space<vmem>>, vector<1x1024x16xf32>
    %get3A_210 = vector.shape_cast %get3A_209 : vector<1x1024x16xf32> to vector<1024x16xf32>
    %sub3A_211 = arith.subf %get3A_210, %get3A_3 : vector<1024x16xf32>
    %convert_element_type3A_212 = arith.truncf %sub3A_211 : vector<1024x16xf32> to vector<1024x16xbf16>
    %get3A_213 = arith.constant 0 : index
    %get3A_214 = arith.constant 0 : index
    %get3A_215 = vector.load %arg3[%get3A_213, %get3A_214] : memref<16x64xbf16, #tpu.memory_space<vmem>>, vector<16x64xbf16>
    %dot_general3A_216 = arith.constant dense<0.000000e+00> : vector<1024x64xf32>
    %dot_general3A_217 = tpu.matmul %convert_element_type3A_212, %get3A_215, %dot_general3A_216 {dimension_numbers = #tpu.dot_dimension_numbers<[1], [0], [0], [1], [0, 0, 1, 1], [], []>, transpose_lhs_hint = false} : vector<1024x16xbf16>, vector<16x64xbf16>, vector<1024x64xf32> -> vector<1024x64xf32>
    %add3A_218 = arith.addf %dot_general3A_217, %dot_general3A_8 : vector<1024x64xf32>
    %max3A_219 = arith.maximumf %max3A_202, %add3A_218 : vector<1024x64xf32>
    %add3A_220 = arith.addf %add3A_203, %add3A_218 : vector<1024x64xf32>
    %mul3A_221 = arith.mulf %add3A_218, %add3A_218 : vector<1024x64xf32>
    %add3A_222 = arith.addf %add3A_205, %mul3A_221 : vector<1024x64xf32>
    %get3A_223 = arith.constant 13 : index
    %get3A_224 = arith.constant 0 : index
    %get3A_225 = arith.constant 0 : index
    %get3A_226 = vector.load %arg2[%get3A_223, %get3A_224, %get3A_225] : memref<20x1024x16xf32, #tpu.memory_space<vmem>>, vector<1x1024x16xf32>
    %get3A_227 = vector.shape_cast %get3A_226 : vector<1x1024x16xf32> to vector<1024x16xf32>
    %sub3A_228 = arith.subf %get3A_227, %get3A_3 : vector<1024x16xf32>
    %convert_element_type3A_229 = arith.truncf %sub3A_228 : vector<1024x16xf32> to vector<1024x16xbf16>
    %get3A_230 = arith.constant 0 : index
    %get3A_231 = arith.constant 0 : index
    %get3A_232 = vector.load %arg3[%get3A_230, %get3A_231] : memref<16x64xbf16, #tpu.memory_space<vmem>>, vector<16x64xbf16>
    %dot_general3A_233 = arith.constant dense<0.000000e+00> : vector<1024x64xf32>
    %dot_general3A_234 = tpu.matmul %convert_element_type3A_229, %get3A_232, %dot_general3A_233 {dimension_numbers = #tpu.dot_dimension_numbers<[1], [0], [0], [1], [0, 0, 1, 1], [], []>, transpose_lhs_hint = false} : vector<1024x16xbf16>, vector<16x64xbf16>, vector<1024x64xf32> -> vector<1024x64xf32>
    %add3A_235 = arith.addf %dot_general3A_234, %dot_general3A_8 : vector<1024x64xf32>
    %max3A_236 = arith.maximumf %max3A_219, %add3A_235 : vector<1024x64xf32>
    %add3A_237 = arith.addf %add3A_220, %add3A_235 : vector<1024x64xf32>
    %mul3A_238 = arith.mulf %add3A_235, %add3A_235 : vector<1024x64xf32>
    %add3A_239 = arith.addf %add3A_222, %mul3A_238 : vector<1024x64xf32>
    %get3A_240 = arith.constant 14 : index
    %get3A_241 = arith.constant 0 : index
    %get3A_242 = arith.constant 0 : index
    %get3A_243 = vector.load %arg2[%get3A_240, %get3A_241, %get3A_242] : memref<20x1024x16xf32, #tpu.memory_space<vmem>>, vector<1x1024x16xf32>
    %get3A_244 = vector.shape_cast %get3A_243 : vector<1x1024x16xf32> to vector<1024x16xf32>
    %sub3A_245 = arith.subf %get3A_244, %get3A_3 : vector<1024x16xf32>
    %convert_element_type3A_246 = arith.truncf %sub3A_245 : vector<1024x16xf32> to vector<1024x16xbf16>
    %get3A_247 = arith.constant 0 : index
    %get3A_248 = arith.constant 0 : index
    %get3A_249 = vector.load %arg3[%get3A_247, %get3A_248] : memref<16x64xbf16, #tpu.memory_space<vmem>>, vector<16x64xbf16>
    %dot_general3A_250 = arith.constant dense<0.000000e+00> : vector<1024x64xf32>
    %dot_general3A_251 = tpu.matmul %convert_element_type3A_246, %get3A_249, %dot_general3A_250 {dimension_numbers = #tpu.dot_dimension_numbers<[1], [0], [0], [1], [0, 0, 1, 1], [], []>, transpose_lhs_hint = false} : vector<1024x16xbf16>, vector<16x64xbf16>, vector<1024x64xf32> -> vector<1024x64xf32>
    %add3A_252 = arith.addf %dot_general3A_251, %dot_general3A_8 : vector<1024x64xf32>
    %max3A_253 = arith.maximumf %max3A_236, %add3A_252 : vector<1024x64xf32>
    %add3A_254 = arith.addf %add3A_237, %add3A_252 : vector<1024x64xf32>
    %mul3A_255 = arith.mulf %add3A_252, %add3A_252 : vector<1024x64xf32>
    %add3A_256 = arith.addf %add3A_239, %mul3A_255 : vector<1024x64xf32>
    %get3A_257 = arith.constant 15 : index
    %get3A_258 = arith.constant 0 : index
    %get3A_259 = arith.constant 0 : index
    %get3A_260 = vector.load %arg2[%get3A_257, %get3A_258, %get3A_259] : memref<20x1024x16xf32, #tpu.memory_space<vmem>>, vector<1x1024x16xf32>
    %get3A_261 = vector.shape_cast %get3A_260 : vector<1x1024x16xf32> to vector<1024x16xf32>
    %sub3A_262 = arith.subf %get3A_261, %get3A_3 : vector<1024x16xf32>
    %convert_element_type3A_263 = arith.truncf %sub3A_262 : vector<1024x16xf32> to vector<1024x16xbf16>
    %get3A_264 = arith.constant 0 : index
    %get3A_265 = arith.constant 0 : index
    %get3A_266 = vector.load %arg3[%get3A_264, %get3A_265] : memref<16x64xbf16, #tpu.memory_space<vmem>>, vector<16x64xbf16>
    %dot_general3A_267 = arith.constant dense<0.000000e+00> : vector<1024x64xf32>
    %dot_general3A_268 = tpu.matmul %convert_element_type3A_263, %get3A_266, %dot_general3A_267 {dimension_numbers = #tpu.dot_dimension_numbers<[1], [0], [0], [1], [0, 0, 1, 1], [], []>, transpose_lhs_hint = false} : vector<1024x16xbf16>, vector<16x64xbf16>, vector<1024x64xf32> -> vector<1024x64xf32>
    %add3A_269 = arith.addf %dot_general3A_268, %dot_general3A_8 : vector<1024x64xf32>
    %max3A_270 = arith.maximumf %max3A_253, %add3A_269 : vector<1024x64xf32>
    %add3A_271 = arith.addf %add3A_254, %add3A_269 : vector<1024x64xf32>
    %mul3A_272 = arith.mulf %add3A_269, %add3A_269 : vector<1024x64xf32>
    %add3A_273 = arith.addf %add3A_256, %mul3A_272 : vector<1024x64xf32>
    %get3A_274 = arith.constant 16 : index
    %get3A_275 = arith.constant 0 : index
    %get3A_276 = arith.constant 0 : index
    %get3A_277 = vector.load %arg2[%get3A_274, %get3A_275, %get3A_276] : memref<20x1024x16xf32, #tpu.memory_space<vmem>>, vector<1x1024x16xf32>
    %get3A_278 = vector.shape_cast %get3A_277 : vector<1x1024x16xf32> to vector<1024x16xf32>
    %sub3A_279 = arith.subf %get3A_278, %get3A_3 : vector<1024x16xf32>
    %convert_element_type3A_280 = arith.truncf %sub3A_279 : vector<1024x16xf32> to vector<1024x16xbf16>
    %get3A_281 = arith.constant 0 : index
    %get3A_282 = arith.constant 0 : index
    %get3A_283 = vector.load %arg3[%get3A_281, %get3A_282] : memref<16x64xbf16, #tpu.memory_space<vmem>>, vector<16x64xbf16>
    %dot_general3A_284 = arith.constant dense<0.000000e+00> : vector<1024x64xf32>
    %dot_general3A_285 = tpu.matmul %convert_element_type3A_280, %get3A_283, %dot_general3A_284 {dimension_numbers = #tpu.dot_dimension_numbers<[1], [0], [0], [1], [0, 0, 1, 1], [], []>, transpose_lhs_hint = false} : vector<1024x16xbf16>, vector<16x64xbf16>, vector<1024x64xf32> -> vector<1024x64xf32>
    %add3A_286 = arith.addf %dot_general3A_285, %dot_general3A_8 : vector<1024x64xf32>
    %max3A_287 = arith.maximumf %max3A_270, %add3A_286 : vector<1024x64xf32>
    %add3A_288 = arith.addf %add3A_271, %add3A_286 : vector<1024x64xf32>
    %mul3A_289 = arith.mulf %add3A_286, %add3A_286 : vector<1024x64xf32>
    %add3A_290 = arith.addf %add3A_273, %mul3A_289 : vector<1024x64xf32>
    %get3A_291 = arith.constant 17 : index
    %get3A_292 = arith.constant 0 : index
    %get3A_293 = arith.constant 0 : index
    %get3A_294 = vector.load %arg2[%get3A_291, %get3A_292, %get3A_293] : memref<20x1024x16xf32, #tpu.memory_space<vmem>>, vector<1x1024x16xf32>
    %get3A_295 = vector.shape_cast %get3A_294 : vector<1x1024x16xf32> to vector<1024x16xf32>
    %sub3A_296 = arith.subf %get3A_295, %get3A_3 : vector<1024x16xf32>
    %convert_element_type3A_297 = arith.truncf %sub3A_296 : vector<1024x16xf32> to vector<1024x16xbf16>
    %get3A_298 = arith.constant 0 : index
    %get3A_299 = arith.constant 0 : index
    %get3A_300 = vector.load %arg3[%get3A_298, %get3A_299] : memref<16x64xbf16, #tpu.memory_space<vmem>>, vector<16x64xbf16>
    %dot_general3A_301 = arith.constant dense<0.000000e+00> : vector<1024x64xf32>
    %dot_general3A_302 = tpu.matmul %convert_element_type3A_297, %get3A_300, %dot_general3A_301 {dimension_numbers = #tpu.dot_dimension_numbers<[1], [0], [0], [1], [0, 0, 1, 1], [], []>, transpose_lhs_hint = false} : vector<1024x16xbf16>, vector<16x64xbf16>, vector<1024x64xf32> -> vector<1024x64xf32>
    %add3A_303 = arith.addf %dot_general3A_302, %dot_general3A_8 : vector<1024x64xf32>
    %max3A_304 = arith.maximumf %max3A_287, %add3A_303 : vector<1024x64xf32>
    %add3A_305 = arith.addf %add3A_288, %add3A_303 : vector<1024x64xf32>
    %mul3A_306 = arith.mulf %add3A_303, %add3A_303 : vector<1024x64xf32>
    %add3A_307 = arith.addf %add3A_290, %mul3A_306 : vector<1024x64xf32>
    %get3A_308 = arith.constant 18 : index
    %get3A_309 = arith.constant 0 : index
    %get3A_310 = arith.constant 0 : index
    %get3A_311 = vector.load %arg2[%get3A_308, %get3A_309, %get3A_310] : memref<20x1024x16xf32, #tpu.memory_space<vmem>>, vector<1x1024x16xf32>
    %get3A_312 = vector.shape_cast %get3A_311 : vector<1x1024x16xf32> to vector<1024x16xf32>
    %sub3A_313 = arith.subf %get3A_312, %get3A_3 : vector<1024x16xf32>
    %convert_element_type3A_314 = arith.truncf %sub3A_313 : vector<1024x16xf32> to vector<1024x16xbf16>
    %get3A_315 = arith.constant 0 : index
    %get3A_316 = arith.constant 0 : index
    %get3A_317 = vector.load %arg3[%get3A_315, %get3A_316] : memref<16x64xbf16, #tpu.memory_space<vmem>>, vector<16x64xbf16>
    %dot_general3A_318 = arith.constant dense<0.000000e+00> : vector<1024x64xf32>
    %dot_general3A_319 = tpu.matmul %convert_element_type3A_314, %get3A_317, %dot_general3A_318 {dimension_numbers = #tpu.dot_dimension_numbers<[1], [0], [0], [1], [0, 0, 1, 1], [], []>, transpose_lhs_hint = false} : vector<1024x16xbf16>, vector<16x64xbf16>, vector<1024x64xf32> -> vector<1024x64xf32>
    %add3A_320 = arith.addf %dot_general3A_319, %dot_general3A_8 : vector<1024x64xf32>
    %max3A_321 = arith.maximumf %max3A_304, %add3A_320 : vector<1024x64xf32>
    %add3A_322 = arith.addf %add3A_305, %add3A_320 : vector<1024x64xf32>
    %mul3A_323 = arith.mulf %add3A_320, %add3A_320 : vector<1024x64xf32>
    %add3A_324 = arith.addf %add3A_307, %mul3A_323 : vector<1024x64xf32>
    %get3A_325 = arith.constant 19 : index
    %get3A_326 = arith.constant 0 : index
    %get3A_327 = arith.constant 0 : index
    %get3A_328 = vector.load %arg2[%get3A_325, %get3A_326, %get3A_327] : memref<20x1024x16xf32, #tpu.memory_space<vmem>>, vector<1x1024x16xf32>
    %get3A_329 = vector.shape_cast %get3A_328 : vector<1x1024x16xf32> to vector<1024x16xf32>
    %sub3A_330 = arith.subf %get3A_329, %get3A_3 : vector<1024x16xf32>
    %convert_element_type3A_331 = arith.truncf %sub3A_330 : vector<1024x16xf32> to vector<1024x16xbf16>
    %get3A_332 = arith.constant 0 : index
    %get3A_333 = arith.constant 0 : index
    %get3A_334 = vector.load %arg3[%get3A_332, %get3A_333] : memref<16x64xbf16, #tpu.memory_space<vmem>>, vector<16x64xbf16>
    %dot_general3A_335 = arith.constant dense<0.000000e+00> : vector<1024x64xf32>
    %dot_general3A_336 = tpu.matmul %convert_element_type3A_331, %get3A_334, %dot_general3A_335 {dimension_numbers = #tpu.dot_dimension_numbers<[1], [0], [0], [1], [0, 0, 1, 1], [], []>, transpose_lhs_hint = false} : vector<1024x16xbf16>, vector<16x64xbf16>, vector<1024x64xf32> -> vector<1024x64xf32>
    %add3A_337 = arith.addf %dot_general3A_336, %dot_general3A_8 : vector<1024x64xf32>
    %max3A_338 = arith.maximumf %max3A_321, %add3A_337 : vector<1024x64xf32>
    %add3A_339 = arith.addf %add3A_322, %add3A_337 : vector<1024x64xf32>
    %mul3A_340 = arith.mulf %add3A_337, %add3A_337 : vector<1024x64xf32>
    %add3A_341 = arith.addf %add3A_324, %mul3A_340 : vector<1024x64xf32>
    %swap3A = arith.constant 0 : index
    %swap3A_342 = arith.constant 0 : index
    %swap3A_343 = vector.load %arg5[%swap3A, %swap3A_342] : memref<1024x64xf32, #tpu.memory_space<vmem>>, vector<1024x64xf32>
    tpu.vector_store %arg5[%swap3A, %swap3A_342], %max3A_338 {strides = array<i32>} : memref<1024x64xf32, #tpu.memory_space<vmem>>, vector<1024x64xf32>,
    %get3A_344 = arith.constant 0 : index
    %get3A_345 = arith.constant 0 : index
    %get3A_346 = vector.load %arg8[%get3A_344, %get3A_345] : memref<1x64xf32, #tpu.memory_space<vmem>>, vector<1x64xf32>
    %reduce_sum3A = arith.constant dense<0.000000e+00> : vector<64xf32>
    %reduce_sum3A_347 = vector.multi_reduction <add>, %add3A_339, %reduce_sum3A [0] : vector<1024x64xf32> to vector<64xf32>
    %broadcast_in_dim3A = vector.shape_cast %reduce_sum3A_347 : vector<64xf32> to vector<1x64xf32>
    %add3A_348 = arith.addf %get3A_346, %broadcast_in_dim3A : vector<1x64xf32>
    %swap3A_349 = arith.constant 0 : index
    %swap3A_350 = arith.constant 0 : index
    %swap3A_351 = vector.load %arg8[%swap3A_349, %swap3A_350] : memref<1x64xf32, #tpu.memory_space<vmem>>, vector<1x64xf32>
    tpu.vector_store %arg8[%swap3A_349, %swap3A_350], %add3A_348 {strides = array<i32>} : memref<1x64xf32, #tpu.memory_space<vmem>>, vector<1x64xf32>,
    %get3A_352 = arith.constant 0 : index
    %get3A_353 = arith.constant 0 : index
    %get3A_354 = vector.load %arg9[%get3A_352, %get3A_353] : memref<1x64xf32, #tpu.memory_space<vmem>>, vector<1x64xf32>
    %reduce_sum3A_355 = arith.constant dense<0.000000e+00> : vector<64xf32>
    %reduce_sum3A_356 = vector.multi_reduction <add>, %add3A_341, %reduce_sum3A_355 [0] : vector<1024x64xf32> to vector<64xf32>
    %broadcast_in_dim3A_357 = vector.shape_cast %reduce_sum3A_356 : vector<64xf32> to vector<1x64xf32>
    %add3A_358 = arith.addf %get3A_354, %broadcast_in_dim3A_357 : vector<1x64xf32>
    %swap3A_359 = arith.constant 0 : index
    %swap3A_360 = arith.constant 0 : index
    %swap3A_361 = vector.load %arg9[%swap3A_359, %swap3A_360] : memref<1x64xf32, #tpu.memory_space<vmem>>, vector<1x64xf32>
    tpu.vector_store %arg9[%swap3A_359, %swap3A_360], %add3A_358 {strides = array<i32>} : memref<1x64xf32, #tpu.memory_space<vmem>>, vector<1x64xf32>,
    %eq3A_362 = arith.constant 3 : i32
    %eq3A_363 = arith.cmpi eq, %arg0, %eq3A_362 : i32
    %convert_element_type3A_364 = arith.extui %eq3A_363 : i1 to i32
    %cond3A_365 = arith.constant 0 : i32
    %cond3A_366 = arith.cmpi ne, %convert_element_type3A_364, %cond3A_365 : i32
    scf.if %cond3A_366 {
      %get3A_367 = arith.constant 0 : index
      %get3A_368 = arith.constant 0 : index
      %get3A_369 = vector.load %arg8[%get3A_367, %get3A_368] : memref<1x64xf32, #tpu.memory_space<vmem>>, vector<1x64xf32>
      %swap3A_370 = arith.constant 0 : index
      %swap3A_371 = arith.constant 0 : index
      %swap3A_372 = vector.load %arg6[%swap3A_370, %swap3A_371] : memref<1x64xf32, #tpu.memory_space<vmem>>, vector<1x64xf32>
      tpu.vector_store %arg6[%swap3A_370, %swap3A_371], %get3A_369 {strides = array<i32>} : memref<1x64xf32, #tpu.memory_space<vmem>>, vector<1x64xf32>,
      %get3A_373 = arith.constant 0 : index
      %get3A_374 = arith.constant 0 : index
      %get3A_375 = vector.load %arg9[%get3A_373, %get3A_374] : memref<1x64xf32, #tpu.memory_space<vmem>>, vector<1x64xf32>
      %swap3A_376 = arith.constant 0 : index
      %swap3A_377 = arith.constant 0 : index
      %swap3A_378 = vector.load %arg7[%swap3A_376, %swap3A_377] : memref<1x64xf32, #tpu.memory_space<vmem>>, vector<1x64xf32>
      tpu.vector_store %arg7[%swap3A_376, %swap3A_377], %get3A_375 {strides = array<i32>} : memref<1x64xf32, #tpu.memory_space<vmem>>, vector<1x64xf32>,
    } else {
    }
    return
  }
  func.func @transform_0(%arg0: i32) -> (i32, i32) {
    %c0_i32 = arith.constant 0 : i32
    %c0_i32_0 = arith.constant 0 : i32
    return %arg0, %c0_i32 : i32, i32
  }
  func.func @transform_1(%arg0: i32) -> (i32, i32, i32) {
    %c0_i32 = arith.constant 0 : i32
    %c0_i32_0 = arith.constant 0 : i32
    %c0_i32_1 = arith.constant 0 : i32
    return %c0_i32, %arg0, %c0_i32_0 : i32, i32, i32
  }
  func.func @transform_2(%arg0: i32) -> (i32, i32) {
    %c0_i32 = arith.constant 0 : i32
    %c0_i32_0 = arith.constant 0 : i32
    %c0_i32_1 = arith.constant 0 : i32
    return %c0_i32, %c0_i32_0 : i32, i32
  }
  func.func @transform_3(%arg0: i32) -> (i32, i32) {
    %c0_i32 = arith.constant 0 : i32
    %c0_i32_0 = arith.constant 0 : i32
    %c0_i32_1 = arith.constant 0 : i32
    return %c0_i32, %c0_i32_0 : i32, i32
  }
  func.func @transform_4(%arg0: i32) -> (i32, i32) {
    %c0_i32 = arith.constant 0 : i32
    %c0_i32_0 = arith.constant 0 : i32
    return %arg0, %c0_i32 : i32, i32
  }
  func.func @transform_5(%arg0: i32) -> (i32, i32) {
    %c0_i32 = arith.constant 0 : i32
    %c0_i32_0 = arith.constant 0 : i32
    %c0_i32_1 = arith.constant 0 : i32
    return %c0_i32, %c0_i32_0 : i32, i32
  }
  func.func @transform_6(%arg0: i32) -> (i32, i32) {
    %c0_i32 = arith.constant 0 : i32
    %c0_i32_0 = arith.constant 0 : i32
    %c0_i32_1 = arith.constant 0 : i32
    return %c0_i32, %c0_i32_0 : i32, i32
  }
}

module attributes {stable_mosaic.version = 14 : i64} {
  func.func @_bn_body(%arg0: memref<4096x64xf32, #tpu.memory_space<vmem>>, %arg1: memref<1x64xf32, #tpu.memory_space<vmem>>, %arg2: memref<1x64xf32, #tpu.memory_space<vmem>>, %arg3: memref<1x64xf32, #tpu.memory_space<vmem>>, %arg4: memref<1x64xf32, #tpu.memory_space<vmem>>, %arg5: memref<4096x64xf32, #tpu.memory_space<vmem>>) attributes {dimension_semantics = [], scalar_prefetch = 0 : i64, scratch_operands = 0 : i64, tpu.core_type = #tpu.core_type<tc>} {
    %get3A = arith.constant 0 : index
    %get3A_0 = arith.constant 0 : index
    %get3A_1 = vector.load %arg1[%get3A, %get3A_0] : memref<1x64xf32, #tpu.memory_space<vmem>>, vector<1x64xf32>
    %div3A = arith.constant 8.192000e+04 : f32
    %div3A_2 = vector.broadcast %div3A : f32 to vector<1x64xf32>
    %div3A_3 = arith.divf %get3A_1, %div3A_2 : vector<1x64xf32>
    %get3A_4 = arith.constant 0 : index
    %get3A_5 = arith.constant 0 : index
    %get3A_6 = vector.load %arg2[%get3A_4, %get3A_5] : memref<1x64xf32, #tpu.memory_space<vmem>>, vector<1x64xf32>
    %div3A_7 = arith.constant 8.192000e+04 : f32
    %div3A_8 = vector.broadcast %div3A_7 : f32 to vector<1x64xf32>
    %div3A_9 = arith.divf %get3A_6, %div3A_8 : vector<1x64xf32>
    %mul3A = arith.mulf %div3A_3, %div3A_3 : vector<1x64xf32>
    %sub3A = arith.subf %div3A_9, %mul3A : vector<1x64xf32>
    %add3A = arith.constant 9.99999974E-6 : f32
    %add3A_10 = vector.broadcast %add3A : f32 to vector<1x64xf32>
    %add3A_11 = arith.addf %sub3A, %add3A_10 : vector<1x64xf32>
    %rsqrt3A = math.rsqrt %add3A_11 : vector<1x64xf32>
    %get3A_12 = arith.constant 0 : index
    %get3A_13 = arith.constant 0 : index
    %get3A_14 = vector.load %arg0[%get3A_12, %get3A_13] : memref<4096x64xf32, #tpu.memory_space<vmem>>, vector<4096x64xf32>
    %sub3A_15 = vector.broadcast %div3A_3 : vector<1x64xf32> to vector<4096x64xf32>
    %sub3A_16 = arith.subf %get3A_14, %sub3A_15 : vector<4096x64xf32>
    %mul3A_17 = vector.broadcast %rsqrt3A : vector<1x64xf32> to vector<4096x64xf32>
    %mul3A_18 = arith.mulf %sub3A_16, %mul3A_17 : vector<4096x64xf32>
    %get3A_19 = arith.constant 0 : index
    %get3A_20 = arith.constant 0 : index
    %get3A_21 = vector.load %arg3[%get3A_19, %get3A_20] : memref<1x64xf32, #tpu.memory_space<vmem>>, vector<1x64xf32>
    %mul3A_22 = vector.broadcast %get3A_21 : vector<1x64xf32> to vector<4096x64xf32>
    %mul3A_23 = arith.mulf %mul3A_18, %mul3A_22 : vector<4096x64xf32>
    %get3A_24 = arith.constant 0 : index
    %get3A_25 = arith.constant 0 : index
    %get3A_26 = vector.load %arg4[%get3A_24, %get3A_25] : memref<1x64xf32, #tpu.memory_space<vmem>>, vector<1x64xf32>
    %add3A_27 = vector.broadcast %get3A_26 : vector<1x64xf32> to vector<4096x64xf32>
    %add3A_28 = arith.addf %mul3A_23, %add3A_27 : vector<4096x64xf32>
    %ge3A = arith.constant 0.000000e+00 : f32
    %ge3A_29 = vector.broadcast %ge3A : f32 to vector<4096x64xf32>
    %ge3A_30 = arith.cmpf oge, %add3A_28, %ge3A_29 : vector<4096x64xf32>
    %mul3A_31 = arith.constant 2.000000e-01 : f32
    %mul3A_32 = vector.broadcast %mul3A_31 : f32 to vector<4096x64xf32>
    %mul3A_33 = arith.mulf %mul3A_32, %add3A_28 : vector<4096x64xf32>
    %select_n3A = arith.select %ge3A_30, %add3A_28, %mul3A_33 : vector<4096x64xi1>, vector<4096x64xf32>
    %swap3A = arith.constant 0 : index
    %swap3A_34 = arith.constant 0 : index
    %swap3A_35 = vector.load %arg5[%swap3A, %swap3A_34] : memref<4096x64xf32, #tpu.memory_space<vmem>>, vector<4096x64xf32>
    tpu.vector_store %arg5[%swap3A, %swap3A_34], %select_n3A {strides = array<i32>} : memref<4096x64xf32, #tpu.memory_space<vmem>>, vector<4096x64xf32>,
    return
  }
}

module attributes {stable_mosaic.version = 14 : i64} {
  func.func @_t1_body(%arg0: i32, %arg1: memref<1x1024x64xf32, #tpu.memory_space<vmem>>, %arg2: memref<1024x20xi32, #tpu.memory_space<vmem>>) attributes {dimension_semantics = [#tpu.dimension_semantics<arbitrary>], iteration_bounds = array<i64: 4>, scalar_prefetch = 0 : i64, scratch_operands = 0 : i64, tpu.core_type = #tpu.core_type<tc>, window_params = [{transform_indices = @transform_0, window_bounds = array<i64: 1, 1024, 64>}, {transform_indices = @transform_1, window_bounds = array<i64: 1024, 20>}]} {
    %get3A = arith.constant 0 : index
    %get3A_0 = arith.constant 0 : index
    %get3A_1 = arith.constant 0 : index
    %get3A_2 = vector.load %arg1[%get3A, %get3A_0, %get3A_1] : memref<1x1024x64xf32, #tpu.memory_space<vmem>>, vector<1x1024x64xf32>
    %get3A_3 = vector.shape_cast %get3A_2 : vector<1x1024x64xf32> to vector<1024x64xf32>
    %mul3A = arith.mulf %get3A_3, %get3A_3 : vector<1024x64xf32>
    %reduce_sum3A = arith.constant dense<0.000000e+00> : vector<1024xf32>
    %reduce_sum3A_4 = vector.multi_reduction <add>, %mul3A, %reduce_sum3A [1] : vector<1024x64xf32> to vector<1024xf32>
    %broadcast_in_dim3A = vector.shape_cast %reduce_sum3A_4 : vector<1024xf32> to vector<1024x1xf32>
    %transpose3A = tpu.transpose %broadcast_in_dim3A, [1, 0] : vector<1024x1xf32> -> vector<1x1024xf32>
    %convert_element_type3A = arith.truncf %get3A_3 : vector<1024x64xf32> to vector<1024x64xbf16>
    %dot_general3A = arith.constant dense<0.000000e+00> : vector<1024x1024xf32>
    %dot_general3A_5 = tpu.matmul %convert_element_type3A, %convert_element_type3A, %dot_general3A {dimension_numbers = #tpu.dot_dimension_numbers<[1], [1], [0], [0], [0, 0, 1, 0], [], []>, transpose_lhs_hint = false} : vector<1024x64xbf16>, vector<1024x64xbf16>, vector<1024x1024xf32> -> vector<1024x1024xf32>
    %add3A = vector.broadcast %broadcast_in_dim3A : vector<1024x1xf32> to vector<1024x1024xf32>
    %add3A_6 = vector.broadcast %transpose3A : vector<1x1024xf32> to vector<1024x1024xf32>
    %add3A_7 = arith.addf %add3A, %add3A_6 : vector<1024x1024xf32>
    %mul3A_8 = arith.constant 2.000000e+00 : f32
    %mul3A_9 = vector.broadcast %mul3A_8 : f32 to vector<1024x1024xf32>
    %mul3A_10 = arith.mulf %mul3A_9, %dot_general3A_5 : vector<1024x1024xf32>
    %sub3A = arith.subf %add3A_7, %mul3A_10 : vector<1024x1024xf32>
    %iota3A = tpu.iota {dimensions = array<i32: 1>} : vector<1024x1024xi32>
    %iota3A_11 = tpu.iota {dimensions = array<i32: 1>} : vector<1024x32xi32>
    %broadcast_in_dim3A_12 = arith.constant 0 : i32
    %broadcast_in_dim3A_13 = vector.broadcast %broadcast_in_dim3A_12 : i32 to vector<1024x32xi32>
    %scan3A = arith.constant 0 : i32
    %scan3A_14 = arith.constant 20 : i32
    %scan3A_15 = arith.addi %scan3A, %scan3A_14 : i32
    %scan3A_16 = arith.constant 1 : i32
    %scan3A_17:2 = scf.for %scan3A_25 = %scan3A to %scan3A_15 step %scan3A_16 iter_args(%scan3A_26 = %sub3A, %scan3A_27 = %broadcast_in_dim3A_13) -> (vector<1024x1024xf32>, vector<1024x32xi32>)  : i32 {
      %reduce_min3A = arith.constant dense<0x7F800000> : vector<1024xf32>
      %reduce_min3A_28 = vector.multi_reduction <minimumf>, %scan3A_26, %reduce_min3A [1] : vector<1024x1024xf32> to vector<1024xf32>
      %broadcast_in_dim3A_29 = vector.shape_cast %reduce_min3A_28 : vector<1024xf32> to vector<1024x1xf32>
      %eq3A = vector.broadcast %broadcast_in_dim3A_29 : vector<1024x1xf32> to vector<1024x1024xf32>
      %eq3A_30 = arith.cmpf oeq, %scan3A_26, %eq3A : vector<1024x1024xf32>
      %jit3A = arith.constant 1024 : i32
      %broadcast_in_dim3A_31 = vector.broadcast %jit3A : i32 to vector<1024x1024xi32>
      %select_n3A = arith.select %eq3A_30, %iota3A, %broadcast_in_dim3A_31 : vector<1024x1024xi1>, vector<1024x1024xi32>
      %reduce_min3A_32 = arith.constant dense<2147483647> : vector<1024xi32>
      %reduce_min3A_33 = vector.multi_reduction <minsi>, %select_n3A, %reduce_min3A_32 [1] : vector<1024x1024xi32> to vector<1024xi32>
      %broadcast_in_dim3A_34 = vector.shape_cast %reduce_min3A_33 : vector<1024xi32> to vector<1024x1xi32>
      %eq3A_35 = vector.broadcast %broadcast_in_dim3A_34 : vector<1024x1xi32> to vector<1024x1024xi32>
      %eq3A_36 = arith.cmpi eq, %iota3A, %eq3A_35 : vector<1024x1024xi32>
      %jit3A_37 = arith.constant 0x7F800000 : f32
      %broadcast_in_dim3A_38 = vector.broadcast %jit3A_37 : f32 to vector<1024x1024xf32>
      %select_n3A_39 = arith.select %eq3A_36, %broadcast_in_dim3A_38, %scan3A_26 : vector<1024x1024xi1>, vector<1024x1024xf32>
      %eq3A_40 = vector.broadcast %scan3A_25 : i32 to vector<1024x32xi32>
      %eq3A_41 = arith.cmpi eq, %iota3A_11, %eq3A_40 : vector<1024x32xi32>
      %broadcast_in_dim3A_42 = vector.shape_cast %broadcast_in_dim3A_34 : vector<1024x1xi32> to vector<1024x1xi32>
      %broadcast_in_dim3A_43 = vector.broadcast %broadcast_in_dim3A_42 : vector<1024x1xi32> to vector<1024x32xi32>
      %select_n3A_44 = arith.select %eq3A_41, %broadcast_in_dim3A_43, %scan3A_27 : vector<1024x32xi1>, vector<1024x32xi32>
      scf.yield %select_n3A_39, %select_n3A_44 : vector<1024x1024xf32>, vector<1024x32xi32>
    }
    %scan3A_18 = arith.constant 20 : i32
    %slice3A = vector.extract_strided_slice %scan3A_17#1 {offsets = [0, 0], sizes = [1024, 20], strides = [1, 1]} : vector<1024x32xi32> to vector<1024x20xi32>
    %mul3A_19 = arith.constant 1024 : i32
    %mul3A_20 = arith.muli %arg0, %mul3A_19 : i32
    %add3A_21 = vector.broadcast %mul3A_20 : i32 to vector<1024x20xi32>
    %add3A_22 = arith.addi %slice3A, %add3A_21 : vector<1024x20xi32>
    %swap3A = arith.constant 0 : index
    %swap3A_23 = arith.constant 0 : index
    %swap3A_24 = vector.load %arg2[%swap3A, %swap3A_23] : memref<1024x20xi32, #tpu.memory_space<vmem>>, vector<1024x20xi32>
    tpu.vector_store %arg2[%swap3A, %swap3A_23], %add3A_22 {strides = array<i32>} : memref<1024x20xi32, #tpu.memory_space<vmem>>, vector<1024x20xi32>,
    return
  }
  func.func @transform_0(%arg0: i32) -> (i32, i32, i32) {
    %c0_i32 = arith.constant 0 : i32
    %c0_i32_0 = arith.constant 0 : i32
    %c0_i32_1 = arith.constant 0 : i32
    return %arg0, %c0_i32, %c0_i32_0 : i32, i32, i32
  }
  func.func @transform_1(%arg0: i32) -> (i32, i32) {
    %c0_i32 = arith.constant 0 : i32
    %c0_i32_0 = arith.constant 0 : i32
    return %arg0, %c0_i32 : i32, i32
  }
}

module attributes {stable_mosaic.version = 14 : i64} {
  func.func @_edge_body(%arg0: i32, %arg1: memref<1024x64xf32, #tpu.memory_space<vmem>>, %arg2: memref<20x1024x64xf32, #tpu.memory_space<vmem>>, %arg3: memref<64x64xbf16, #tpu.memory_space<vmem>>, %arg4: memref<64x64xbf16, #tpu.memory_space<vmem>>, %arg5: memref<1024x64xf32, #tpu.memory_space<vmem>>, %arg6: memref<1x64xf32, #tpu.memory_space<vmem>>, %arg7: memref<1x64xf32, #tpu.memory_space<vmem>>, %arg8: memref<1x64xf32, #tpu.memory_space<vmem>>, %arg9: memref<1x64xf32, #tpu.memory_space<vmem>>) attributes {dimension_semantics = [#tpu.dimension_semantics<arbitrary>], iteration_bounds = array<i64: 4>, scalar_prefetch = 0 : i64, scratch_operands = 2 : i64, tpu.core_type = #tpu.core_type<tc>, window_params = [{transform_indices = @transform_0, window_bounds = array<i64: 1024, 64>}, {transform_indices = @transform_1, window_bounds = array<i64: 20, 1024, 64>}, {pipeline_mode = #tpu.pipeline_mode<synchronous>, transform_indices = @transform_2, window_bounds = array<i64: 64, 64>}, {pipeline_mode = #tpu.pipeline_mode<synchronous>, transform_indices = @transform_3, window_bounds = array<i64: 64, 64>}, {transform_indices = @transform_4, window_bounds = array<i64: 1024, 64>}, {pipeline_mode = #tpu.pipeline_mode<synchronous>, transform_indices = @transform_5, window_bounds = array<i64: 1, 64>}, {pipeline_mode = #tpu.pipeline_mode<synchronous>, transform_indices = @transform_6, window_bounds = array<i64: 1, 64>}]} {
    %eq3A = arith.constant 0 : i32
    %eq3A_0 = arith.cmpi eq, %arg0, %eq3A : i32
    %convert_element_type3A = arith.extui %eq3A_0 : i1 to i32
    %cond3A = arith.constant 0 : i32
    %cond3A_1 = arith.cmpi ne, %convert_element_type3A, %cond3A : i32
    scf.if %cond3A_1 {
      %broadcast_in_dim3A_367 = arith.constant 0.000000e+00 : f32
      %broadcast_in_dim3A_368 = vector.broadcast %broadcast_in_dim3A_367 : f32 to vector<1x64xf32>
      %swap3A_369 = arith.constant 0 : index
      %swap3A_370 = arith.constant 0 : index
      %swap3A_371 = vector.load %arg8[%swap3A_369, %swap3A_370] : memref<1x64xf32, #tpu.memory_space<vmem>>, vector<1x64xf32>
      tpu.vector_store %arg8[%swap3A_369, %swap3A_370], %broadcast_in_dim3A_368 {strides = array<i32>} : memref<1x64xf32, #tpu.memory_space<vmem>>, vector<1x64xf32>,
      %broadcast_in_dim3A_372 = arith.constant 0.000000e+00 : f32
      %broadcast_in_dim3A_373 = vector.broadcast %broadcast_in_dim3A_372 : f32 to vector<1x64xf32>
      %swap3A_374 = arith.constant 0 : index
      %swap3A_375 = arith.constant 0 : index
      %swap3A_376 = vector.load %arg9[%swap3A_374, %swap3A_375] : memref<1x64xf32, #tpu.memory_space<vmem>>, vector<1x64xf32>
      tpu.vector_store %arg9[%swap3A_374, %swap3A_375], %broadcast_in_dim3A_373 {strides = array<i32>} : memref<1x64xf32, #tpu.memory_space<vmem>>, vector<1x64xf32>,
    } else {
    }
    %get3A = arith.constant 0 : index
    %get3A_2 = arith.constant 0 : index
    %get3A_3 = vector.load %arg1[%get3A, %get3A_2] : memref<1024x64xf32, #tpu.memory_space<vmem>>, vector<1024x64xf32>
    %convert_element_type3A_4 = arith.truncf %get3A_3 : vector<1024x64xf32> to vector<1024x64xbf16>
    %get3A_5 = arith.constant 0 : index
    %get3A_6 = arith.constant 0 : index
    %get3A_7 = vector.load %arg4[%get3A_5, %get3A_6] : memref<64x64xbf16, #tpu.memory_space<vmem>>, vector<64x64xbf16>
    %dot_general3A = arith.constant dense<0.000000e+00> : vector<1024x64xf32>
    %dot_general3A_8 = tpu.matmul %convert_element_type3A_4, %get3A_7, %dot_general3A {dimension_numbers = #tpu.dot_dimension_numbers<[1], [0], [0], [1], [0, 0, 1, 1], [], []>, transpose_lhs_hint = false} : vector<1024x64xbf16>, vector<64x64xbf16>, vector<1024x64xf32> -> vector<1024x64xf32>
    %get3A_9 = arith.constant 0 : index
    %get3A_10 = arith.constant 0 : index
    %get3A_11 = arith.constant 0 : index
    %get3A_12 = vector.load %arg2[%get3A_9, %get3A_10, %get3A_11] : memref<20x1024x64xf32, #tpu.memory_space<vmem>>, vector<1x1024x64xf32>
    %get3A_13 = vector.shape_cast %get3A_12 : vector<1x1024x64xf32> to vector<1024x64xf32>
    %sub3A = arith.subf %get3A_13, %get3A_3 : vector<1024x64xf32>
    %convert_element_type3A_14 = arith.truncf %sub3A : vector<1024x64xf32> to vector<1024x64xbf16>
    %get3A_15 = arith.constant 0 : index
    %get3A_16 = arith.constant 0 : index
    %get3A_17 = vector.load %arg3[%get3A_15, %get3A_16] : memref<64x64xbf16, #tpu.memory_space<vmem>>, vector<64x64xbf16>
    %dot_general3A_18 = arith.constant dense<0.000000e+00> : vector<1024x64xf32>
    %dot_general3A_19 = tpu.matmul %convert_element_type3A_14, %get3A_17, %dot_general3A_18 {dimension_numbers = #tpu.dot_dimension_numbers<[1], [0], [0], [1], [0, 0, 1, 1], [], []>, transpose_lhs_hint = false} : vector<1024x64xbf16>, vector<64x64xbf16>, vector<1024x64xf32> -> vector<1024x64xf32>
    %add3A = arith.addf %dot_general3A_19, %dot_general3A_8 : vector<1024x64xf32>
    %mul3A = arith.mulf %add3A, %add3A : vector<1024x64xf32>
    %get3A_20 = arith.constant 1 : index
    %get3A_21 = arith.constant 0 : index
    %get3A_22 = arith.constant 0 : index
    %get3A_23 = vector.load %arg2[%get3A_20, %get3A_21, %get3A_22] : memref<20x1024x64xf32, #tpu.memory_space<vmem>>, vector<1x1024x64xf32>
    %get3A_24 = vector.shape_cast %get3A_23 : vector<1x1024x64xf32> to vector<1024x64xf32>
    %sub3A_25 = arith.subf %get3A_24, %get3A_3 : vector<1024x64xf32>
    %convert_element_type3A_26 = arith.truncf %sub3A_25 : vector<1024x64xf32> to vector<1024x64xbf16>
    %get3A_27 = arith.constant 0 : index
    %get3A_28 = arith.constant 0 : index
    %get3A_29 = vector.load %arg3[%get3A_27, %get3A_28] : memref<64x64xbf16, #tpu.memory_space<vmem>>, vector<64x64xbf16>
    %dot_general3A_30 = arith.constant dense<0.000000e+00> : vector<1024x64xf32>
    %dot_general3A_31 = tpu.matmul %convert_element_type3A_26, %get3A_29, %dot_general3A_30 {dimension_numbers = #tpu.dot_dimension_numbers<[1], [0], [0], [1], [0, 0, 1, 1], [], []>, transpose_lhs_hint = false} : vector<1024x64xbf16>, vector<64x64xbf16>, vector<1024x64xf32> -> vector<1024x64xf32>
    %add3A_32 = arith.addf %dot_general3A_31, %dot_general3A_8 : vector<1024x64xf32>
    %max3A = arith.maximumf %add3A, %add3A_32 : vector<1024x64xf32>
    %add3A_33 = arith.addf %add3A, %add3A_32 : vector<1024x64xf32>
    %mul3A_34 = arith.mulf %add3A_32, %add3A_32 : vector<1024x64xf32>
    %add3A_35 = arith.addf %mul3A, %mul3A_34 : vector<1024x64xf32>
    %get3A_36 = arith.constant 2 : index
    %get3A_37 = arith.constant 0 : index
    %get3A_38 = arith.constant 0 : index
    %get3A_39 = vector.load %arg2[%get3A_36, %get3A_37, %get3A_38] : memref<20x1024x64xf32, #tpu.memory_space<vmem>>, vector<1x1024x64xf32>
    %get3A_40 = vector.shape_cast %get3A_39 : vector<1x1024x64xf32> to vector<1024x64xf32>
    %sub3A_41 = arith.subf %get3A_40, %get3A_3 : vector<1024x64xf32>
    %convert_element_type3A_42 = arith.truncf %sub3A_41 : vector<1024x64xf32> to vector<1024x64xbf16>
    %get3A_43 = arith.constant 0 : index
    %get3A_44 = arith.constant 0 : index
    %get3A_45 = vector.load %arg3[%get3A_43, %get3A_44] : memref<64x64xbf16, #tpu.memory_space<vmem>>, vector<64x64xbf16>
    %dot_general3A_46 = arith.constant dense<0.000000e+00> : vector<1024x64xf32>
    %dot_general3A_47 = tpu.matmul %convert_element_type3A_42, %get3A_45, %dot_general3A_46 {dimension_numbers = #tpu.dot_dimension_numbers<[1], [0], [0], [1], [0, 0, 1, 1], [], []>, transpose_lhs_hint = false} : vector<1024x64xbf16>, vector<64x64xbf16>, vector<1024x64xf32> -> vector<1024x64xf32>
    %add3A_48 = arith.addf %dot_general3A_47, %dot_general3A_8 : vector<1024x64xf32>
    %max3A_49 = arith.maximumf %max3A, %add3A_48 : vector<1024x64xf32>
    %add3A_50 = arith.addf %add3A_33, %add3A_48 : vector<1024x64xf32>
    %mul3A_51 = arith.mulf %add3A_48, %add3A_48 : vector<1024x64xf32>
    %add3A_52 = arith.addf %add3A_35, %mul3A_51 : vector<1024x64xf32>
    %get3A_53 = arith.constant 3 : index
    %get3A_54 = arith.constant 0 : index
    %get3A_55 = arith.constant 0 : index
    %get3A_56 = vector.load %arg2[%get3A_53, %get3A_54, %get3A_55] : memref<20x1024x64xf32, #tpu.memory_space<vmem>>, vector<1x1024x64xf32>
    %get3A_57 = vector.shape_cast %get3A_56 : vector<1x1024x64xf32> to vector<1024x64xf32>
    %sub3A_58 = arith.subf %get3A_57, %get3A_3 : vector<1024x64xf32>
    %convert_element_type3A_59 = arith.truncf %sub3A_58 : vector<1024x64xf32> to vector<1024x64xbf16>
    %get3A_60 = arith.constant 0 : index
    %get3A_61 = arith.constant 0 : index
    %get3A_62 = vector.load %arg3[%get3A_60, %get3A_61] : memref<64x64xbf16, #tpu.memory_space<vmem>>, vector<64x64xbf16>
    %dot_general3A_63 = arith.constant dense<0.000000e+00> : vector<1024x64xf32>
    %dot_general3A_64 = tpu.matmul %convert_element_type3A_59, %get3A_62, %dot_general3A_63 {dimension_numbers = #tpu.dot_dimension_numbers<[1], [0], [0], [1], [0, 0, 1, 1], [], []>, transpose_lhs_hint = false} : vector<1024x64xbf16>, vector<64x64xbf16>, vector<1024x64xf32> -> vector<1024x64xf32>
    %add3A_65 = arith.addf %dot_general3A_64, %dot_general3A_8 : vector<1024x64xf32>
    %max3A_66 = arith.maximumf %max3A_49, %add3A_65 : vector<1024x64xf32>
    %add3A_67 = arith.addf %add3A_50, %add3A_65 : vector<1024x64xf32>
    %mul3A_68 = arith.mulf %add3A_65, %add3A_65 : vector<1024x64xf32>
    %add3A_69 = arith.addf %add3A_52, %mul3A_68 : vector<1024x64xf32>
    %get3A_70 = arith.constant 4 : index
    %get3A_71 = arith.constant 0 : index
    %get3A_72 = arith.constant 0 : index
    %get3A_73 = vector.load %arg2[%get3A_70, %get3A_71, %get3A_72] : memref<20x1024x64xf32, #tpu.memory_space<vmem>>, vector<1x1024x64xf32>
    %get3A_74 = vector.shape_cast %get3A_73 : vector<1x1024x64xf32> to vector<1024x64xf32>
    %sub3A_75 = arith.subf %get3A_74, %get3A_3 : vector<1024x64xf32>
    %convert_element_type3A_76 = arith.truncf %sub3A_75 : vector<1024x64xf32> to vector<1024x64xbf16>
    %get3A_77 = arith.constant 0 : index
    %get3A_78 = arith.constant 0 : index
    %get3A_79 = vector.load %arg3[%get3A_77, %get3A_78] : memref<64x64xbf16, #tpu.memory_space<vmem>>, vector<64x64xbf16>
    %dot_general3A_80 = arith.constant dense<0.000000e+00> : vector<1024x64xf32>
    %dot_general3A_81 = tpu.matmul %convert_element_type3A_76, %get3A_79, %dot_general3A_80 {dimension_numbers = #tpu.dot_dimension_numbers<[1], [0], [0], [1], [0, 0, 1, 1], [], []>, transpose_lhs_hint = false} : vector<1024x64xbf16>, vector<64x64xbf16>, vector<1024x64xf32> -> vector<1024x64xf32>
    %add3A_82 = arith.addf %dot_general3A_81, %dot_general3A_8 : vector<1024x64xf32>
    %max3A_83 = arith.maximumf %max3A_66, %add3A_82 : vector<1024x64xf32>
    %add3A_84 = arith.addf %add3A_67, %add3A_82 : vector<1024x64xf32>
    %mul3A_85 = arith.mulf %add3A_82, %add3A_82 : vector<1024x64xf32>
    %add3A_86 = arith.addf %add3A_69, %mul3A_85 : vector<1024x64xf32>
    %get3A_87 = arith.constant 5 : index
    %get3A_88 = arith.constant 0 : index
    %get3A_89 = arith.constant 0 : index
    %get3A_90 = vector.load %arg2[%get3A_87, %get3A_88, %get3A_89] : memref<20x1024x64xf32, #tpu.memory_space<vmem>>, vector<1x1024x64xf32>
    %get3A_91 = vector.shape_cast %get3A_90 : vector<1x1024x64xf32> to vector<1024x64xf32>
    %sub3A_92 = arith.subf %get3A_91, %get3A_3 : vector<1024x64xf32>
    %convert_element_type3A_93 = arith.truncf %sub3A_92 : vector<1024x64xf32> to vector<1024x64xbf16>
    %get3A_94 = arith.constant 0 : index
    %get3A_95 = arith.constant 0 : index
    %get3A_96 = vector.load %arg3[%get3A_94, %get3A_95] : memref<64x64xbf16, #tpu.memory_space<vmem>>, vector<64x64xbf16>
    %dot_general3A_97 = arith.constant dense<0.000000e+00> : vector<1024x64xf32>
    %dot_general3A_98 = tpu.matmul %convert_element_type3A_93, %get3A_96, %dot_general3A_97 {dimension_numbers = #tpu.dot_dimension_numbers<[1], [0], [0], [1], [0, 0, 1, 1], [], []>, transpose_lhs_hint = false} : vector<1024x64xbf16>, vector<64x64xbf16>, vector<1024x64xf32> -> vector<1024x64xf32>
    %add3A_99 = arith.addf %dot_general3A_98, %dot_general3A_8 : vector<1024x64xf32>
    %max3A_100 = arith.maximumf %max3A_83, %add3A_99 : vector<1024x64xf32>
    %add3A_101 = arith.addf %add3A_84, %add3A_99 : vector<1024x64xf32>
    %mul3A_102 = arith.mulf %add3A_99, %add3A_99 : vector<1024x64xf32>
    %add3A_103 = arith.addf %add3A_86, %mul3A_102 : vector<1024x64xf32>
    %get3A_104 = arith.constant 6 : index
    %get3A_105 = arith.constant 0 : index
    %get3A_106 = arith.constant 0 : index
    %get3A_107 = vector.load %arg2[%get3A_104, %get3A_105, %get3A_106] : memref<20x1024x64xf32, #tpu.memory_space<vmem>>, vector<1x1024x64xf32>
    %get3A_108 = vector.shape_cast %get3A_107 : vector<1x1024x64xf32> to vector<1024x64xf32>
    %sub3A_109 = arith.subf %get3A_108, %get3A_3 : vector<1024x64xf32>
    %convert_element_type3A_110 = arith.truncf %sub3A_109 : vector<1024x64xf32> to vector<1024x64xbf16>
    %get3A_111 = arith.constant 0 : index
    %get3A_112 = arith.constant 0 : index
    %get3A_113 = vector.load %arg3[%get3A_111, %get3A_112] : memref<64x64xbf16, #tpu.memory_space<vmem>>, vector<64x64xbf16>
    %dot_general3A_114 = arith.constant dense<0.000000e+00> : vector<1024x64xf32>
    %dot_general3A_115 = tpu.matmul %convert_element_type3A_110, %get3A_113, %dot_general3A_114 {dimension_numbers = #tpu.dot_dimension_numbers<[1], [0], [0], [1], [0, 0, 1, 1], [], []>, transpose_lhs_hint = false} : vector<1024x64xbf16>, vector<64x64xbf16>, vector<1024x64xf32> -> vector<1024x64xf32>
    %add3A_116 = arith.addf %dot_general3A_115, %dot_general3A_8 : vector<1024x64xf32>
    %max3A_117 = arith.maximumf %max3A_100, %add3A_116 : vector<1024x64xf32>
    %add3A_118 = arith.addf %add3A_101, %add3A_116 : vector<1024x64xf32>
    %mul3A_119 = arith.mulf %add3A_116, %add3A_116 : vector<1024x64xf32>
    %add3A_120 = arith.addf %add3A_103, %mul3A_119 : vector<1024x64xf32>
    %get3A_121 = arith.constant 7 : index
    %get3A_122 = arith.constant 0 : index
    %get3A_123 = arith.constant 0 : index
    %get3A_124 = vector.load %arg2[%get3A_121, %get3A_122, %get3A_123] : memref<20x1024x64xf32, #tpu.memory_space<vmem>>, vector<1x1024x64xf32>
    %get3A_125 = vector.shape_cast %get3A_124 : vector<1x1024x64xf32> to vector<1024x64xf32>
    %sub3A_126 = arith.subf %get3A_125, %get3A_3 : vector<1024x64xf32>
    %convert_element_type3A_127 = arith.truncf %sub3A_126 : vector<1024x64xf32> to vector<1024x64xbf16>
    %get3A_128 = arith.constant 0 : index
    %get3A_129 = arith.constant 0 : index
    %get3A_130 = vector.load %arg3[%get3A_128, %get3A_129] : memref<64x64xbf16, #tpu.memory_space<vmem>>, vector<64x64xbf16>
    %dot_general3A_131 = arith.constant dense<0.000000e+00> : vector<1024x64xf32>
    %dot_general3A_132 = tpu.matmul %convert_element_type3A_127, %get3A_130, %dot_general3A_131 {dimension_numbers = #tpu.dot_dimension_numbers<[1], [0], [0], [1], [0, 0, 1, 1], [], []>, transpose_lhs_hint = false} : vector<1024x64xbf16>, vector<64x64xbf16>, vector<1024x64xf32> -> vector<1024x64xf32>
    %add3A_133 = arith.addf %dot_general3A_132, %dot_general3A_8 : vector<1024x64xf32>
    %max3A_134 = arith.maximumf %max3A_117, %add3A_133 : vector<1024x64xf32>
    %add3A_135 = arith.addf %add3A_118, %add3A_133 : vector<1024x64xf32>
    %mul3A_136 = arith.mulf %add3A_133, %add3A_133 : vector<1024x64xf32>
    %add3A_137 = arith.addf %add3A_120, %mul3A_136 : vector<1024x64xf32>
    %get3A_138 = arith.constant 8 : index
    %get3A_139 = arith.constant 0 : index
    %get3A_140 = arith.constant 0 : index
    %get3A_141 = vector.load %arg2[%get3A_138, %get3A_139, %get3A_140] : memref<20x1024x64xf32, #tpu.memory_space<vmem>>, vector<1x1024x64xf32>
    %get3A_142 = vector.shape_cast %get3A_141 : vector<1x1024x64xf32> to vector<1024x64xf32>
    %sub3A_143 = arith.subf %get3A_142, %get3A_3 : vector<1024x64xf32>
    %convert_element_type3A_144 = arith.truncf %sub3A_143 : vector<1024x64xf32> to vector<1024x64xbf16>
    %get3A_145 = arith.constant 0 : index
    %get3A_146 = arith.constant 0 : index
    %get3A_147 = vector.load %arg3[%get3A_145, %get3A_146] : memref<64x64xbf16, #tpu.memory_space<vmem>>, vector<64x64xbf16>
    %dot_general3A_148 = arith.constant dense<0.000000e+00> : vector<1024x64xf32>
    %dot_general3A_149 = tpu.matmul %convert_element_type3A_144, %get3A_147, %dot_general3A_148 {dimension_numbers = #tpu.dot_dimension_numbers<[1], [0], [0], [1], [0, 0, 1, 1], [], []>, transpose_lhs_hint = false} : vector<1024x64xbf16>, vector<64x64xbf16>, vector<1024x64xf32> -> vector<1024x64xf32>
    %add3A_150 = arith.addf %dot_general3A_149, %dot_general3A_8 : vector<1024x64xf32>
    %max3A_151 = arith.maximumf %max3A_134, %add3A_150 : vector<1024x64xf32>
    %add3A_152 = arith.addf %add3A_135, %add3A_150 : vector<1024x64xf32>
    %mul3A_153 = arith.mulf %add3A_150, %add3A_150 : vector<1024x64xf32>
    %add3A_154 = arith.addf %add3A_137, %mul3A_153 : vector<1024x64xf32>
    %get3A_155 = arith.constant 9 : index
    %get3A_156 = arith.constant 0 : index
    %get3A_157 = arith.constant 0 : index
    %get3A_158 = vector.load %arg2[%get3A_155, %get3A_156, %get3A_157] : memref<20x1024x64xf32, #tpu.memory_space<vmem>>, vector<1x1024x64xf32>
    %get3A_159 = vector.shape_cast %get3A_158 : vector<1x1024x64xf32> to vector<1024x64xf32>
    %sub3A_160 = arith.subf %get3A_159, %get3A_3 : vector<1024x64xf32>
    %convert_element_type3A_161 = arith.truncf %sub3A_160 : vector<1024x64xf32> to vector<1024x64xbf16>
    %get3A_162 = arith.constant 0 : index
    %get3A_163 = arith.constant 0 : index
    %get3A_164 = vector.load %arg3[%get3A_162, %get3A_163] : memref<64x64xbf16, #tpu.memory_space<vmem>>, vector<64x64xbf16>
    %dot_general3A_165 = arith.constant dense<0.000000e+00> : vector<1024x64xf32>
    %dot_general3A_166 = tpu.matmul %convert_element_type3A_161, %get3A_164, %dot_general3A_165 {dimension_numbers = #tpu.dot_dimension_numbers<[1], [0], [0], [1], [0, 0, 1, 1], [], []>, transpose_lhs_hint = false} : vector<1024x64xbf16>, vector<64x64xbf16>, vector<1024x64xf32> -> vector<1024x64xf32>
    %add3A_167 = arith.addf %dot_general3A_166, %dot_general3A_8 : vector<1024x64xf32>
    %max3A_168 = arith.maximumf %max3A_151, %add3A_167 : vector<1024x64xf32>
    %add3A_169 = arith.addf %add3A_152, %add3A_167 : vector<1024x64xf32>
    %mul3A_170 = arith.mulf %add3A_167, %add3A_167 : vector<1024x64xf32>
    %add3A_171 = arith.addf %add3A_154, %mul3A_170 : vector<1024x64xf32>
    %get3A_172 = arith.constant 10 : index
    %get3A_173 = arith.constant 0 : index
    %get3A_174 = arith.constant 0 : index
    %get3A_175 = vector.load %arg2[%get3A_172, %get3A_173, %get3A_174] : memref<20x1024x64xf32, #tpu.memory_space<vmem>>, vector<1x1024x64xf32>
    %get3A_176 = vector.shape_cast %get3A_175 : vector<1x1024x64xf32> to vector<1024x64xf32>
    %sub3A_177 = arith.subf %get3A_176, %get3A_3 : vector<1024x64xf32>
    %convert_element_type3A_178 = arith.truncf %sub3A_177 : vector<1024x64xf32> to vector<1024x64xbf16>
    %get3A_179 = arith.constant 0 : index
    %get3A_180 = arith.constant 0 : index
    %get3A_181 = vector.load %arg3[%get3A_179, %get3A_180] : memref<64x64xbf16, #tpu.memory_space<vmem>>, vector<64x64xbf16>
    %dot_general3A_182 = arith.constant dense<0.000000e+00> : vector<1024x64xf32>
    %dot_general3A_183 = tpu.matmul %convert_element_type3A_178, %get3A_181, %dot_general3A_182 {dimension_numbers = #tpu.dot_dimension_numbers<[1], [0], [0], [1], [0, 0, 1, 1], [], []>, transpose_lhs_hint = false} : vector<1024x64xbf16>, vector<64x64xbf16>, vector<1024x64xf32> -> vector<1024x64xf32>
    %add3A_184 = arith.addf %dot_general3A_183, %dot_general3A_8 : vector<1024x64xf32>
    %max3A_185 = arith.maximumf %max3A_168, %add3A_184 : vector<1024x64xf32>
    %add3A_186 = arith.addf %add3A_169, %add3A_184 : vector<1024x64xf32>
    %mul3A_187 = arith.mulf %add3A_184, %add3A_184 : vector<1024x64xf32>
    %add3A_188 = arith.addf %add3A_171, %mul3A_187 : vector<1024x64xf32>
    %get3A_189 = arith.constant 11 : index
    %get3A_190 = arith.constant 0 : index
    %get3A_191 = arith.constant 0 : index
    %get3A_192 = vector.load %arg2[%get3A_189, %get3A_190, %get3A_191] : memref<20x1024x64xf32, #tpu.memory_space<vmem>>, vector<1x1024x64xf32>
    %get3A_193 = vector.shape_cast %get3A_192 : vector<1x1024x64xf32> to vector<1024x64xf32>
    %sub3A_194 = arith.subf %get3A_193, %get3A_3 : vector<1024x64xf32>
    %convert_element_type3A_195 = arith.truncf %sub3A_194 : vector<1024x64xf32> to vector<1024x64xbf16>
    %get3A_196 = arith.constant 0 : index
    %get3A_197 = arith.constant 0 : index
    %get3A_198 = vector.load %arg3[%get3A_196, %get3A_197] : memref<64x64xbf16, #tpu.memory_space<vmem>>, vector<64x64xbf16>
    %dot_general3A_199 = arith.constant dense<0.000000e+00> : vector<1024x64xf32>
    %dot_general3A_200 = tpu.matmul %convert_element_type3A_195, %get3A_198, %dot_general3A_199 {dimension_numbers = #tpu.dot_dimension_numbers<[1], [0], [0], [1], [0, 0, 1, 1], [], []>, transpose_lhs_hint = false} : vector<1024x64xbf16>, vector<64x64xbf16>, vector<1024x64xf32> -> vector<1024x64xf32>
    %add3A_201 = arith.addf %dot_general3A_200, %dot_general3A_8 : vector<1024x64xf32>
    %max3A_202 = arith.maximumf %max3A_185, %add3A_201 : vector<1024x64xf32>
    %add3A_203 = arith.addf %add3A_186, %add3A_201 : vector<1024x64xf32>
    %mul3A_204 = arith.mulf %add3A_201, %add3A_201 : vector<1024x64xf32>
    %add3A_205 = arith.addf %add3A_188, %mul3A_204 : vector<1024x64xf32>
    %get3A_206 = arith.constant 12 : index
    %get3A_207 = arith.constant 0 : index
    %get3A_208 = arith.constant 0 : index
    %get3A_209 = vector.load %arg2[%get3A_206, %get3A_207, %get3A_208] : memref<20x1024x64xf32, #tpu.memory_space<vmem>>, vector<1x1024x64xf32>
    %get3A_210 = vector.shape_cast %get3A_209 : vector<1x1024x64xf32> to vector<1024x64xf32>
    %sub3A_211 = arith.subf %get3A_210, %get3A_3 : vector<1024x64xf32>
    %convert_element_type3A_212 = arith.truncf %sub3A_211 : vector<1024x64xf32> to vector<1024x64xbf16>
    %get3A_213 = arith.constant 0 : index
    %get3A_214 = arith.constant 0 : index
    %get3A_215 = vector.load %arg3[%get3A_213, %get3A_214] : memref<64x64xbf16, #tpu.memory_space<vmem>>, vector<64x64xbf16>
    %dot_general3A_216 = arith.constant dense<0.000000e+00> : vector<1024x64xf32>
    %dot_general3A_217 = tpu.matmul %convert_element_type3A_212, %get3A_215, %dot_general3A_216 {dimension_numbers = #tpu.dot_dimension_numbers<[1], [0], [0], [1], [0, 0, 1, 1], [], []>, transpose_lhs_hint = false} : vector<1024x64xbf16>, vector<64x64xbf16>, vector<1024x64xf32> -> vector<1024x64xf32>
    %add3A_218 = arith.addf %dot_general3A_217, %dot_general3A_8 : vector<1024x64xf32>
    %max3A_219 = arith.maximumf %max3A_202, %add3A_218 : vector<1024x64xf32>
    %add3A_220 = arith.addf %add3A_203, %add3A_218 : vector<1024x64xf32>
    %mul3A_221 = arith.mulf %add3A_218, %add3A_218 : vector<1024x64xf32>
    %add3A_222 = arith.addf %add3A_205, %mul3A_221 : vector<1024x64xf32>
    %get3A_223 = arith.constant 13 : index
    %get3A_224 = arith.constant 0 : index
    %get3A_225 = arith.constant 0 : index
    %get3A_226 = vector.load %arg2[%get3A_223, %get3A_224, %get3A_225] : memref<20x1024x64xf32, #tpu.memory_space<vmem>>, vector<1x1024x64xf32>
    %get3A_227 = vector.shape_cast %get3A_226 : vector<1x1024x64xf32> to vector<1024x64xf32>
    %sub3A_228 = arith.subf %get3A_227, %get3A_3 : vector<1024x64xf32>
    %convert_element_type3A_229 = arith.truncf %sub3A_228 : vector<1024x64xf32> to vector<1024x64xbf16>
    %get3A_230 = arith.constant 0 : index
    %get3A_231 = arith.constant 0 : index
    %get3A_232 = vector.load %arg3[%get3A_230, %get3A_231] : memref<64x64xbf16, #tpu.memory_space<vmem>>, vector<64x64xbf16>
    %dot_general3A_233 = arith.constant dense<0.000000e+00> : vector<1024x64xf32>
    %dot_general3A_234 = tpu.matmul %convert_element_type3A_229, %get3A_232, %dot_general3A_233 {dimension_numbers = #tpu.dot_dimension_numbers<[1], [0], [0], [1], [0, 0, 1, 1], [], []>, transpose_lhs_hint = false} : vector<1024x64xbf16>, vector<64x64xbf16>, vector<1024x64xf32> -> vector<1024x64xf32>
    %add3A_235 = arith.addf %dot_general3A_234, %dot_general3A_8 : vector<1024x64xf32>
    %max3A_236 = arith.maximumf %max3A_219, %add3A_235 : vector<1024x64xf32>
    %add3A_237 = arith.addf %add3A_220, %add3A_235 : vector<1024x64xf32>
    %mul3A_238 = arith.mulf %add3A_235, %add3A_235 : vector<1024x64xf32>
    %add3A_239 = arith.addf %add3A_222, %mul3A_238 : vector<1024x64xf32>
    %get3A_240 = arith.constant 14 : index
    %get3A_241 = arith.constant 0 : index
    %get3A_242 = arith.constant 0 : index
    %get3A_243 = vector.load %arg2[%get3A_240, %get3A_241, %get3A_242] : memref<20x1024x64xf32, #tpu.memory_space<vmem>>, vector<1x1024x64xf32>
    %get3A_244 = vector.shape_cast %get3A_243 : vector<1x1024x64xf32> to vector<1024x64xf32>
    %sub3A_245 = arith.subf %get3A_244, %get3A_3 : vector<1024x64xf32>
    %convert_element_type3A_246 = arith.truncf %sub3A_245 : vector<1024x64xf32> to vector<1024x64xbf16>
    %get3A_247 = arith.constant 0 : index
    %get3A_248 = arith.constant 0 : index
    %get3A_249 = vector.load %arg3[%get3A_247, %get3A_248] : memref<64x64xbf16, #tpu.memory_space<vmem>>, vector<64x64xbf16>
    %dot_general3A_250 = arith.constant dense<0.000000e+00> : vector<1024x64xf32>
    %dot_general3A_251 = tpu.matmul %convert_element_type3A_246, %get3A_249, %dot_general3A_250 {dimension_numbers = #tpu.dot_dimension_numbers<[1], [0], [0], [1], [0, 0, 1, 1], [], []>, transpose_lhs_hint = false} : vector<1024x64xbf16>, vector<64x64xbf16>, vector<1024x64xf32> -> vector<1024x64xf32>
    %add3A_252 = arith.addf %dot_general3A_251, %dot_general3A_8 : vector<1024x64xf32>
    %max3A_253 = arith.maximumf %max3A_236, %add3A_252 : vector<1024x64xf32>
    %add3A_254 = arith.addf %add3A_237, %add3A_252 : vector<1024x64xf32>
    %mul3A_255 = arith.mulf %add3A_252, %add3A_252 : vector<1024x64xf32>
    %add3A_256 = arith.addf %add3A_239, %mul3A_255 : vector<1024x64xf32>
    %get3A_257 = arith.constant 15 : index
    %get3A_258 = arith.constant 0 : index
    %get3A_259 = arith.constant 0 : index
    %get3A_260 = vector.load %arg2[%get3A_257, %get3A_258, %get3A_259] : memref<20x1024x64xf32, #tpu.memory_space<vmem>>, vector<1x1024x64xf32>
    %get3A_261 = vector.shape_cast %get3A_260 : vector<1x1024x64xf32> to vector<1024x64xf32>
    %sub3A_262 = arith.subf %get3A_261, %get3A_3 : vector<1024x64xf32>
    %convert_element_type3A_263 = arith.truncf %sub3A_262 : vector<1024x64xf32> to vector<1024x64xbf16>
    %get3A_264 = arith.constant 0 : index
    %get3A_265 = arith.constant 0 : index
    %get3A_266 = vector.load %arg3[%get3A_264, %get3A_265] : memref<64x64xbf16, #tpu.memory_space<vmem>>, vector<64x64xbf16>
    %dot_general3A_267 = arith.constant dense<0.000000e+00> : vector<1024x64xf32>
    %dot_general3A_268 = tpu.matmul %convert_element_type3A_263, %get3A_266, %dot_general3A_267 {dimension_numbers = #tpu.dot_dimension_numbers<[1], [0], [0], [1], [0, 0, 1, 1], [], []>, transpose_lhs_hint = false} : vector<1024x64xbf16>, vector<64x64xbf16>, vector<1024x64xf32> -> vector<1024x64xf32>
    %add3A_269 = arith.addf %dot_general3A_268, %dot_general3A_8 : vector<1024x64xf32>
    %max3A_270 = arith.maximumf %max3A_253, %add3A_269 : vector<1024x64xf32>
    %add3A_271 = arith.addf %add3A_254, %add3A_269 : vector<1024x64xf32>
    %mul3A_272 = arith.mulf %add3A_269, %add3A_269 : vector<1024x64xf32>
    %add3A_273 = arith.addf %add3A_256, %mul3A_272 : vector<1024x64xf32>
    %get3A_274 = arith.constant 16 : index
    %get3A_275 = arith.constant 0 : index
    %get3A_276 = arith.constant 0 : index
    %get3A_277 = vector.load %arg2[%get3A_274, %get3A_275, %get3A_276] : memref<20x1024x64xf32, #tpu.memory_space<vmem>>, vector<1x1024x64xf32>
    %get3A_278 = vector.shape_cast %get3A_277 : vector<1x1024x64xf32> to vector<1024x64xf32>
    %sub3A_279 = arith.subf %get3A_278, %get3A_3 : vector<1024x64xf32>
    %convert_element_type3A_280 = arith.truncf %sub3A_279 : vector<1024x64xf32> to vector<1024x64xbf16>
    %get3A_281 = arith.constant 0 : index
    %get3A_282 = arith.constant 0 : index
    %get3A_283 = vector.load %arg3[%get3A_281, %get3A_282] : memref<64x64xbf16, #tpu.memory_space<vmem>>, vector<64x64xbf16>
    %dot_general3A_284 = arith.constant dense<0.000000e+00> : vector<1024x64xf32>
    %dot_general3A_285 = tpu.matmul %convert_element_type3A_280, %get3A_283, %dot_general3A_284 {dimension_numbers = #tpu.dot_dimension_numbers<[1], [0], [0], [1], [0, 0, 1, 1], [], []>, transpose_lhs_hint = false} : vector<1024x64xbf16>, vector<64x64xbf16>, vector<1024x64xf32> -> vector<1024x64xf32>
    %add3A_286 = arith.addf %dot_general3A_285, %dot_general3A_8 : vector<1024x64xf32>
    %max3A_287 = arith.maximumf %max3A_270, %add3A_286 : vector<1024x64xf32>
    %add3A_288 = arith.addf %add3A_271, %add3A_286 : vector<1024x64xf32>
    %mul3A_289 = arith.mulf %add3A_286, %add3A_286 : vector<1024x64xf32>
    %add3A_290 = arith.addf %add3A_273, %mul3A_289 : vector<1024x64xf32>
    %get3A_291 = arith.constant 17 : index
    %get3A_292 = arith.constant 0 : index
    %get3A_293 = arith.constant 0 : index
    %get3A_294 = vector.load %arg2[%get3A_291, %get3A_292, %get3A_293] : memref<20x1024x64xf32, #tpu.memory_space<vmem>>, vector<1x1024x64xf32>
    %get3A_295 = vector.shape_cast %get3A_294 : vector<1x1024x64xf32> to vector<1024x64xf32>
    %sub3A_296 = arith.subf %get3A_295, %get3A_3 : vector<1024x64xf32>
    %convert_element_type3A_297 = arith.truncf %sub3A_296 : vector<1024x64xf32> to vector<1024x64xbf16>
    %get3A_298 = arith.constant 0 : index
    %get3A_299 = arith.constant 0 : index
    %get3A_300 = vector.load %arg3[%get3A_298, %get3A_299] : memref<64x64xbf16, #tpu.memory_space<vmem>>, vector<64x64xbf16>
    %dot_general3A_301 = arith.constant dense<0.000000e+00> : vector<1024x64xf32>
    %dot_general3A_302 = tpu.matmul %convert_element_type3A_297, %get3A_300, %dot_general3A_301 {dimension_numbers = #tpu.dot_dimension_numbers<[1], [0], [0], [1], [0, 0, 1, 1], [], []>, transpose_lhs_hint = false} : vector<1024x64xbf16>, vector<64x64xbf16>, vector<1024x64xf32> -> vector<1024x64xf32>
    %add3A_303 = arith.addf %dot_general3A_302, %dot_general3A_8 : vector<1024x64xf32>
    %max3A_304 = arith.maximumf %max3A_287, %add3A_303 : vector<1024x64xf32>
    %add3A_305 = arith.addf %add3A_288, %add3A_303 : vector<1024x64xf32>
    %mul3A_306 = arith.mulf %add3A_303, %add3A_303 : vector<1024x64xf32>
    %add3A_307 = arith.addf %add3A_290, %mul3A_306 : vector<1024x64xf32>
    %get3A_308 = arith.constant 18 : index
    %get3A_309 = arith.constant 0 : index
    %get3A_310 = arith.constant 0 : index
    %get3A_311 = vector.load %arg2[%get3A_308, %get3A_309, %get3A_310] : memref<20x1024x64xf32, #tpu.memory_space<vmem>>, vector<1x1024x64xf32>
    %get3A_312 = vector.shape_cast %get3A_311 : vector<1x1024x64xf32> to vector<1024x64xf32>
    %sub3A_313 = arith.subf %get3A_312, %get3A_3 : vector<1024x64xf32>
    %convert_element_type3A_314 = arith.truncf %sub3A_313 : vector<1024x64xf32> to vector<1024x64xbf16>
    %get3A_315 = arith.constant 0 : index
    %get3A_316 = arith.constant 0 : index
    %get3A_317 = vector.load %arg3[%get3A_315, %get3A_316] : memref<64x64xbf16, #tpu.memory_space<vmem>>, vector<64x64xbf16>
    %dot_general3A_318 = arith.constant dense<0.000000e+00> : vector<1024x64xf32>
    %dot_general3A_319 = tpu.matmul %convert_element_type3A_314, %get3A_317, %dot_general3A_318 {dimension_numbers = #tpu.dot_dimension_numbers<[1], [0], [0], [1], [0, 0, 1, 1], [], []>, transpose_lhs_hint = false} : vector<1024x64xbf16>, vector<64x64xbf16>, vector<1024x64xf32> -> vector<1024x64xf32>
    %add3A_320 = arith.addf %dot_general3A_319, %dot_general3A_8 : vector<1024x64xf32>
    %max3A_321 = arith.maximumf %max3A_304, %add3A_320 : vector<1024x64xf32>
    %add3A_322 = arith.addf %add3A_305, %add3A_320 : vector<1024x64xf32>
    %mul3A_323 = arith.mulf %add3A_320, %add3A_320 : vector<1024x64xf32>
    %add3A_324 = arith.addf %add3A_307, %mul3A_323 : vector<1024x64xf32>
    %get3A_325 = arith.constant 19 : index
    %get3A_326 = arith.constant 0 : index
    %get3A_327 = arith.constant 0 : index
    %get3A_328 = vector.load %arg2[%get3A_325, %get3A_326, %get3A_327] : memref<20x1024x64xf32, #tpu.memory_space<vmem>>, vector<1x1024x64xf32>
    %get3A_329 = vector.shape_cast %get3A_328 : vector<1x1024x64xf32> to vector<1024x64xf32>
    %sub3A_330 = arith.subf %get3A_329, %get3A_3 : vector<1024x64xf32>
    %convert_element_type3A_331 = arith.truncf %sub3A_330 : vector<1024x64xf32> to vector<1024x64xbf16>
    %get3A_332 = arith.constant 0 : index
    %get3A_333 = arith.constant 0 : index
    %get3A_334 = vector.load %arg3[%get3A_332, %get3A_333] : memref<64x64xbf16, #tpu.memory_space<vmem>>, vector<64x64xbf16>
    %dot_general3A_335 = arith.constant dense<0.000000e+00> : vector<1024x64xf32>
    %dot_general3A_336 = tpu.matmul %convert_element_type3A_331, %get3A_334, %dot_general3A_335 {dimension_numbers = #tpu.dot_dimension_numbers<[1], [0], [0], [1], [0, 0, 1, 1], [], []>, transpose_lhs_hint = false} : vector<1024x64xbf16>, vector<64x64xbf16>, vector<1024x64xf32> -> vector<1024x64xf32>
    %add3A_337 = arith.addf %dot_general3A_336, %dot_general3A_8 : vector<1024x64xf32>
    %max3A_338 = arith.maximumf %max3A_321, %add3A_337 : vector<1024x64xf32>
    %add3A_339 = arith.addf %add3A_322, %add3A_337 : vector<1024x64xf32>
    %mul3A_340 = arith.mulf %add3A_337, %add3A_337 : vector<1024x64xf32>
    %add3A_341 = arith.addf %add3A_324, %mul3A_340 : vector<1024x64xf32>
    %swap3A = arith.constant 0 : index
    %swap3A_342 = arith.constant 0 : index
    %swap3A_343 = vector.load %arg5[%swap3A, %swap3A_342] : memref<1024x64xf32, #tpu.memory_space<vmem>>, vector<1024x64xf32>
    tpu.vector_store %arg5[%swap3A, %swap3A_342], %max3A_338 {strides = array<i32>} : memref<1024x64xf32, #tpu.memory_space<vmem>>, vector<1024x64xf32>,
    %get3A_344 = arith.constant 0 : index
    %get3A_345 = arith.constant 0 : index
    %get3A_346 = vector.load %arg8[%get3A_344, %get3A_345] : memref<1x64xf32, #tpu.memory_space<vmem>>, vector<1x64xf32>
    %reduce_sum3A = arith.constant dense<0.000000e+00> : vector<64xf32>
    %reduce_sum3A_347 = vector.multi_reduction <add>, %add3A_339, %reduce_sum3A [0] : vector<1024x64xf32> to vector<64xf32>
    %broadcast_in_dim3A = vector.shape_cast %reduce_sum3A_347 : vector<64xf32> to vector<1x64xf32>
    %add3A_348 = arith.addf %get3A_346, %broadcast_in_dim3A : vector<1x64xf32>
    %swap3A_349 = arith.constant 0 : index
    %swap3A_350 = arith.constant 0 : index
    %swap3A_351 = vector.load %arg8[%swap3A_349, %swap3A_350] : memref<1x64xf32, #tpu.memory_space<vmem>>, vector<1x64xf32>
    tpu.vector_store %arg8[%swap3A_349, %swap3A_350], %add3A_348 {strides = array<i32>} : memref<1x64xf32, #tpu.memory_space<vmem>>, vector<1x64xf32>,
    %get3A_352 = arith.constant 0 : index
    %get3A_353 = arith.constant 0 : index
    %get3A_354 = vector.load %arg9[%get3A_352, %get3A_353] : memref<1x64xf32, #tpu.memory_space<vmem>>, vector<1x64xf32>
    %reduce_sum3A_355 = arith.constant dense<0.000000e+00> : vector<64xf32>
    %reduce_sum3A_356 = vector.multi_reduction <add>, %add3A_341, %reduce_sum3A_355 [0] : vector<1024x64xf32> to vector<64xf32>
    %broadcast_in_dim3A_357 = vector.shape_cast %reduce_sum3A_356 : vector<64xf32> to vector<1x64xf32>
    %add3A_358 = arith.addf %get3A_354, %broadcast_in_dim3A_357 : vector<1x64xf32>
    %swap3A_359 = arith.constant 0 : index
    %swap3A_360 = arith.constant 0 : index
    %swap3A_361 = vector.load %arg9[%swap3A_359, %swap3A_360] : memref<1x64xf32, #tpu.memory_space<vmem>>, vector<1x64xf32>
    tpu.vector_store %arg9[%swap3A_359, %swap3A_360], %add3A_358 {strides = array<i32>} : memref<1x64xf32, #tpu.memory_space<vmem>>, vector<1x64xf32>,
    %eq3A_362 = arith.constant 3 : i32
    %eq3A_363 = arith.cmpi eq, %arg0, %eq3A_362 : i32
    %convert_element_type3A_364 = arith.extui %eq3A_363 : i1 to i32
    %cond3A_365 = arith.constant 0 : i32
    %cond3A_366 = arith.cmpi ne, %convert_element_type3A_364, %cond3A_365 : i32
    scf.if %cond3A_366 {
      %get3A_367 = arith.constant 0 : index
      %get3A_368 = arith.constant 0 : index
      %get3A_369 = vector.load %arg8[%get3A_367, %get3A_368] : memref<1x64xf32, #tpu.memory_space<vmem>>, vector<1x64xf32>
      %swap3A_370 = arith.constant 0 : index
      %swap3A_371 = arith.constant 0 : index
      %swap3A_372 = vector.load %arg6[%swap3A_370, %swap3A_371] : memref<1x64xf32, #tpu.memory_space<vmem>>, vector<1x64xf32>
      tpu.vector_store %arg6[%swap3A_370, %swap3A_371], %get3A_369 {strides = array<i32>} : memref<1x64xf32, #tpu.memory_space<vmem>>, vector<1x64xf32>,
      %get3A_373 = arith.constant 0 : index
      %get3A_374 = arith.constant 0 : index
      %get3A_375 = vector.load %arg9[%get3A_373, %get3A_374] : memref<1x64xf32, #tpu.memory_space<vmem>>, vector<1x64xf32>
      %swap3A_376 = arith.constant 0 : index
      %swap3A_377 = arith.constant 0 : index
      %swap3A_378 = vector.load %arg7[%swap3A_376, %swap3A_377] : memref<1x64xf32, #tpu.memory_space<vmem>>, vector<1x64xf32>
      tpu.vector_store %arg7[%swap3A_376, %swap3A_377], %get3A_375 {strides = array<i32>} : memref<1x64xf32, #tpu.memory_space<vmem>>, vector<1x64xf32>,
    } else {
    }
    return
  }
  func.func @transform_0(%arg0: i32) -> (i32, i32) {
    %c0_i32 = arith.constant 0 : i32
    %c0_i32_0 = arith.constant 0 : i32
    return %arg0, %c0_i32 : i32, i32
  }
  func.func @transform_1(%arg0: i32) -> (i32, i32, i32) {
    %c0_i32 = arith.constant 0 : i32
    %c0_i32_0 = arith.constant 0 : i32
    %c0_i32_1 = arith.constant 0 : i32
    return %c0_i32, %arg0, %c0_i32_0 : i32, i32, i32
  }
  func.func @transform_2(%arg0: i32) -> (i32, i32) {
    %c0_i32 = arith.constant 0 : i32
    %c0_i32_0 = arith.constant 0 : i32
    %c0_i32_1 = arith.constant 0 : i32
    return %c0_i32, %c0_i32_0 : i32, i32
  }
  func.func @transform_3(%arg0: i32) -> (i32, i32) {
    %c0_i32 = arith.constant 0 : i32
    %c0_i32_0 = arith.constant 0 : i32
    %c0_i32_1 = arith.constant 0 : i32
    return %c0_i32, %c0_i32_0 : i32, i32
  }
  func.func @transform_4(%arg0: i32) -> (i32, i32) {
    %c0_i32 = arith.constant 0 : i32
    %c0_i32_0 = arith.constant 0 : i32
    return %arg0, %c0_i32 : i32, i32
  }
  func.func @transform_5(%arg0: i32) -> (i32, i32) {
    %c0_i32 = arith.constant 0 : i32
    %c0_i32_0 = arith.constant 0 : i32
    %c0_i32_1 = arith.constant 0 : i32
    return %c0_i32, %c0_i32_0 : i32, i32
  }
  func.func @transform_6(%arg0: i32) -> (i32, i32) {
    %c0_i32 = arith.constant 0 : i32
    %c0_i32_0 = arith.constant 0 : i32
    %c0_i32_1 = arith.constant 0 : i32
    return %c0_i32, %c0_i32_0 : i32, i32
  }
}

module attributes {stable_mosaic.version = 14 : i64} {
  func.func @_edge_body(%arg0: i32, %arg1: memref<1024x64xf32, #tpu.memory_space<vmem>>, %arg2: memref<20x1024x64xf32, #tpu.memory_space<vmem>>, %arg3: memref<64x128xbf16, #tpu.memory_space<vmem>>, %arg4: memref<64x128xbf16, #tpu.memory_space<vmem>>, %arg5: memref<1024x128xf32, #tpu.memory_space<vmem>>, %arg6: memref<1x128xf32, #tpu.memory_space<vmem>>, %arg7: memref<1x128xf32, #tpu.memory_space<vmem>>, %arg8: memref<1x128xf32, #tpu.memory_space<vmem>>, %arg9: memref<1x128xf32, #tpu.memory_space<vmem>>) attributes {dimension_semantics = [#tpu.dimension_semantics<arbitrary>], iteration_bounds = array<i64: 4>, scalar_prefetch = 0 : i64, scratch_operands = 2 : i64, tpu.core_type = #tpu.core_type<tc>, window_params = [{transform_indices = @transform_0, window_bounds = array<i64: 1024, 64>}, {transform_indices = @transform_1, window_bounds = array<i64: 20, 1024, 64>}, {pipeline_mode = #tpu.pipeline_mode<synchronous>, transform_indices = @transform_2, window_bounds = array<i64: 64, 128>}, {pipeline_mode = #tpu.pipeline_mode<synchronous>, transform_indices = @transform_3, window_bounds = array<i64: 64, 128>}, {transform_indices = @transform_4, window_bounds = array<i64: 1024, 128>}, {pipeline_mode = #tpu.pipeline_mode<synchronous>, transform_indices = @transform_5, window_bounds = array<i64: 1, 128>}, {pipeline_mode = #tpu.pipeline_mode<synchronous>, transform_indices = @transform_6, window_bounds = array<i64: 1, 128>}]} {
    %eq3A = arith.constant 0 : i32
    %eq3A_0 = arith.cmpi eq, %arg0, %eq3A : i32
    %convert_element_type3A = arith.extui %eq3A_0 : i1 to i32
    %cond3A = arith.constant 0 : i32
    %cond3A_1 = arith.cmpi ne, %convert_element_type3A, %cond3A : i32
    scf.if %cond3A_1 {
      %broadcast_in_dim3A_367 = arith.constant 0.000000e+00 : f32
      %broadcast_in_dim3A_368 = vector.broadcast %broadcast_in_dim3A_367 : f32 to vector<1x128xf32>
      %swap3A_369 = arith.constant 0 : index
      %swap3A_370 = arith.constant 0 : index
      %swap3A_371 = vector.load %arg8[%swap3A_369, %swap3A_370] : memref<1x128xf32, #tpu.memory_space<vmem>>, vector<1x128xf32>
      tpu.vector_store %arg8[%swap3A_369, %swap3A_370], %broadcast_in_dim3A_368 {strides = array<i32>} : memref<1x128xf32, #tpu.memory_space<vmem>>, vector<1x128xf32>,
      %broadcast_in_dim3A_372 = arith.constant 0.000000e+00 : f32
      %broadcast_in_dim3A_373 = vector.broadcast %broadcast_in_dim3A_372 : f32 to vector<1x128xf32>
      %swap3A_374 = arith.constant 0 : index
      %swap3A_375 = arith.constant 0 : index
      %swap3A_376 = vector.load %arg9[%swap3A_374, %swap3A_375] : memref<1x128xf32, #tpu.memory_space<vmem>>, vector<1x128xf32>
      tpu.vector_store %arg9[%swap3A_374, %swap3A_375], %broadcast_in_dim3A_373 {strides = array<i32>} : memref<1x128xf32, #tpu.memory_space<vmem>>, vector<1x128xf32>,
    } else {
    }
    %get3A = arith.constant 0 : index
    %get3A_2 = arith.constant 0 : index
    %get3A_3 = vector.load %arg1[%get3A, %get3A_2] : memref<1024x64xf32, #tpu.memory_space<vmem>>, vector<1024x64xf32>
    %convert_element_type3A_4 = arith.truncf %get3A_3 : vector<1024x64xf32> to vector<1024x64xbf16>
    %get3A_5 = arith.constant 0 : index
    %get3A_6 = arith.constant 0 : index
    %get3A_7 = vector.load %arg4[%get3A_5, %get3A_6] : memref<64x128xbf16, #tpu.memory_space<vmem>>, vector<64x128xbf16>
    %dot_general3A = arith.constant dense<0.000000e+00> : vector<1024x128xf32>
    %dot_general3A_8 = tpu.matmul %convert_element_type3A_4, %get3A_7, %dot_general3A {dimension_numbers = #tpu.dot_dimension_numbers<[1], [0], [0], [1], [0, 0, 1, 1], [], []>, transpose_lhs_hint = false} : vector<1024x64xbf16>, vector<64x128xbf16>, vector<1024x128xf32> -> vector<1024x128xf32>
    %get3A_9 = arith.constant 0 : index
    %get3A_10 = arith.constant 0 : index
    %get3A_11 = arith.constant 0 : index
    %get3A_12 = vector.load %arg2[%get3A_9, %get3A_10, %get3A_11] : memref<20x1024x64xf32, #tpu.memory_space<vmem>>, vector<1x1024x64xf32>
    %get3A_13 = vector.shape_cast %get3A_12 : vector<1x1024x64xf32> to vector<1024x64xf32>
    %sub3A = arith.subf %get3A_13, %get3A_3 : vector<1024x64xf32>
    %convert_element_type3A_14 = arith.truncf %sub3A : vector<1024x64xf32> to vector<1024x64xbf16>
    %get3A_15 = arith.constant 0 : index
    %get3A_16 = arith.constant 0 : index
    %get3A_17 = vector.load %arg3[%get3A_15, %get3A_16] : memref<64x128xbf16, #tpu.memory_space<vmem>>, vector<64x128xbf16>
    %dot_general3A_18 = arith.constant dense<0.000000e+00> : vector<1024x128xf32>
    %dot_general3A_19 = tpu.matmul %convert_element_type3A_14, %get3A_17, %dot_general3A_18 {dimension_numbers = #tpu.dot_dimension_numbers<[1], [0], [0], [1], [0, 0, 1, 1], [], []>, transpose_lhs_hint = false} : vector<1024x64xbf16>, vector<64x128xbf16>, vector<1024x128xf32> -> vector<1024x128xf32>
    %add3A = arith.addf %dot_general3A_19, %dot_general3A_8 : vector<1024x128xf32>
    %mul3A = arith.mulf %add3A, %add3A : vector<1024x128xf32>
    %get3A_20 = arith.constant 1 : index
    %get3A_21 = arith.constant 0 : index
    %get3A_22 = arith.constant 0 : index
    %get3A_23 = vector.load %arg2[%get3A_20, %get3A_21, %get3A_22] : memref<20x1024x64xf32, #tpu.memory_space<vmem>>, vector<1x1024x64xf32>
    %get3A_24 = vector.shape_cast %get3A_23 : vector<1x1024x64xf32> to vector<1024x64xf32>
    %sub3A_25 = arith.subf %get3A_24, %get3A_3 : vector<1024x64xf32>
    %convert_element_type3A_26 = arith.truncf %sub3A_25 : vector<1024x64xf32> to vector<1024x64xbf16>
    %get3A_27 = arith.constant 0 : index
    %get3A_28 = arith.constant 0 : index
    %get3A_29 = vector.load %arg3[%get3A_27, %get3A_28] : memref<64x128xbf16, #tpu.memory_space<vmem>>, vector<64x128xbf16>
    %dot_general3A_30 = arith.constant dense<0.000000e+00> : vector<1024x128xf32>
    %dot_general3A_31 = tpu.matmul %convert_element_type3A_26, %get3A_29, %dot_general3A_30 {dimension_numbers = #tpu.dot_dimension_numbers<[1], [0], [0], [1], [0, 0, 1, 1], [], []>, transpose_lhs_hint = false} : vector<1024x64xbf16>, vector<64x128xbf16>, vector<1024x128xf32> -> vector<1024x128xf32>
    %add3A_32 = arith.addf %dot_general3A_31, %dot_general3A_8 : vector<1024x128xf32>
    %max3A = arith.maximumf %add3A, %add3A_32 : vector<1024x128xf32>
    %add3A_33 = arith.addf %add3A, %add3A_32 : vector<1024x128xf32>
    %mul3A_34 = arith.mulf %add3A_32, %add3A_32 : vector<1024x128xf32>
    %add3A_35 = arith.addf %mul3A, %mul3A_34 : vector<1024x128xf32>
    %get3A_36 = arith.constant 2 : index
    %get3A_37 = arith.constant 0 : index
    %get3A_38 = arith.constant 0 : index
    %get3A_39 = vector.load %arg2[%get3A_36, %get3A_37, %get3A_38] : memref<20x1024x64xf32, #tpu.memory_space<vmem>>, vector<1x1024x64xf32>
    %get3A_40 = vector.shape_cast %get3A_39 : vector<1x1024x64xf32> to vector<1024x64xf32>
    %sub3A_41 = arith.subf %get3A_40, %get3A_3 : vector<1024x64xf32>
    %convert_element_type3A_42 = arith.truncf %sub3A_41 : vector<1024x64xf32> to vector<1024x64xbf16>
    %get3A_43 = arith.constant 0 : index
    %get3A_44 = arith.constant 0 : index
    %get3A_45 = vector.load %arg3[%get3A_43, %get3A_44] : memref<64x128xbf16, #tpu.memory_space<vmem>>, vector<64x128xbf16>
    %dot_general3A_46 = arith.constant dense<0.000000e+00> : vector<1024x128xf32>
    %dot_general3A_47 = tpu.matmul %convert_element_type3A_42, %get3A_45, %dot_general3A_46 {dimension_numbers = #tpu.dot_dimension_numbers<[1], [0], [0], [1], [0, 0, 1, 1], [], []>, transpose_lhs_hint = false} : vector<1024x64xbf16>, vector<64x128xbf16>, vector<1024x128xf32> -> vector<1024x128xf32>
    %add3A_48 = arith.addf %dot_general3A_47, %dot_general3A_8 : vector<1024x128xf32>
    %max3A_49 = arith.maximumf %max3A, %add3A_48 : vector<1024x128xf32>
    %add3A_50 = arith.addf %add3A_33, %add3A_48 : vector<1024x128xf32>
    %mul3A_51 = arith.mulf %add3A_48, %add3A_48 : vector<1024x128xf32>
    %add3A_52 = arith.addf %add3A_35, %mul3A_51 : vector<1024x128xf32>
    %get3A_53 = arith.constant 3 : index
    %get3A_54 = arith.constant 0 : index
    %get3A_55 = arith.constant 0 : index
    %get3A_56 = vector.load %arg2[%get3A_53, %get3A_54, %get3A_55] : memref<20x1024x64xf32, #tpu.memory_space<vmem>>, vector<1x1024x64xf32>
    %get3A_57 = vector.shape_cast %get3A_56 : vector<1x1024x64xf32> to vector<1024x64xf32>
    %sub3A_58 = arith.subf %get3A_57, %get3A_3 : vector<1024x64xf32>
    %convert_element_type3A_59 = arith.truncf %sub3A_58 : vector<1024x64xf32> to vector<1024x64xbf16>
    %get3A_60 = arith.constant 0 : index
    %get3A_61 = arith.constant 0 : index
    %get3A_62 = vector.load %arg3[%get3A_60, %get3A_61] : memref<64x128xbf16, #tpu.memory_space<vmem>>, vector<64x128xbf16>
    %dot_general3A_63 = arith.constant dense<0.000000e+00> : vector<1024x128xf32>
    %dot_general3A_64 = tpu.matmul %convert_element_type3A_59, %get3A_62, %dot_general3A_63 {dimension_numbers = #tpu.dot_dimension_numbers<[1], [0], [0], [1], [0, 0, 1, 1], [], []>, transpose_lhs_hint = false} : vector<1024x64xbf16>, vector<64x128xbf16>, vector<1024x128xf32> -> vector<1024x128xf32>
    %add3A_65 = arith.addf %dot_general3A_64, %dot_general3A_8 : vector<1024x128xf32>
    %max3A_66 = arith.maximumf %max3A_49, %add3A_65 : vector<1024x128xf32>
    %add3A_67 = arith.addf %add3A_50, %add3A_65 : vector<1024x128xf32>
    %mul3A_68 = arith.mulf %add3A_65, %add3A_65 : vector<1024x128xf32>
    %add3A_69 = arith.addf %add3A_52, %mul3A_68 : vector<1024x128xf32>
    %get3A_70 = arith.constant 4 : index
    %get3A_71 = arith.constant 0 : index
    %get3A_72 = arith.constant 0 : index
    %get3A_73 = vector.load %arg2[%get3A_70, %get3A_71, %get3A_72] : memref<20x1024x64xf32, #tpu.memory_space<vmem>>, vector<1x1024x64xf32>
    %get3A_74 = vector.shape_cast %get3A_73 : vector<1x1024x64xf32> to vector<1024x64xf32>
    %sub3A_75 = arith.subf %get3A_74, %get3A_3 : vector<1024x64xf32>
    %convert_element_type3A_76 = arith.truncf %sub3A_75 : vector<1024x64xf32> to vector<1024x64xbf16>
    %get3A_77 = arith.constant 0 : index
    %get3A_78 = arith.constant 0 : index
    %get3A_79 = vector.load %arg3[%get3A_77, %get3A_78] : memref<64x128xbf16, #tpu.memory_space<vmem>>, vector<64x128xbf16>
    %dot_general3A_80 = arith.constant dense<0.000000e+00> : vector<1024x128xf32>
    %dot_general3A_81 = tpu.matmul %convert_element_type3A_76, %get3A_79, %dot_general3A_80 {dimension_numbers = #tpu.dot_dimension_numbers<[1], [0], [0], [1], [0, 0, 1, 1], [], []>, transpose_lhs_hint = false} : vector<1024x64xbf16>, vector<64x128xbf16>, vector<1024x128xf32> -> vector<1024x128xf32>
    %add3A_82 = arith.addf %dot_general3A_81, %dot_general3A_8 : vector<1024x128xf32>
    %max3A_83 = arith.maximumf %max3A_66, %add3A_82 : vector<1024x128xf32>
    %add3A_84 = arith.addf %add3A_67, %add3A_82 : vector<1024x128xf32>
    %mul3A_85 = arith.mulf %add3A_82, %add3A_82 : vector<1024x128xf32>
    %add3A_86 = arith.addf %add3A_69, %mul3A_85 : vector<1024x128xf32>
    %get3A_87 = arith.constant 5 : index
    %get3A_88 = arith.constant 0 : index
    %get3A_89 = arith.constant 0 : index
    %get3A_90 = vector.load %arg2[%get3A_87, %get3A_88, %get3A_89] : memref<20x1024x64xf32, #tpu.memory_space<vmem>>, vector<1x1024x64xf32>
    %get3A_91 = vector.shape_cast %get3A_90 : vector<1x1024x64xf32> to vector<1024x64xf32>
    %sub3A_92 = arith.subf %get3A_91, %get3A_3 : vector<1024x64xf32>
    %convert_element_type3A_93 = arith.truncf %sub3A_92 : vector<1024x64xf32> to vector<1024x64xbf16>
    %get3A_94 = arith.constant 0 : index
    %get3A_95 = arith.constant 0 : index
    %get3A_96 = vector.load %arg3[%get3A_94, %get3A_95] : memref<64x128xbf16, #tpu.memory_space<vmem>>, vector<64x128xbf16>
    %dot_general3A_97 = arith.constant dense<0.000000e+00> : vector<1024x128xf32>
    %dot_general3A_98 = tpu.matmul %convert_element_type3A_93, %get3A_96, %dot_general3A_97 {dimension_numbers = #tpu.dot_dimension_numbers<[1], [0], [0], [1], [0, 0, 1, 1], [], []>, transpose_lhs_hint = false} : vector<1024x64xbf16>, vector<64x128xbf16>, vector<1024x128xf32> -> vector<1024x128xf32>
    %add3A_99 = arith.addf %dot_general3A_98, %dot_general3A_8 : vector<1024x128xf32>
    %max3A_100 = arith.maximumf %max3A_83, %add3A_99 : vector<1024x128xf32>
    %add3A_101 = arith.addf %add3A_84, %add3A_99 : vector<1024x128xf32>
    %mul3A_102 = arith.mulf %add3A_99, %add3A_99 : vector<1024x128xf32>
    %add3A_103 = arith.addf %add3A_86, %mul3A_102 : vector<1024x128xf32>
    %get3A_104 = arith.constant 6 : index
    %get3A_105 = arith.constant 0 : index
    %get3A_106 = arith.constant 0 : index
    %get3A_107 = vector.load %arg2[%get3A_104, %get3A_105, %get3A_106] : memref<20x1024x64xf32, #tpu.memory_space<vmem>>, vector<1x1024x64xf32>
    %get3A_108 = vector.shape_cast %get3A_107 : vector<1x1024x64xf32> to vector<1024x64xf32>
    %sub3A_109 = arith.subf %get3A_108, %get3A_3 : vector<1024x64xf32>
    %convert_element_type3A_110 = arith.truncf %sub3A_109 : vector<1024x64xf32> to vector<1024x64xbf16>
    %get3A_111 = arith.constant 0 : index
    %get3A_112 = arith.constant 0 : index
    %get3A_113 = vector.load %arg3[%get3A_111, %get3A_112] : memref<64x128xbf16, #tpu.memory_space<vmem>>, vector<64x128xbf16>
    %dot_general3A_114 = arith.constant dense<0.000000e+00> : vector<1024x128xf32>
    %dot_general3A_115 = tpu.matmul %convert_element_type3A_110, %get3A_113, %dot_general3A_114 {dimension_numbers = #tpu.dot_dimension_numbers<[1], [0], [0], [1], [0, 0, 1, 1], [], []>, transpose_lhs_hint = false} : vector<1024x64xbf16>, vector<64x128xbf16>, vector<1024x128xf32> -> vector<1024x128xf32>
    %add3A_116 = arith.addf %dot_general3A_115, %dot_general3A_8 : vector<1024x128xf32>
    %max3A_117 = arith.maximumf %max3A_100, %add3A_116 : vector<1024x128xf32>
    %add3A_118 = arith.addf %add3A_101, %add3A_116 : vector<1024x128xf32>
    %mul3A_119 = arith.mulf %add3A_116, %add3A_116 : vector<1024x128xf32>
    %add3A_120 = arith.addf %add3A_103, %mul3A_119 : vector<1024x128xf32>
    %get3A_121 = arith.constant 7 : index
    %get3A_122 = arith.constant 0 : index
    %get3A_123 = arith.constant 0 : index
    %get3A_124 = vector.load %arg2[%get3A_121, %get3A_122, %get3A_123] : memref<20x1024x64xf32, #tpu.memory_space<vmem>>, vector<1x1024x64xf32>
    %get3A_125 = vector.shape_cast %get3A_124 : vector<1x1024x64xf32> to vector<1024x64xf32>
    %sub3A_126 = arith.subf %get3A_125, %get3A_3 : vector<1024x64xf32>
    %convert_element_type3A_127 = arith.truncf %sub3A_126 : vector<1024x64xf32> to vector<1024x64xbf16>
    %get3A_128 = arith.constant 0 : index
    %get3A_129 = arith.constant 0 : index
    %get3A_130 = vector.load %arg3[%get3A_128, %get3A_129] : memref<64x128xbf16, #tpu.memory_space<vmem>>, vector<64x128xbf16>
    %dot_general3A_131 = arith.constant dense<0.000000e+00> : vector<1024x128xf32>
    %dot_general3A_132 = tpu.matmul %convert_element_type3A_127, %get3A_130, %dot_general3A_131 {dimension_numbers = #tpu.dot_dimension_numbers<[1], [0], [0], [1], [0, 0, 1, 1], [], []>, transpose_lhs_hint = false} : vector<1024x64xbf16>, vector<64x128xbf16>, vector<1024x128xf32> -> vector<1024x128xf32>
    %add3A_133 = arith.addf %dot_general3A_132, %dot_general3A_8 : vector<1024x128xf32>
    %max3A_134 = arith.maximumf %max3A_117, %add3A_133 : vector<1024x128xf32>
    %add3A_135 = arith.addf %add3A_118, %add3A_133 : vector<1024x128xf32>
    %mul3A_136 = arith.mulf %add3A_133, %add3A_133 : vector<1024x128xf32>
    %add3A_137 = arith.addf %add3A_120, %mul3A_136 : vector<1024x128xf32>
    %get3A_138 = arith.constant 8 : index
    %get3A_139 = arith.constant 0 : index
    %get3A_140 = arith.constant 0 : index
    %get3A_141 = vector.load %arg2[%get3A_138, %get3A_139, %get3A_140] : memref<20x1024x64xf32, #tpu.memory_space<vmem>>, vector<1x1024x64xf32>
    %get3A_142 = vector.shape_cast %get3A_141 : vector<1x1024x64xf32> to vector<1024x64xf32>
    %sub3A_143 = arith.subf %get3A_142, %get3A_3 : vector<1024x64xf32>
    %convert_element_type3A_144 = arith.truncf %sub3A_143 : vector<1024x64xf32> to vector<1024x64xbf16>
    %get3A_145 = arith.constant 0 : index
    %get3A_146 = arith.constant 0 : index
    %get3A_147 = vector.load %arg3[%get3A_145, %get3A_146] : memref<64x128xbf16, #tpu.memory_space<vmem>>, vector<64x128xbf16>
    %dot_general3A_148 = arith.constant dense<0.000000e+00> : vector<1024x128xf32>
    %dot_general3A_149 = tpu.matmul %convert_element_type3A_144, %get3A_147, %dot_general3A_148 {dimension_numbers = #tpu.dot_dimension_numbers<[1], [0], [0], [1], [0, 0, 1, 1], [], []>, transpose_lhs_hint = false} : vector<1024x64xbf16>, vector<64x128xbf16>, vector<1024x128xf32> -> vector<1024x128xf32>
    %add3A_150 = arith.addf %dot_general3A_149, %dot_general3A_8 : vector<1024x128xf32>
    %max3A_151 = arith.maximumf %max3A_134, %add3A_150 : vector<1024x128xf32>
    %add3A_152 = arith.addf %add3A_135, %add3A_150 : vector<1024x128xf32>
    %mul3A_153 = arith.mulf %add3A_150, %add3A_150 : vector<1024x128xf32>
    %add3A_154 = arith.addf %add3A_137, %mul3A_153 : vector<1024x128xf32>
    %get3A_155 = arith.constant 9 : index
    %get3A_156 = arith.constant 0 : index
    %get3A_157 = arith.constant 0 : index
    %get3A_158 = vector.load %arg2[%get3A_155, %get3A_156, %get3A_157] : memref<20x1024x64xf32, #tpu.memory_space<vmem>>, vector<1x1024x64xf32>
    %get3A_159 = vector.shape_cast %get3A_158 : vector<1x1024x64xf32> to vector<1024x64xf32>
    %sub3A_160 = arith.subf %get3A_159, %get3A_3 : vector<1024x64xf32>
    %convert_element_type3A_161 = arith.truncf %sub3A_160 : vector<1024x64xf32> to vector<1024x64xbf16>
    %get3A_162 = arith.constant 0 : index
    %get3A_163 = arith.constant 0 : index
    %get3A_164 = vector.load %arg3[%get3A_162, %get3A_163] : memref<64x128xbf16, #tpu.memory_space<vmem>>, vector<64x128xbf16>
    %dot_general3A_165 = arith.constant dense<0.000000e+00> : vector<1024x128xf32>
    %dot_general3A_166 = tpu.matmul %convert_element_type3A_161, %get3A_164, %dot_general3A_165 {dimension_numbers = #tpu.dot_dimension_numbers<[1], [0], [0], [1], [0, 0, 1, 1], [], []>, transpose_lhs_hint = false} : vector<1024x64xbf16>, vector<64x128xbf16>, vector<1024x128xf32> -> vector<1024x128xf32>
    %add3A_167 = arith.addf %dot_general3A_166, %dot_general3A_8 : vector<1024x128xf32>
    %max3A_168 = arith.maximumf %max3A_151, %add3A_167 : vector<1024x128xf32>
    %add3A_169 = arith.addf %add3A_152, %add3A_167 : vector<1024x128xf32>
    %mul3A_170 = arith.mulf %add3A_167, %add3A_167 : vector<1024x128xf32>
    %add3A_171 = arith.addf %add3A_154, %mul3A_170 : vector<1024x128xf32>
    %get3A_172 = arith.constant 10 : index
    %get3A_173 = arith.constant 0 : index
    %get3A_174 = arith.constant 0 : index
    %get3A_175 = vector.load %arg2[%get3A_172, %get3A_173, %get3A_174] : memref<20x1024x64xf32, #tpu.memory_space<vmem>>, vector<1x1024x64xf32>
    %get3A_176 = vector.shape_cast %get3A_175 : vector<1x1024x64xf32> to vector<1024x64xf32>
    %sub3A_177 = arith.subf %get3A_176, %get3A_3 : vector<1024x64xf32>
    %convert_element_type3A_178 = arith.truncf %sub3A_177 : vector<1024x64xf32> to vector<1024x64xbf16>
    %get3A_179 = arith.constant 0 : index
    %get3A_180 = arith.constant 0 : index
    %get3A_181 = vector.load %arg3[%get3A_179, %get3A_180] : memref<64x128xbf16, #tpu.memory_space<vmem>>, vector<64x128xbf16>
    %dot_general3A_182 = arith.constant dense<0.000000e+00> : vector<1024x128xf32>
    %dot_general3A_183 = tpu.matmul %convert_element_type3A_178, %get3A_181, %dot_general3A_182 {dimension_numbers = #tpu.dot_dimension_numbers<[1], [0], [0], [1], [0, 0, 1, 1], [], []>, transpose_lhs_hint = false} : vector<1024x64xbf16>, vector<64x128xbf16>, vector<1024x128xf32> -> vector<1024x128xf32>
    %add3A_184 = arith.addf %dot_general3A_183, %dot_general3A_8 : vector<1024x128xf32>
    %max3A_185 = arith.maximumf %max3A_168, %add3A_184 : vector<1024x128xf32>
    %add3A_186 = arith.addf %add3A_169, %add3A_184 : vector<1024x128xf32>
    %mul3A_187 = arith.mulf %add3A_184, %add3A_184 : vector<1024x128xf32>
    %add3A_188 = arith.addf %add3A_171, %mul3A_187 : vector<1024x128xf32>
    %get3A_189 = arith.constant 11 : index
    %get3A_190 = arith.constant 0 : index
    %get3A_191 = arith.constant 0 : index
    %get3A_192 = vector.load %arg2[%get3A_189, %get3A_190, %get3A_191] : memref<20x1024x64xf32, #tpu.memory_space<vmem>>, vector<1x1024x64xf32>
    %get3A_193 = vector.shape_cast %get3A_192 : vector<1x1024x64xf32> to vector<1024x64xf32>
    %sub3A_194 = arith.subf %get3A_193, %get3A_3 : vector<1024x64xf32>
    %convert_element_type3A_195 = arith.truncf %sub3A_194 : vector<1024x64xf32> to vector<1024x64xbf16>
    %get3A_196 = arith.constant 0 : index
    %get3A_197 = arith.constant 0 : index
    %get3A_198 = vector.load %arg3[%get3A_196, %get3A_197] : memref<64x128xbf16, #tpu.memory_space<vmem>>, vector<64x128xbf16>
    %dot_general3A_199 = arith.constant dense<0.000000e+00> : vector<1024x128xf32>
    %dot_general3A_200 = tpu.matmul %convert_element_type3A_195, %get3A_198, %dot_general3A_199 {dimension_numbers = #tpu.dot_dimension_numbers<[1], [0], [0], [1], [0, 0, 1, 1], [], []>, transpose_lhs_hint = false} : vector<1024x64xbf16>, vector<64x128xbf16>, vector<1024x128xf32> -> vector<1024x128xf32>
    %add3A_201 = arith.addf %dot_general3A_200, %dot_general3A_8 : vector<1024x128xf32>
    %max3A_202 = arith.maximumf %max3A_185, %add3A_201 : vector<1024x128xf32>
    %add3A_203 = arith.addf %add3A_186, %add3A_201 : vector<1024x128xf32>
    %mul3A_204 = arith.mulf %add3A_201, %add3A_201 : vector<1024x128xf32>
    %add3A_205 = arith.addf %add3A_188, %mul3A_204 : vector<1024x128xf32>
    %get3A_206 = arith.constant 12 : index
    %get3A_207 = arith.constant 0 : index
    %get3A_208 = arith.constant 0 : index
    %get3A_209 = vector.load %arg2[%get3A_206, %get3A_207, %get3A_208] : memref<20x1024x64xf32, #tpu.memory_space<vmem>>, vector<1x1024x64xf32>
    %get3A_210 = vector.shape_cast %get3A_209 : vector<1x1024x64xf32> to vector<1024x64xf32>
    %sub3A_211 = arith.subf %get3A_210, %get3A_3 : vector<1024x64xf32>
    %convert_element_type3A_212 = arith.truncf %sub3A_211 : vector<1024x64xf32> to vector<1024x64xbf16>
    %get3A_213 = arith.constant 0 : index
    %get3A_214 = arith.constant 0 : index
    %get3A_215 = vector.load %arg3[%get3A_213, %get3A_214] : memref<64x128xbf16, #tpu.memory_space<vmem>>, vector<64x128xbf16>
    %dot_general3A_216 = arith.constant dense<0.000000e+00> : vector<1024x128xf32>
    %dot_general3A_217 = tpu.matmul %convert_element_type3A_212, %get3A_215, %dot_general3A_216 {dimension_numbers = #tpu.dot_dimension_numbers<[1], [0], [0], [1], [0, 0, 1, 1], [], []>, transpose_lhs_hint = false} : vector<1024x64xbf16>, vector<64x128xbf16>, vector<1024x128xf32> -> vector<1024x128xf32>
    %add3A_218 = arith.addf %dot_general3A_217, %dot_general3A_8 : vector<1024x128xf32>
    %max3A_219 = arith.maximumf %max3A_202, %add3A_218 : vector<1024x128xf32>
    %add3A_220 = arith.addf %add3A_203, %add3A_218 : vector<1024x128xf32>
    %mul3A_221 = arith.mulf %add3A_218, %add3A_218 : vector<1024x128xf32>
    %add3A_222 = arith.addf %add3A_205, %mul3A_221 : vector<1024x128xf32>
    %get3A_223 = arith.constant 13 : index
    %get3A_224 = arith.constant 0 : index
    %get3A_225 = arith.constant 0 : index
    %get3A_226 = vector.load %arg2[%get3A_223, %get3A_224, %get3A_225] : memref<20x1024x64xf32, #tpu.memory_space<vmem>>, vector<1x1024x64xf32>
    %get3A_227 = vector.shape_cast %get3A_226 : vector<1x1024x64xf32> to vector<1024x64xf32>
    %sub3A_228 = arith.subf %get3A_227, %get3A_3 : vector<1024x64xf32>
    %convert_element_type3A_229 = arith.truncf %sub3A_228 : vector<1024x64xf32> to vector<1024x64xbf16>
    %get3A_230 = arith.constant 0 : index
    %get3A_231 = arith.constant 0 : index
    %get3A_232 = vector.load %arg3[%get3A_230, %get3A_231] : memref<64x128xbf16, #tpu.memory_space<vmem>>, vector<64x128xbf16>
    %dot_general3A_233 = arith.constant dense<0.000000e+00> : vector<1024x128xf32>
    %dot_general3A_234 = tpu.matmul %convert_element_type3A_229, %get3A_232, %dot_general3A_233 {dimension_numbers = #tpu.dot_dimension_numbers<[1], [0], [0], [1], [0, 0, 1, 1], [], []>, transpose_lhs_hint = false} : vector<1024x64xbf16>, vector<64x128xbf16>, vector<1024x128xf32> -> vector<1024x128xf32>
    %add3A_235 = arith.addf %dot_general3A_234, %dot_general3A_8 : vector<1024x128xf32>
    %max3A_236 = arith.maximumf %max3A_219, %add3A_235 : vector<1024x128xf32>
    %add3A_237 = arith.addf %add3A_220, %add3A_235 : vector<1024x128xf32>
    %mul3A_238 = arith.mulf %add3A_235, %add3A_235 : vector<1024x128xf32>
    %add3A_239 = arith.addf %add3A_222, %mul3A_238 : vector<1024x128xf32>
    %get3A_240 = arith.constant 14 : index
    %get3A_241 = arith.constant 0 : index
    %get3A_242 = arith.constant 0 : index
    %get3A_243 = vector.load %arg2[%get3A_240, %get3A_241, %get3A_242] : memref<20x1024x64xf32, #tpu.memory_space<vmem>>, vector<1x1024x64xf32>
    %get3A_244 = vector.shape_cast %get3A_243 : vector<1x1024x64xf32> to vector<1024x64xf32>
    %sub3A_245 = arith.subf %get3A_244, %get3A_3 : vector<1024x64xf32>
    %convert_element_type3A_246 = arith.truncf %sub3A_245 : vector<1024x64xf32> to vector<1024x64xbf16>
    %get3A_247 = arith.constant 0 : index
    %get3A_248 = arith.constant 0 : index
    %get3A_249 = vector.load %arg3[%get3A_247, %get3A_248] : memref<64x128xbf16, #tpu.memory_space<vmem>>, vector<64x128xbf16>
    %dot_general3A_250 = arith.constant dense<0.000000e+00> : vector<1024x128xf32>
    %dot_general3A_251 = tpu.matmul %convert_element_type3A_246, %get3A_249, %dot_general3A_250 {dimension_numbers = #tpu.dot_dimension_numbers<[1], [0], [0], [1], [0, 0, 1, 1], [], []>, transpose_lhs_hint = false} : vector<1024x64xbf16>, vector<64x128xbf16>, vector<1024x128xf32> -> vector<1024x128xf32>
    %add3A_252 = arith.addf %dot_general3A_251, %dot_general3A_8 : vector<1024x128xf32>
    %max3A_253 = arith.maximumf %max3A_236, %add3A_252 : vector<1024x128xf32>
    %add3A_254 = arith.addf %add3A_237, %add3A_252 : vector<1024x128xf32>
    %mul3A_255 = arith.mulf %add3A_252, %add3A_252 : vector<1024x128xf32>
    %add3A_256 = arith.addf %add3A_239, %mul3A_255 : vector<1024x128xf32>
    %get3A_257 = arith.constant 15 : index
    %get3A_258 = arith.constant 0 : index
    %get3A_259 = arith.constant 0 : index
    %get3A_260 = vector.load %arg2[%get3A_257, %get3A_258, %get3A_259] : memref<20x1024x64xf32, #tpu.memory_space<vmem>>, vector<1x1024x64xf32>
    %get3A_261 = vector.shape_cast %get3A_260 : vector<1x1024x64xf32> to vector<1024x64xf32>
    %sub3A_262 = arith.subf %get3A_261, %get3A_3 : vector<1024x64xf32>
    %convert_element_type3A_263 = arith.truncf %sub3A_262 : vector<1024x64xf32> to vector<1024x64xbf16>
    %get3A_264 = arith.constant 0 : index
    %get3A_265 = arith.constant 0 : index
    %get3A_266 = vector.load %arg3[%get3A_264, %get3A_265] : memref<64x128xbf16, #tpu.memory_space<vmem>>, vector<64x128xbf16>
    %dot_general3A_267 = arith.constant dense<0.000000e+00> : vector<1024x128xf32>
    %dot_general3A_268 = tpu.matmul %convert_element_type3A_263, %get3A_266, %dot_general3A_267 {dimension_numbers = #tpu.dot_dimension_numbers<[1], [0], [0], [1], [0, 0, 1, 1], [], []>, transpose_lhs_hint = false} : vector<1024x64xbf16>, vector<64x128xbf16>, vector<1024x128xf32> -> vector<1024x128xf32>
    %add3A_269 = arith.addf %dot_general3A_268, %dot_general3A_8 : vector<1024x128xf32>
    %max3A_270 = arith.maximumf %max3A_253, %add3A_269 : vector<1024x128xf32>
    %add3A_271 = arith.addf %add3A_254, %add3A_269 : vector<1024x128xf32>
    %mul3A_272 = arith.mulf %add3A_269, %add3A_269 : vector<1024x128xf32>
    %add3A_273 = arith.addf %add3A_256, %mul3A_272 : vector<1024x128xf32>
    %get3A_274 = arith.constant 16 : index
    %get3A_275 = arith.constant 0 : index
    %get3A_276 = arith.constant 0 : index
    %get3A_277 = vector.load %arg2[%get3A_274, %get3A_275, %get3A_276] : memref<20x1024x64xf32, #tpu.memory_space<vmem>>, vector<1x1024x64xf32>
    %get3A_278 = vector.shape_cast %get3A_277 : vector<1x1024x64xf32> to vector<1024x64xf32>
    %sub3A_279 = arith.subf %get3A_278, %get3A_3 : vector<1024x64xf32>
    %convert_element_type3A_280 = arith.truncf %sub3A_279 : vector<1024x64xf32> to vector<1024x64xbf16>
    %get3A_281 = arith.constant 0 : index
    %get3A_282 = arith.constant 0 : index
    %get3A_283 = vector.load %arg3[%get3A_281, %get3A_282] : memref<64x128xbf16, #tpu.memory_space<vmem>>, vector<64x128xbf16>
    %dot_general3A_284 = arith.constant dense<0.000000e+00> : vector<1024x128xf32>
    %dot_general3A_285 = tpu.matmul %convert_element_type3A_280, %get3A_283, %dot_general3A_284 {dimension_numbers = #tpu.dot_dimension_numbers<[1], [0], [0], [1], [0, 0, 1, 1], [], []>, transpose_lhs_hint = false} : vector<1024x64xbf16>, vector<64x128xbf16>, vector<1024x128xf32> -> vector<1024x128xf32>
    %add3A_286 = arith.addf %dot_general3A_285, %dot_general3A_8 : vector<1024x128xf32>
    %max3A_287 = arith.maximumf %max3A_270, %add3A_286 : vector<1024x128xf32>
    %add3A_288 = arith.addf %add3A_271, %add3A_286 : vector<1024x128xf32>
    %mul3A_289 = arith.mulf %add3A_286, %add3A_286 : vector<1024x128xf32>
    %add3A_290 = arith.addf %add3A_273, %mul3A_289 : vector<1024x128xf32>
    %get3A_291 = arith.constant 17 : index
    %get3A_292 = arith.constant 0 : index
    %get3A_293 = arith.constant 0 : index
    %get3A_294 = vector.load %arg2[%get3A_291, %get3A_292, %get3A_293] : memref<20x1024x64xf32, #tpu.memory_space<vmem>>, vector<1x1024x64xf32>
    %get3A_295 = vector.shape_cast %get3A_294 : vector<1x1024x64xf32> to vector<1024x64xf32>
    %sub3A_296 = arith.subf %get3A_295, %get3A_3 : vector<1024x64xf32>
    %convert_element_type3A_297 = arith.truncf %sub3A_296 : vector<1024x64xf32> to vector<1024x64xbf16>
    %get3A_298 = arith.constant 0 : index
    %get3A_299 = arith.constant 0 : index
    %get3A_300 = vector.load %arg3[%get3A_298, %get3A_299] : memref<64x128xbf16, #tpu.memory_space<vmem>>, vector<64x128xbf16>
    %dot_general3A_301 = arith.constant dense<0.000000e+00> : vector<1024x128xf32>
    %dot_general3A_302 = tpu.matmul %convert_element_type3A_297, %get3A_300, %dot_general3A_301 {dimension_numbers = #tpu.dot_dimension_numbers<[1], [0], [0], [1], [0, 0, 1, 1], [], []>, transpose_lhs_hint = false} : vector<1024x64xbf16>, vector<64x128xbf16>, vector<1024x128xf32> -> vector<1024x128xf32>
    %add3A_303 = arith.addf %dot_general3A_302, %dot_general3A_8 : vector<1024x128xf32>
    %max3A_304 = arith.maximumf %max3A_287, %add3A_303 : vector<1024x128xf32>
    %add3A_305 = arith.addf %add3A_288, %add3A_303 : vector<1024x128xf32>
    %mul3A_306 = arith.mulf %add3A_303, %add3A_303 : vector<1024x128xf32>
    %add3A_307 = arith.addf %add3A_290, %mul3A_306 : vector<1024x128xf32>
    %get3A_308 = arith.constant 18 : index
    %get3A_309 = arith.constant 0 : index
    %get3A_310 = arith.constant 0 : index
    %get3A_311 = vector.load %arg2[%get3A_308, %get3A_309, %get3A_310] : memref<20x1024x64xf32, #tpu.memory_space<vmem>>, vector<1x1024x64xf32>
    %get3A_312 = vector.shape_cast %get3A_311 : vector<1x1024x64xf32> to vector<1024x64xf32>
    %sub3A_313 = arith.subf %get3A_312, %get3A_3 : vector<1024x64xf32>
    %convert_element_type3A_314 = arith.truncf %sub3A_313 : vector<1024x64xf32> to vector<1024x64xbf16>
    %get3A_315 = arith.constant 0 : index
    %get3A_316 = arith.constant 0 : index
    %get3A_317 = vector.load %arg3[%get3A_315, %get3A_316] : memref<64x128xbf16, #tpu.memory_space<vmem>>, vector<64x128xbf16>
    %dot_general3A_318 = arith.constant dense<0.000000e+00> : vector<1024x128xf32>
    %dot_general3A_319 = tpu.matmul %convert_element_type3A_314, %get3A_317, %dot_general3A_318 {dimension_numbers = #tpu.dot_dimension_numbers<[1], [0], [0], [1], [0, 0, 1, 1], [], []>, transpose_lhs_hint = false} : vector<1024x64xbf16>, vector<64x128xbf16>, vector<1024x128xf32> -> vector<1024x128xf32>
    %add3A_320 = arith.addf %dot_general3A_319, %dot_general3A_8 : vector<1024x128xf32>
    %max3A_321 = arith.maximumf %max3A_304, %add3A_320 : vector<1024x128xf32>
    %add3A_322 = arith.addf %add3A_305, %add3A_320 : vector<1024x128xf32>
    %mul3A_323 = arith.mulf %add3A_320, %add3A_320 : vector<1024x128xf32>
    %add3A_324 = arith.addf %add3A_307, %mul3A_323 : vector<1024x128xf32>
    %get3A_325 = arith.constant 19 : index
    %get3A_326 = arith.constant 0 : index
    %get3A_327 = arith.constant 0 : index
    %get3A_328 = vector.load %arg2[%get3A_325, %get3A_326, %get3A_327] : memref<20x1024x64xf32, #tpu.memory_space<vmem>>, vector<1x1024x64xf32>
    %get3A_329 = vector.shape_cast %get3A_328 : vector<1x1024x64xf32> to vector<1024x64xf32>
    %sub3A_330 = arith.subf %get3A_329, %get3A_3 : vector<1024x64xf32>
    %convert_element_type3A_331 = arith.truncf %sub3A_330 : vector<1024x64xf32> to vector<1024x64xbf16>
    %get3A_332 = arith.constant 0 : index
    %get3A_333 = arith.constant 0 : index
    %get3A_334 = vector.load %arg3[%get3A_332, %get3A_333] : memref<64x128xbf16, #tpu.memory_space<vmem>>, vector<64x128xbf16>
    %dot_general3A_335 = arith.constant dense<0.000000e+00> : vector<1024x128xf32>
    %dot_general3A_336 = tpu.matmul %convert_element_type3A_331, %get3A_334, %dot_general3A_335 {dimension_numbers = #tpu.dot_dimension_numbers<[1], [0], [0], [1], [0, 0, 1, 1], [], []>, transpose_lhs_hint = false} : vector<1024x64xbf16>, vector<64x128xbf16>, vector<1024x128xf32> -> vector<1024x128xf32>
    %add3A_337 = arith.addf %dot_general3A_336, %dot_general3A_8 : vector<1024x128xf32>
    %max3A_338 = arith.maximumf %max3A_321, %add3A_337 : vector<1024x128xf32>
    %add3A_339 = arith.addf %add3A_322, %add3A_337 : vector<1024x128xf32>
    %mul3A_340 = arith.mulf %add3A_337, %add3A_337 : vector<1024x128xf32>
    %add3A_341 = arith.addf %add3A_324, %mul3A_340 : vector<1024x128xf32>
    %swap3A = arith.constant 0 : index
    %swap3A_342 = arith.constant 0 : index
    %swap3A_343 = vector.load %arg5[%swap3A, %swap3A_342] : memref<1024x128xf32, #tpu.memory_space<vmem>>, vector<1024x128xf32>
    tpu.vector_store %arg5[%swap3A, %swap3A_342], %max3A_338 {strides = array<i32>} : memref<1024x128xf32, #tpu.memory_space<vmem>>, vector<1024x128xf32>,
    %get3A_344 = arith.constant 0 : index
    %get3A_345 = arith.constant 0 : index
    %get3A_346 = vector.load %arg8[%get3A_344, %get3A_345] : memref<1x128xf32, #tpu.memory_space<vmem>>, vector<1x128xf32>
    %reduce_sum3A = arith.constant dense<0.000000e+00> : vector<128xf32>
    %reduce_sum3A_347 = vector.multi_reduction <add>, %add3A_339, %reduce_sum3A [0] : vector<1024x128xf32> to vector<128xf32>
    %broadcast_in_dim3A = vector.shape_cast %reduce_sum3A_347 : vector<128xf32> to vector<1x128xf32>
    %add3A_348 = arith.addf %get3A_346, %broadcast_in_dim3A : vector<1x128xf32>
    %swap3A_349 = arith.constant 0 : index
    %swap3A_350 = arith.constant 0 : index
    %swap3A_351 = vector.load %arg8[%swap3A_349, %swap3A_350] : memref<1x128xf32, #tpu.memory_space<vmem>>, vector<1x128xf32>
    tpu.vector_store %arg8[%swap3A_349, %swap3A_350], %add3A_348 {strides = array<i32>} : memref<1x128xf32, #tpu.memory_space<vmem>>, vector<1x128xf32>,
    %get3A_352 = arith.constant 0 : index
    %get3A_353 = arith.constant 0 : index
    %get3A_354 = vector.load %arg9[%get3A_352, %get3A_353] : memref<1x128xf32, #tpu.memory_space<vmem>>, vector<1x128xf32>
    %reduce_sum3A_355 = arith.constant dense<0.000000e+00> : vector<128xf32>
    %reduce_sum3A_356 = vector.multi_reduction <add>, %add3A_341, %reduce_sum3A_355 [0] : vector<1024x128xf32> to vector<128xf32>
    %broadcast_in_dim3A_357 = vector.shape_cast %reduce_sum3A_356 : vector<128xf32> to vector<1x128xf32>
    %add3A_358 = arith.addf %get3A_354, %broadcast_in_dim3A_357 : vector<1x128xf32>
    %swap3A_359 = arith.constant 0 : index
    %swap3A_360 = arith.constant 0 : index
    %swap3A_361 = vector.load %arg9[%swap3A_359, %swap3A_360] : memref<1x128xf32, #tpu.memory_space<vmem>>, vector<1x128xf32>
    tpu.vector_store %arg9[%swap3A_359, %swap3A_360], %add3A_358 {strides = array<i32>} : memref<1x128xf32, #tpu.memory_space<vmem>>, vector<1x128xf32>,
    %eq3A_362 = arith.constant 3 : i32
    %eq3A_363 = arith.cmpi eq, %arg0, %eq3A_362 : i32
    %convert_element_type3A_364 = arith.extui %eq3A_363 : i1 to i32
    %cond3A_365 = arith.constant 0 : i32
    %cond3A_366 = arith.cmpi ne, %convert_element_type3A_364, %cond3A_365 : i32
    scf.if %cond3A_366 {
      %get3A_367 = arith.constant 0 : index
      %get3A_368 = arith.constant 0 : index
      %get3A_369 = vector.load %arg8[%get3A_367, %get3A_368] : memref<1x128xf32, #tpu.memory_space<vmem>>, vector<1x128xf32>
      %swap3A_370 = arith.constant 0 : index
      %swap3A_371 = arith.constant 0 : index
      %swap3A_372 = vector.load %arg6[%swap3A_370, %swap3A_371] : memref<1x128xf32, #tpu.memory_space<vmem>>, vector<1x128xf32>
      tpu.vector_store %arg6[%swap3A_370, %swap3A_371], %get3A_369 {strides = array<i32>} : memref<1x128xf32, #tpu.memory_space<vmem>>, vector<1x128xf32>,
      %get3A_373 = arith.constant 0 : index
      %get3A_374 = arith.constant 0 : index
      %get3A_375 = vector.load %arg9[%get3A_373, %get3A_374] : memref<1x128xf32, #tpu.memory_space<vmem>>, vector<1x128xf32>
      %swap3A_376 = arith.constant 0 : index
      %swap3A_377 = arith.constant 0 : index
      %swap3A_378 = vector.load %arg7[%swap3A_376, %swap3A_377] : memref<1x128xf32, #tpu.memory_space<vmem>>, vector<1x128xf32>
      tpu.vector_store %arg7[%swap3A_376, %swap3A_377], %get3A_375 {strides = array<i32>} : memref<1x128xf32, #tpu.memory_space<vmem>>, vector<1x128xf32>,
    } else {
    }
    return
  }
  func.func @transform_0(%arg0: i32) -> (i32, i32) {
    %c0_i32 = arith.constant 0 : i32
    %c0_i32_0 = arith.constant 0 : i32
    return %arg0, %c0_i32 : i32, i32
  }
  func.func @transform_1(%arg0: i32) -> (i32, i32, i32) {
    %c0_i32 = arith.constant 0 : i32
    %c0_i32_0 = arith.constant 0 : i32
    %c0_i32_1 = arith.constant 0 : i32
    return %c0_i32, %arg0, %c0_i32_0 : i32, i32, i32
  }
  func.func @transform_2(%arg0: i32) -> (i32, i32) {
    %c0_i32 = arith.constant 0 : i32
    %c0_i32_0 = arith.constant 0 : i32
    %c0_i32_1 = arith.constant 0 : i32
    return %c0_i32, %c0_i32_0 : i32, i32
  }
  func.func @transform_3(%arg0: i32) -> (i32, i32) {
    %c0_i32 = arith.constant 0 : i32
    %c0_i32_0 = arith.constant 0 : i32
    %c0_i32_1 = arith.constant 0 : i32
    return %c0_i32, %c0_i32_0 : i32, i32
  }
  func.func @transform_4(%arg0: i32) -> (i32, i32) {
    %c0_i32 = arith.constant 0 : i32
    %c0_i32_0 = arith.constant 0 : i32
    return %arg0, %c0_i32 : i32, i32
  }
  func.func @transform_5(%arg0: i32) -> (i32, i32) {
    %c0_i32 = arith.constant 0 : i32
    %c0_i32_0 = arith.constant 0 : i32
    %c0_i32_1 = arith.constant 0 : i32
    return %c0_i32, %c0_i32_0 : i32, i32
  }
  func.func @transform_6(%arg0: i32) -> (i32, i32) {
    %c0_i32 = arith.constant 0 : i32
    %c0_i32_0 = arith.constant 0 : i32
    %c0_i32_1 = arith.constant 0 : i32
    return %c0_i32, %c0_i32_0 : i32, i32
  }
}

module attributes {stable_mosaic.version = 14 : i64} {
  func.func @_bn_body(%arg0: memref<4096x128xf32, #tpu.memory_space<vmem>>, %arg1: memref<1x128xf32, #tpu.memory_space<vmem>>, %arg2: memref<1x128xf32, #tpu.memory_space<vmem>>, %arg3: memref<1x128xf32, #tpu.memory_space<vmem>>, %arg4: memref<1x128xf32, #tpu.memory_space<vmem>>, %arg5: memref<4096x128xf32, #tpu.memory_space<vmem>>) attributes {dimension_semantics = [], scalar_prefetch = 0 : i64, scratch_operands = 0 : i64, tpu.core_type = #tpu.core_type<tc>} {
    %get3A = arith.constant 0 : index
    %get3A_0 = arith.constant 0 : index
    %get3A_1 = vector.load %arg1[%get3A, %get3A_0] : memref<1x128xf32, #tpu.memory_space<vmem>>, vector<1x128xf32>
    %div3A = arith.constant 8.192000e+04 : f32
    %div3A_2 = vector.broadcast %div3A : f32 to vector<1x128xf32>
    %div3A_3 = arith.divf %get3A_1, %div3A_2 : vector<1x128xf32>
    %get3A_4 = arith.constant 0 : index
    %get3A_5 = arith.constant 0 : index
    %get3A_6 = vector.load %arg2[%get3A_4, %get3A_5] : memref<1x128xf32, #tpu.memory_space<vmem>>, vector<1x128xf32>
    %div3A_7 = arith.constant 8.192000e+04 : f32
    %div3A_8 = vector.broadcast %div3A_7 : f32 to vector<1x128xf32>
    %div3A_9 = arith.divf %get3A_6, %div3A_8 : vector<1x128xf32>
    %mul3A = arith.mulf %div3A_3, %div3A_3 : vector<1x128xf32>
    %sub3A = arith.subf %div3A_9, %mul3A : vector<1x128xf32>
    %add3A = arith.constant 9.99999974E-6 : f32
    %add3A_10 = vector.broadcast %add3A : f32 to vector<1x128xf32>
    %add3A_11 = arith.addf %sub3A, %add3A_10 : vector<1x128xf32>
    %rsqrt3A = math.rsqrt %add3A_11 : vector<1x128xf32>
    %get3A_12 = arith.constant 0 : index
    %get3A_13 = arith.constant 0 : index
    %get3A_14 = vector.load %arg0[%get3A_12, %get3A_13] : memref<4096x128xf32, #tpu.memory_space<vmem>>, vector<4096x128xf32>
    %sub3A_15 = vector.broadcast %div3A_3 : vector<1x128xf32> to vector<4096x128xf32>
    %sub3A_16 = arith.subf %get3A_14, %sub3A_15 : vector<4096x128xf32>
    %mul3A_17 = vector.broadcast %rsqrt3A : vector<1x128xf32> to vector<4096x128xf32>
    %mul3A_18 = arith.mulf %sub3A_16, %mul3A_17 : vector<4096x128xf32>
    %get3A_19 = arith.constant 0 : index
    %get3A_20 = arith.constant 0 : index
    %get3A_21 = vector.load %arg3[%get3A_19, %get3A_20] : memref<1x128xf32, #tpu.memory_space<vmem>>, vector<1x128xf32>
    %mul3A_22 = vector.broadcast %get3A_21 : vector<1x128xf32> to vector<4096x128xf32>
    %mul3A_23 = arith.mulf %mul3A_18, %mul3A_22 : vector<4096x128xf32>
    %get3A_24 = arith.constant 0 : index
    %get3A_25 = arith.constant 0 : index
    %get3A_26 = vector.load %arg4[%get3A_24, %get3A_25] : memref<1x128xf32, #tpu.memory_space<vmem>>, vector<1x128xf32>
    %add3A_27 = vector.broadcast %get3A_26 : vector<1x128xf32> to vector<4096x128xf32>
    %add3A_28 = arith.addf %mul3A_23, %add3A_27 : vector<4096x128xf32>
    %ge3A = arith.constant 0.000000e+00 : f32
    %ge3A_29 = vector.broadcast %ge3A : f32 to vector<4096x128xf32>
    %ge3A_30 = arith.cmpf oge, %add3A_28, %ge3A_29 : vector<4096x128xf32>
    %mul3A_31 = arith.constant 2.000000e-01 : f32
    %mul3A_32 = vector.broadcast %mul3A_31 : f32 to vector<4096x128xf32>
    %mul3A_33 = arith.mulf %mul3A_32, %add3A_28 : vector<4096x128xf32>
    %select_n3A = arith.select %ge3A_30, %add3A_28, %mul3A_33 : vector<4096x128xi1>, vector<4096x128xf32>
    %swap3A = arith.constant 0 : index
    %swap3A_34 = arith.constant 0 : index
    %swap3A_35 = vector.load %arg5[%swap3A, %swap3A_34] : memref<4096x128xf32, #tpu.memory_space<vmem>>, vector<4096x128xf32>
    tpu.vector_store %arg5[%swap3A, %swap3A_34], %select_n3A {strides = array<i32>} : memref<4096x128xf32, #tpu.memory_space<vmem>>, vector<4096x128xf32>,
    return
  }
}

module attributes {stable_mosaic.version = 14 : i64} {
  func.func @_t1_body(%arg0: i32, %arg1: memref<1x1024x128xf32, #tpu.memory_space<vmem>>, %arg2: memref<1024x20xi32, #tpu.memory_space<vmem>>) attributes {dimension_semantics = [#tpu.dimension_semantics<arbitrary>], iteration_bounds = array<i64: 4>, scalar_prefetch = 0 : i64, scratch_operands = 0 : i64, tpu.core_type = #tpu.core_type<tc>, window_params = [{transform_indices = @transform_0, window_bounds = array<i64: 1, 1024, 128>}, {transform_indices = @transform_1, window_bounds = array<i64: 1024, 20>}]} {
    %get3A = arith.constant 0 : index
    %get3A_0 = arith.constant 0 : index
    %get3A_1 = arith.constant 0 : index
    %get3A_2 = vector.load %arg1[%get3A, %get3A_0, %get3A_1] : memref<1x1024x128xf32, #tpu.memory_space<vmem>>, vector<1x1024x128xf32>
    %get3A_3 = vector.shape_cast %get3A_2 : vector<1x1024x128xf32> to vector<1024x128xf32>
    %mul3A = arith.mulf %get3A_3, %get3A_3 : vector<1024x128xf32>
    %reduce_sum3A = arith.constant dense<0.000000e+00> : vector<1024xf32>
    %reduce_sum3A_4 = vector.multi_reduction <add>, %mul3A, %reduce_sum3A [1] : vector<1024x128xf32> to vector<1024xf32>
    %broadcast_in_dim3A = vector.shape_cast %reduce_sum3A_4 : vector<1024xf32> to vector<1024x1xf32>
    %transpose3A = tpu.transpose %broadcast_in_dim3A, [1, 0] : vector<1024x1xf32> -> vector<1x1024xf32>
    %convert_element_type3A = arith.truncf %get3A_3 : vector<1024x128xf32> to vector<1024x128xbf16>
    %dot_general3A = arith.constant dense<0.000000e+00> : vector<1024x1024xf32>
    %dot_general3A_5 = tpu.matmul %convert_element_type3A, %convert_element_type3A, %dot_general3A {dimension_numbers = #tpu.dot_dimension_numbers<[1], [1], [0], [0], [0, 0, 1, 0], [], []>, transpose_lhs_hint = false} : vector<1024x128xbf16>, vector<1024x128xbf16>, vector<1024x1024xf32> -> vector<1024x1024xf32>
    %add3A = vector.broadcast %broadcast_in_dim3A : vector<1024x1xf32> to vector<1024x1024xf32>
    %add3A_6 = vector.broadcast %transpose3A : vector<1x1024xf32> to vector<1024x1024xf32>
    %add3A_7 = arith.addf %add3A, %add3A_6 : vector<1024x1024xf32>
    %mul3A_8 = arith.constant 2.000000e+00 : f32
    %mul3A_9 = vector.broadcast %mul3A_8 : f32 to vector<1024x1024xf32>
    %mul3A_10 = arith.mulf %mul3A_9, %dot_general3A_5 : vector<1024x1024xf32>
    %sub3A = arith.subf %add3A_7, %mul3A_10 : vector<1024x1024xf32>
    %iota3A = tpu.iota {dimensions = array<i32: 1>} : vector<1024x1024xi32>
    %iota3A_11 = tpu.iota {dimensions = array<i32: 1>} : vector<1024x32xi32>
    %broadcast_in_dim3A_12 = arith.constant 0 : i32
    %broadcast_in_dim3A_13 = vector.broadcast %broadcast_in_dim3A_12 : i32 to vector<1024x32xi32>
    %scan3A = arith.constant 0 : i32
    %scan3A_14 = arith.constant 20 : i32
    %scan3A_15 = arith.addi %scan3A, %scan3A_14 : i32
    %scan3A_16 = arith.constant 1 : i32
    %scan3A_17:2 = scf.for %scan3A_25 = %scan3A to %scan3A_15 step %scan3A_16 iter_args(%scan3A_26 = %sub3A, %scan3A_27 = %broadcast_in_dim3A_13) -> (vector<1024x1024xf32>, vector<1024x32xi32>)  : i32 {
      %reduce_min3A = arith.constant dense<0x7F800000> : vector<1024xf32>
      %reduce_min3A_28 = vector.multi_reduction <minimumf>, %scan3A_26, %reduce_min3A [1] : vector<1024x1024xf32> to vector<1024xf32>
      %broadcast_in_dim3A_29 = vector.shape_cast %reduce_min3A_28 : vector<1024xf32> to vector<1024x1xf32>
      %eq3A = vector.broadcast %broadcast_in_dim3A_29 : vector<1024x1xf32> to vector<1024x1024xf32>
      %eq3A_30 = arith.cmpf oeq, %scan3A_26, %eq3A : vector<1024x1024xf32>
      %jit3A = arith.constant 1024 : i32
      %broadcast_in_dim3A_31 = vector.broadcast %jit3A : i32 to vector<1024x1024xi32>
      %select_n3A = arith.select %eq3A_30, %iota3A, %broadcast_in_dim3A_31 : vector<1024x1024xi1>, vector<1024x1024xi32>
      %reduce_min3A_32 = arith.constant dense<2147483647> : vector<1024xi32>
      %reduce_min3A_33 = vector.multi_reduction <minsi>, %select_n3A, %reduce_min3A_32 [1] : vector<1024x1024xi32> to vector<1024xi32>
      %broadcast_in_dim3A_34 = vector.shape_cast %reduce_min3A_33 : vector<1024xi32> to vector<1024x1xi32>
      %eq3A_35 = vector.broadcast %broadcast_in_dim3A_34 : vector<1024x1xi32> to vector<1024x1024xi32>
      %eq3A_36 = arith.cmpi eq, %iota3A, %eq3A_35 : vector<1024x1024xi32>
      %jit3A_37 = arith.constant 0x7F800000 : f32
      %broadcast_in_dim3A_38 = vector.broadcast %jit3A_37 : f32 to vector<1024x1024xf32>
      %select_n3A_39 = arith.select %eq3A_36, %broadcast_in_dim3A_38, %scan3A_26 : vector<1024x1024xi1>, vector<1024x1024xf32>
      %eq3A_40 = vector.broadcast %scan3A_25 : i32 to vector<1024x32xi32>
      %eq3A_41 = arith.cmpi eq, %iota3A_11, %eq3A_40 : vector<1024x32xi32>
      %broadcast_in_dim3A_42 = vector.shape_cast %broadcast_in_dim3A_34 : vector<1024x1xi32> to vector<1024x1xi32>
      %broadcast_in_dim3A_43 = vector.broadcast %broadcast_in_dim3A_42 : vector<1024x1xi32> to vector<1024x32xi32>
      %select_n3A_44 = arith.select %eq3A_41, %broadcast_in_dim3A_43, %scan3A_27 : vector<1024x32xi1>, vector<1024x32xi32>
      scf.yield %select_n3A_39, %select_n3A_44 : vector<1024x1024xf32>, vector<1024x32xi32>
    }
    %scan3A_18 = arith.constant 20 : i32
    %slice3A = vector.extract_strided_slice %scan3A_17#1 {offsets = [0, 0], sizes = [1024, 20], strides = [1, 1]} : vector<1024x32xi32> to vector<1024x20xi32>
    %mul3A_19 = arith.constant 1024 : i32
    %mul3A_20 = arith.muli %arg0, %mul3A_19 : i32
    %add3A_21 = vector.broadcast %mul3A_20 : i32 to vector<1024x20xi32>
    %add3A_22 = arith.addi %slice3A, %add3A_21 : vector<1024x20xi32>
    %swap3A = arith.constant 0 : index
    %swap3A_23 = arith.constant 0 : index
    %swap3A_24 = vector.load %arg2[%swap3A, %swap3A_23] : memref<1024x20xi32, #tpu.memory_space<vmem>>, vector<1024x20xi32>
    tpu.vector_store %arg2[%swap3A, %swap3A_23], %add3A_22 {strides = array<i32>} : memref<1024x20xi32, #tpu.memory_space<vmem>>, vector<1024x20xi32>,
    return
  }
  func.func @transform_0(%arg0: i32) -> (i32, i32, i32) {
    %c0_i32 = arith.constant 0 : i32
    %c0_i32_0 = arith.constant 0 : i32
    %c0_i32_1 = arith.constant 0 : i32
    return %arg0, %c0_i32, %c0_i32_0 : i32, i32, i32
  }
  func.func @transform_1(%arg0: i32) -> (i32, i32) {
    %c0_i32 = arith.constant 0 : i32
    %c0_i32_0 = arith.constant 0 : i32
    return %arg0, %c0_i32 : i32, i32
  }
}

module attributes {stable_mosaic.version = 14 : i64} {
  func.func @_edge_body(%arg0: i32, %arg1: memref<1024x128xf32, #tpu.memory_space<vmem>>, %arg2: memref<20x1024x128xf32, #tpu.memory_space<vmem>>, %arg3: memref<128x256xbf16, #tpu.memory_space<vmem>>, %arg4: memref<128x256xbf16, #tpu.memory_space<vmem>>, %arg5: memref<1024x256xf32, #tpu.memory_space<vmem>>, %arg6: memref<1x256xf32, #tpu.memory_space<vmem>>, %arg7: memref<1x256xf32, #tpu.memory_space<vmem>>, %arg8: memref<1x256xf32, #tpu.memory_space<vmem>>, %arg9: memref<1x256xf32, #tpu.memory_space<vmem>>) attributes {dimension_semantics = [#tpu.dimension_semantics<arbitrary>], iteration_bounds = array<i64: 4>, scalar_prefetch = 0 : i64, scratch_operands = 2 : i64, tpu.core_type = #tpu.core_type<tc>, window_params = [{transform_indices = @transform_0, window_bounds = array<i64: 1024, 128>}, {transform_indices = @transform_1, window_bounds = array<i64: 20, 1024, 128>}, {pipeline_mode = #tpu.pipeline_mode<synchronous>, transform_indices = @transform_2, window_bounds = array<i64: 128, 256>}, {pipeline_mode = #tpu.pipeline_mode<synchronous>, transform_indices = @transform_3, window_bounds = array<i64: 128, 256>}, {transform_indices = @transform_4, window_bounds = array<i64: 1024, 256>}, {pipeline_mode = #tpu.pipeline_mode<synchronous>, transform_indices = @transform_5, window_bounds = array<i64: 1, 256>}, {pipeline_mode = #tpu.pipeline_mode<synchronous>, transform_indices = @transform_6, window_bounds = array<i64: 1, 256>}]} {
    %eq3A = arith.constant 0 : i32
    %eq3A_0 = arith.cmpi eq, %arg0, %eq3A : i32
    %convert_element_type3A = arith.extui %eq3A_0 : i1 to i32
    %cond3A = arith.constant 0 : i32
    %cond3A_1 = arith.cmpi ne, %convert_element_type3A, %cond3A : i32
    scf.if %cond3A_1 {
      %broadcast_in_dim3A_367 = arith.constant 0.000000e+00 : f32
      %broadcast_in_dim3A_368 = vector.broadcast %broadcast_in_dim3A_367 : f32 to vector<1x256xf32>
      %swap3A_369 = arith.constant 0 : index
      %swap3A_370 = arith.constant 0 : index
      %swap3A_371 = vector.load %arg8[%swap3A_369, %swap3A_370] : memref<1x256xf32, #tpu.memory_space<vmem>>, vector<1x256xf32>
      tpu.vector_store %arg8[%swap3A_369, %swap3A_370], %broadcast_in_dim3A_368 {strides = array<i32>} : memref<1x256xf32, #tpu.memory_space<vmem>>, vector<1x256xf32>,
      %broadcast_in_dim3A_372 = arith.constant 0.000000e+00 : f32
      %broadcast_in_dim3A_373 = vector.broadcast %broadcast_in_dim3A_372 : f32 to vector<1x256xf32>
      %swap3A_374 = arith.constant 0 : index
      %swap3A_375 = arith.constant 0 : index
      %swap3A_376 = vector.load %arg9[%swap3A_374, %swap3A_375] : memref<1x256xf32, #tpu.memory_space<vmem>>, vector<1x256xf32>
      tpu.vector_store %arg9[%swap3A_374, %swap3A_375], %broadcast_in_dim3A_373 {strides = array<i32>} : memref<1x256xf32, #tpu.memory_space<vmem>>, vector<1x256xf32>,
    } else {
    }
    %get3A = arith.constant 0 : index
    %get3A_2 = arith.constant 0 : index
    %get3A_3 = vector.load %arg1[%get3A, %get3A_2] : memref<1024x128xf32, #tpu.memory_space<vmem>>, vector<1024x128xf32>
    %convert_element_type3A_4 = arith.truncf %get3A_3 : vector<1024x128xf32> to vector<1024x128xbf16>
    %get3A_5 = arith.constant 0 : index
    %get3A_6 = arith.constant 0 : index
    %get3A_7 = vector.load %arg4[%get3A_5, %get3A_6] : memref<128x256xbf16, #tpu.memory_space<vmem>>, vector<128x256xbf16>
    %dot_general3A = arith.constant dense<0.000000e+00> : vector<1024x256xf32>
    %dot_general3A_8 = tpu.matmul %convert_element_type3A_4, %get3A_7, %dot_general3A {dimension_numbers = #tpu.dot_dimension_numbers<[1], [0], [0], [1], [0, 0, 1, 1], [], []>, transpose_lhs_hint = false} : vector<1024x128xbf16>, vector<128x256xbf16>, vector<1024x256xf32> -> vector<1024x256xf32>
    %get3A_9 = arith.constant 0 : index
    %get3A_10 = arith.constant 0 : index
    %get3A_11 = arith.constant 0 : index
    %get3A_12 = vector.load %arg2[%get3A_9, %get3A_10, %get3A_11] : memref<20x1024x128xf32, #tpu.memory_space<vmem>>, vector<1x1024x128xf32>
    %get3A_13 = vector.shape_cast %get3A_12 : vector<1x1024x128xf32> to vector<1024x128xf32>
    %sub3A = arith.subf %get3A_13, %get3A_3 : vector<1024x128xf32>
    %convert_element_type3A_14 = arith.truncf %sub3A : vector<1024x128xf32> to vector<1024x128xbf16>
    %get3A_15 = arith.constant 0 : index
    %get3A_16 = arith.constant 0 : index
    %get3A_17 = vector.load %arg3[%get3A_15, %get3A_16] : memref<128x256xbf16, #tpu.memory_space<vmem>>, vector<128x256xbf16>
    %dot_general3A_18 = arith.constant dense<0.000000e+00> : vector<1024x256xf32>
    %dot_general3A_19 = tpu.matmul %convert_element_type3A_14, %get3A_17, %dot_general3A_18 {dimension_numbers = #tpu.dot_dimension_numbers<[1], [0], [0], [1], [0, 0, 1, 1], [], []>, transpose_lhs_hint = false} : vector<1024x128xbf16>, vector<128x256xbf16>, vector<1024x256xf32> -> vector<1024x256xf32>
    %add3A = arith.addf %dot_general3A_19, %dot_general3A_8 : vector<1024x256xf32>
    %mul3A = arith.mulf %add3A, %add3A : vector<1024x256xf32>
    %get3A_20 = arith.constant 1 : index
    %get3A_21 = arith.constant 0 : index
    %get3A_22 = arith.constant 0 : index
    %get3A_23 = vector.load %arg2[%get3A_20, %get3A_21, %get3A_22] : memref<20x1024x128xf32, #tpu.memory_space<vmem>>, vector<1x1024x128xf32>
    %get3A_24 = vector.shape_cast %get3A_23 : vector<1x1024x128xf32> to vector<1024x128xf32>
    %sub3A_25 = arith.subf %get3A_24, %get3A_3 : vector<1024x128xf32>
    %convert_element_type3A_26 = arith.truncf %sub3A_25 : vector<1024x128xf32> to vector<1024x128xbf16>
    %get3A_27 = arith.constant 0 : index
    %get3A_28 = arith.constant 0 : index
    %get3A_29 = vector.load %arg3[%get3A_27, %get3A_28] : memref<128x256xbf16, #tpu.memory_space<vmem>>, vector<128x256xbf16>
    %dot_general3A_30 = arith.constant dense<0.000000e+00> : vector<1024x256xf32>
    %dot_general3A_31 = tpu.matmul %convert_element_type3A_26, %get3A_29, %dot_general3A_30 {dimension_numbers = #tpu.dot_dimension_numbers<[1], [0], [0], [1], [0, 0, 1, 1], [], []>, transpose_lhs_hint = false} : vector<1024x128xbf16>, vector<128x256xbf16>, vector<1024x256xf32> -> vector<1024x256xf32>
    %add3A_32 = arith.addf %dot_general3A_31, %dot_general3A_8 : vector<1024x256xf32>
    %max3A = arith.maximumf %add3A, %add3A_32 : vector<1024x256xf32>
    %add3A_33 = arith.addf %add3A, %add3A_32 : vector<1024x256xf32>
    %mul3A_34 = arith.mulf %add3A_32, %add3A_32 : vector<1024x256xf32>
    %add3A_35 = arith.addf %mul3A, %mul3A_34 : vector<1024x256xf32>
    %get3A_36 = arith.constant 2 : index
    %get3A_37 = arith.constant 0 : index
    %get3A_38 = arith.constant 0 : index
    %get3A_39 = vector.load %arg2[%get3A_36, %get3A_37, %get3A_38] : memref<20x1024x128xf32, #tpu.memory_space<vmem>>, vector<1x1024x128xf32>
    %get3A_40 = vector.shape_cast %get3A_39 : vector<1x1024x128xf32> to vector<1024x128xf32>
    %sub3A_41 = arith.subf %get3A_40, %get3A_3 : vector<1024x128xf32>
    %convert_element_type3A_42 = arith.truncf %sub3A_41 : vector<1024x128xf32> to vector<1024x128xbf16>
    %get3A_43 = arith.constant 0 : index
    %get3A_44 = arith.constant 0 : index
    %get3A_45 = vector.load %arg3[%get3A_43, %get3A_44] : memref<128x256xbf16, #tpu.memory_space<vmem>>, vector<128x256xbf16>
    %dot_general3A_46 = arith.constant dense<0.000000e+00> : vector<1024x256xf32>
    %dot_general3A_47 = tpu.matmul %convert_element_type3A_42, %get3A_45, %dot_general3A_46 {dimension_numbers = #tpu.dot_dimension_numbers<[1], [0], [0], [1], [0, 0, 1, 1], [], []>, transpose_lhs_hint = false} : vector<1024x128xbf16>, vector<128x256xbf16>, vector<1024x256xf32> -> vector<1024x256xf32>
    %add3A_48 = arith.addf %dot_general3A_47, %dot_general3A_8 : vector<1024x256xf32>
    %max3A_49 = arith.maximumf %max3A, %add3A_48 : vector<1024x256xf32>
    %add3A_50 = arith.addf %add3A_33, %add3A_48 : vector<1024x256xf32>
    %mul3A_51 = arith.mulf %add3A_48, %add3A_48 : vector<1024x256xf32>
    %add3A_52 = arith.addf %add3A_35, %mul3A_51 : vector<1024x256xf32>
    %get3A_53 = arith.constant 3 : index
    %get3A_54 = arith.constant 0 : index
    %get3A_55 = arith.constant 0 : index
    %get3A_56 = vector.load %arg2[%get3A_53, %get3A_54, %get3A_55] : memref<20x1024x128xf32, #tpu.memory_space<vmem>>, vector<1x1024x128xf32>
    %get3A_57 = vector.shape_cast %get3A_56 : vector<1x1024x128xf32> to vector<1024x128xf32>
    %sub3A_58 = arith.subf %get3A_57, %get3A_3 : vector<1024x128xf32>
    %convert_element_type3A_59 = arith.truncf %sub3A_58 : vector<1024x128xf32> to vector<1024x128xbf16>
    %get3A_60 = arith.constant 0 : index
    %get3A_61 = arith.constant 0 : index
    %get3A_62 = vector.load %arg3[%get3A_60, %get3A_61] : memref<128x256xbf16, #tpu.memory_space<vmem>>, vector<128x256xbf16>
    %dot_general3A_63 = arith.constant dense<0.000000e+00> : vector<1024x256xf32>
    %dot_general3A_64 = tpu.matmul %convert_element_type3A_59, %get3A_62, %dot_general3A_63 {dimension_numbers = #tpu.dot_dimension_numbers<[1], [0], [0], [1], [0, 0, 1, 1], [], []>, transpose_lhs_hint = false} : vector<1024x128xbf16>, vector<128x256xbf16>, vector<1024x256xf32> -> vector<1024x256xf32>
    %add3A_65 = arith.addf %dot_general3A_64, %dot_general3A_8 : vector<1024x256xf32>
    %max3A_66 = arith.maximumf %max3A_49, %add3A_65 : vector<1024x256xf32>
    %add3A_67 = arith.addf %add3A_50, %add3A_65 : vector<1024x256xf32>
    %mul3A_68 = arith.mulf %add3A_65, %add3A_65 : vector<1024x256xf32>
    %add3A_69 = arith.addf %add3A_52, %mul3A_68 : vector<1024x256xf32>
    %get3A_70 = arith.constant 4 : index
    %get3A_71 = arith.constant 0 : index
    %get3A_72 = arith.constant 0 : index
    %get3A_73 = vector.load %arg2[%get3A_70, %get3A_71, %get3A_72] : memref<20x1024x128xf32, #tpu.memory_space<vmem>>, vector<1x1024x128xf32>
    %get3A_74 = vector.shape_cast %get3A_73 : vector<1x1024x128xf32> to vector<1024x128xf32>
    %sub3A_75 = arith.subf %get3A_74, %get3A_3 : vector<1024x128xf32>
    %convert_element_type3A_76 = arith.truncf %sub3A_75 : vector<1024x128xf32> to vector<1024x128xbf16>
    %get3A_77 = arith.constant 0 : index
    %get3A_78 = arith.constant 0 : index
    %get3A_79 = vector.load %arg3[%get3A_77, %get3A_78] : memref<128x256xbf16, #tpu.memory_space<vmem>>, vector<128x256xbf16>
    %dot_general3A_80 = arith.constant dense<0.000000e+00> : vector<1024x256xf32>
    %dot_general3A_81 = tpu.matmul %convert_element_type3A_76, %get3A_79, %dot_general3A_80 {dimension_numbers = #tpu.dot_dimension_numbers<[1], [0], [0], [1], [0, 0, 1, 1], [], []>, transpose_lhs_hint = false} : vector<1024x128xbf16>, vector<128x256xbf16>, vector<1024x256xf32> -> vector<1024x256xf32>
    %add3A_82 = arith.addf %dot_general3A_81, %dot_general3A_8 : vector<1024x256xf32>
    %max3A_83 = arith.maximumf %max3A_66, %add3A_82 : vector<1024x256xf32>
    %add3A_84 = arith.addf %add3A_67, %add3A_82 : vector<1024x256xf32>
    %mul3A_85 = arith.mulf %add3A_82, %add3A_82 : vector<1024x256xf32>
    %add3A_86 = arith.addf %add3A_69, %mul3A_85 : vector<1024x256xf32>
    %get3A_87 = arith.constant 5 : index
    %get3A_88 = arith.constant 0 : index
    %get3A_89 = arith.constant 0 : index
    %get3A_90 = vector.load %arg2[%get3A_87, %get3A_88, %get3A_89] : memref<20x1024x128xf32, #tpu.memory_space<vmem>>, vector<1x1024x128xf32>
    %get3A_91 = vector.shape_cast %get3A_90 : vector<1x1024x128xf32> to vector<1024x128xf32>
    %sub3A_92 = arith.subf %get3A_91, %get3A_3 : vector<1024x128xf32>
    %convert_element_type3A_93 = arith.truncf %sub3A_92 : vector<1024x128xf32> to vector<1024x128xbf16>
    %get3A_94 = arith.constant 0 : index
    %get3A_95 = arith.constant 0 : index
    %get3A_96 = vector.load %arg3[%get3A_94, %get3A_95] : memref<128x256xbf16, #tpu.memory_space<vmem>>, vector<128x256xbf16>
    %dot_general3A_97 = arith.constant dense<0.000000e+00> : vector<1024x256xf32>
    %dot_general3A_98 = tpu.matmul %convert_element_type3A_93, %get3A_96, %dot_general3A_97 {dimension_numbers = #tpu.dot_dimension_numbers<[1], [0], [0], [1], [0, 0, 1, 1], [], []>, transpose_lhs_hint = false} : vector<1024x128xbf16>, vector<128x256xbf16>, vector<1024x256xf32> -> vector<1024x256xf32>
    %add3A_99 = arith.addf %dot_general3A_98, %dot_general3A_8 : vector<1024x256xf32>
    %max3A_100 = arith.maximumf %max3A_83, %add3A_99 : vector<1024x256xf32>
    %add3A_101 = arith.addf %add3A_84, %add3A_99 : vector<1024x256xf32>
    %mul3A_102 = arith.mulf %add3A_99, %add3A_99 : vector<1024x256xf32>
    %add3A_103 = arith.addf %add3A_86, %mul3A_102 : vector<1024x256xf32>
    %get3A_104 = arith.constant 6 : index
    %get3A_105 = arith.constant 0 : index
    %get3A_106 = arith.constant 0 : index
    %get3A_107 = vector.load %arg2[%get3A_104, %get3A_105, %get3A_106] : memref<20x1024x128xf32, #tpu.memory_space<vmem>>, vector<1x1024x128xf32>
    %get3A_108 = vector.shape_cast %get3A_107 : vector<1x1024x128xf32> to vector<1024x128xf32>
    %sub3A_109 = arith.subf %get3A_108, %get3A_3 : vector<1024x128xf32>
    %convert_element_type3A_110 = arith.truncf %sub3A_109 : vector<1024x128xf32> to vector<1024x128xbf16>
    %get3A_111 = arith.constant 0 : index
    %get3A_112 = arith.constant 0 : index
    %get3A_113 = vector.load %arg3[%get3A_111, %get3A_112] : memref<128x256xbf16, #tpu.memory_space<vmem>>, vector<128x256xbf16>
    %dot_general3A_114 = arith.constant dense<0.000000e+00> : vector<1024x256xf32>
    %dot_general3A_115 = tpu.matmul %convert_element_type3A_110, %get3A_113, %dot_general3A_114 {dimension_numbers = #tpu.dot_dimension_numbers<[1], [0], [0], [1], [0, 0, 1, 1], [], []>, transpose_lhs_hint = false} : vector<1024x128xbf16>, vector<128x256xbf16>, vector<1024x256xf32> -> vector<1024x256xf32>
    %add3A_116 = arith.addf %dot_general3A_115, %dot_general3A_8 : vector<1024x256xf32>
    %max3A_117 = arith.maximumf %max3A_100, %add3A_116 : vector<1024x256xf32>
    %add3A_118 = arith.addf %add3A_101, %add3A_116 : vector<1024x256xf32>
    %mul3A_119 = arith.mulf %add3A_116, %add3A_116 : vector<1024x256xf32>
    %add3A_120 = arith.addf %add3A_103, %mul3A_119 : vector<1024x256xf32>
    %get3A_121 = arith.constant 7 : index
    %get3A_122 = arith.constant 0 : index
    %get3A_123 = arith.constant 0 : index
    %get3A_124 = vector.load %arg2[%get3A_121, %get3A_122, %get3A_123] : memref<20x1024x128xf32, #tpu.memory_space<vmem>>, vector<1x1024x128xf32>
    %get3A_125 = vector.shape_cast %get3A_124 : vector<1x1024x128xf32> to vector<1024x128xf32>
    %sub3A_126 = arith.subf %get3A_125, %get3A_3 : vector<1024x128xf32>
    %convert_element_type3A_127 = arith.truncf %sub3A_126 : vector<1024x128xf32> to vector<1024x128xbf16>
    %get3A_128 = arith.constant 0 : index
    %get3A_129 = arith.constant 0 : index
    %get3A_130 = vector.load %arg3[%get3A_128, %get3A_129] : memref<128x256xbf16, #tpu.memory_space<vmem>>, vector<128x256xbf16>
    %dot_general3A_131 = arith.constant dense<0.000000e+00> : vector<1024x256xf32>
    %dot_general3A_132 = tpu.matmul %convert_element_type3A_127, %get3A_130, %dot_general3A_131 {dimension_numbers = #tpu.dot_dimension_numbers<[1], [0], [0], [1], [0, 0, 1, 1], [], []>, transpose_lhs_hint = false} : vector<1024x128xbf16>, vector<128x256xbf16>, vector<1024x256xf32> -> vector<1024x256xf32>
    %add3A_133 = arith.addf %dot_general3A_132, %dot_general3A_8 : vector<1024x256xf32>
    %max3A_134 = arith.maximumf %max3A_117, %add3A_133 : vector<1024x256xf32>
    %add3A_135 = arith.addf %add3A_118, %add3A_133 : vector<1024x256xf32>
    %mul3A_136 = arith.mulf %add3A_133, %add3A_133 : vector<1024x256xf32>
    %add3A_137 = arith.addf %add3A_120, %mul3A_136 : vector<1024x256xf32>
    %get3A_138 = arith.constant 8 : index
    %get3A_139 = arith.constant 0 : index
    %get3A_140 = arith.constant 0 : index
    %get3A_141 = vector.load %arg2[%get3A_138, %get3A_139, %get3A_140] : memref<20x1024x128xf32, #tpu.memory_space<vmem>>, vector<1x1024x128xf32>
    %get3A_142 = vector.shape_cast %get3A_141 : vector<1x1024x128xf32> to vector<1024x128xf32>
    %sub3A_143 = arith.subf %get3A_142, %get3A_3 : vector<1024x128xf32>
    %convert_element_type3A_144 = arith.truncf %sub3A_143 : vector<1024x128xf32> to vector<1024x128xbf16>
    %get3A_145 = arith.constant 0 : index
    %get3A_146 = arith.constant 0 : index
    %get3A_147 = vector.load %arg3[%get3A_145, %get3A_146] : memref<128x256xbf16, #tpu.memory_space<vmem>>, vector<128x256xbf16>
    %dot_general3A_148 = arith.constant dense<0.000000e+00> : vector<1024x256xf32>
    %dot_general3A_149 = tpu.matmul %convert_element_type3A_144, %get3A_147, %dot_general3A_148 {dimension_numbers = #tpu.dot_dimension_numbers<[1], [0], [0], [1], [0, 0, 1, 1], [], []>, transpose_lhs_hint = false} : vector<1024x128xbf16>, vector<128x256xbf16>, vector<1024x256xf32> -> vector<1024x256xf32>
    %add3A_150 = arith.addf %dot_general3A_149, %dot_general3A_8 : vector<1024x256xf32>
    %max3A_151 = arith.maximumf %max3A_134, %add3A_150 : vector<1024x256xf32>
    %add3A_152 = arith.addf %add3A_135, %add3A_150 : vector<1024x256xf32>
    %mul3A_153 = arith.mulf %add3A_150, %add3A_150 : vector<1024x256xf32>
    %add3A_154 = arith.addf %add3A_137, %mul3A_153 : vector<1024x256xf32>
    %get3A_155 = arith.constant 9 : index
    %get3A_156 = arith.constant 0 : index
    %get3A_157 = arith.constant 0 : index
    %get3A_158 = vector.load %arg2[%get3A_155, %get3A_156, %get3A_157] : memref<20x1024x128xf32, #tpu.memory_space<vmem>>, vector<1x1024x128xf32>
    %get3A_159 = vector.shape_cast %get3A_158 : vector<1x1024x128xf32> to vector<1024x128xf32>
    %sub3A_160 = arith.subf %get3A_159, %get3A_3 : vector<1024x128xf32>
    %convert_element_type3A_161 = arith.truncf %sub3A_160 : vector<1024x128xf32> to vector<1024x128xbf16>
    %get3A_162 = arith.constant 0 : index
    %get3A_163 = arith.constant 0 : index
    %get3A_164 = vector.load %arg3[%get3A_162, %get3A_163] : memref<128x256xbf16, #tpu.memory_space<vmem>>, vector<128x256xbf16>
    %dot_general3A_165 = arith.constant dense<0.000000e+00> : vector<1024x256xf32>
    %dot_general3A_166 = tpu.matmul %convert_element_type3A_161, %get3A_164, %dot_general3A_165 {dimension_numbers = #tpu.dot_dimension_numbers<[1], [0], [0], [1], [0, 0, 1, 1], [], []>, transpose_lhs_hint = false} : vector<1024x128xbf16>, vector<128x256xbf16>, vector<1024x256xf32> -> vector<1024x256xf32>
    %add3A_167 = arith.addf %dot_general3A_166, %dot_general3A_8 : vector<1024x256xf32>
    %max3A_168 = arith.maximumf %max3A_151, %add3A_167 : vector<1024x256xf32>
    %add3A_169 = arith.addf %add3A_152, %add3A_167 : vector<1024x256xf32>
    %mul3A_170 = arith.mulf %add3A_167, %add3A_167 : vector<1024x256xf32>
    %add3A_171 = arith.addf %add3A_154, %mul3A_170 : vector<1024x256xf32>
    %get3A_172 = arith.constant 10 : index
    %get3A_173 = arith.constant 0 : index
    %get3A_174 = arith.constant 0 : index
    %get3A_175 = vector.load %arg2[%get3A_172, %get3A_173, %get3A_174] : memref<20x1024x128xf32, #tpu.memory_space<vmem>>, vector<1x1024x128xf32>
    %get3A_176 = vector.shape_cast %get3A_175 : vector<1x1024x128xf32> to vector<1024x128xf32>
    %sub3A_177 = arith.subf %get3A_176, %get3A_3 : vector<1024x128xf32>
    %convert_element_type3A_178 = arith.truncf %sub3A_177 : vector<1024x128xf32> to vector<1024x128xbf16>
    %get3A_179 = arith.constant 0 : index
    %get3A_180 = arith.constant 0 : index
    %get3A_181 = vector.load %arg3[%get3A_179, %get3A_180] : memref<128x256xbf16, #tpu.memory_space<vmem>>, vector<128x256xbf16>
    %dot_general3A_182 = arith.constant dense<0.000000e+00> : vector<1024x256xf32>
    %dot_general3A_183 = tpu.matmul %convert_element_type3A_178, %get3A_181, %dot_general3A_182 {dimension_numbers = #tpu.dot_dimension_numbers<[1], [0], [0], [1], [0, 0, 1, 1], [], []>, transpose_lhs_hint = false} : vector<1024x128xbf16>, vector<128x256xbf16>, vector<1024x256xf32> -> vector<1024x256xf32>
    %add3A_184 = arith.addf %dot_general3A_183, %dot_general3A_8 : vector<1024x256xf32>
    %max3A_185 = arith.maximumf %max3A_168, %add3A_184 : vector<1024x256xf32>
    %add3A_186 = arith.addf %add3A_169, %add3A_184 : vector<1024x256xf32>
    %mul3A_187 = arith.mulf %add3A_184, %add3A_184 : vector<1024x256xf32>
    %add3A_188 = arith.addf %add3A_171, %mul3A_187 : vector<1024x256xf32>
    %get3A_189 = arith.constant 11 : index
    %get3A_190 = arith.constant 0 : index
    %get3A_191 = arith.constant 0 : index
    %get3A_192 = vector.load %arg2[%get3A_189, %get3A_190, %get3A_191] : memref<20x1024x128xf32, #tpu.memory_space<vmem>>, vector<1x1024x128xf32>
    %get3A_193 = vector.shape_cast %get3A_192 : vector<1x1024x128xf32> to vector<1024x128xf32>
    %sub3A_194 = arith.subf %get3A_193, %get3A_3 : vector<1024x128xf32>
    %convert_element_type3A_195 = arith.truncf %sub3A_194 : vector<1024x128xf32> to vector<1024x128xbf16>
    %get3A_196 = arith.constant 0 : index
    %get3A_197 = arith.constant 0 : index
    %get3A_198 = vector.load %arg3[%get3A_196, %get3A_197] : memref<128x256xbf16, #tpu.memory_space<vmem>>, vector<128x256xbf16>
    %dot_general3A_199 = arith.constant dense<0.000000e+00> : vector<1024x256xf32>
    %dot_general3A_200 = tpu.matmul %convert_element_type3A_195, %get3A_198, %dot_general3A_199 {dimension_numbers = #tpu.dot_dimension_numbers<[1], [0], [0], [1], [0, 0, 1, 1], [], []>, transpose_lhs_hint = false} : vector<1024x128xbf16>, vector<128x256xbf16>, vector<1024x256xf32> -> vector<1024x256xf32>
    %add3A_201 = arith.addf %dot_general3A_200, %dot_general3A_8 : vector<1024x256xf32>
    %max3A_202 = arith.maximumf %max3A_185, %add3A_201 : vector<1024x256xf32>
    %add3A_203 = arith.addf %add3A_186, %add3A_201 : vector<1024x256xf32>
    %mul3A_204 = arith.mulf %add3A_201, %add3A_201 : vector<1024x256xf32>
    %add3A_205 = arith.addf %add3A_188, %mul3A_204 : vector<1024x256xf32>
    %get3A_206 = arith.constant 12 : index
    %get3A_207 = arith.constant 0 : index
    %get3A_208 = arith.constant 0 : index
    %get3A_209 = vector.load %arg2[%get3A_206, %get3A_207, %get3A_208] : memref<20x1024x128xf32, #tpu.memory_space<vmem>>, vector<1x1024x128xf32>
    %get3A_210 = vector.shape_cast %get3A_209 : vector<1x1024x128xf32> to vector<1024x128xf32>
    %sub3A_211 = arith.subf %get3A_210, %get3A_3 : vector<1024x128xf32>
    %convert_element_type3A_212 = arith.truncf %sub3A_211 : vector<1024x128xf32> to vector<1024x128xbf16>
    %get3A_213 = arith.constant 0 : index
    %get3A_214 = arith.constant 0 : index
    %get3A_215 = vector.load %arg3[%get3A_213, %get3A_214] : memref<128x256xbf16, #tpu.memory_space<vmem>>, vector<128x256xbf16>
    %dot_general3A_216 = arith.constant dense<0.000000e+00> : vector<1024x256xf32>
    %dot_general3A_217 = tpu.matmul %convert_element_type3A_212, %get3A_215, %dot_general3A_216 {dimension_numbers = #tpu.dot_dimension_numbers<[1], [0], [0], [1], [0, 0, 1, 1], [], []>, transpose_lhs_hint = false} : vector<1024x128xbf16>, vector<128x256xbf16>, vector<1024x256xf32> -> vector<1024x256xf32>
    %add3A_218 = arith.addf %dot_general3A_217, %dot_general3A_8 : vector<1024x256xf32>
    %max3A_219 = arith.maximumf %max3A_202, %add3A_218 : vector<1024x256xf32>
    %add3A_220 = arith.addf %add3A_203, %add3A_218 : vector<1024x256xf32>
    %mul3A_221 = arith.mulf %add3A_218, %add3A_218 : vector<1024x256xf32>
    %add3A_222 = arith.addf %add3A_205, %mul3A_221 : vector<1024x256xf32>
    %get3A_223 = arith.constant 13 : index
    %get3A_224 = arith.constant 0 : index
    %get3A_225 = arith.constant 0 : index
    %get3A_226 = vector.load %arg2[%get3A_223, %get3A_224, %get3A_225] : memref<20x1024x128xf32, #tpu.memory_space<vmem>>, vector<1x1024x128xf32>
    %get3A_227 = vector.shape_cast %get3A_226 : vector<1x1024x128xf32> to vector<1024x128xf32>
    %sub3A_228 = arith.subf %get3A_227, %get3A_3 : vector<1024x128xf32>
    %convert_element_type3A_229 = arith.truncf %sub3A_228 : vector<1024x128xf32> to vector<1024x128xbf16>
    %get3A_230 = arith.constant 0 : index
    %get3A_231 = arith.constant 0 : index
    %get3A_232 = vector.load %arg3[%get3A_230, %get3A_231] : memref<128x256xbf16, #tpu.memory_space<vmem>>, vector<128x256xbf16>
    %dot_general3A_233 = arith.constant dense<0.000000e+00> : vector<1024x256xf32>
    %dot_general3A_234 = tpu.matmul %convert_element_type3A_229, %get3A_232, %dot_general3A_233 {dimension_numbers = #tpu.dot_dimension_numbers<[1], [0], [0], [1], [0, 0, 1, 1], [], []>, transpose_lhs_hint = false} : vector<1024x128xbf16>, vector<128x256xbf16>, vector<1024x256xf32> -> vector<1024x256xf32>
    %add3A_235 = arith.addf %dot_general3A_234, %dot_general3A_8 : vector<1024x256xf32>
    %max3A_236 = arith.maximumf %max3A_219, %add3A_235 : vector<1024x256xf32>
    %add3A_237 = arith.addf %add3A_220, %add3A_235 : vector<1024x256xf32>
    %mul3A_238 = arith.mulf %add3A_235, %add3A_235 : vector<1024x256xf32>
    %add3A_239 = arith.addf %add3A_222, %mul3A_238 : vector<1024x256xf32>
    %get3A_240 = arith.constant 14 : index
    %get3A_241 = arith.constant 0 : index
    %get3A_242 = arith.constant 0 : index
    %get3A_243 = vector.load %arg2[%get3A_240, %get3A_241, %get3A_242] : memref<20x1024x128xf32, #tpu.memory_space<vmem>>, vector<1x1024x128xf32>
    %get3A_244 = vector.shape_cast %get3A_243 : vector<1x1024x128xf32> to vector<1024x128xf32>
    %sub3A_245 = arith.subf %get3A_244, %get3A_3 : vector<1024x128xf32>
    %convert_element_type3A_246 = arith.truncf %sub3A_245 : vector<1024x128xf32> to vector<1024x128xbf16>
    %get3A_247 = arith.constant 0 : index
    %get3A_248 = arith.constant 0 : index
    %get3A_249 = vector.load %arg3[%get3A_247, %get3A_248] : memref<128x256xbf16, #tpu.memory_space<vmem>>, vector<128x256xbf16>
    %dot_general3A_250 = arith.constant dense<0.000000e+00> : vector<1024x256xf32>
    %dot_general3A_251 = tpu.matmul %convert_element_type3A_246, %get3A_249, %dot_general3A_250 {dimension_numbers = #tpu.dot_dimension_numbers<[1], [0], [0], [1], [0, 0, 1, 1], [], []>, transpose_lhs_hint = false} : vector<1024x128xbf16>, vector<128x256xbf16>, vector<1024x256xf32> -> vector<1024x256xf32>
    %add3A_252 = arith.addf %dot_general3A_251, %dot_general3A_8 : vector<1024x256xf32>
    %max3A_253 = arith.maximumf %max3A_236, %add3A_252 : vector<1024x256xf32>
    %add3A_254 = arith.addf %add3A_237, %add3A_252 : vector<1024x256xf32>
    %mul3A_255 = arith.mulf %add3A_252, %add3A_252 : vector<1024x256xf32>
    %add3A_256 = arith.addf %add3A_239, %mul3A_255 : vector<1024x256xf32>
    %get3A_257 = arith.constant 15 : index
    %get3A_258 = arith.constant 0 : index
    %get3A_259 = arith.constant 0 : index
    %get3A_260 = vector.load %arg2[%get3A_257, %get3A_258, %get3A_259] : memref<20x1024x128xf32, #tpu.memory_space<vmem>>, vector<1x1024x128xf32>
    %get3A_261 = vector.shape_cast %get3A_260 : vector<1x1024x128xf32> to vector<1024x128xf32>
    %sub3A_262 = arith.subf %get3A_261, %get3A_3 : vector<1024x128xf32>
    %convert_element_type3A_263 = arith.truncf %sub3A_262 : vector<1024x128xf32> to vector<1024x128xbf16>
    %get3A_264 = arith.constant 0 : index
    %get3A_265 = arith.constant 0 : index
    %get3A_266 = vector.load %arg3[%get3A_264, %get3A_265] : memref<128x256xbf16, #tpu.memory_space<vmem>>, vector<128x256xbf16>
    %dot_general3A_267 = arith.constant dense<0.000000e+00> : vector<1024x256xf32>
    %dot_general3A_268 = tpu.matmul %convert_element_type3A_263, %get3A_266, %dot_general3A_267 {dimension_numbers = #tpu.dot_dimension_numbers<[1], [0], [0], [1], [0, 0, 1, 1], [], []>, transpose_lhs_hint = false} : vector<1024x128xbf16>, vector<128x256xbf16>, vector<1024x256xf32> -> vector<1024x256xf32>
    %add3A_269 = arith.addf %dot_general3A_268, %dot_general3A_8 : vector<1024x256xf32>
    %max3A_270 = arith.maximumf %max3A_253, %add3A_269 : vector<1024x256xf32>
    %add3A_271 = arith.addf %add3A_254, %add3A_269 : vector<1024x256xf32>
    %mul3A_272 = arith.mulf %add3A_269, %add3A_269 : vector<1024x256xf32>
    %add3A_273 = arith.addf %add3A_256, %mul3A_272 : vector<1024x256xf32>
    %get3A_274 = arith.constant 16 : index
    %get3A_275 = arith.constant 0 : index
    %get3A_276 = arith.constant 0 : index
    %get3A_277 = vector.load %arg2[%get3A_274, %get3A_275, %get3A_276] : memref<20x1024x128xf32, #tpu.memory_space<vmem>>, vector<1x1024x128xf32>
    %get3A_278 = vector.shape_cast %get3A_277 : vector<1x1024x128xf32> to vector<1024x128xf32>
    %sub3A_279 = arith.subf %get3A_278, %get3A_3 : vector<1024x128xf32>
    %convert_element_type3A_280 = arith.truncf %sub3A_279 : vector<1024x128xf32> to vector<1024x128xbf16>
    %get3A_281 = arith.constant 0 : index
    %get3A_282 = arith.constant 0 : index
    %get3A_283 = vector.load %arg3[%get3A_281, %get3A_282] : memref<128x256xbf16, #tpu.memory_space<vmem>>, vector<128x256xbf16>
    %dot_general3A_284 = arith.constant dense<0.000000e+00> : vector<1024x256xf32>
    %dot_general3A_285 = tpu.matmul %convert_element_type3A_280, %get3A_283, %dot_general3A_284 {dimension_numbers = #tpu.dot_dimension_numbers<[1], [0], [0], [1], [0, 0, 1, 1], [], []>, transpose_lhs_hint = false} : vector<1024x128xbf16>, vector<128x256xbf16>, vector<1024x256xf32> -> vector<1024x256xf32>
    %add3A_286 = arith.addf %dot_general3A_285, %dot_general3A_8 : vector<1024x256xf32>
    %max3A_287 = arith.maximumf %max3A_270, %add3A_286 : vector<1024x256xf32>
    %add3A_288 = arith.addf %add3A_271, %add3A_286 : vector<1024x256xf32>
    %mul3A_289 = arith.mulf %add3A_286, %add3A_286 : vector<1024x256xf32>
    %add3A_290 = arith.addf %add3A_273, %mul3A_289 : vector<1024x256xf32>
    %get3A_291 = arith.constant 17 : index
    %get3A_292 = arith.constant 0 : index
    %get3A_293 = arith.constant 0 : index
    %get3A_294 = vector.load %arg2[%get3A_291, %get3A_292, %get3A_293] : memref<20x1024x128xf32, #tpu.memory_space<vmem>>, vector<1x1024x128xf32>
    %get3A_295 = vector.shape_cast %get3A_294 : vector<1x1024x128xf32> to vector<1024x128xf32>
    %sub3A_296 = arith.subf %get3A_295, %get3A_3 : vector<1024x128xf32>
    %convert_element_type3A_297 = arith.truncf %sub3A_296 : vector<1024x128xf32> to vector<1024x128xbf16>
    %get3A_298 = arith.constant 0 : index
    %get3A_299 = arith.constant 0 : index
    %get3A_300 = vector.load %arg3[%get3A_298, %get3A_299] : memref<128x256xbf16, #tpu.memory_space<vmem>>, vector<128x256xbf16>
    %dot_general3A_301 = arith.constant dense<0.000000e+00> : vector<1024x256xf32>
    %dot_general3A_302 = tpu.matmul %convert_element_type3A_297, %get3A_300, %dot_general3A_301 {dimension_numbers = #tpu.dot_dimension_numbers<[1], [0], [0], [1], [0, 0, 1, 1], [], []>, transpose_lhs_hint = false} : vector<1024x128xbf16>, vector<128x256xbf16>, vector<1024x256xf32> -> vector<1024x256xf32>
    %add3A_303 = arith.addf %dot_general3A_302, %dot_general3A_8 : vector<1024x256xf32>
    %max3A_304 = arith.maximumf %max3A_287, %add3A_303 : vector<1024x256xf32>
    %add3A_305 = arith.addf %add3A_288, %add3A_303 : vector<1024x256xf32>
    %mul3A_306 = arith.mulf %add3A_303, %add3A_303 : vector<1024x256xf32>
    %add3A_307 = arith.addf %add3A_290, %mul3A_306 : vector<1024x256xf32>
    %get3A_308 = arith.constant 18 : index
    %get3A_309 = arith.constant 0 : index
    %get3A_310 = arith.constant 0 : index
    %get3A_311 = vector.load %arg2[%get3A_308, %get3A_309, %get3A_310] : memref<20x1024x128xf32, #tpu.memory_space<vmem>>, vector<1x1024x128xf32>
    %get3A_312 = vector.shape_cast %get3A_311 : vector<1x1024x128xf32> to vector<1024x128xf32>
    %sub3A_313 = arith.subf %get3A_312, %get3A_3 : vector<1024x128xf32>
    %convert_element_type3A_314 = arith.truncf %sub3A_313 : vector<1024x128xf32> to vector<1024x128xbf16>
    %get3A_315 = arith.constant 0 : index
    %get3A_316 = arith.constant 0 : index
    %get3A_317 = vector.load %arg3[%get3A_315, %get3A_316] : memref<128x256xbf16, #tpu.memory_space<vmem>>, vector<128x256xbf16>
    %dot_general3A_318 = arith.constant dense<0.000000e+00> : vector<1024x256xf32>
    %dot_general3A_319 = tpu.matmul %convert_element_type3A_314, %get3A_317, %dot_general3A_318 {dimension_numbers = #tpu.dot_dimension_numbers<[1], [0], [0], [1], [0, 0, 1, 1], [], []>, transpose_lhs_hint = false} : vector<1024x128xbf16>, vector<128x256xbf16>, vector<1024x256xf32> -> vector<1024x256xf32>
    %add3A_320 = arith.addf %dot_general3A_319, %dot_general3A_8 : vector<1024x256xf32>
    %max3A_321 = arith.maximumf %max3A_304, %add3A_320 : vector<1024x256xf32>
    %add3A_322 = arith.addf %add3A_305, %add3A_320 : vector<1024x256xf32>
    %mul3A_323 = arith.mulf %add3A_320, %add3A_320 : vector<1024x256xf32>
    %add3A_324 = arith.addf %add3A_307, %mul3A_323 : vector<1024x256xf32>
    %get3A_325 = arith.constant 19 : index
    %get3A_326 = arith.constant 0 : index
    %get3A_327 = arith.constant 0 : index
    %get3A_328 = vector.load %arg2[%get3A_325, %get3A_326, %get3A_327] : memref<20x1024x128xf32, #tpu.memory_space<vmem>>, vector<1x1024x128xf32>
    %get3A_329 = vector.shape_cast %get3A_328 : vector<1x1024x128xf32> to vector<1024x128xf32>
    %sub3A_330 = arith.subf %get3A_329, %get3A_3 : vector<1024x128xf32>
    %convert_element_type3A_331 = arith.truncf %sub3A_330 : vector<1024x128xf32> to vector<1024x128xbf16>
    %get3A_332 = arith.constant 0 : index
    %get3A_333 = arith.constant 0 : index
    %get3A_334 = vector.load %arg3[%get3A_332, %get3A_333] : memref<128x256xbf16, #tpu.memory_space<vmem>>, vector<128x256xbf16>
    %dot_general3A_335 = arith.constant dense<0.000000e+00> : vector<1024x256xf32>
    %dot_general3A_336 = tpu.matmul %convert_element_type3A_331, %get3A_334, %dot_general3A_335 {dimension_numbers = #tpu.dot_dimension_numbers<[1], [0], [0], [1], [0, 0, 1, 1], [], []>, transpose_lhs_hint = false} : vector<1024x128xbf16>, vector<128x256xbf16>, vector<1024x256xf32> -> vector<1024x256xf32>
    %add3A_337 = arith.addf %dot_general3A_336, %dot_general3A_8 : vector<1024x256xf32>
    %max3A_338 = arith.maximumf %max3A_321, %add3A_337 : vector<1024x256xf32>
    %add3A_339 = arith.addf %add3A_322, %add3A_337 : vector<1024x256xf32>
    %mul3A_340 = arith.mulf %add3A_337, %add3A_337 : vector<1024x256xf32>
    %add3A_341 = arith.addf %add3A_324, %mul3A_340 : vector<1024x256xf32>
    %swap3A = arith.constant 0 : index
    %swap3A_342 = arith.constant 0 : index
    %swap3A_343 = vector.load %arg5[%swap3A, %swap3A_342] : memref<1024x256xf32, #tpu.memory_space<vmem>>, vector<1024x256xf32>
    tpu.vector_store %arg5[%swap3A, %swap3A_342], %max3A_338 {strides = array<i32>} : memref<1024x256xf32, #tpu.memory_space<vmem>>, vector<1024x256xf32>,
    %get3A_344 = arith.constant 0 : index
    %get3A_345 = arith.constant 0 : index
    %get3A_346 = vector.load %arg8[%get3A_344, %get3A_345] : memref<1x256xf32, #tpu.memory_space<vmem>>, vector<1x256xf32>
    %reduce_sum3A = arith.constant dense<0.000000e+00> : vector<256xf32>
    %reduce_sum3A_347 = vector.multi_reduction <add>, %add3A_339, %reduce_sum3A [0] : vector<1024x256xf32> to vector<256xf32>
    %broadcast_in_dim3A = vector.shape_cast %reduce_sum3A_347 : vector<256xf32> to vector<1x256xf32>
    %add3A_348 = arith.addf %get3A_346, %broadcast_in_dim3A : vector<1x256xf32>
    %swap3A_349 = arith.constant 0 : index
    %swap3A_350 = arith.constant 0 : index
    %swap3A_351 = vector.load %arg8[%swap3A_349, %swap3A_350] : memref<1x256xf32, #tpu.memory_space<vmem>>, vector<1x256xf32>
    tpu.vector_store %arg8[%swap3A_349, %swap3A_350], %add3A_348 {strides = array<i32>} : memref<1x256xf32, #tpu.memory_space<vmem>>, vector<1x256xf32>,
    %get3A_352 = arith.constant 0 : index
    %get3A_353 = arith.constant 0 : index
    %get3A_354 = vector.load %arg9[%get3A_352, %get3A_353] : memref<1x256xf32, #tpu.memory_space<vmem>>, vector<1x256xf32>
    %reduce_sum3A_355 = arith.constant dense<0.000000e+00> : vector<256xf32>
    %reduce_sum3A_356 = vector.multi_reduction <add>, %add3A_341, %reduce_sum3A_355 [0] : vector<1024x256xf32> to vector<256xf32>
    %broadcast_in_dim3A_357 = vector.shape_cast %reduce_sum3A_356 : vector<256xf32> to vector<1x256xf32>
    %add3A_358 = arith.addf %get3A_354, %broadcast_in_dim3A_357 : vector<1x256xf32>
    %swap3A_359 = arith.constant 0 : index
    %swap3A_360 = arith.constant 0 : index
    %swap3A_361 = vector.load %arg9[%swap3A_359, %swap3A_360] : memref<1x256xf32, #tpu.memory_space<vmem>>, vector<1x256xf32>
    tpu.vector_store %arg9[%swap3A_359, %swap3A_360], %add3A_358 {strides = array<i32>} : memref<1x256xf32, #tpu.memory_space<vmem>>, vector<1x256xf32>,
    %eq3A_362 = arith.constant 3 : i32
    %eq3A_363 = arith.cmpi eq, %arg0, %eq3A_362 : i32
    %convert_element_type3A_364 = arith.extui %eq3A_363 : i1 to i32
    %cond3A_365 = arith.constant 0 : i32
    %cond3A_366 = arith.cmpi ne, %convert_element_type3A_364, %cond3A_365 : i32
    scf.if %cond3A_366 {
      %get3A_367 = arith.constant 0 : index
      %get3A_368 = arith.constant 0 : index
      %get3A_369 = vector.load %arg8[%get3A_367, %get3A_368] : memref<1x256xf32, #tpu.memory_space<vmem>>, vector<1x256xf32>
      %swap3A_370 = arith.constant 0 : index
      %swap3A_371 = arith.constant 0 : index
      %swap3A_372 = vector.load %arg6[%swap3A_370, %swap3A_371] : memref<1x256xf32, #tpu.memory_space<vmem>>, vector<1x256xf32>
      tpu.vector_store %arg6[%swap3A_370, %swap3A_371], %get3A_369 {strides = array<i32>} : memref<1x256xf32, #tpu.memory_space<vmem>>, vector<1x256xf32>,
      %get3A_373 = arith.constant 0 : index
      %get3A_374 = arith.constant 0 : index
      %get3A_375 = vector.load %arg9[%get3A_373, %get3A_374] : memref<1x256xf32, #tpu.memory_space<vmem>>, vector<1x256xf32>
      %swap3A_376 = arith.constant 0 : index
      %swap3A_377 = arith.constant 0 : index
      %swap3A_378 = vector.load %arg7[%swap3A_376, %swap3A_377] : memref<1x256xf32, #tpu.memory_space<vmem>>, vector<1x256xf32>
      tpu.vector_store %arg7[%swap3A_376, %swap3A_377], %get3A_375 {strides = array<i32>} : memref<1x256xf32, #tpu.memory_space<vmem>>, vector<1x256xf32>,
    } else {
    }
    return
  }
  func.func @transform_0(%arg0: i32) -> (i32, i32) {
    %c0_i32 = arith.constant 0 : i32
    %c0_i32_0 = arith.constant 0 : i32
    return %arg0, %c0_i32 : i32, i32
  }
  func.func @transform_1(%arg0: i32) -> (i32, i32, i32) {
    %c0_i32 = arith.constant 0 : i32
    %c0_i32_0 = arith.constant 0 : i32
    %c0_i32_1 = arith.constant 0 : i32
    return %c0_i32, %arg0, %c0_i32_0 : i32, i32, i32
  }
  func.func @transform_2(%arg0: i32) -> (i32, i32) {
    %c0_i32 = arith.constant 0 : i32
    %c0_i32_0 = arith.constant 0 : i32
    %c0_i32_1 = arith.constant 0 : i32
    return %c0_i32, %c0_i32_0 : i32, i32
  }
  func.func @transform_3(%arg0: i32) -> (i32, i32) {
    %c0_i32 = arith.constant 0 : i32
    %c0_i32_0 = arith.constant 0 : i32
    %c0_i32_1 = arith.constant 0 : i32
    return %c0_i32, %c0_i32_0 : i32, i32
  }
  func.func @transform_4(%arg0: i32) -> (i32, i32) {
    %c0_i32 = arith.constant 0 : i32
    %c0_i32_0 = arith.constant 0 : i32
    return %arg0, %c0_i32 : i32, i32
  }
  func.func @transform_5(%arg0: i32) -> (i32, i32) {
    %c0_i32 = arith.constant 0 : i32
    %c0_i32_0 = arith.constant 0 : i32
    %c0_i32_1 = arith.constant 0 : i32
    return %c0_i32, %c0_i32_0 : i32, i32
  }
  func.func @transform_6(%arg0: i32) -> (i32, i32) {
    %c0_i32 = arith.constant 0 : i32
    %c0_i32_0 = arith.constant 0 : i32
    %c0_i32_1 = arith.constant 0 : i32
    return %c0_i32, %c0_i32_0 : i32, i32
  }
}

module attributes {stable_mosaic.version = 14 : i64} {
  func.func @_bn_body(%arg0: memref<4096x256xf32, #tpu.memory_space<vmem>>, %arg1: memref<1x256xf32, #tpu.memory_space<vmem>>, %arg2: memref<1x256xf32, #tpu.memory_space<vmem>>, %arg3: memref<1x256xf32, #tpu.memory_space<vmem>>, %arg4: memref<1x256xf32, #tpu.memory_space<vmem>>, %arg5: memref<4096x256xf32, #tpu.memory_space<vmem>>) attributes {dimension_semantics = [], scalar_prefetch = 0 : i64, scratch_operands = 0 : i64, tpu.core_type = #tpu.core_type<tc>} {
    %get3A = arith.constant 0 : index
    %get3A_0 = arith.constant 0 : index
    %get3A_1 = vector.load %arg1[%get3A, %get3A_0] : memref<1x256xf32, #tpu.memory_space<vmem>>, vector<1x256xf32>
    %div3A = arith.constant 8.192000e+04 : f32
    %div3A_2 = vector.broadcast %div3A : f32 to vector<1x256xf32>
    %div3A_3 = arith.divf %get3A_1, %div3A_2 : vector<1x256xf32>
    %get3A_4 = arith.constant 0 : index
    %get3A_5 = arith.constant 0 : index
    %get3A_6 = vector.load %arg2[%get3A_4, %get3A_5] : memref<1x256xf32, #tpu.memory_space<vmem>>, vector<1x256xf32>
    %div3A_7 = arith.constant 8.192000e+04 : f32
    %div3A_8 = vector.broadcast %div3A_7 : f32 to vector<1x256xf32>
    %div3A_9 = arith.divf %get3A_6, %div3A_8 : vector<1x256xf32>
    %mul3A = arith.mulf %div3A_3, %div3A_3 : vector<1x256xf32>
    %sub3A = arith.subf %div3A_9, %mul3A : vector<1x256xf32>
    %add3A = arith.constant 9.99999974E-6 : f32
    %add3A_10 = vector.broadcast %add3A : f32 to vector<1x256xf32>
    %add3A_11 = arith.addf %sub3A, %add3A_10 : vector<1x256xf32>
    %rsqrt3A = math.rsqrt %add3A_11 : vector<1x256xf32>
    %get3A_12 = arith.constant 0 : index
    %get3A_13 = arith.constant 0 : index
    %get3A_14 = vector.load %arg0[%get3A_12, %get3A_13] : memref<4096x256xf32, #tpu.memory_space<vmem>>, vector<4096x256xf32>
    %sub3A_15 = vector.broadcast %div3A_3 : vector<1x256xf32> to vector<4096x256xf32>
    %sub3A_16 = arith.subf %get3A_14, %sub3A_15 : vector<4096x256xf32>
    %mul3A_17 = vector.broadcast %rsqrt3A : vector<1x256xf32> to vector<4096x256xf32>
    %mul3A_18 = arith.mulf %sub3A_16, %mul3A_17 : vector<4096x256xf32>
    %get3A_19 = arith.constant 0 : index
    %get3A_20 = arith.constant 0 : index
    %get3A_21 = vector.load %arg3[%get3A_19, %get3A_20] : memref<1x256xf32, #tpu.memory_space<vmem>>, vector<1x256xf32>
    %mul3A_22 = vector.broadcast %get3A_21 : vector<1x256xf32> to vector<4096x256xf32>
    %mul3A_23 = arith.mulf %mul3A_18, %mul3A_22 : vector<4096x256xf32>
    %get3A_24 = arith.constant 0 : index
    %get3A_25 = arith.constant 0 : index
    %get3A_26 = vector.load %arg4[%get3A_24, %get3A_25] : memref<1x256xf32, #tpu.memory_space<vmem>>, vector<1x256xf32>
    %add3A_27 = vector.broadcast %get3A_26 : vector<1x256xf32> to vector<4096x256xf32>
    %add3A_28 = arith.addf %mul3A_23, %add3A_27 : vector<4096x256xf32>
    %ge3A = arith.constant 0.000000e+00 : f32
    %ge3A_29 = vector.broadcast %ge3A : f32 to vector<4096x256xf32>
    %ge3A_30 = arith.cmpf oge, %add3A_28, %ge3A_29 : vector<4096x256xf32>
    %mul3A_31 = arith.constant 2.000000e-01 : f32
    %mul3A_32 = vector.broadcast %mul3A_31 : f32 to vector<4096x256xf32>
    %mul3A_33 = arith.mulf %mul3A_32, %add3A_28 : vector<4096x256xf32>
    %select_n3A = arith.select %ge3A_30, %add3A_28, %mul3A_33 : vector<4096x256xi1>, vector<4096x256xf32>
    %swap3A = arith.constant 0 : index
    %swap3A_34 = arith.constant 0 : index
    %swap3A_35 = vector.load %arg5[%swap3A, %swap3A_34] : memref<4096x256xf32, #tpu.memory_space<vmem>>, vector<4096x256xf32>
    tpu.vector_store %arg5[%swap3A, %swap3A_34], %select_n3A {strides = array<i32>} : memref<4096x256xf32, #tpu.memory_space<vmem>>, vector<4096x256xf32>,
    return
  }
}

module attributes {stable_mosaic.version = 14 : i64} {
  func.func @_t3_body(%arg0: i32, %arg1: memref<1024x64xf32, #tpu.memory_space<vmem>>, %arg2: memref<1024x64xf32, #tpu.memory_space<vmem>>, %arg3: memref<1024x128xf32, #tpu.memory_space<vmem>>, %arg4: memref<1024x256xf32, #tpu.memory_space<vmem>>, %arg5: memref<64x1024xbf16, #tpu.memory_space<vmem>>, %arg6: memref<64x1024xbf16, #tpu.memory_space<vmem>>, %arg7: memref<128x1024xbf16, #tpu.memory_space<vmem>>, %arg8: memref<256x1024xbf16, #tpu.memory_space<vmem>>, %arg9: memref<1x1024xf32, #tpu.memory_space<vmem>>, %arg10: memref<1x1024xf32, #tpu.memory_space<vmem>>, %arg11: memref<4x1024xf32, #tpu.memory_space<vmem>>, %arg12: memref<1x1024xf32, #tpu.memory_space<vmem>>, %arg13: memref<1x1024xf32, #tpu.memory_space<vmem>>) attributes {dimension_semantics = [#tpu.dimension_semantics<arbitrary>], iteration_bounds = array<i64: 4>, scalar_prefetch = 0 : i64, scratch_operands = 2 : i64, tpu.core_type = #tpu.core_type<tc>, window_params = [{transform_indices = @transform_0, window_bounds = array<i64: 1024, 64>}, {transform_indices = @transform_1, window_bounds = array<i64: 1024, 64>}, {transform_indices = @transform_2, window_bounds = array<i64: 1024, 128>}, {transform_indices = @transform_3, window_bounds = array<i64: 1024, 256>}, {pipeline_mode = #tpu.pipeline_mode<synchronous>, transform_indices = @transform_4, window_bounds = array<i64: 64, 1024>}, {pipeline_mode = #tpu.pipeline_mode<synchronous>, transform_indices = @transform_5, window_bounds = array<i64: 64, 1024>}, {pipeline_mode = #tpu.pipeline_mode<synchronous>, transform_indices = @transform_6, window_bounds = array<i64: 128, 1024>}, {pipeline_mode = #tpu.pipeline_mode<synchronous>, transform_indices = @transform_7, window_bounds = array<i64: 256, 1024>}, {pipeline_mode = #tpu.pipeline_mode<synchronous>, transform_indices = @transform_8, window_bounds = array<i64: 1, 1024>}, {pipeline_mode = #tpu.pipeline_mode<synchronous>, transform_indices = @transform_9, window_bounds = array<i64: 1, 1024>}, {pipeline_mode = #tpu.pipeline_mode<synchronous>, transform_indices = @transform_10, window_bounds = array<i64: 4, 1024>}]} {
    %get3A = arith.constant 0 : index
    %get3A_0 = arith.constant 0 : index
    %get3A_1 = vector.load %arg1[%get3A, %get3A_0] : memref<1024x64xf32, #tpu.memory_space<vmem>>, vector<1024x64xf32>
    %convert_element_type3A = arith.truncf %get3A_1 : vector<1024x64xf32> to vector<1024x64xbf16>
    %get3A_2 = arith.constant 0 : index
    %get3A_3 = arith.constant 0 : index
    %get3A_4 = vector.load %arg5[%get3A_2, %get3A_3] : memref<64x1024xbf16, #tpu.memory_space<vmem>>, vector<64x1024xbf16>
    %dot_general3A = arith.constant dense<0.000000e+00> : vector<1024x1024xf32>
    %dot_general3A_5 = tpu.matmul %convert_element_type3A, %get3A_4, %dot_general3A {dimension_numbers = #tpu.dot_dimension_numbers<[1], [0], [0], [1], [0, 0, 1, 1], [], []>, transpose_lhs_hint = false} : vector<1024x64xbf16>, vector<64x1024xbf16>, vector<1024x1024xf32> -> vector<1024x1024xf32>
    %get3A_6 = arith.constant 0 : index
    %get3A_7 = arith.constant 0 : index
    %get3A_8 = vector.load %arg2[%get3A_6, %get3A_7] : memref<1024x64xf32, #tpu.memory_space<vmem>>, vector<1024x64xf32>
    %convert_element_type3A_9 = arith.truncf %get3A_8 : vector<1024x64xf32> to vector<1024x64xbf16>
    %get3A_10 = arith.constant 0 : index
    %get3A_11 = arith.constant 0 : index
    %get3A_12 = vector.load %arg6[%get3A_10, %get3A_11] : memref<64x1024xbf16, #tpu.memory_space<vmem>>, vector<64x1024xbf16>
    %dot_general3A_13 = arith.constant dense<0.000000e+00> : vector<1024x1024xf32>
    %dot_general3A_14 = tpu.matmul %convert_element_type3A_9, %get3A_12, %dot_general3A_13 {dimension_numbers = #tpu.dot_dimension_numbers<[1], [0], [0], [1], [0, 0, 1, 1], [], []>, transpose_lhs_hint = false} : vector<1024x64xbf16>, vector<64x1024xbf16>, vector<1024x1024xf32> -> vector<1024x1024xf32>
    %add3A = arith.addf %dot_general3A_5, %dot_general3A_14 : vector<1024x1024xf32>
    %get3A_15 = arith.constant 0 : index
    %get3A_16 = arith.constant 0 : index
    %get3A_17 = vector.load %arg3[%get3A_15, %get3A_16] : memref<1024x128xf32, #tpu.memory_space<vmem>>, vector<1024x128xf32>
    %convert_element_type3A_18 = arith.truncf %get3A_17 : vector<1024x128xf32> to vector<1024x128xbf16>
    %get3A_19 = arith.constant 0 : index
    %get3A_20 = arith.constant 0 : index
    %get3A_21 = vector.load %arg7[%get3A_19, %get3A_20] : memref<128x1024xbf16, #tpu.memory_space<vmem>>, vector<128x1024xbf16>
    %dot_general3A_22 = arith.constant dense<0.000000e+00> : vector<1024x1024xf32>
    %dot_general3A_23 = tpu.matmul %convert_element_type3A_18, %get3A_21, %dot_general3A_22 {dimension_numbers = #tpu.dot_dimension_numbers<[1], [0], [0], [1], [0, 0, 1, 1], [], []>, transpose_lhs_hint = false} : vector<1024x128xbf16>, vector<128x1024xbf16>, vector<1024x1024xf32> -> vector<1024x1024xf32>
    %add3A_24 = arith.addf %add3A, %dot_general3A_23 : vector<1024x1024xf32>
    %get3A_25 = arith.constant 0 : index
    %get3A_26 = arith.constant 0 : index
    %get3A_27 = vector.load %arg4[%get3A_25, %get3A_26] : memref<1024x256xf32, #tpu.memory_space<vmem>>, vector<1024x256xf32>
    %convert_element_type3A_28 = arith.truncf %get3A_27 : vector<1024x256xf32> to vector<1024x256xbf16>
    %get3A_29 = arith.constant 0 : index
    %get3A_30 = arith.constant 0 : index
    %get3A_31 = vector.load %arg8[%get3A_29, %get3A_30] : memref<256x1024xbf16, #tpu.memory_space<vmem>>, vector<256x1024xbf16>
    %dot_general3A_32 = arith.constant dense<0.000000e+00> : vector<1024x1024xf32>
    %dot_general3A_33 = tpu.matmul %convert_element_type3A_28, %get3A_31, %dot_general3A_32 {dimension_numbers = #tpu.dot_dimension_numbers<[1], [0], [0], [1], [0, 0, 1, 1], [], []>, transpose_lhs_hint = false} : vector<1024x256xbf16>, vector<256x1024xbf16>, vector<1024x1024xf32> -> vector<1024x1024xf32>
    %add3A_34 = arith.addf %add3A_24, %dot_general3A_33 : vector<1024x1024xf32>
    %eq3A = arith.constant 0 : i32
    %eq3A_35 = arith.cmpi eq, %arg0, %eq3A : i32
    %convert_element_type3A_36 = arith.extui %eq3A_35 : i1 to i32
    %cond3A = arith.constant 0 : i32
    %cond3A_37 = arith.cmpi ne, %convert_element_type3A_36, %cond3A : i32
    scf.if %cond3A_37 {
      %broadcast_in_dim3A_65 = arith.constant 0.000000e+00 : f32
      %broadcast_in_dim3A_66 = vector.broadcast %broadcast_in_dim3A_65 : f32 to vector<1x1024xf32>
      %swap3A_67 = arith.constant 0 : index
      %swap3A_68 = arith.constant 0 : index
      %swap3A_69 = vector.load %arg12[%swap3A_67, %swap3A_68] : memref<1x1024xf32, #tpu.memory_space<vmem>>, vector<1x1024xf32>
      tpu.vector_store %arg12[%swap3A_67, %swap3A_68], %broadcast_in_dim3A_66 {strides = array<i32>} : memref<1x1024xf32, #tpu.memory_space<vmem>>, vector<1x1024xf32>,
      %broadcast_in_dim3A_70 = arith.constant 0.000000e+00 : f32
      %broadcast_in_dim3A_71 = vector.broadcast %broadcast_in_dim3A_70 : f32 to vector<1x1024xf32>
      %swap3A_72 = arith.constant 0 : index
      %swap3A_73 = arith.constant 0 : index
      %swap3A_74 = vector.load %arg13[%swap3A_72, %swap3A_73] : memref<1x1024xf32, #tpu.memory_space<vmem>>, vector<1x1024xf32>
      tpu.vector_store %arg13[%swap3A_72, %swap3A_73], %broadcast_in_dim3A_71 {strides = array<i32>} : memref<1x1024xf32, #tpu.memory_space<vmem>>, vector<1x1024xf32>,
    } else {
    }
    %get3A_38 = arith.constant 0 : index
    %get3A_39 = arith.constant 0 : index
    %get3A_40 = vector.load %arg12[%get3A_38, %get3A_39] : memref<1x1024xf32, #tpu.memory_space<vmem>>, vector<1x1024xf32>
    %reduce_sum3A = arith.constant dense<0.000000e+00> : vector<1024xf32>
    %reduce_sum3A_41 = vector.multi_reduction <add>, %add3A_34, %reduce_sum3A [0] : vector<1024x1024xf32> to vector<1024xf32>
    %broadcast_in_dim3A = vector.shape_cast %reduce_sum3A_41 : vector<1024xf32> to vector<1x1024xf32>
    %add3A_42 = arith.addf %get3A_40, %broadcast_in_dim3A : vector<1x1024xf32>
    %swap3A = arith.constant 0 : index
    %swap3A_43 = arith.constant 0 : index
    %swap3A_44 = vector.load %arg12[%swap3A, %swap3A_43] : memref<1x1024xf32, #tpu.memory_space<vmem>>, vector<1x1024xf32>
    tpu.vector_store %arg12[%swap3A, %swap3A_43], %add3A_42 {strides = array<i32>} : memref<1x1024xf32, #tpu.memory_space<vmem>>, vector<1x1024xf32>,
    %get3A_45 = arith.constant 0 : index
    %get3A_46 = arith.constant 0 : index
    %get3A_47 = vector.load %arg13[%get3A_45, %get3A_46] : memref<1x1024xf32, #tpu.memory_space<vmem>>, vector<1x1024xf32>
    %mul3A = arith.mulf %add3A_34, %add3A_34 : vector<1024x1024xf32>
    %reduce_sum3A_48 = arith.constant dense<0.000000e+00> : vector<1024xf32>
    %reduce_sum3A_49 = vector.multi_reduction <add>, %mul3A, %reduce_sum3A_48 [0] : vector<1024x1024xf32> to vector<1024xf32>
    %broadcast_in_dim3A_50 = vector.shape_cast %reduce_sum3A_49 : vector<1024xf32> to vector<1x1024xf32>
    %add3A_51 = arith.addf %get3A_47, %broadcast_in_dim3A_50 : vector<1x1024xf32>
    %swap3A_52 = arith.constant 0 : index
    %swap3A_53 = arith.constant 0 : index
    %swap3A_54 = vector.load %arg13[%swap3A_52, %swap3A_53] : memref<1x1024xf32, #tpu.memory_space<vmem>>, vector<1x1024xf32>
    tpu.vector_store %arg13[%swap3A_52, %swap3A_53], %add3A_51 {strides = array<i32>} : memref<1x1024xf32, #tpu.memory_space<vmem>>, vector<1x1024xf32>,
    %reduce_max3A = arith.constant dense<0xFF800000> : vector<1024xf32>
    %reduce_max3A_55 = vector.multi_reduction <maximumf>, %add3A_34, %reduce_max3A [0] : vector<1024x1024xf32> to vector<1024xf32>
    %broadcast_in_dim3A_56 = vector.shape_cast %reduce_max3A_55 : vector<1024xf32> to vector<1x1024xf32>
    %swap3A_57 = arith.index_cast %arg0 : i32 to index
    %swap3A_58 = arith.constant 0 : index
    %swap3A_59 = vector.load %arg11[%swap3A_57, %swap3A_58] : memref<4x1024xf32, #tpu.memory_space<vmem>>, vector<1x1024xf32>
    tpu.vector_store %arg11[%swap3A_57, %swap3A_58], %broadcast_in_dim3A_56 {strides = array<i32>} : memref<4x1024xf32, #tpu.memory_space<vmem>>, vector<1x1024xf32>,
    %eq3A_60 = arith.constant 3 : i32
    %eq3A_61 = arith.cmpi eq, %arg0, %eq3A_60 : i32
    %convert_element_type3A_62 = arith.extui %eq3A_61 : i1 to i32
    %cond3A_63 = arith.constant 0 : i32
    %cond3A_64 = arith.cmpi ne, %convert_element_type3A_62, %cond3A_63 : i32
    scf.if %cond3A_64 {
      %get3A_65 = arith.constant 0 : index
      %get3A_66 = arith.constant 0 : index
      %get3A_67 = vector.load %arg12[%get3A_65, %get3A_66] : memref<1x1024xf32, #tpu.memory_space<vmem>>, vector<1x1024xf32>
      %div3A = arith.constant 4.096000e+03 : f32
      %div3A_68 = vector.broadcast %div3A : f32 to vector<1x1024xf32>
      %div3A_69 = arith.divf %get3A_67, %div3A_68 : vector<1x1024xf32>
      %get3A_70 = arith.constant 0 : index
      %get3A_71 = arith.constant 0 : index
      %get3A_72 = vector.load %arg13[%get3A_70, %get3A_71] : memref<1x1024xf32, #tpu.memory_space<vmem>>, vector<1x1024xf32>
      %div3A_73 = arith.constant 4.096000e+03 : f32
      %div3A_74 = vector.broadcast %div3A_73 : f32 to vector<1x1024xf32>
      %div3A_75 = arith.divf %get3A_72, %div3A_74 : vector<1x1024xf32>
      %mul3A_76 = arith.mulf %div3A_69, %div3A_69 : vector<1x1024xf32>
      %sub3A = arith.subf %div3A_75, %mul3A_76 : vector<1x1024xf32>
      %add3A_77 = arith.constant 9.99999974E-6 : f32
      %add3A_78 = vector.broadcast %add3A_77 : f32 to vector<1x1024xf32>
      %add3A_79 = arith.addf %sub3A, %add3A_78 : vector<1x1024xf32>
      %rsqrt3A = math.rsqrt %add3A_79 : vector<1x1024xf32>
      %get3A_80 = arith.constant 0 : index
      %get3A_81 = arith.constant 0 : index
      %get3A_82 = vector.load %arg11[%get3A_80, %get3A_81] : memref<4x1024xf32, #tpu.memory_space<vmem>>, vector<4x1024xf32>
      %sub3A_83 = vector.broadcast %div3A_69 : vector<1x1024xf32> to vector<4x1024xf32>
      %sub3A_84 = arith.subf %get3A_82, %sub3A_83 : vector<4x1024xf32>
      %mul3A_85 = vector.broadcast %rsqrt3A : vector<1x1024xf32> to vector<4x1024xf32>
      %mul3A_86 = arith.mulf %sub3A_84, %mul3A_85 : vector<4x1024xf32>
      %get3A_87 = arith.constant 0 : index
      %get3A_88 = arith.constant 0 : index
      %get3A_89 = vector.load %arg9[%get3A_87, %get3A_88] : memref<1x1024xf32, #tpu.memory_space<vmem>>, vector<1x1024xf32>
      %mul3A_90 = vector.broadcast %get3A_89 : vector<1x1024xf32> to vector<4x1024xf32>
      %mul3A_91 = arith.mulf %mul3A_86, %mul3A_90 : vector<4x1024xf32>
      %get3A_92 = arith.constant 0 : index
      %get3A_93 = arith.constant 0 : index
      %get3A_94 = vector.load %arg10[%get3A_92, %get3A_93] : memref<1x1024xf32, #tpu.memory_space<vmem>>, vector<1x1024xf32>
      %add3A_95 = vector.broadcast %get3A_94 : vector<1x1024xf32> to vector<4x1024xf32>
      %add3A_96 = arith.addf %mul3A_91, %add3A_95 : vector<4x1024xf32>
      %ge3A = arith.constant 0.000000e+00 : f32
      %ge3A_97 = vector.broadcast %ge3A : f32 to vector<4x1024xf32>
      %ge3A_98 = arith.cmpf oge, %add3A_96, %ge3A_97 : vector<4x1024xf32>
      %mul3A_99 = arith.constant 2.000000e-01 : f32
      %mul3A_100 = vector.broadcast %mul3A_99 : f32 to vector<4x1024xf32>
      %mul3A_101 = arith.mulf %mul3A_100, %add3A_96 : vector<4x1024xf32>
      %select_n3A = arith.select %ge3A_98, %add3A_96, %mul3A_101 : vector<4x1024xi1>, vector<4x1024xf32>
      %swap3A_102 = arith.constant 0 : index
      %swap3A_103 = arith.constant 0 : index
      %swap3A_104 = vector.load %arg11[%swap3A_102, %swap3A_103] : memref<4x1024xf32, #tpu.memory_space<vmem>>, vector<4x1024xf32>
      tpu.vector_store %arg11[%swap3A_102, %swap3A_103], %select_n3A {strides = array<i32>} : memref<4x1024xf32, #tpu.memory_space<vmem>>, vector<4x1024xf32>,
    } else {
    }
    return
  }
  func.func @transform_0(%arg0: i32) -> (i32, i32) {
    %c0_i32 = arith.constant 0 : i32
    %c0_i32_0 = arith.constant 0 : i32
    return %arg0, %c0_i32 : i32, i32
  }
  func.func @transform_1(%arg0: i32) -> (i32, i32) {
    %c0_i32 = arith.constant 0 : i32
    %c0_i32_0 = arith.constant 0 : i32
    return %arg0, %c0_i32 : i32, i32
  }
  func.func @transform_2(%arg0: i32) -> (i32, i32) {
    %c0_i32 = arith.constant 0 : i32
    %c0_i32_0 = arith.constant 0 : i32
    return %arg0, %c0_i32 : i32, i32
  }
  func.func @transform_3(%arg0: i32) -> (i32, i32) {
    %c0_i32 = arith.constant 0 : i32
    %c0_i32_0 = arith.constant 0 : i32
    return %arg0, %c0_i32 : i32, i32
  }
  func.func @transform_4(%arg0: i32) -> (i32, i32) {
    %c0_i32 = arith.constant 0 : i32
    %c0_i32_0 = arith.constant 0 : i32
    %c0_i32_1 = arith.constant 0 : i32
    return %c0_i32, %c0_i32_0 : i32, i32
  }
  func.func @transform_5(%arg0: i32) -> (i32, i32) {
    %c0_i32 = arith.constant 0 : i32
    %c0_i32_0 = arith.constant 0 : i32
    %c0_i32_1 = arith.constant 0 : i32
    return %c0_i32, %c0_i32_0 : i32, i32
  }
  func.func @transform_6(%arg0: i32) -> (i32, i32) {
    %c0_i32 = arith.constant 0 : i32
    %c0_i32_0 = arith.constant 0 : i32
    %c0_i32_1 = arith.constant 0 : i32
    return %c0_i32, %c0_i32_0 : i32, i32
  }
  func.func @transform_7(%arg0: i32) -> (i32, i32) {
    %c0_i32 = arith.constant 0 : i32
    %c0_i32_0 = arith.constant 0 : i32
    %c0_i32_1 = arith.constant 0 : i32
    return %c0_i32, %c0_i32_0 : i32, i32
  }
  func.func @transform_8(%arg0: i32) -> (i32, i32) {
    %c0_i32 = arith.constant 0 : i32
    %c0_i32_0 = arith.constant 0 : i32
    %c0_i32_1 = arith.constant 0 : i32
    return %c0_i32, %c0_i32_0 : i32, i32
  }
  func.func @transform_9(%arg0: i32) -> (i32, i32) {
    %c0_i32 = arith.constant 0 : i32
    %c0_i32_0 = arith.constant 0 : i32
    %c0_i32_1 = arith.constant 0 : i32
    return %c0_i32, %c0_i32_0 : i32, i32
  }
  func.func @transform_10(%arg0: i32) -> (i32, i32) {
    %c0_i32 = arith.constant 0 : i32
    %c0_i32_0 = arith.constant 0 : i32
    %c0_i32_1 = arith.constant 0 : i32
    return %c0_i32, %c0_i32_0 : i32, i32
  }
}

</mosaic_0001>

<sc_bundles>
// kernel: kernel.19.cloned.1.call-start
scs
__scs_entry_jumppad:
0x0: {  	(pc) =	sbr.rel $0x88, $3  }
0x1: {  	(tag) =	ssettag $0x0;
	lr =	simm.s32 $0x1  }
0x2: {  	[smem:$0x3F91] =	sst lr;
	_ =	strace $0xD0000000  }
0x3: {  	_ = 	snop  }
0x4: {  	_ = 	snop  }
0x5: {  	_ = 	snop  }
0x6: {  	_ = 	snop  }
0x7: {  	_ = 	snop  }
__scs_overlays_trampoline_lowered:
0x8: {  	[smem:$0x3FA0] =	sst s0  }
0x9: {  	[smem:$0x3FA1] =	sst s1  }
0xa: {  	[smem:$0x3FA2] =	sst s2  }
0xb: {  	[smem:$0x3FA3] =	sst s3  }
0xc: {  	[smem:$0x3FA4] =	sst s4  }
0xd: {  	[smem:$0x3FA5] =	sst s5  }
0xe: {  	[smem:$0x3FA6] =	sst s6  }
0xf: {  	[smem:$0x3FA7] =	sst s7  }
0x10: {  	[smem:$0x3FA8] =	sst s8  }
0x11: {  	[smem:$0x3FA9] =	sst s9;
	s0 =	simm.s32 @!p0 $0x0  }
0x12: {  	s1 =	sld [smem:$0x3F8F];
	s0 =	simm.s32 @p0 $0x1  }
0x13: {  	[smem:$0x3FAA] =	sst s0;
	s0 =	simm.s32 @!p1 $0x0  }
0x14: {  	s2 =	sld [smem:$0x3F8E];
	s0 =	simm.s32 @p1 $0x1  }
0x15: {  	[smem:$0x3FAB] =	sst s0;
	s0 =	simm.s32 @!p2 $0x0  }
0x16: {  	s3 =	sld [smem:$0x3FDB];
	s0 =	simm.s32 @p2 $0x1  }
0x17: {  	s4 =	simm.s32 $0x1BF5;
	[smem:$0x3FAD] =	sst s0  }
0x18: {  	s0 =	sld [smem:$0x3F90];
	_ =	swait.ge [sflag:s4], $0x0  }
0x19: {  	s7 =	sld [smem:$0x3F91]  }
0x1a: {  	s8 =	sadd.s32 $0xFFFFE003, lr  }
0x1b: {  	s9 =	sadd.s32 $0xFFFFFEF7, lr;
	s5 =	simm.s32 $0xFFFFFFFF;
	p2 =	slt.u32 s8, $0xFFFFF086  }
0x1c: {  	p1 =	slt.u32 s9, $0xF7A;
	s5 =	simm.s32 @!p2 $0x0  }
0x1d: {  	s5 =	simm.s32 @p1 $0x1;
	p0 =	seq.s32 s7, s2  }
0x1e: {  	s7 =	smul.u32 @!p0 $0xF7A, s2;
	p2 =	seq.s32 @!p0 s5, $0x0  }
0x1f: {  	s9 =	smul.u32 $0xF7A, s1;
	s8 =	simm.s32 @!p0 $0x1BF5;
	p2 =	por !p2, p0  }
0x20: {  	[sflag:s8] =	ssyncset.s32 @!p0 $0xFFFFF086;
	s6 =	sadd.s32 @!p0 s3, s7;
	s7 =	simm.s32 @!p0 $0x108  }
0x21: {  	s3 =	sadd.s32 s3, s9;
	s6 =	sadd.s32 @!p0 $0x88, s6;
	s7 =	simm.s32 @p2 $0x1082  }
0x22: {  	[simem:s7], [sflag:s8] =	dma.local @!p0 [hbm:s6], $0xF7A  }
0x23: {  	s9 =	sor.u32 $0xD0000000, s2;
	s6 =	simm.s32 $0x108;
	_ =	swait.ge @!p0 [sflag:s8], $0x0  }
0x24: {  	s3 =	sadd.s32 $0x88, s3;
	s6 =	simm.s32 @!p1 $0x1082;
	[sflag:s4] =	ssyncset.s32 $0xFFFFF086  }
0x25: {  	[simem:s6], [sflag:s4] =	dma.local [hbm:s3], $0xF7A  }
0x26: {  	[smem:$0x3F91] =	sst s1;
	(tag) =	ssettag s2;
	_ =	strace s9  }
0x27: {  	s1 =	sld [smem:$0x3FA1]  }
0x28: {  	s2 =	sld [smem:$0x3FA2]  }
0x29: {  	s4 =	sld [smem:$0x3FA4]  }
0x2a: {  	p0 =	seq.s32 s5, $0x0;
	s5 =	sld [smem:$0x3FA5]  }
0x2b: {  	s6 =	sld [smem:$0x3FA6]  }
0x2c: {  	s7 =	sld [smem:$0x3FA7]  }
0x2d: {  	s3 =	simm.s32 $0x108;
	s8 =	sld [smem:$0x3FA8]  }
0x2e: {  	s3 =	simm.s32 @!p0 $0x1082;
	s9 =	sld [smem:$0x3FA9]  }
0x2f: {  	lr =	sadd.s32 s0, s3;
	s0 =	sld [smem:$0x3FA0]  }
0x30: {  	s3 =	sld [smem:$0x3FA3]  }
0x31: {  	[smem:$0x3FAC] =	sst s10  }
0x32: {  	s10 =	sld [smem:$0x3FAA];
	_ =	sdelay $0x3  }
0x33: {  	p0 =	seq.s32 s10, $0x1;
	s10 =	sld [smem:$0x3FAC];
	_ =	sdelay $0x3  }
0x34: {  	[smem:$0x3FAC] =	sst s10  }
0x35: {  	s10 =	sld [smem:$0x3FAB];
	_ =	sdelay $0x3  }
0x36: {  	p1 =	seq.s32 s10, $0x1;
	s10 =	sld [smem:$0x3FAC];
	_ =	sdelay $0x3  }
0x37: {  	[smem:$0x3FAC] =	sst s10  }
0x38: {  	s10 =	sld [smem:$0x3FAD]  }
0x39: {  	_ = 	snop;
	(pc) =	sbr.ind lr, $3  }
0x3a: {  	_ = 	snop  }
0x3b: {  	_ = 	snop  }
0x3c: {  	p2 =	seq.s32 s10, $0x1;
	s10 =	sld [smem:$0x3FAC]  }
0x3d: {  	_ =	shalt  }
0x3e: {  	_ =	shalt  }
0x3f: {  	_ =	shalt  }
0x40: {  	_ =	shalt  }
0x41: {  	_ =	shalt  }
0x42: {  	_ =	shalt  }
0x43: {  	_ =	shalt  }
0x44: {  	_ =	shalt  }
0x45: {  	_ =	shalt  }
0x46: {  	_ =	shalt  }
0x47: {  	_ =	shalt  }
0x48: {  	_ =	shalt  }
0x49: {  	_ =	shalt  }
0x4a: {  	_ =	shalt  }
0x4b: {  	_ =	shalt  }
0x4c: {  	_ =	shalt  }
0x4d: {  	_ =	shalt  }
0x4e: {  	_ =	shalt  }
0x4f: {  	_ =	shalt  }
0x50: {  	_ =	shalt  }
0x51: {  	_ =	shalt  }
0x52: {  	_ =	shalt  }
0x53: {  	_ =	shalt  }
0x54: {  	_ =	shalt  }
0x55: {  	_ =	shalt  }
0x56: {  	_ =	shalt  }
0x57: {  	_ =	shalt  }
0x58: {  	_ =	shalt  }
0x59: {  	_ =	shalt  }
0x5a: {  	_ =	shalt  }
0x5b: {  	_ =	shalt  }
0x5c: {  	_ =	shalt  }
0x5d: {  	_ =	shalt  }
0x5e: {  	_ =	shalt  }
0x5f: {  	_ =	shalt  }
0x60: {  	_ =	shalt  }
0x61: {  	_ =	shalt  }
0x62: {  	_ =	shalt  }
0x63: {  	_ =	shalt  }
0x64: {  	_ =	shalt  }
0x65: {  	_ =	shalt  }
0x66: {  	_ =	shalt  }
0x67: {  	_ =	shalt  }
0x68: {  	_ =	shalt  }
0x69: {  	_ =	shalt  }
0x6a: {  	_ =	shalt  }
0x6b: {  	_ =	shalt  }
0x6c: {  	_ =	shalt  }
0x6d: {  	_ =	shalt  }
0x6e: {  	_ =	shalt  }
0x6f: {  	_ =	shalt  }
0x70: {  	_ =	shalt  }
0x71: {  	_ =	shalt  }
0x72: {  	_ =	shalt  }
0x73: {  	_ =	shalt  }
0x74: {  	_ =	shalt  }
0x75: {  	_ =	shalt  }
0x76: {  	_ =	shalt  }
0x77: {  	_ =	shalt  }
0x78: {  	_ =	shalt  }
0x79: {  	_ =	shalt  }
0x7a: {  	_ =	shalt  }
0x7b: {  	_ =	shalt  }
0x7c: {  	_ =	shalt  }
0x7d: {  	_ =	shalt  }
0x7e: {  	_ =	shalt  }
0x7f: {  	_ =	shalt  }
0x80: {  	_ =	shalt  }
0x81: {  	_ =	shalt  }
0x82: {  	_ =	shalt  }
0x83: {  	_ =	shalt  }
0x84: {  	_ =	shalt  }
0x85: {  	_ =	shalt  }
0x86: {  	_ =	shalt  }
0x87: {  	_ =	shalt  }
.Lfunc_end0:
.L_simem_size_0:
called_computation_lowered:
.L_overlay_start_0:
0x88: {  	s2 =	sld [smem:$0x3FD9]  }
0x89: {  	s3 =	sld [smem:$0x3FFE];
	_ =	sdelay $0x1  }
0x8a: {  	s1 =	srdreg.scid  }
0x8b: {  	s0 =	sand.u32 $0x1, s1  }
0x8c: {  	s16 =	sshll.u32 s0, $0xA;
	s2 =	sadd.s32 s3, s2  }
0x8d: {  	s2 =	sadd.s32 s2, s16  }
0x8e: {  	[smem:$0x3FB8] =	sst s2  }
0x8f: {  	_ = 	snop  }
0x90: {  	(tm) =	ssettm $0x1  }
0x91: {  	s17 =	sld [smem:$0x3FFB];
	_ =	sdelay $0x3  }
0x92: {  	_ =	strace s17  }
0x93: {  	s2 =	sld [smem:$0x3FFC];
	_ =	sdelay $0x3  }
0x94: {  	_ =	strace s2  }
0x95: {  	s2 =	sld [smem:$0x3FFD];
	_ =	sdelay $0x3  }
0x96: {  	_ =	strace s2  }
0x97: {  	_ =	strace $0x8FFFFFFF  }
0x98: {  	s18 =	sld [smem:$0x3FDB];
	_ =	sdelay $0x1  }
0x99: {  	s19 =	simm.s32 $_scs_section_size  }
0x9a: {  	s4 =	simm.s32 $_size__tile_overlayer_lowered;
	s5 =	simm.s32 $_tile_overlayer_lowered  }
0x9b: {  	s22 =	simm.s32 $0x1BFF;
	s21 =	sshll.u32 s5, $0x1;
	s2 =	sadd.s32 s19, s18  }
0x9c: {  	s6 =	simm.s32 $0x0;
	s20 =	sshll.u32 s4, $0x1;
	s4 =	sadd.s32 s21, s2  }
0x9d: {  	[timem:s6], [sflag:s22] =	dma.local [hbm:s4], s20  }
0x9e: {  	_ =	swait.ge [sflag:s22], s20  }
0x9f: {  	s3 =	ssub.s32 $0x0, s20;
	[sflag:s22] =	ssyncset.done $0x0  }
0xa0: {  	[sflag:s22] =	ssyncadd.s32 s3;
	_ =	sdelay $0x1  }
0xa1: {  	s23 =	simm.s32 $0x1B8B  }
0xa2: {  	_ =	swait.ge [sflag:s23], $0x1  }
0xa3: {  	[sflag:s23] =	ssyncset.done $0x0  }
0xa4: {  	s25 =	simm.s32 $0x1B8E;
	s24 =	sld [smem:$0x3FFE];
	[sflag:s23] =	ssyncadd.s32 $0xFFFFFFFF  }
0xa5: {  	s26 =	simm.s32 $execute0_lowered;
	[smem:$0x3FD2] =	sst s25  }
0xa6: {  	s4 =	sshll.u32 s26, $0x1;
	_ =	strace $0x80000046;
	[dreg:$0x1] =	wrdreg $0xFFFFFFFF  }
0xa7: {  	s28 =	simm.s32 $_size_execute0_lowered;
	s2 =	sadd.s32 s2, s4;
	[dreg:$0x0] =	wrdreg $0x0  }
0xa8: {  	s4 =	sshll.u32 s28, $0x1;
	[dreg:$0x2] =	wrdreg s2  }
0xa9: {  	[dreg:$0x3] =	wrdreg s4  }
0xaa: {  	[dreg:$0x4] =	wrdreg $0xC0  }
0xab: {  	_ =	task [dreg:s6], $0x5FFFF  }
0xac: {  	[dreg:$0x1] =	wrdreg $0xFFFFFFFF  }
0xad: {  	[dreg:$0x0] =	wrdreg $0x60  }
0xae: {  	[dreg:$0x2] =	wrdreg s24  }
0xaf: {  	[dreg:$0x3] =	wrdreg $0x9  }
0xb0: {  	_ =	task.clear_ibuf [dreg:s6], $0x4FFFF;
	_ =	strace $0x90000046  }
0xb1: {  	s29 =	simm.s32 $0x9;
	_ =	strace $0x80000048  }
0xb2: {  	_ =	swait.ge [sflag:s29], $0x1  }
0xb3: {  	[sflag:s29] =	ssyncadd.s32 $0xFFFFFFFF  }
0xb4: {  	_ =	strace $0x90000048  }
0xb5: {  	_ =	sfence  }
0xb6: {  	s30 =	sld [smem:$0x0];
	_ =	sdelay $0x2  }
0xb7: {  	s31 =	sshll.u32 s1, $0xD;
	s1 =	sshrl.u32 s1, $0x2  }
0xb8: {  	s3 =	sand.u32 $0x4000, s31;
	s1 =	sadd.s32 s1, s30  }
0xb9: {  	s0 =	sor.u32 s3, s0;
	s1 =	sshll.u32 s1, $0x11  }
0xba: {  	s0 =	sor.u32 s1, s0  }
0xbb: {  	s0 =	sadd.s32 $0x8F2B, s0  }
0xbc: {  	[sflag:s0] =	ssyncadd.remote.s32 $0x1  }
0xbd: {  	_ =	sfence.sel $0xFFFF  }
0xbe: {  	[dreg:$0x0] =	wrdreg $0xFFFFFFFF;
	(pc) =	sbr.abs _section_cstart, $3  }
0xbf: {  	[dreg:$0x1] =	wrdreg $0xFFFFFFFF  }
0xc0: {  	_ =	task.clear_ibuf [dreg:s6], $0x2FFFF;
	_ =	strace $0x9FFFFFFF  }
0xc1: {  	(tm) =	ssettm $0x7FFFFFFF  }
tec
execute0_lowered:
.L_overlay_start_1:
0x0: {  	(tag) =	ssettag $0x1  }
0x1: {  	s1 =	srdreg.scid  }
0x2: {  	s0 =	stileid.u32;
	s4 =	rddreg [dreg:$0x0]  }
0x3: {  	s2 =	simm.s32 $0x0;
	s13 =	simm.s32 $0x80;
	s14 =	simm.s32 $0xA00  }
0x4: {  	s15 =	simm.s32 $0x1200;
	s16 =	simm.s32 $0x1;
	s17 =	simm.s32 $0x3  }
0x5: {  	s18 =	simm.s32 $0x100;
	s19 =	simm.s32 $0x2;
	s20 =	simm.s32 $0x4  }
0x6: {  	s21 =	simm.s32 $0x980;
	s22 =	simm.s32 $0x0;
	s5 =	sand.u32 $0x1, s1  }
0x7: {  	s3 =	sshll.u32 s0, $0x1;
	s1 =	rddreg [dreg:$0x1];
	s9 =	smul.u32 $0x14000, s0  }
0x8: {  	[smem:$0x7FF] =	sst s2;
	s3 =	sor.u32 s5, s3;
	s11 =	smul.u32 $0xA000, s5  }
0x9: {  	s12 =	sadd.s32 $0x8C00, s4;
	s8 =	ssub.s32 $0x2, s5;
	s6 =	smul.u32 $0x140, s3  }
0xa: {  	_ =	strace $0x80000047;
	s7 =	smul.u32 $0xA000, s3;
	s10 =	sshrl.u32 s8, $0x1  }
0xb: {  	s3 =	sadd.s32 $0x4400, s4;
	s8 =	ssub.s32 s8, s10;
	s9 =	sadd.s32 s11, s9  }
0xc: {  	s6 =	sadd.s32 s6, s4;
	s30 =	sshrl.u32 s7, $0x3;
	s31 =	sor.u32 $0x1000, s9  }
0xd: {  	s11 =	sor.u32 $0x1800, s9;
	s4 =	sadd.s32 $0x6400, s6;
	s5 =	sadd.s32 s12, s30  }
0xe: {  	s6 =	smax.u32 s8, $0x1;
	s10 =	sshrl.u32 s31, $0x3;
	s11 =	sshrl.u32 s11, $0x3  }
0xf: {  	s7 =	sadd.s32 $0x100, s5;
	s8 =	sadd.s32 $0x1200, s5;
	s9 =	sadd.s32 $0x1300, s5  }
0x10: {  	s10 =	sadd.s32 s10, s12;
	s11 =	sadd.s32 s11, s12;
	s12 =	simm.s32 $0x5  }
.LBB2_1:
0x11: {  	[tilespmem:s2], [sflag:$0x5] =	stream.linear.gather [hbm4b:s4+s2], $0xA00, $0x38;
	[tilespmem:$0x1A00] =	vst v63  }
0x12: {  	_ =	swait.ge [sflag:s12], $0xA00  }
0x13: {  	[sflag:s12] =	ssyncset.done $0x0  }
0x14: {  	[sflag:s12] =	ssyncadd.s32 $0xFFFFF600  }
0x15: {  	[tilespmem:s14], [sflag:$0x1] =	stream.indirect.gather [hbm4b:s3+s13], $0x10, s2, s13, $0xb8;
	[tilespmem:$0x1A00] =	vst v63  }
0x16: {  	_ = 	snop  }
0x17: {  	[tilespmem:s15], [sflag:$0x2] =	stream.indirect.gather [hbm4b:s3+s13], $0x10, s13, s13, $0xb8;
	[tilespmem:$0x1A00] =	vst v63  }
0x18: {  	_ =	swait.ge [sflag:s16], $0x800  }
0x19: {  	[sflag:s16] =	ssyncset.done $0x0  }
0x1a: {  	[sflag:s16] =	ssyncadd.s32 $0xFFFFF800  }
0x1b: {  	[hbm4b:s5+s2] =	stream.linear.scatter [tilespmem:s14], [sflag:$0x3], $0x800, $0x38;
	[tilespmem:$0x1A00] =	vst v63  }
0x1c: {  	_ =	swait.ge [sflag:s17], $0x800  }
0x1d: {  	[sflag:s17] =	ssyncset.done $0x0  }
0x1e: {  	[sflag:s17] =	ssyncadd.s32 $0xFFFFF800  }
0x1f: {  	[tilespmem:s14], [sflag:$0x1] =	stream.indirect.gather [hbm4b:s3+s13], $0x10, s18, s13, $0xb8;
	[tilespmem:$0x1A00] =	vst v63  }
0x20: {  	_ =	swait.ge [sflag:s19], $0x800  }
0x21: {  	[sflag:s19] =	ssyncset.done $0x0  }
0x22: {  	[sflag:s19] =	ssyncadd.s32 $0xFFFFF800  }
0x23: {  	[hbm4b:s7+s2] =	stream.linear.scatter [tilespmem:s15], [sflag:$0x4], $0x800, $0x38;
	[tilespmem:$0x1A00] =	vst v63  }
0x24: {  	_ =	swait.ge [sflag:s20], $0x800  }
0x25: {  	[sflag:s20] =	ssyncset.done $0x0  }
0x26: {  	s23 =	simm.s32 $0x180;
	[sflag:s20] =	ssyncadd.s32 $0xFFFFF800  }
0x27: {  	[tilespmem:s15], [sflag:$0x2] =	stream.indirect.gather [hbm4b:s3+s13], $0x10, s23, s13, $0xb8;
	[tilespmem:$0x1A00] =	vst v63  }
0x28: {  	_ =	swait.ge [sflag:s16], $0x800  }
0x29: {  	[sflag:s16] =	ssyncset.done $0x0  }
0x2a: {  	s30 =	sadd.s32 $0x0, s10;
	[sflag:s16] =	ssyncadd.s32 $0xFFFFF800  }
0x2b: {  	[hbm4b:s30+s2] =	stream.linear.scatter [tilespmem:s14], [sflag:$0x3], $0x800, $0x38;
	[tilespmem:$0x1A00] =	vst v63  }
0x2c: {  	_ =	swait.ge [sflag:s17], $0x800  }
0x2d: {  	[sflag:s17] =	ssyncset.done $0x0  }
0x2e: {  	s31 =	simm.s32 $0x200;
	[sflag:s17] =	ssyncadd.s32 $0xFFFFF800  }
0x2f: {  	[tilespmem:s14], [sflag:$0x1] =	stream.indirect.gather [hbm4b:s3+s13], $0x10, s31, s13, $0xb8;
	[tilespmem:$0x1A00] =	vst v63  }
0x30: {  	_ =	swait.ge [sflag:s19], $0x800  }
0x31: {  	s25 =	sadd.s32 $0x0, s11;
	[sflag:s19] =	ssyncset.done $0x0  }
0x32: {  	s24 =	simm.s32 $0x300;
	s23 =	simm.s32 $0x200;
	[sflag:s19] =	ssyncadd.s32 $0xFFFFF800  }
.LBB2_2:
0x33: {  	[hbm4b:s25+s2] =	stream.linear.scatter [tilespmem:s15], [sflag:$0x4], $0x800, $0x38;
	[tilespmem:$0x1A00] =	vst v63  }
0x34: {  	s25 =	smov.u32 s23  }
0x35: {  	p0 =	sne.s32 s23, $0xE00;
	s23 =	sadd.s32 $0x200, s23;
	_ =	swait.ge [sflag:s20], $0x800  }
0x36: {  	[sflag:s20] =	ssyncset.done $0x0  }
0x37: {  	s26 =	sadd.s32 $0xFFFFFF80, s24;
	[sflag:s20] =	ssyncadd.s32 $0xFFFFF800  }
0x38: {  	[tilespmem:s15], [sflag:$0x2] =	stream.indirect.gather [hbm4b:s3+s13], $0x10, s26, s13, $0xb8;
	[tilespmem:$0x1A00] =	vst v63  }
0x39: {  	_ =	swait.ge [sflag:s16], $0x800  }
0x3a: {  	[sflag:s16] =	ssyncset.done $0x0  }
0x3b: {  	s26 =	sadd.s32 s25, s10;
	[sflag:s16] =	ssyncadd.s32 $0xFFFFF800  }
0x3c: {  	[hbm4b:s26+s2] =	stream.linear.scatter [tilespmem:s14], [sflag:$0x3], $0x800, $0x38;
	[tilespmem:$0x1A00] =	vst v63  }
0x3d: {  	_ =	swait.ge [sflag:s17], $0x800  }
0x3e: {  	[sflag:s17] =	ssyncset.done $0x0  }
.Ltmp0:
0x3f: {  	[sflag:s17] =	ssyncadd.s32 $0xFFFFF800;
	(pc) =	sbr.rel @p0 .LBB2_2-.Ltmp0, $4  }
0x40: {  	[tilespmem:s14], [sflag:$0x1] =	stream.indirect.gather [hbm4b:s3+s13], $0x10, s24, s13, $0xb8;
	[tilespmem:$0x1A00] =	vst v63  }
0x41: {  	_ =	swait.ge [sflag:s19], $0x800  }
0x42: {  	[sflag:s19] =	ssyncset.done $0x0  }
0x43: {  	s25 =	sadd.s32 s25, s11;
	s24 =	sadd.s32 $0x100, s24;
	[sflag:s19] =	ssyncadd.s32 $0xFFFFF800  }
0x44: {  	[hbm4b:s25+s2] =	stream.linear.scatter [tilespmem:s15], [sflag:$0x4], $0x800, $0x38;
	[tilespmem:$0x1A00] =	vst v63  }
0x45: {  	_ =	swait.ge [sflag:s20], $0x800  }
0x46: {  	[sflag:s20] =	ssyncset.done $0x0  }
0x47: {  	[sflag:s20] =	ssyncadd.s32 $0xFFFFF800  }
0x48: {  	[tilespmem:s15], [sflag:$0x2] =	stream.indirect.gather [hbm4b:s3+s13], $0x10, s21, s13, $0xb8;
	[tilespmem:$0x1A00] =	vst v63  }
0x49: {  	_ =	swait.ge [sflag:s16], $0x800  }
0x4a: {  	[sflag:s16] =	ssyncset.done $0x0  }
0x4b: {  	[sflag:s16] =	ssyncadd.s32 $0xFFFFF800  }
0x4c: {  	[hbm4b:s8+s2] =	stream.linear.scatter [tilespmem:s14], [sflag:$0x3], $0x800, $0x38;
	[tilespmem:$0x1A00] =	vst v63  }
0x4d: {  	_ =	swait.ge [sflag:s17], $0x800  }
0x4e: {  	[sflag:s17] =	ssyncset.done $0x0  }
0x4f: {  	[sflag:s17] =	ssyncadd.s32 $0xFFFFF800  }
0x50: {  	s22 =	sadd.s32 $0x1, s22;
	_ =	swait.ge [sflag:s19], $0x800  }
0x51: {  	p0 =	sne.s32 s22, s6;
	[sflag:s19] =	ssyncset.done $0x0  }
.Ltmp1:
0x52: {  	[sflag:s19] =	ssyncadd.s32 $0xFFFFF800;
	(pc) =	sbr.rel @p0 .LBB2_1-.Ltmp1, $4  }
0x53: {  	[hbm4b:s9+s2] =	stream.linear.scatter [tilespmem:s15], [sflag:$0x4], $0x800, $0x38;
	[tilespmem:$0x1A00] =	vst v63  }
0x54: {  	_ =	swait.ge [sflag:s20], $0x800  }
0x55: {  	[sflag:s20] =	ssyncset.done $0x0  }
0x56: {  	[sflag:s20] =	ssyncadd.s32 $0xFFFFF800  }
0x57: {  	_ =	sfence.sel $0x180000  }
0x58: {  	[bflag:$0x0] =	sbarrier.arrive $0xFFFF  }
0x59: {  	p0 =	sne.s32 s0, $0x0;
	_ =	strace $0x90000047  }
0x5a: {  	s0 =	sadd.s32 @!p0 $0x100000, s1;
	[bflag:$0x2] =	sbarrier.arrive $0xFFFF  }
0x5b: {  	[sflag:s0] =	ssyncadd.tile.s32 @!p0 $0x1;
	_ =	shalt  }
.Lfunc_end2:
_tile_overlayer_lowered:
.L_overlay_start_2:
0x5c: {  	(tag) =	ssettag $0x2  }
0x5d: {  	s0 =	rddreg [dreg:$0x0];
	s2 =	stileid.u32  }
0x5e: {  	s1 =	rddreg [dreg:$0x1];
	p0 =	sne.s32 s2, $0x0  }
0x5f: {  	s3 =	rddreg [dreg:$0x2];
	[bflag:$0x3] =	sbarrier.arrive $0xFFFF;
	s2 =	simm.s32 @!p0 $0x1C05  }
0x60: {  	[timem:s3], [sflag:s2] =	dma.local @!p0 [hbm:s0], s1  }
0x61: {  	s0 =	simm.s32 @!p0 $0x5  }
0x62: {  	_ =	swait.ge @!p0 [sflag:s0], s1  }
0x63: {  	s1 =	ssub.s32 @!p0 $0x0, s1;
	[sflag:s0] =	ssyncset.done @!p0 $0x0  }
0x64: {  	[sflag:s0] =	ssyncadd.s32 @!p0 s1  }
0x65: {  	[bflag:$0x3] =	sbarrier.arrive $0xFFFF  }
0x66: {  	_ =	shalt  }

// kernel: kernel.22.cloned.1.call-start
scs
__scs_entry_jumppad:
0x0: {  	(pc) =	sbr.rel $0x88, $3  }
0x1: {  	(tag) =	ssettag $0x0;
	lr =	simm.s32 $0x1  }
0x2: {  	[smem:$0x3F91] =	sst lr;
	_ =	strace $0xD0000000  }
0x3: {  	_ = 	snop  }
0x4: {  	_ = 	snop  }
0x5: {  	_ = 	snop  }
0x6: {  	_ = 	snop  }
0x7: {  	_ = 	snop  }
__scs_overlays_trampoline_lowered:
0x8: {  	[smem:$0x3FA0] =	sst s0  }
0x9: {  	[smem:$0x3FA1] =	sst s1  }
0xa: {  	[smem:$0x3FA2] =	sst s2  }
0xb: {  	[smem:$0x3FA3] =	sst s3  }
0xc: {  	[smem:$0x3FA4] =	sst s4  }
0xd: {  	[smem:$0x3FA5] =	sst s5  }
0xe: {  	[smem:$0x3FA6] =	sst s6  }
0xf: {  	[smem:$0x3FA7] =	sst s7  }
0x10: {  	[smem:$0x3FA8] =	sst s8  }
0x11: {  	[smem:$0x3FA9] =	sst s9;
	s0 =	simm.s32 @!p0 $0x0  }
0x12: {  	s1 =	sld [smem:$0x3F8F];
	s0 =	simm.s32 @p0 $0x1  }
0x13: {  	[smem:$0x3FAA] =	sst s0;
	s0 =	simm.s32 @!p1 $0x0  }
0x14: {  	s2 =	sld [smem:$0x3F8E];
	s0 =	simm.s32 @p1 $0x1  }
0x15: {  	[smem:$0x3FAB] =	sst s0;
	s0 =	simm.s32 @!p2 $0x0  }
0x16: {  	s3 =	sld [smem:$0x3FDB];
	s0 =	simm.s32 @p2 $0x1  }
0x17: {  	s4 =	simm.s32 $0x1BF5;
	[smem:$0x3FAD] =	sst s0  }
0x18: {  	s0 =	sld [smem:$0x3F90];
	_ =	swait.ge [sflag:s4], $0x0  }
0x19: {  	s7 =	sld [smem:$0x3F91]  }
0x1a: {  	s8 =	sadd.s32 $0xFFFFE003, lr  }
0x1b: {  	s9 =	sadd.s32 $0xFFFFFEF7, lr;
	s5 =	simm.s32 $0xFFFFFFFF;
	p2 =	slt.u32 s8, $0xFFFFF086  }
0x1c: {  	p1 =	slt.u32 s9, $0xF7A;
	s5 =	simm.s32 @!p2 $0x0  }
0x1d: {  	s5 =	simm.s32 @p1 $0x1;
	p0 =	seq.s32 s7, s2  }
0x1e: {  	s7 =	smul.u32 @!p0 $0xF7A, s2;
	p2 =	seq.s32 @!p0 s5, $0x0  }
0x1f: {  	s9 =	smul.u32 $0xF7A, s1;
	s8 =	simm.s32 @!p0 $0x1BF5;
	p2 =	por !p2, p0  }
0x20: {  	[sflag:s8] =	ssyncset.s32 @!p0 $0xFFFFF086;
	s6 =	sadd.s32 @!p0 s3, s7;
	s7 =	simm.s32 @!p0 $0x108  }
0x21: {  	s3 =	sadd.s32 s3, s9;
	s6 =	sadd.s32 @!p0 $0x88, s6;
	s7 =	simm.s32 @p2 $0x1082  }
0x22: {  	[simem:s7], [sflag:s8] =	dma.local @!p0 [hbm:s6], $0xF7A  }
0x23: {  	s9 =	sor.u32 $0xD0000000, s2;
	s6 =	simm.s32 $0x108;
	_ =	swait.ge @!p0 [sflag:s8], $0x0  }
0x24: {  	s3 =	sadd.s32 $0x88, s3;
	s6 =	simm.s32 @!p1 $0x1082;
	[sflag:s4] =	ssyncset.s32 $0xFFFFF086  }
0x25: {  	[simem:s6], [sflag:s4] =	dma.local [hbm:s3], $0xF7A  }
0x26: {  	[smem:$0x3F91] =	sst s1;
	(tag) =	ssettag s2;
	_ =	strace s9  }
0x27: {  	s1 =	sld [smem:$0x3FA1]  }
0x28: {  	s2 =	sld [smem:$0x3FA2]  }
0x29: {  	s4 =	sld [smem:$0x3FA4]  }
0x2a: {  	p0 =	seq.s32 s5, $0x0;
	s5 =	sld [smem:$0x3FA5]  }
0x2b: {  	s6 =	sld [smem:$0x3FA6]  }
0x2c: {  	s7 =	sld [smem:$0x3FA7]  }
0x2d: {  	s3 =	simm.s32 $0x108;
	s8 =	sld [smem:$0x3FA8]  }
0x2e: {  	s3 =	simm.s32 @!p0 $0x1082;
	s9 =	sld [smem:$0x3FA9]  }
0x2f: {  	lr =	sadd.s32 s0, s3;
	s0 =	sld [smem:$0x3FA0]  }
0x30: {  	s3 =	sld [smem:$0x3FA3]  }
0x31: {  	[smem:$0x3FAC] =	sst s10  }
0x32: {  	s10 =	sld [smem:$0x3FAA];
	_ =	sdelay $0x3  }
0x33: {  	p0 =	seq.s32 s10, $0x1;
	s10 =	sld [smem:$0x3FAC];
	_ =	sdelay $0x3  }
0x34: {  	[smem:$0x3FAC] =	sst s10  }
0x35: {  	s10 =	sld [smem:$0x3FAB];
	_ =	sdelay $0x3  }
0x36: {  	p1 =	seq.s32 s10, $0x1;
	s10 =	sld [smem:$0x3FAC];
	_ =	sdelay $0x3  }
0x37: {  	[smem:$0x3FAC] =	sst s10  }
0x38: {  	s10 =	sld [smem:$0x3FAD]  }
0x39: {  	_ = 	snop;
	(pc) =	sbr.ind lr, $3  }
0x3a: {  	_ = 	snop  }
0x3b: {  	_ = 	snop  }
0x3c: {  	p2 =	seq.s32 s10, $0x1;
	s10 =	sld [smem:$0x3FAC]  }
0x3d: {  	_ =	shalt  }
0x3e: {  	_ =	shalt  }
0x3f: {  	_ =	shalt  }
0x40: {  	_ =	shalt  }
0x41: {  	_ =	shalt  }
0x42: {  	_ =	shalt  }
0x43: {  	_ =	shalt  }
0x44: {  	_ =	shalt  }
0x45: {  	_ =	shalt  }
0x46: {  	_ =	shalt  }
0x47: {  	_ =	shalt  }
0x48: {  	_ =	shalt  }
0x49: {  	_ =	shalt  }
0x4a: {  	_ =	shalt  }
0x4b: {  	_ =	shalt  }
0x4c: {  	_ =	shalt  }
0x4d: {  	_ =	shalt  }
0x4e: {  	_ =	shalt  }
0x4f: {  	_ =	shalt  }
0x50: {  	_ =	shalt  }
0x51: {  	_ =	shalt  }
0x52: {  	_ =	shalt  }
0x53: {  	_ =	shalt  }
0x54: {  	_ =	shalt  }
0x55: {  	_ =	shalt  }
0x56: {  	_ =	shalt  }
0x57: {  	_ =	shalt  }
0x58: {  	_ =	shalt  }
0x59: {  	_ =	shalt  }
0x5a: {  	_ =	shalt  }
0x5b: {  	_ =	shalt  }
0x5c: {  	_ =	shalt  }
0x5d: {  	_ =	shalt  }
0x5e: {  	_ =	shalt  }
0x5f: {  	_ =	shalt  }
0x60: {  	_ =	shalt  }
0x61: {  	_ =	shalt  }
0x62: {  	_ =	shalt  }
0x63: {  	_ =	shalt  }
0x64: {  	_ =	shalt  }
0x65: {  	_ =	shalt  }
0x66: {  	_ =	shalt  }
0x67: {  	_ =	shalt  }
0x68: {  	_ =	shalt  }
0x69: {  	_ =	shalt  }
0x6a: {  	_ =	shalt  }
0x6b: {  	_ =	shalt  }
0x6c: {  	_ =	shalt  }
0x6d: {  	_ =	shalt  }
0x6e: {  	_ =	shalt  }
0x6f: {  	_ =	shalt  }
0x70: {  	_ =	shalt  }
0x71: {  	_ =	shalt  }
0x72: {  	_ =	shalt  }
0x73: {  	_ =	shalt  }
0x74: {  	_ =	shalt  }
0x75: {  	_ =	shalt  }
0x76: {  	_ =	shalt  }
0x77: {  	_ =	shalt  }
0x78: {  	_ =	shalt  }
0x79: {  	_ =	shalt  }
0x7a: {  	_ =	shalt  }
0x7b: {  	_ =	shalt  }
0x7c: {  	_ =	shalt  }
0x7d: {  	_ =	shalt  }
0x7e: {  	_ =	shalt  }
0x7f: {  	_ =	shalt  }
0x80: {  	_ =	shalt  }
0x81: {  	_ =	shalt  }
0x82: {  	_ =	shalt  }
0x83: {  	_ =	shalt  }
0x84: {  	_ =	shalt  }
0x85: {  	_ =	shalt  }
0x86: {  	_ =	shalt  }
0x87: {  	_ =	shalt  }
.Lfunc_end0:
.L_simem_size_0:
called_computation.1_lowered:
.L_overlay_start_0:
0x88: {  	s2 =	sld [smem:$0x3FD9]  }
0x89: {  	s3 =	sld [smem:$0x3FFE];
	_ =	sdelay $0x1  }
0x8a: {  	s1 =	srdreg.scid  }
0x8b: {  	s0 =	sand.u32 $0x1, s1  }
0x8c: {  	s16 =	sshll.u32 s0, $0xA;
	s2 =	sadd.s32 s3, s2  }
0x8d: {  	s2 =	sadd.s32 s2, s16  }
0x8e: {  	[smem:$0x3FB8] =	sst s2  }
0x8f: {  	_ = 	snop  }
0x90: {  	(tm) =	ssettm $0x1  }
0x91: {  	s17 =	sld [smem:$0x3FFB];
	_ =	sdelay $0x3  }
0x92: {  	_ =	strace s17  }
0x93: {  	s2 =	sld [smem:$0x3FFC];
	_ =	sdelay $0x3  }
0x94: {  	_ =	strace s2  }
0x95: {  	s2 =	sld [smem:$0x3FFD];
	_ =	sdelay $0x3  }
0x96: {  	_ =	strace s2  }
0x97: {  	_ =	strace $0x8FFFFFFF  }
0x98: {  	s18 =	sld [smem:$0x3FDB];
	_ =	sdelay $0x1  }
0x99: {  	s19 =	simm.s32 $_scs_section_size  }
0x9a: {  	s4 =	simm.s32 $_size__tile_overlayer_lowered;
	s5 =	simm.s32 $_tile_overlayer_lowered  }
0x9b: {  	s22 =	simm.s32 $0x1BFF;
	s21 =	sshll.u32 s5, $0x1;
	s2 =	sadd.s32 s19, s18  }
0x9c: {  	s6 =	simm.s32 $0x0;
	s20 =	sshll.u32 s4, $0x1;
	s4 =	sadd.s32 s21, s2  }
0x9d: {  	[timem:s6], [sflag:s22] =	dma.local [hbm:s4], s20  }
0x9e: {  	_ =	swait.ge [sflag:s22], s20  }
0x9f: {  	s3 =	ssub.s32 $0x0, s20;
	[sflag:s22] =	ssyncset.done $0x0  }
0xa0: {  	[sflag:s22] =	ssyncadd.s32 s3;
	_ =	sdelay $0x1  }
0xa1: {  	s23 =	simm.s32 $0x1B8B  }
0xa2: {  	_ =	swait.ge [sflag:s23], $0x1  }
0xa3: {  	[sflag:s23] =	ssyncset.done $0x0  }
0xa4: {  	s25 =	simm.s32 $0x1B8E;
	s24 =	sld [smem:$0x3FFE];
	[sflag:s23] =	ssyncadd.s32 $0xFFFFFFFF  }
0xa5: {  	s26 =	simm.s32 $execute0_lowered;
	[smem:$0x3FD2] =	sst s25  }
0xa6: {  	s4 =	sshll.u32 s26, $0x1;
	_ =	strace $0x80000049;
	[dreg:$0x1] =	wrdreg $0xFFFFFFFF  }
0xa7: {  	s28 =	simm.s32 $_size_execute0_lowered;
	s2 =	sadd.s32 s2, s4;
	[dreg:$0x0] =	wrdreg $0x0  }
0xa8: {  	s4 =	sshll.u32 s28, $0x1;
	[dreg:$0x2] =	wrdreg s2  }
0xa9: {  	[dreg:$0x3] =	wrdreg s4  }
0xaa: {  	[dreg:$0x4] =	wrdreg $0xC0  }
0xab: {  	_ =	task [dreg:s6], $0x5FFFF  }
0xac: {  	[dreg:$0x1] =	wrdreg $0xFFFFFFFF  }
0xad: {  	[dreg:$0x0] =	wrdreg $0x60  }
0xae: {  	[dreg:$0x2] =	wrdreg s24  }
0xaf: {  	[dreg:$0x3] =	wrdreg $0x9  }
0xb0: {  	_ =	task.clear_ibuf [dreg:s6], $0x4FFFF;
	_ =	strace $0x90000049  }
0xb1: {  	s29 =	simm.s32 $0x9;
	_ =	strace $0x8000004B  }
0xb2: {  	_ =	swait.ge [sflag:s29], $0x1  }
0xb3: {  	[sflag:s29] =	ssyncadd.s32 $0xFFFFFFFF  }
0xb4: {  	_ =	strace $0x9000004B  }
0xb5: {  	_ =	sfence  }
0xb6: {  	s30 =	sld [smem:$0x0];
	_ =	sdelay $0x2  }
0xb7: {  	s31 =	sshll.u32 s1, $0xD;
	s1 =	sshrl.u32 s1, $0x2  }
0xb8: {  	s3 =	sand.u32 $0x4000, s31;
	s1 =	sadd.s32 s1, s30  }
0xb9: {  	s0 =	sor.u32 s3, s0;
	s1 =	sshll.u32 s1, $0x11  }
0xba: {  	s0 =	sor.u32 s1, s0  }
0xbb: {  	s0 =	sadd.s32 $0x8F2B, s0  }
0xbc: {  	[sflag:s0] =	ssyncadd.remote.s32 $0x1  }
0xbd: {  	_ =	sfence.sel $0xFFFF  }
0xbe: {  	[dreg:$0x0] =	wrdreg $0xFFFFFFFF;
	(pc) =	sbr.abs _section_cstart, $3  }
0xbf: {  	[dreg:$0x1] =	wrdreg $0xFFFFFFFF  }
0xc0: {  	_ =	task.clear_ibuf [dreg:s6], $0x2FFFF;
	_ =	strace $0x9FFFFFFF  }
0xc1: {  	(tm) =	ssettm $0x7FFFFFFF  }
tec
execute0_lowered:
.L_overlay_start_1:
0x0: {  	(tag) =	ssettag $0x1  }
0x1: {  	s1 =	srdreg.scid  }
0x2: {  	s0 =	stileid.u32;
	s4 =	rddreg [dreg:$0x0]  }
0x3: {  	s2 =	simm.s32 $0x0;
	s13 =	simm.s32 $0x80;
	s14 =	simm.s32 $0xA00  }
0x4: {  	s15 =	simm.s32 $0x2A00;
	s16 =	simm.s32 $0x1;
	s17 =	simm.s32 $0x3  }
0x5: {  	s18 =	simm.s32 $0x100;
	s19 =	simm.s32 $0x2;
	s20 =	simm.s32 $0x4  }
0x6: {  	s21 =	simm.s32 $0x980;
	s22 =	simm.s32 $0x0;
	s5 =	sand.u32 $0x1, s1  }
0x7: {  	s3 =	sshll.u32 s0, $0x1;
	s1 =	rddreg [dreg:$0x1];
	s9 =	smul.u32 $0x50000, s0  }
0x8: {  	[smem:$0x7FF] =	sst s2;
	s3 =	sor.u32 s5, s3;
	s11 =	smul.u32 $0x28000, s5  }
0x9: {  	s12 =	sadd.s32 $0xEC00, s4;
	s8 =	ssub.s32 $0x2, s5;
	s6 =	smul.u32 $0x140, s3  }
0xa: {  	_ =	strace $0x8000004A;
	s7 =	smul.u32 $0x28000, s3;
	s10 =	sshrl.u32 s8, $0x1  }
0xb: {  	s3 =	sadd.s32 $0x4400, s4;
	s8 =	ssub.s32 s8, s10;
	s9 =	sadd.s32 s11, s9  }
0xc: {  	s6 =	sadd.s32 s6, s4;
	s30 =	sshrl.u32 s7, $0x3;
	s31 =	sor.u32 $0x4000, s9  }
0xd: {  	s11 =	sor.u32 $0x6000, s9;
	s4 =	sadd.s32 $0xC400, s6;
	s5 =	sadd.s32 s12, s30  }
0xe: {  	s6 =	smax.u32 s8, $0x1;
	s10 =	sshrl.u32 s31, $0x3;
	s11 =	sshrl.u32 s11, $0x3  }
0xf: {  	s7 =	sadd.s32 $0x400, s5;
	s8 =	sadd.s32 $0x4800, s5;
	s9 =	sadd.s32 $0x4C00, s5  }
0x10: {  	s10 =	sadd.s32 s10, s12;
	s11 =	sadd.s32 s11, s12;
	s12 =	simm.s32 $0x5  }
.LBB2_1:
0x11: {  	[tilespmem:s2], [sflag:$0x5] =	stream.linear.gather [hbm4b:s4+s2], $0xA00, $0x38;
	[tilespmem:$0x4A00] =	vst v63  }
0x12: {  	_ =	swait.ge [sflag:s12], $0xA00  }
0x13: {  	[sflag:s12] =	ssyncset.done $0x0  }
0x14: {  	[sflag:s12] =	ssyncadd.s32 $0xFFFFF600  }
0x15: {  	[tilespmem:s14], [sflag:$0x1] =	stream.indirect.gather [hbm4b:s3+s13], $0x40, s2, s13, $0xb8;
	[tilespmem:$0x4A00] =	vst v63  }
0x16: {  	_ = 	snop  }
0x17: {  	[tilespmem:s15], [sflag:$0x2] =	stream.indirect.gather [hbm4b:s3+s13], $0x40, s13, s13, $0xb8;
	[tilespmem:$0x4A00] =	vst v63  }
0x18: {  	_ =	swait.ge [sflag:s16], $0x2000  }
0x19: {  	[sflag:s16] =	ssyncset.done $0x0  }
0x1a: {  	[sflag:s16] =	ssyncadd.s32 $0xFFFFE000  }
0x1b: {  	[hbm4b:s5+s2] =	stream.linear.scatter [tilespmem:s14], [sflag:$0x3], $0x2000, $0x38;
	[tilespmem:$0x4A00] =	vst v63  }
0x1c: {  	_ =	swait.ge [sflag:s17], $0x2000  }
0x1d: {  	[sflag:s17] =	ssyncset.done $0x0  }
0x1e: {  	[sflag:s17] =	ssyncadd.s32 $0xFFFFE000  }
0x1f: {  	[tilespmem:s14], [sflag:$0x1] =	stream.indirect.gather [hbm4b:s3+s13], $0x40, s18, s13, $0xb8;
	[tilespmem:$0x4A00] =	vst v63  }
0x20: {  	_ =	swait.ge [sflag:s19], $0x2000  }
0x21: {  	[sflag:s19] =	ssyncset.done $0x0  }
0x22: {  	[sflag:s19] =	ssyncadd.s32 $0xFFFFE000  }
0x23: {  	[hbm4b:s7+s2] =	stream.linear.scatter [tilespmem:s15], [sflag:$0x4], $0x2000, $0x38;
	[tilespmem:$0x4A00] =	vst v63  }
0x24: {  	_ =	swait.ge [sflag:s20], $0x2000  }
0x25: {  	[sflag:s20] =	ssyncset.done $0x0  }
0x26: {  	s23 =	simm.s32 $0x180;
	[sflag:s20] =	ssyncadd.s32 $0xFFFFE000  }
0x27: {  	[tilespmem:s15], [sflag:$0x2] =	stream.indirect.gather [hbm4b:s3+s13], $0x40, s23, s13, $0xb8;
	[tilespmem:$0x4A00] =	vst v63  }
0x28: {  	_ =	swait.ge [sflag:s16], $0x2000  }
0x29: {  	[sflag:s16] =	ssyncset.done $0x0  }
0x2a: {  	s30 =	sadd.s32 $0x0, s10;
	[sflag:s16] =	ssyncadd.s32 $0xFFFFE000  }
0x2b: {  	[hbm4b:s30+s2] =	stream.linear.scatter [tilespmem:s14], [sflag:$0x3], $0x2000, $0x38;
	[tilespmem:$0x4A00] =	vst v63  }
0x2c: {  	_ =	swait.ge [sflag:s17], $0x2000  }
0x2d: {  	[sflag:s17] =	ssyncset.done $0x0  }
0x2e: {  	s31 =	simm.s32 $0x200;
	[sflag:s17] =	ssyncadd.s32 $0xFFFFE000  }
0x2f: {  	[tilespmem:s14], [sflag:$0x1] =	stream.indirect.gather [hbm4b:s3+s13], $0x40, s31, s13, $0xb8;
	[tilespmem:$0x4A00] =	vst v63  }
0x30: {  	_ =	swait.ge [sflag:s19], $0x2000  }
0x31: {  	s25 =	sadd.s32 $0x0, s11;
	[sflag:s19] =	ssyncset.done $0x0  }
0x32: {  	s24 =	simm.s32 $0x300;
	s23 =	simm.s32 $0x800;
	[sflag:s19] =	ssyncadd.s32 $0xFFFFE000  }
.LBB2_2:
0x33: {  	[hbm4b:s25+s2] =	stream.linear.scatter [tilespmem:s15], [sflag:$0x4], $0x2000, $0x38;
	[tilespmem:$0x4A00] =	vst v63  }
0x34: {  	s25 =	smov.u32 s23  }
0x35: {  	p0 =	sne.s32 s23, $0x3800;
	s23 =	sadd.s32 $0x800, s23;
	_ =	swait.ge [sflag:s20], $0x2000  }
0x36: {  	[sflag:s20] =	ssyncset.done $0x0  }
0x37: {  	s26 =	sadd.s32 $0xFFFFFF80, s24;
	[sflag:s20] =	ssyncadd.s32 $0xFFFFE000  }
0x38: {  	[tilespmem:s15], [sflag:$0x2] =	stream.indirect.gather [hbm4b:s3+s13], $0x40, s26, s13, $0xb8;
	[tilespmem:$0x4A00] =	vst v63  }
0x39: {  	_ =	swait.ge [sflag:s16], $0x2000  }
0x3a: {  	[sflag:s16] =	ssyncset.done $0x0  }
0x3b: {  	s26 =	sadd.s32 s25, s10;
	[sflag:s16] =	ssyncadd.s32 $0xFFFFE000  }
0x3c: {  	[hbm4b:s26+s2] =	stream.linear.scatter [tilespmem:s14], [sflag:$0x3], $0x2000, $0x38;
	[tilespmem:$0x4A00] =	vst v63  }
0x3d: {  	_ =	swait.ge [sflag:s17], $0x2000  }
0x3e: {  	[sflag:s17] =	ssyncset.done $0x0  }
.Ltmp0:
0x3f: {  	[sflag:s17] =	ssyncadd.s32 $0xFFFFE000;
	(pc) =	sbr.rel @p0 .LBB2_2-.Ltmp0, $4  }
0x40: {  	[tilespmem:s14], [sflag:$0x1] =	stream.indirect.gather [hbm4b:s3+s13], $0x40, s24, s13, $0xb8;
	[tilespmem:$0x4A00] =	vst v63  }
0x41: {  	_ =	swait.ge [sflag:s19], $0x2000  }
0x42: {  	[sflag:s19] =	ssyncset.done $0x0  }
0x43: {  	s25 =	sadd.s32 s25, s11;
	s24 =	sadd.s32 $0x100, s24;
	[sflag:s19] =	ssyncadd.s32 $0xFFFFE000  }
0x44: {  	[hbm4b:s25+s2] =	stream.linear.scatter [tilespmem:s15], [sflag:$0x4], $0x2000, $0x38;
	[tilespmem:$0x4A00] =	vst v63  }
0x45: {  	_ =	swait.ge [sflag:s20], $0x2000  }
0x46: {  	[sflag:s20] =	ssyncset.done $0x0  }
0x47: {  	[sflag:s20] =	ssyncadd.s32 $0xFFFFE000  }
0x48: {  	[tilespmem:s15], [sflag:$0x2] =	stream.indirect.gather [hbm4b:s3+s13], $0x40, s21, s13, $0xb8;
	[tilespmem:$0x4A00] =	vst v63  }
0x49: {  	_ =	swait.ge [sflag:s16], $0x2000  }
0x4a: {  	[sflag:s16] =	ssyncset.done $0x0  }
0x4b: {  	[sflag:s16] =	ssyncadd.s32 $0xFFFFE000  }
0x4c: {  	[hbm4b:s8+s2] =	stream.linear.scatter [tilespmem:s14], [sflag:$0x3], $0x2000, $0x38;
	[tilespmem:$0x4A00] =	vst v63  }
0x4d: {  	_ =	swait.ge [sflag:s17], $0x2000  }
0x4e: {  	[sflag:s17] =	ssyncset.done $0x0  }
0x4f: {  	[sflag:s17] =	ssyncadd.s32 $0xFFFFE000  }
0x50: {  	s22 =	sadd.s32 $0x1, s22;
	_ =	swait.ge [sflag:s19], $0x2000  }
0x51: {  	p0 =	sne.s32 s22, s6;
	[sflag:s19] =	ssyncset.done $0x0  }
.Ltmp1:
0x52: {  	[sflag:s19] =	ssyncadd.s32 $0xFFFFE000;
	(pc) =	sbr.rel @p0 .LBB2_1-.Ltmp1, $4  }
0x53: {  	[hbm4b:s9+s2] =	stream.linear.scatter [tilespmem:s15], [sflag:$0x4], $0x2000, $0x38;
	[tilespmem:$0x4A00] =	vst v63  }
0x54: {  	_ =	swait.ge [sflag:s20], $0x2000  }
0x55: {  	[sflag:s20] =	ssyncset.done $0x0  }
0x56: {  	[sflag:s20] =	ssyncadd.s32 $0xFFFFE000  }
0x57: {  	_ =	sfence.sel $0x180000  }
0x58: {  	[bflag:$0x0] =	sbarrier.arrive $0xFFFF  }
0x59: {  	p0 =	sne.s32 s0, $0x0;
	_ =	strace $0x9000004A  }
0x5a: {  	s0 =	sadd.s32 @!p0 $0x100000, s1;
	[bflag:$0x2] =	sbarrier.arrive $0xFFFF  }
0x5b: {  	[sflag:s0] =	ssyncadd.tile.s32 @!p0 $0x1;
	_ =	shalt  }
.Lfunc_end2:
_tile_overlayer_lowered:
.L_overlay_start_2:
0x5c: {  	(tag) =	ssettag $0x2  }
0x5d: {  	s0 =	rddreg [dreg:$0x0];
	s2 =	stileid.u32  }
0x5e: {  	s1 =	rddreg [dreg:$0x1];
	p0 =	sne.s32 s2, $0x0  }
0x5f: {  	s3 =	rddreg [dreg:$0x2];
	[bflag:$0x3] =	sbarrier.arrive $0xFFFF;
	s2 =	simm.s32 @!p0 $0x1C05  }
0x60: {  	[timem:s3], [sflag:s2] =	dma.local @!p0 [hbm:s0], s1  }
0x61: {  	s0 =	simm.s32 @!p0 $0x5  }
0x62: {  	_ =	swait.ge @!p0 [sflag:s0], s1  }
0x63: {  	s1 =	ssub.s32 @!p0 $0x0, s1;
	[sflag:s0] =	ssyncset.done @!p0 $0x0  }
0x64: {  	[sflag:s0] =	ssyncadd.s32 @!p0 s1  }
0x65: {  	[bflag:$0x3] =	sbarrier.arrive $0xFFFF  }
0x66: {  	_ =	shalt  }

// kernel: kernel.25.cloned.1.call-start
scs
__scs_entry_jumppad:
0x0: {  	(pc) =	sbr.rel $0x88, $3  }
0x1: {  	(tag) =	ssettag $0x0;
	lr =	simm.s32 $0x1  }
0x2: {  	[smem:$0x3F91] =	sst lr;
	_ =	strace $0xD0000000  }
0x3: {  	_ = 	snop  }
0x4: {  	_ = 	snop  }
0x5: {  	_ = 	snop  }
0x6: {  	_ = 	snop  }
0x7: {  	_ = 	snop  }
__scs_overlays_trampoline_lowered:
0x8: {  	[smem:$0x3FA0] =	sst s0  }
0x9: {  	[smem:$0x3FA1] =	sst s1  }
0xa: {  	[smem:$0x3FA2] =	sst s2  }
0xb: {  	[smem:$0x3FA3] =	sst s3  }
0xc: {  	[smem:$0x3FA4] =	sst s4  }
0xd: {  	[smem:$0x3FA5] =	sst s5  }
0xe: {  	[smem:$0x3FA6] =	sst s6  }
0xf: {  	[smem:$0x3FA7] =	sst s7  }
0x10: {  	[smem:$0x3FA8] =	sst s8  }
0x11: {  	[smem:$0x3FA9] =	sst s9;
	s0 =	simm.s32 @!p0 $0x0  }
0x12: {  	s1 =	sld [smem:$0x3F8F];
	s0 =	simm.s32 @p0 $0x1  }
0x13: {  	[smem:$0x3FAA] =	sst s0;
	s0 =	simm.s32 @!p1 $0x0  }
0x14: {  	s2 =	sld [smem:$0x3F8E];
	s0 =	simm.s32 @p1 $0x1  }
0x15: {  	[smem:$0x3FAB] =	sst s0;
	s0 =	simm.s32 @!p2 $0x0  }
0x16: {  	s3 =	sld [smem:$0x3FDB];
	s0 =	simm.s32 @p2 $0x1  }
0x17: {  	s4 =	simm.s32 $0x1BF5;
	[smem:$0x3FAD] =	sst s0  }
0x18: {  	s0 =	sld [smem:$0x3F90];
	_ =	swait.ge [sflag:s4], $0x0  }
0x19: {  	s7 =	sld [smem:$0x3F91]  }
0x1a: {  	s8 =	sadd.s32 $0xFFFFE003, lr  }
0x1b: {  	s9 =	sadd.s32 $0xFFFFFEF7, lr;
	s5 =	simm.s32 $0xFFFFFFFF;
	p2 =	slt.u32 s8, $0xFFFFF086  }
0x1c: {  	p1 =	slt.u32 s9, $0xF7A;
	s5 =	simm.s32 @!p2 $0x0  }
0x1d: {  	s5 =	simm.s32 @p1 $0x1;
	p0 =	seq.s32 s7, s2  }
0x1e: {  	s7 =	smul.u32 @!p0 $0xF7A, s2;
	p2 =	seq.s32 @!p0 s5, $0x0  }
0x1f: {  	s9 =	smul.u32 $0xF7A, s1;
	s8 =	simm.s32 @!p0 $0x1BF5;
	p2 =	por !p2, p0  }
0x20: {  	[sflag:s8] =	ssyncset.s32 @!p0 $0xFFFFF086;
	s6 =	sadd.s32 @!p0 s3, s7;
	s7 =	simm.s32 @!p0 $0x108  }
0x21: {  	s3 =	sadd.s32 s3, s9;
	s6 =	sadd.s32 @!p0 $0x88, s6;
	s7 =	simm.s32 @p2 $0x1082  }
0x22: {  	[simem:s7], [sflag:s8] =	dma.local @!p0 [hbm:s6], $0xF7A  }
0x23: {  	s9 =	sor.u32 $0xD0000000, s2;
	s6 =	simm.s32 $0x108;
	_ =	swait.ge @!p0 [sflag:s8], $0x0  }
0x24: {  	s3 =	sadd.s32 $0x88, s3;
	s6 =	simm.s32 @!p1 $0x1082;
	[sflag:s4] =	ssyncset.s32 $0xFFFFF086  }
0x25: {  	[simem:s6], [sflag:s4] =	dma.local [hbm:s3], $0xF7A  }
0x26: {  	[smem:$0x3F91] =	sst s1;
	(tag) =	ssettag s2;
	_ =	strace s9  }
0x27: {  	s1 =	sld [smem:$0x3FA1]  }
0x28: {  	s2 =	sld [smem:$0x3FA2]  }
0x29: {  	s4 =	sld [smem:$0x3FA4]  }
0x2a: {  	p0 =	seq.s32 s5, $0x0;
	s5 =	sld [smem:$0x3FA5]  }
0x2b: {  	s6 =	sld [smem:$0x3FA6]  }
0x2c: {  	s7 =	sld [smem:$0x3FA7]  }
0x2d: {  	s3 =	simm.s32 $0x108;
	s8 =	sld [smem:$0x3FA8]  }
0x2e: {  	s3 =	simm.s32 @!p0 $0x1082;
	s9 =	sld [smem:$0x3FA9]  }
0x2f: {  	lr =	sadd.s32 s0, s3;
	s0 =	sld [smem:$0x3FA0]  }
0x30: {  	s3 =	sld [smem:$0x3FA3]  }
0x31: {  	[smem:$0x3FAC] =	sst s10  }
0x32: {  	s10 =	sld [smem:$0x3FAA];
	_ =	sdelay $0x3  }
0x33: {  	p0 =	seq.s32 s10, $0x1;
	s10 =	sld [smem:$0x3FAC];
	_ =	sdelay $0x3  }
0x34: {  	[smem:$0x3FAC] =	sst s10  }
0x35: {  	s10 =	sld [smem:$0x3FAB];
	_ =	sdelay $0x3  }
0x36: {  	p1 =	seq.s32 s10, $0x1;
	s10 =	sld [smem:$0x3FAC];
	_ =	sdelay $0x3  }
0x37: {  	[smem:$0x3FAC] =	sst s10  }
0x38: {  	s10 =	sld [smem:$0x3FAD]  }
0x39: {  	_ = 	snop;
	(pc) =	sbr.ind lr, $3  }
0x3a: {  	_ = 	snop  }
0x3b: {  	_ = 	snop  }
0x3c: {  	p2 =	seq.s32 s10, $0x1;
	s10 =	sld [smem:$0x3FAC]  }
0x3d: {  	_ =	shalt  }
0x3e: {  	_ =	shalt  }
0x3f: {  	_ =	shalt  }
0x40: {  	_ =	shalt  }
0x41: {  	_ =	shalt  }
0x42: {  	_ =	shalt  }
0x43: {  	_ =	shalt  }
0x44: {  	_ =	shalt  }
0x45: {  	_ =	shalt  }
0x46: {  	_ =	shalt  }
0x47: {  	_ =	shalt  }
0x48: {  	_ =	shalt  }
0x49: {  	_ =	shalt  }
0x4a: {  	_ =	shalt  }
0x4b: {  	_ =	shalt  }
0x4c: {  	_ =	shalt  }
0x4d: {  	_ =	shalt  }
0x4e: {  	_ =	shalt  }
0x4f: {  	_ =	shalt  }
0x50: {  	_ =	shalt  }
0x51: {  	_ =	shalt  }
0x52: {  	_ =	shalt  }
0x53: {  	_ =	shalt  }
0x54: {  	_ =	shalt  }
0x55: {  	_ =	shalt  }
0x56: {  	_ =	shalt  }
0x57: {  	_ =	shalt  }
0x58: {  	_ =	shalt  }
0x59: {  	_ =	shalt  }
0x5a: {  	_ =	shalt  }
0x5b: {  	_ =	shalt  }
0x5c: {  	_ =	shalt  }
0x5d: {  	_ =	shalt  }
0x5e: {  	_ =	shalt  }
0x5f: {  	_ =	shalt  }
0x60: {  	_ =	shalt  }
0x61: {  	_ =	shalt  }
0x62: {  	_ =	shalt  }
0x63: {  	_ =	shalt  }
0x64: {  	_ =	shalt  }
0x65: {  	_ =	shalt  }
0x66: {  	_ =	shalt  }
0x67: {  	_ =	shalt  }
0x68: {  	_ =	shalt  }
0x69: {  	_ =	shalt  }
0x6a: {  	_ =	shalt  }
0x6b: {  	_ =	shalt  }
0x6c: {  	_ =	shalt  }
0x6d: {  	_ =	shalt  }
0x6e: {  	_ =	shalt  }
0x6f: {  	_ =	shalt  }
0x70: {  	_ =	shalt  }
0x71: {  	_ =	shalt  }
0x72: {  	_ =	shalt  }
0x73: {  	_ =	shalt  }
0x74: {  	_ =	shalt  }
0x75: {  	_ =	shalt  }
0x76: {  	_ =	shalt  }
0x77: {  	_ =	shalt  }
0x78: {  	_ =	shalt  }
0x79: {  	_ =	shalt  }
0x7a: {  	_ =	shalt  }
0x7b: {  	_ =	shalt  }
0x7c: {  	_ =	shalt  }
0x7d: {  	_ =	shalt  }
0x7e: {  	_ =	shalt  }
0x7f: {  	_ =	shalt  }
0x80: {  	_ =	shalt  }
0x81: {  	_ =	shalt  }
0x82: {  	_ =	shalt  }
0x83: {  	_ =	shalt  }
0x84: {  	_ =	shalt  }
0x85: {  	_ =	shalt  }
0x86: {  	_ =	shalt  }
0x87: {  	_ =	shalt  }
.Lfunc_end0:
.L_simem_size_0:
called_computation.2_lowered:
.L_overlay_start_0:
0x88: {  	s2 =	sld [smem:$0x3FD9]  }
0x89: {  	s3 =	sld [smem:$0x3FFE];
	_ =	sdelay $0x1  }
0x8a: {  	s1 =	srdreg.scid  }
0x8b: {  	s0 =	sand.u32 $0x1, s1  }
0x8c: {  	s16 =	sshll.u32 s0, $0xA;
	s2 =	sadd.s32 s3, s2  }
0x8d: {  	s2 =	sadd.s32 s2, s16  }
0x8e: {  	[smem:$0x3FB8] =	sst s2  }
0x8f: {  	_ = 	snop  }
0x90: {  	(tm) =	ssettm $0x1  }
0x91: {  	s17 =	sld [smem:$0x3FFB];
	_ =	sdelay $0x3  }
0x92: {  	_ =	strace s17  }
0x93: {  	s2 =	sld [smem:$0x3FFC];
	_ =	sdelay $0x3  }
0x94: {  	_ =	strace s2  }
0x95: {  	s2 =	sld [smem:$0x3FFD];
	_ =	sdelay $0x3  }
0x96: {  	_ =	strace s2  }
0x97: {  	_ =	strace $0x8FFFFFFF  }
0x98: {  	s18 =	sld [smem:$0x3FDB];
	_ =	sdelay $0x1  }
0x99: {  	s19 =	simm.s32 $_scs_section_size  }
0x9a: {  	s4 =	simm.s32 $_size__tile_overlayer_lowered;
	s5 =	simm.s32 $_tile_overlayer_lowered  }
0x9b: {  	s22 =	simm.s32 $0x1BFF;
	s21 =	sshll.u32 s5, $0x1;
	s2 =	sadd.s32 s19, s18  }
0x9c: {  	s6 =	simm.s32 $0x0;
	s20 =	sshll.u32 s4, $0x1;
	s4 =	sadd.s32 s21, s2  }
0x9d: {  	[timem:s6], [sflag:s22] =	dma.local [hbm:s4], s20  }
0x9e: {  	_ =	swait.ge [sflag:s22], s20  }
0x9f: {  	s3 =	ssub.s32 $0x0, s20;
	[sflag:s22] =	ssyncset.done $0x0  }
0xa0: {  	[sflag:s22] =	ssyncadd.s32 s3;
	_ =	sdelay $0x1  }
0xa1: {  	s23 =	simm.s32 $0x1B8B  }
0xa2: {  	_ =	swait.ge [sflag:s23], $0x1  }
0xa3: {  	[sflag:s23] =	ssyncset.done $0x0  }
0xa4: {  	s25 =	simm.s32 $0x1B8E;
	s24 =	sld [smem:$0x3FFE];
	[sflag:s23] =	ssyncadd.s32 $0xFFFFFFFF  }
0xa5: {  	s26 =	simm.s32 $execute0_lowered;
	[smem:$0x3FD2] =	sst s25  }
0xa6: {  	s4 =	sshll.u32 s26, $0x1;
	_ =	strace $0x8000004C;
	[dreg:$0x1] =	wrdreg $0xFFFFFFFF  }
0xa7: {  	s28 =	simm.s32 $_size_execute0_lowered;
	s2 =	sadd.s32 s2, s4;
	[dreg:$0x0] =	wrdreg $0x0  }
0xa8: {  	s4 =	sshll.u32 s28, $0x1;
	[dreg:$0x2] =	wrdreg s2  }
0xa9: {  	[dreg:$0x3] =	wrdreg s4  }
0xaa: {  	[dreg:$0x4] =	wrdreg $0xC0  }
0xab: {  	_ =	task [dreg:s6], $0x5FFFF  }
0xac: {  	[dreg:$0x1] =	wrdreg $0xFFFFFFFF  }
0xad: {  	[dreg:$0x0] =	wrdreg $0x60  }
0xae: {  	[dreg:$0x2] =	wrdreg s24  }
0xaf: {  	[dreg:$0x3] =	wrdreg $0x9  }
0xb0: {  	_ =	task.clear_ibuf [dreg:s6], $0x4FFFF;
	_ =	strace $0x9000004C  }
0xb1: {  	s29 =	simm.s32 $0x9;
	_ =	strace $0x8000004E  }
0xb2: {  	_ =	swait.ge [sflag:s29], $0x1  }
0xb3: {  	[sflag:s29] =	ssyncadd.s32 $0xFFFFFFFF  }
0xb4: {  	_ =	strace $0x9000004E  }
0xb5: {  	_ =	sfence  }
0xb6: {  	s30 =	sld [smem:$0x0];
	_ =	sdelay $0x2  }
0xb7: {  	s31 =	sshll.u32 s1, $0xD;
	s1 =	sshrl.u32 s1, $0x2  }
0xb8: {  	s3 =	sand.u32 $0x4000, s31;
	s1 =	sadd.s32 s1, s30  }
0xb9: {  	s0 =	sor.u32 s3, s0;
	s1 =	sshll.u32 s1, $0x11  }
0xba: {  	s0 =	sor.u32 s1, s0  }
0xbb: {  	s0 =	sadd.s32 $0x8F2B, s0  }
0xbc: {  	[sflag:s0] =	ssyncadd.remote.s32 $0x1  }
0xbd: {  	_ =	sfence.sel $0xFFFF  }
0xbe: {  	[dreg:$0x0] =	wrdreg $0xFFFFFFFF;
	(pc) =	sbr.abs _section_cstart, $3  }
0xbf: {  	[dreg:$0x1] =	wrdreg $0xFFFFFFFF  }
0xc0: {  	_ =	task.clear_ibuf [dreg:s6], $0x2FFFF;
	_ =	strace $0x9FFFFFFF  }
0xc1: {  	(tm) =	ssettm $0x7FFFFFFF  }
tec
execute0_lowered:
.L_overlay_start_1:
0x0: {  	(tag) =	ssettag $0x1  }
0x1: {  	s1 =	srdreg.scid  }
0x2: {  	s0 =	stileid.u32;
	s4 =	rddreg [dreg:$0x0]  }
0x3: {  	s2 =	simm.s32 $0x0;
	s13 =	simm.s32 $0x80;
	s14 =	simm.s32 $0xA00  }
0x4: {  	s15 =	simm.s32 $0x2A00;
	s16 =	simm.s32 $0x1;
	s17 =	simm.s32 $0x3  }
0x5: {  	s18 =	simm.s32 $0x100;
	s19 =	simm.s32 $0x2;
	s20 =	simm.s32 $0x4  }
0x6: {  	s21 =	simm.s32 $0x980;
	s22 =	simm.s32 $0x0;
	s5 =	sand.u32 $0x1, s1  }
0x7: {  	s3 =	sshll.u32 s0, $0x1;
	s1 =	rddreg [dreg:$0x1];
	s9 =	smul.u32 $0x50000, s0  }
0x8: {  	[smem:$0x7FF] =	sst s2;
	s3 =	sor.u32 s5, s3;
	s11 =	smul.u32 $0x28000, s5  }
0x9: {  	s12 =	sadd.s32 $0xEC00, s4;
	s8 =	ssub.s32 $0x2, s5;
	s6 =	smul.u32 $0x140, s3  }
0xa: {  	_ =	strace $0x8000004D;
	s7 =	smul.u32 $0x28000, s3;
	s10 =	sshrl.u32 s8, $0x1  }
0xb: {  	s3 =	sadd.s32 $0x4400, s4;
	s8 =	ssub.s32 s8, s10;
	s9 =	sadd.s32 s11, s9  }
0xc: {  	s6 =	sadd.s32 s6, s4;
	s30 =	sshrl.u32 s7, $0x3;
	s31 =	sor.u32 $0x4000, s9  }
0xd: {  	s11 =	sor.u32 $0x6000, s9;
	s4 =	sadd.s32 $0xC400, s6;
	s5 =	sadd.s32 s12, s30  }
0xe: {  	s6 =	smax.u32 s8, $0x1;
	s10 =	sshrl.u32 s31, $0x3;
	s11 =	sshrl.u32 s11, $0x3  }
0xf: {  	s7 =	sadd.s32 $0x400, s5;
	s8 =	sadd.s32 $0x4800, s5;
	s9 =	sadd.s32 $0x4C00, s5  }
0x10: {  	s10 =	sadd.s32 s10, s12;
	s11 =	sadd.s32 s11, s12;
	s12 =	simm.s32 $0x5  }
.LBB2_1:
0x11: {  	[tilespmem:s2], [sflag:$0x5] =	stream.linear.gather [hbm4b:s4+s2], $0xA00, $0x38;
	[tilespmem:$0x4A00] =	vst v63  }
0x12: {  	_ =	swait.ge [sflag:s12], $0xA00  }
0x13: {  	[sflag:s12] =	ssyncset.done $0x0  }
0x14: {  	[sflag:s12] =	ssyncadd.s32 $0xFFFFF600  }
0x15: {  	[tilespmem:s14], [sflag:$0x1] =	stream.indirect.gather [hbm4b:s3+s13], $0x40, s2, s13, $0xb8;
	[tilespmem:$0x4A00] =	vst v63  }
0x16: {  	_ = 	snop  }
0x17: {  	[tilespmem:s15], [sflag:$0x2] =	stream.indirect.gather [hbm4b:s3+s13], $0x40, s13, s13, $0xb8;
	[tilespmem:$0x4A00] =	vst v63  }
0x18: {  	_ =	swait.ge [sflag:s16], $0x2000  }
0x19: {  	[sflag:s16] =	ssyncset.done $0x0  }
0x1a: {  	[sflag:s16] =	ssyncadd.s32 $0xFFFFE000  }
0x1b: {  	[hbm4b:s5+s2] =	stream.linear.scatter [tilespmem:s14], [sflag:$0x3], $0x2000, $0x38;
	[tilespmem:$0x4A00] =	vst v63  }
0x1c: {  	_ =	swait.ge [sflag:s17], $0x2000  }
0x1d: {  	[sflag:s17] =	ssyncset.done $0x0  }
0x1e: {  	[sflag:s17] =	ssyncadd.s32 $0xFFFFE000  }
0x1f: {  	[tilespmem:s14], [sflag:$0x1] =	stream.indirect.gather [hbm4b:s3+s13], $0x40, s18, s13, $0xb8;
	[tilespmem:$0x4A00] =	vst v63  }
0x20: {  	_ =	swait.ge [sflag:s19], $0x2000  }
0x21: {  	[sflag:s19] =	ssyncset.done $0x0  }
0x22: {  	[sflag:s19] =	ssyncadd.s32 $0xFFFFE000  }
0x23: {  	[hbm4b:s7+s2] =	stream.linear.scatter [tilespmem:s15], [sflag:$0x4], $0x2000, $0x38;
	[tilespmem:$0x4A00] =	vst v63  }
0x24: {  	_ =	swait.ge [sflag:s20], $0x2000  }
0x25: {  	[sflag:s20] =	ssyncset.done $0x0  }
0x26: {  	s23 =	simm.s32 $0x180;
	[sflag:s20] =	ssyncadd.s32 $0xFFFFE000  }
0x27: {  	[tilespmem:s15], [sflag:$0x2] =	stream.indirect.gather [hbm4b:s3+s13], $0x40, s23, s13, $0xb8;
	[tilespmem:$0x4A00] =	vst v63  }
0x28: {  	_ =	swait.ge [sflag:s16], $0x2000  }
0x29: {  	[sflag:s16] =	ssyncset.done $0x0  }
0x2a: {  	s30 =	sadd.s32 $0x0, s10;
	[sflag:s16] =	ssyncadd.s32 $0xFFFFE000  }
0x2b: {  	[hbm4b:s30+s2] =	stream.linear.scatter [tilespmem:s14], [sflag:$0x3], $0x2000, $0x38;
	[tilespmem:$0x4A00] =	vst v63  }
0x2c: {  	_ =	swait.ge [sflag:s17], $0x2000  }
0x2d: {  	[sflag:s17] =	ssyncset.done $0x0  }
0x2e: {  	s31 =	simm.s32 $0x200;
	[sflag:s17] =	ssyncadd.s32 $0xFFFFE000  }
0x2f: {  	[tilespmem:s14], [sflag:$0x1] =	stream.indirect.gather [hbm4b:s3+s13], $0x40, s31, s13, $0xb8;
	[tilespmem:$0x4A00] =	vst v63  }
0x30: {  	_ =	swait.ge [sflag:s19], $0x2000  }
0x31: {  	s25 =	sadd.s32 $0x0, s11;
	[sflag:s19] =	ssyncset.done $0x0  }
0x32: {  	s24 =	simm.s32 $0x300;
	s23 =	simm.s32 $0x800;
	[sflag:s19] =	ssyncadd.s32 $0xFFFFE000  }
.LBB2_2:
0x33: {  	[hbm4b:s25+s2] =	stream.linear.scatter [tilespmem:s15], [sflag:$0x4], $0x2000, $0x38;
	[tilespmem:$0x4A00] =	vst v63  }
0x34: {  	s25 =	smov.u32 s23  }
0x35: {  	p0 =	sne.s32 s23, $0x3800;
	s23 =	sadd.s32 $0x800, s23;
	_ =	swait.ge [sflag:s20], $0x2000  }
0x36: {  	[sflag:s20] =	ssyncset.done $0x0  }
0x37: {  	s26 =	sadd.s32 $0xFFFFFF80, s24;
	[sflag:s20] =	ssyncadd.s32 $0xFFFFE000  }
0x38: {  	[tilespmem:s15], [sflag:$0x2] =	stream.indirect.gather [hbm4b:s3+s13], $0x40, s26, s13, $0xb8;
	[tilespmem:$0x4A00] =	vst v63  }
0x39: {  	_ =	swait.ge [sflag:s16], $0x2000  }
0x3a: {  	[sflag:s16] =	ssyncset.done $0x0  }
0x3b: {  	s26 =	sadd.s32 s25, s10;
	[sflag:s16] =	ssyncadd.s32 $0xFFFFE000  }
0x3c: {  	[hbm4b:s26+s2] =	stream.linear.scatter [tilespmem:s14], [sflag:$0x3], $0x2000, $0x38;
	[tilespmem:$0x4A00] =	vst v63  }
0x3d: {  	_ =	swait.ge [sflag:s17], $0x2000  }
0x3e: {  	[sflag:s17] =	ssyncset.done $0x0  }
.Ltmp0:
0x3f: {  	[sflag:s17] =	ssyncadd.s32 $0xFFFFE000;
	(pc) =	sbr.rel @p0 .LBB2_2-.Ltmp0, $4  }
0x40: {  	[tilespmem:s14], [sflag:$0x1] =	stream.indirect.gather [hbm4b:s3+s13], $0x40, s24, s13, $0xb8;
	[tilespmem:$0x4A00] =	vst v63  }
0x41: {  	_ =	swait.ge [sflag:s19], $0x2000  }
0x42: {  	[sflag:s19] =	ssyncset.done $0x0  }
0x43: {  	s25 =	sadd.s32 s25, s11;
	s24 =	sadd.s32 $0x100, s24;
	[sflag:s19] =	ssyncadd.s32 $0xFFFFE000  }
0x44: {  	[hbm4b:s25+s2] =	stream.linear.scatter [tilespmem:s15], [sflag:$0x4], $0x2000, $0x38;
	[tilespmem:$0x4A00] =	vst v63  }
0x45: {  	_ =	swait.ge [sflag:s20], $0x2000  }
0x46: {  	[sflag:s20] =	ssyncset.done $0x0  }
0x47: {  	[sflag:s20] =	ssyncadd.s32 $0xFFFFE000  }
0x48: {  	[tilespmem:s15], [sflag:$0x2] =	stream.indirect.gather [hbm4b:s3+s13], $0x40, s21, s13, $0xb8;
	[tilespmem:$0x4A00] =	vst v63  }
0x49: {  	_ =	swait.ge [sflag:s16], $0x2000  }
0x4a: {  	[sflag:s16] =	ssyncset.done $0x0  }
0x4b: {  	[sflag:s16] =	ssyncadd.s32 $0xFFFFE000  }
0x4c: {  	[hbm4b:s8+s2] =	stream.linear.scatter [tilespmem:s14], [sflag:$0x3], $0x2000, $0x38;
	[tilespmem:$0x4A00] =	vst v63  }
0x4d: {  	_ =	swait.ge [sflag:s17], $0x2000  }
0x4e: {  	[sflag:s17] =	ssyncset.done $0x0  }
0x4f: {  	[sflag:s17] =	ssyncadd.s32 $0xFFFFE000  }
0x50: {  	s22 =	sadd.s32 $0x1, s22;
	_ =	swait.ge [sflag:s19], $0x2000  }
0x51: {  	p0 =	sne.s32 s22, s6;
	[sflag:s19] =	ssyncset.done $0x0  }
.Ltmp1:
0x52: {  	[sflag:s19] =	ssyncadd.s32 $0xFFFFE000;
	(pc) =	sbr.rel @p0 .LBB2_1-.Ltmp1, $4  }
0x53: {  	[hbm4b:s9+s2] =	stream.linear.scatter [tilespmem:s15], [sflag:$0x4], $0x2000, $0x38;
	[tilespmem:$0x4A00] =	vst v63  }
0x54: {  	_ =	swait.ge [sflag:s20], $0x2000  }
0x55: {  	[sflag:s20] =	ssyncset.done $0x0  }
0x56: {  	[sflag:s20] =	ssyncadd.s32 $0xFFFFE000  }
0x57: {  	_ =	sfence.sel $0x180000  }
0x58: {  	[bflag:$0x0] =	sbarrier.arrive $0xFFFF  }
0x59: {  	p0 =	sne.s32 s0, $0x0;
	_ =	strace $0x9000004D  }
0x5a: {  	s0 =	sadd.s32 @!p0 $0x100000, s1;
	[bflag:$0x2] =	sbarrier.arrive $0xFFFF  }
0x5b: {  	[sflag:s0] =	ssyncadd.tile.s32 @!p0 $0x1;
	_ =	shalt  }
.Lfunc_end2:
_tile_overlayer_lowered:
.L_overlay_start_2:
0x5c: {  	(tag) =	ssettag $0x2  }
0x5d: {  	s0 =	rddreg [dreg:$0x0];
	s2 =	stileid.u32  }
0x5e: {  	s1 =	rddreg [dreg:$0x1];
	p0 =	sne.s32 s2, $0x0  }
0x5f: {  	s3 =	rddreg [dreg:$0x2];
	[bflag:$0x3] =	sbarrier.arrive $0xFFFF;
	s2 =	simm.s32 @!p0 $0x1C05  }
0x60: {  	[timem:s3], [sflag:s2] =	dma.local @!p0 [hbm:s0], s1  }
0x61: {  	s0 =	simm.s32 @!p0 $0x5  }
0x62: {  	_ =	swait.ge @!p0 [sflag:s0], s1  }
0x63: {  	s1 =	ssub.s32 @!p0 $0x0, s1;
	[sflag:s0] =	ssyncset.done @!p0 $0x0  }
0x64: {  	[sflag:s0] =	ssyncadd.s32 @!p0 s1  }
0x65: {  	[bflag:$0x3] =	sbarrier.arrive $0xFFFF  }
0x66: {  	_ =	shalt  }

// kernel: kernel.28.cloned.1.call-start
scs
__scs_entry_jumppad:
0x0: {  	(pc) =	sbr.rel $0x88, $3  }
0x1: {  	(tag) =	ssettag $0x0;
	lr =	simm.s32 $0x1  }
0x2: {  	[smem:$0x3F91] =	sst lr;
	_ =	strace $0xD0000000  }
0x3: {  	_ = 	snop  }
0x4: {  	_ = 	snop  }
0x5: {  	_ = 	snop  }
0x6: {  	_ = 	snop  }
0x7: {  	_ = 	snop  }
__scs_overlays_trampoline_lowered:
0x8: {  	[smem:$0x3FA0] =	sst s0  }
0x9: {  	[smem:$0x3FA1] =	sst s1  }
0xa: {  	[smem:$0x3FA2] =	sst s2  }
0xb: {  	[smem:$0x3FA3] =	sst s3  }
0xc: {  	[smem:$0x3FA4] =	sst s4  }
0xd: {  	[smem:$0x3FA5] =	sst s5  }
0xe: {  	[smem:$0x3FA6] =	sst s6  }
0xf: {  	[smem:$0x3FA7] =	sst s7  }
0x10: {  	[smem:$0x3FA8] =	sst s8  }
0x11: {  	[smem:$0x3FA9] =	sst s9;
	s0 =	simm.s32 @!p0 $0x0  }
0x12: {  	s1 =	sld [smem:$0x3F8F];
	s0 =	simm.s32 @p0 $0x1  }
0x13: {  	[smem:$0x3FAA] =	sst s0;
	s0 =	simm.s32 @!p1 $0x0  }
0x14: {  	s2 =	sld [smem:$0x3F8E];
	s0 =	simm.s32 @p1 $0x1  }
0x15: {  	[smem:$0x3FAB] =	sst s0;
	s0 =	simm.s32 @!p2 $0x0  }
0x16: {  	s3 =	sld [smem:$0x3FDB];
	s0 =	simm.s32 @p2 $0x1  }
0x17: {  	s4 =	simm.s32 $0x1BF5;
	[smem:$0x3FAD] =	sst s0  }
0x18: {  	s0 =	sld [smem:$0x3F90];
	_ =	swait.ge [sflag:s4], $0x0  }
0x19: {  	s7 =	sld [smem:$0x3F91]  }
0x1a: {  	s8 =	sadd.s32 $0xFFFFE003, lr  }
0x1b: {  	s9 =	sadd.s32 $0xFFFFFEF7, lr;
	s5 =	simm.s32 $0xFFFFFFFF;
	p2 =	slt.u32 s8, $0xFFFFF086  }
0x1c: {  	p1 =	slt.u32 s9, $0xF7A;
	s5 =	simm.s32 @!p2 $0x0  }
0x1d: {  	s5 =	simm.s32 @p1 $0x1;
	p0 =	seq.s32 s7, s2  }
0x1e: {  	s7 =	smul.u32 @!p0 $0xF7A, s2;
	p2 =	seq.s32 @!p0 s5, $0x0  }
0x1f: {  	s9 =	smul.u32 $0xF7A, s1;
	s8 =	simm.s32 @!p0 $0x1BF5;
	p2 =	por !p2, p0  }
0x20: {  	[sflag:s8] =	ssyncset.s32 @!p0 $0xFFFFF086;
	s6 =	sadd.s32 @!p0 s3, s7;
	s7 =	simm.s32 @!p0 $0x108  }
0x21: {  	s3 =	sadd.s32 s3, s9;
	s6 =	sadd.s32 @!p0 $0x88, s6;
	s7 =	simm.s32 @p2 $0x1082  }
0x22: {  	[simem:s7], [sflag:s8] =	dma.local @!p0 [hbm:s6], $0xF7A  }
0x23: {  	s9 =	sor.u32 $0xD0000000, s2;
	s6 =	simm.s32 $0x108;
	_ =	swait.ge @!p0 [sflag:s8], $0x0  }
0x24: {  	s3 =	sadd.s32 $0x88, s3;
	s6 =	simm.s32 @!p1 $0x1082;
	[sflag:s4] =	ssyncset.s32 $0xFFFFF086  }
0x25: {  	[simem:s6], [sflag:s4] =	dma.local [hbm:s3], $0xF7A  }
0x26: {  	[smem:$0x3F91] =	sst s1;
	(tag) =	ssettag s2;
	_ =	strace s9  }
0x27: {  	s1 =	sld [smem:$0x3FA1]  }
0x28: {  	s2 =	sld [smem:$0x3FA2]  }
0x29: {  	s4 =	sld [smem:$0x3FA4]  }
0x2a: {  	p0 =	seq.s32 s5, $0x0;
	s5 =	sld [smem:$0x3FA5]  }
0x2b: {  	s6 =	sld [smem:$0x3FA6]  }
0x2c: {  	s7 =	sld [smem:$0x3FA7]  }
0x2d: {  	s3 =	simm.s32 $0x108;
	s8 =	sld [smem:$0x3FA8]  }
0x2e: {  	s3 =	simm.s32 @!p0 $0x1082;
	s9 =	sld [smem:$0x3FA9]  }
0x2f: {  	lr =	sadd.s32 s0, s3;
	s0 =	sld [smem:$0x3FA0]  }
0x30: {  	s3 =	sld [smem:$0x3FA3]  }
0x31: {  	[smem:$0x3FAC] =	sst s10  }
0x32: {  	s10 =	sld [smem:$0x3FAA];
	_ =	sdelay $0x3  }
0x33: {  	p0 =	seq.s32 s10, $0x1;
	s10 =	sld [smem:$0x3FAC];
	_ =	sdelay $0x3  }
0x34: {  	[smem:$0x3FAC] =	sst s10  }
0x35: {  	s10 =	sld [smem:$0x3FAB];
	_ =	sdelay $0x3  }
0x36: {  	p1 =	seq.s32 s10, $0x1;
	s10 =	sld [smem:$0x3FAC];
	_ =	sdelay $0x3  }
0x37: {  	[smem:$0x3FAC] =	sst s10  }
0x38: {  	s10 =	sld [smem:$0x3FAD]  }
0x39: {  	_ = 	snop;
	(pc) =	sbr.ind lr, $3  }
0x3a: {  	_ = 	snop  }
0x3b: {  	_ = 	snop  }
0x3c: {  	p2 =	seq.s32 s10, $0x1;
	s10 =	sld [smem:$0x3FAC]  }
0x3d: {  	_ =	shalt  }
0x3e: {  	_ =	shalt  }
0x3f: {  	_ =	shalt  }
0x40: {  	_ =	shalt  }
0x41: {  	_ =	shalt  }
0x42: {  	_ =	shalt  }
0x43: {  	_ =	shalt  }
0x44: {  	_ =	shalt  }
0x45: {  	_ =	shalt  }
0x46: {  	_ =	shalt  }
0x47: {  	_ =	shalt  }
0x48: {  	_ =	shalt  }
0x49: {  	_ =	shalt  }
0x4a: {  	_ =	shalt  }
0x4b: {  	_ =	shalt  }
0x4c: {  	_ =	shalt  }
0x4d: {  	_ =	shalt  }
0x4e: {  	_ =	shalt  }
0x4f: {  	_ =	shalt  }
0x50: {  	_ =	shalt  }
0x51: {  	_ =	shalt  }
0x52: {  	_ =	shalt  }
0x53: {  	_ =	shalt  }
0x54: {  	_ =	shalt  }
0x55: {  	_ =	shalt  }
0x56: {  	_ =	shalt  }
0x57: {  	_ =	shalt  }
0x58: {  	_ =	shalt  }
0x59: {  	_ =	shalt  }
0x5a: {  	_ =	shalt  }
0x5b: {  	_ =	shalt  }
0x5c: {  	_ =	shalt  }
0x5d: {  	_ =	shalt  }
0x5e: {  	_ =	shalt  }
0x5f: {  	_ =	shalt  }
0x60: {  	_ =	shalt  }
0x61: {  	_ =	shalt  }
0x62: {  	_ =	shalt  }
0x63: {  	_ =	shalt  }
0x64: {  	_ =	shalt  }
0x65: {  	_ =	shalt  }
0x66: {  	_ =	shalt  }
0x67: {  	_ =	shalt  }
0x68: {  	_ =	shalt  }
0x69: {  	_ =	shalt  }
0x6a: {  	_ =	shalt  }
0x6b: {  	_ =	shalt  }
0x6c: {  	_ =	shalt  }
0x6d: {  	_ =	shalt  }
0x6e: {  	_ =	shalt  }
0x6f: {  	_ =	shalt  }
0x70: {  	_ =	shalt  }
0x71: {  	_ =	shalt  }
0x72: {  	_ =	shalt  }
0x73: {  	_ =	shalt  }
0x74: {  	_ =	shalt  }
0x75: {  	_ =	shalt  }
0x76: {  	_ =	shalt  }
0x77: {  	_ =	shalt  }
0x78: {  	_ =	shalt  }
0x79: {  	_ =	shalt  }
0x7a: {  	_ =	shalt  }
0x7b: {  	_ =	shalt  }
0x7c: {  	_ =	shalt  }
0x7d: {  	_ =	shalt  }
0x7e: {  	_ =	shalt  }
0x7f: {  	_ =	shalt  }
0x80: {  	_ =	shalt  }
0x81: {  	_ =	shalt  }
0x82: {  	_ =	shalt  }
0x83: {  	_ =	shalt  }
0x84: {  	_ =	shalt  }
0x85: {  	_ =	shalt  }
0x86: {  	_ =	shalt  }
0x87: {  	_ =	shalt  }
.Lfunc_end0:
.L_simem_size_0:
called_computation.3_lowered:
.L_overlay_start_0:
0x88: {  	s2 =	sld [smem:$0x3FD9]  }
0x89: {  	s3 =	sld [smem:$0x3FFE];
	_ =	sdelay $0x1  }
0x8a: {  	s1 =	srdreg.scid  }
0x8b: {  	s0 =	sand.u32 $0x1, s1  }
0x8c: {  	s16 =	sshll.u32 s0, $0xA;
	s2 =	sadd.s32 s3, s2  }
0x8d: {  	s2 =	sadd.s32 s2, s16  }
0x8e: {  	[smem:$0x3FB8] =	sst s2  }
0x8f: {  	_ = 	snop  }
0x90: {  	(tm) =	ssettm $0x1  }
0x91: {  	s17 =	sld [smem:$0x3FFB];
	_ =	sdelay $0x3  }
0x92: {  	_ =	strace s17  }
0x93: {  	s2 =	sld [smem:$0x3FFC];
	_ =	sdelay $0x3  }
0x94: {  	_ =	strace s2  }
0x95: {  	s2 =	sld [smem:$0x3FFD];
	_ =	sdelay $0x3  }
0x96: {  	_ =	strace s2  }
0x97: {  	_ =	strace $0x8FFFFFFF  }
0x98: {  	s18 =	sld [smem:$0x3FDB];
	_ =	sdelay $0x1  }
0x99: {  	s19 =	simm.s32 $_scs_section_size  }
0x9a: {  	s4 =	simm.s32 $_size__tile_overlayer_lowered;
	s5 =	simm.s32 $_tile_overlayer_lowered  }
0x9b: {  	s22 =	simm.s32 $0x1BFF;
	s21 =	sshll.u32 s5, $0x1;
	s2 =	sadd.s32 s19, s18  }
0x9c: {  	s6 =	simm.s32 $0x0;
	s20 =	sshll.u32 s4, $0x1;
	s4 =	sadd.s32 s21, s2  }
0x9d: {  	[timem:s6], [sflag:s22] =	dma.local [hbm:s4], s20  }
0x9e: {  	_ =	swait.ge [sflag:s22], s20  }
0x9f: {  	s3 =	ssub.s32 $0x0, s20;
	[sflag:s22] =	ssyncset.done $0x0  }
0xa0: {  	[sflag:s22] =	ssyncadd.s32 s3;
	_ =	sdelay $0x1  }
0xa1: {  	s23 =	simm.s32 $0x1B8B  }
0xa2: {  	_ =	swait.ge [sflag:s23], $0x1  }
0xa3: {  	[sflag:s23] =	ssyncset.done $0x0  }
0xa4: {  	s25 =	simm.s32 $0x1B8E;
	s24 =	sld [smem:$0x3FFE];
	[sflag:s23] =	ssyncadd.s32 $0xFFFFFFFF  }
0xa5: {  	s26 =	simm.s32 $execute0_lowered;
	[smem:$0x3FD2] =	sst s25  }
0xa6: {  	s4 =	sshll.u32 s26, $0x1;
	_ =	strace $0x8000004F;
	[dreg:$0x1] =	wrdreg $0xFFFFFFFF  }
0xa7: {  	s28 =	simm.s32 $_size_execute0_lowered;
	s2 =	sadd.s32 s2, s4;
	[dreg:$0x0] =	wrdreg $0x0  }
0xa8: {  	s4 =	sshll.u32 s28, $0x1;
	[dreg:$0x2] =	wrdreg s2  }
0xa9: {  	[dreg:$0x3] =	wrdreg s4  }
0xaa: {  	[dreg:$0x4] =	wrdreg $0xC0  }
0xab: {  	_ =	task [dreg:s6], $0x5FFFF  }
0xac: {  	[dreg:$0x1] =	wrdreg $0xFFFFFFFF  }
0xad: {  	[dreg:$0x0] =	wrdreg $0x60  }
0xae: {  	[dreg:$0x2] =	wrdreg s24  }
0xaf: {  	[dreg:$0x3] =	wrdreg $0x9  }
0xb0: {  	_ =	task.clear_ibuf [dreg:s6], $0x4FFFF;
	_ =	strace $0x9000004F  }
0xb1: {  	s29 =	simm.s32 $0x9;
	_ =	strace $0x80000051  }
0xb2: {  	_ =	swait.ge [sflag:s29], $0x1  }
0xb3: {  	[sflag:s29] =	ssyncadd.s32 $0xFFFFFFFF  }
0xb4: {  	_ =	strace $0x90000051  }
0xb5: {  	_ =	sfence  }
0xb6: {  	s30 =	sld [smem:$0x0];
	_ =	sdelay $0x2  }
0xb7: {  	s31 =	sshll.u32 s1, $0xD;
	s1 =	sshrl.u32 s1, $0x2  }
0xb8: {  	s3 =	sand.u32 $0x4000, s31;
	s1 =	sadd.s32 s1, s30  }
0xb9: {  	s0 =	sor.u32 s3, s0;
	s1 =	sshll.u32 s1, $0x11  }
0xba: {  	s0 =	sor.u32 s1, s0  }
0xbb: {  	s0 =	sadd.s32 $0x8F2B, s0  }
0xbc: {  	[sflag:s0] =	ssyncadd.remote.s32 $0x1  }
0xbd: {  	_ =	sfence.sel $0xFFFF  }
0xbe: {  	[dreg:$0x0] =	wrdreg $0xFFFFFFFF;
	(pc) =	sbr.abs _section_cstart, $3  }
0xbf: {  	[dreg:$0x1] =	wrdreg $0xFFFFFFFF  }
0xc0: {  	_ =	task.clear_ibuf [dreg:s6], $0x2FFFF;
	_ =	strace $0x9FFFFFFF  }
0xc1: {  	(tm) =	ssettm $0x7FFFFFFF  }
tec
execute0_lowered:
.L_overlay_start_1:
0x0: {  	(tag) =	ssettag $0x1  }
0x1: {  	s1 =	srdreg.scid  }
0x2: {  	s0 =	stileid.u32;
	s4 =	rddreg [dreg:$0x0]  }
0x3: {  	s2 =	simm.s32 $0x0;
	s13 =	simm.s32 $0x80;
	s14 =	simm.s32 $0xA00  }
0x4: {  	s15 =	simm.s32 $0x4A00;
	s16 =	simm.s32 $0x1;
	s17 =	simm.s32 $0x3  }
0x5: {  	s18 =	simm.s32 $0x100;
	s19 =	simm.s32 $0x2;
	s20 =	simm.s32 $0x4  }
0x6: {  	s21 =	simm.s32 $0x980;
	s22 =	simm.s32 $0x0;
	s5 =	sand.u32 $0x1, s1  }
0x7: {  	s3 =	sshll.u32 s0, $0x1;
	s1 =	rddreg [dreg:$0x1];
	s9 =	smul.u32 $0xA0000, s0  }
0x8: {  	[smem:$0x7FF] =	sst s2;
	s3 =	sor.u32 s5, s3;
	s11 =	smul.u32 $0x50000, s5  }
0x9: {  	s12 =	sadd.s32 $0x16C00, s4;
	s8 =	ssub.s32 $0x2, s5;
	s6 =	smul.u32 $0x140, s3  }
0xa: {  	_ =	strace $0x80000050;
	s7 =	smul.u32 $0x50000, s3;
	s10 =	sshrl.u32 s8, $0x1  }
0xb: {  	s3 =	sadd.s32 $0x4400, s4;
	s8 =	ssub.s32 s8, s10;
	s9 =	sadd.s32 s11, s9  }
0xc: {  	s6 =	sadd.s32 s6, s4;
	s30 =	sshrl.u32 s7, $0x3;
	s31 =	sor.u32 $0x8000, s9  }
0xd: {  	s11 =	sor.u32 $0xC000, s9;
	s4 =	sadd.s32 $0x14400, s6;
	s5 =	sadd.s32 s12, s30  }
0xe: {  	s6 =	smax.u32 s8, $0x1;
	s10 =	sshrl.u32 s31, $0x3;
	s11 =	sshrl.u32 s11, $0x3  }
0xf: {  	s7 =	sadd.s32 $0x800, s5;
	s8 =	sadd.s32 $0x9000, s5;
	s9 =	sadd.s32 $0x9800, s5  }
0x10: {  	s10 =	sadd.s32 s10, s12;
	s11 =	sadd.s32 s11, s12;
	s12 =	simm.s32 $0x5  }
.LBB2_1:
0x11: {  	[tilespmem:s2], [sflag:$0x5] =	stream.linear.gather [hbm4b:s4+s2], $0xA00, $0x38;
	[tilespmem:$0x8A00] =	vst v63  }
0x12: {  	_ =	swait.ge [sflag:s12], $0xA00  }
0x13: {  	[sflag:s12] =	ssyncset.done $0x0  }
0x14: {  	[sflag:s12] =	ssyncadd.s32 $0xFFFFF600  }
0x15: {  	[tilespmem:s14], [sflag:$0x1] =	stream.indirect.gather [hbm4b:s3+s13], $0x80, s2, s13, $0xb8;
	[tilespmem:$0x8A00] =	vst v63  }
0x16: {  	_ = 	snop  }
0x17: {  	[tilespmem:s15], [sflag:$0x2] =	stream.indirect.gather [hbm4b:s3+s13], $0x80, s13, s13, $0xb8;
	[tilespmem:$0x8A00] =	vst v63  }
0x18: {  	_ =	swait.ge [sflag:s16], $0x4000  }
0x19: {  	[sflag:s16] =	ssyncset.done $0x0  }
0x1a: {  	[sflag:s16] =	ssyncadd.s32 $0xFFFFC000  }
0x1b: {  	[hbm4b:s5+s2] =	stream.linear.scatter [tilespmem:s14], [sflag:$0x3], $0x4000, $0x38;
	[tilespmem:$0x8A00] =	vst v63  }
0x1c: {  	_ =	swait.ge [sflag:s17], $0x4000  }
0x1d: {  	[sflag:s17] =	ssyncset.done $0x0  }
0x1e: {  	[sflag:s17] =	ssyncadd.s32 $0xFFFFC000  }
0x1f: {  	[tilespmem:s14], [sflag:$0x1] =	stream.indirect.gather [hbm4b:s3+s13], $0x80, s18, s13, $0xb8;
	[tilespmem:$0x8A00] =	vst v63  }
0x20: {  	_ =	swait.ge [sflag:s19], $0x4000  }
0x21: {  	[sflag:s19] =	ssyncset.done $0x0  }
0x22: {  	[sflag:s19] =	ssyncadd.s32 $0xFFFFC000  }
0x23: {  	[hbm4b:s7+s2] =	stream.linear.scatter [tilespmem:s15], [sflag:$0x4], $0x4000, $0x38;
	[tilespmem:$0x8A00] =	vst v63  }
0x24: {  	_ =	swait.ge [sflag:s20], $0x4000  }
0x25: {  	[sflag:s20] =	ssyncset.done $0x0  }
0x26: {  	s23 =	simm.s32 $0x180;
	[sflag:s20] =	ssyncadd.s32 $0xFFFFC000  }
0x27: {  	[tilespmem:s15], [sflag:$0x2] =	stream.indirect.gather [hbm4b:s3+s13], $0x80, s23, s13, $0xb8;
	[tilespmem:$0x8A00] =	vst v63  }
0x28: {  	_ =	swait.ge [sflag:s16], $0x4000  }
0x29: {  	[sflag:s16] =	ssyncset.done $0x0  }
0x2a: {  	s30 =	sadd.s32 $0x0, s10;
	[sflag:s16] =	ssyncadd.s32 $0xFFFFC000  }
0x2b: {  	[hbm4b:s30+s2] =	stream.linear.scatter [tilespmem:s14], [sflag:$0x3], $0x4000, $0x38;
	[tilespmem:$0x8A00] =	vst v63  }
0x2c: {  	_ =	swait.ge [sflag:s17], $0x4000  }
0x2d: {  	[sflag:s17] =	ssyncset.done $0x0  }
0x2e: {  	s31 =	simm.s32 $0x200;
	[sflag:s17] =	ssyncadd.s32 $0xFFFFC000  }
0x2f: {  	[tilespmem:s14], [sflag:$0x1] =	stream.indirect.gather [hbm4b:s3+s13], $0x80, s31, s13, $0xb8;
	[tilespmem:$0x8A00] =	vst v63  }
0x30: {  	_ =	swait.ge [sflag:s19], $0x4000  }
0x31: {  	s25 =	sadd.s32 $0x0, s11;
	[sflag:s19] =	ssyncset.done $0x0  }
0x32: {  	s24 =	simm.s32 $0x300;
	s23 =	simm.s32 $0x1000;
	[sflag:s19] =	ssyncadd.s32 $0xFFFFC000  }
.LBB2_2:
0x33: {  	[hbm4b:s25+s2] =	stream.linear.scatter [tilespmem:s15], [sflag:$0x4], $0x4000, $0x38;
	[tilespmem:$0x8A00] =	vst v63  }
0x34: {  	s25 =	smov.u32 s23  }
0x35: {  	p0 =	sne.s32 s23, $0x7000;
	s23 =	sadd.s32 $0x1000, s23;
	_ =	swait.ge [sflag:s20], $0x4000  }
0x36: {  	[sflag:s20] =	ssyncset.done $0x0  }
0x37: {  	s26 =	sadd.s32 $0xFFFFFF80, s24;
	[sflag:s20] =	ssyncadd.s32 $0xFFFFC000  }
0x38: {  	[tilespmem:s15], [sflag:$0x2] =	stream.indirect.gather [hbm4b:s3+s13], $0x80, s26, s13, $0xb8;
	[tilespmem:$0x8A00] =	vst v63  }
0x39: {  	_ =	swait.ge [sflag:s16], $0x4000  }
0x3a: {  	[sflag:s16] =	ssyncset.done $0x0  }
0x3b: {  	s26 =	sadd.s32 s25, s10;
	[sflag:s16] =	ssyncadd.s32 $0xFFFFC000  }
0x3c: {  	[hbm4b:s26+s2] =	stream.linear.scatter [tilespmem:s14], [sflag:$0x3], $0x4000, $0x38;
	[tilespmem:$0x8A00] =	vst v63  }
0x3d: {  	_ =	swait.ge [sflag:s17], $0x4000  }
0x3e: {  	[sflag:s17] =	ssyncset.done $0x0  }
.Ltmp0:
0x3f: {  	[sflag:s17] =	ssyncadd.s32 $0xFFFFC000;
	(pc) =	sbr.rel @p0 .LBB2_2-.Ltmp0, $4  }
0x40: {  	[tilespmem:s14], [sflag:$0x1] =	stream.indirect.gather [hbm4b:s3+s13], $0x80, s24, s13, $0xb8;
	[tilespmem:$0x8A00] =	vst v63  }
0x41: {  	_ =	swait.ge [sflag:s19], $0x4000  }
0x42: {  	[sflag:s19] =	ssyncset.done $0x0  }
0x43: {  	s25 =	sadd.s32 s25, s11;
	s24 =	sadd.s32 $0x100, s24;
	[sflag:s19] =	ssyncadd.s32 $0xFFFFC000  }
0x44: {  	[hbm4b:s25+s2] =	stream.linear.scatter [tilespmem:s15], [sflag:$0x4], $0x4000, $0x38;
	[tilespmem:$0x8A00] =	vst v63  }
0x45: {  	_ =	swait.ge [sflag:s20], $0x4000  }
0x46: {  	[sflag:s20] =	ssyncset.done $0x0  }
0x47: {  	[sflag:s20] =	ssyncadd.s32 $0xFFFFC000  }
0x48: {  	[tilespmem:s15], [sflag:$0x2] =	stream.indirect.gather [hbm4b:s3+s13], $0x80, s21, s13, $0xb8;
	[tilespmem:$0x8A00] =	vst v63  }
0x49: {  	_ =	swait.ge [sflag:s16], $0x4000  }
0x4a: {  	[sflag:s16] =	ssyncset.done $0x0  }
0x4b: {  	[sflag:s16] =	ssyncadd.s32 $0xFFFFC000  }
0x4c: {  	[hbm4b:s8+s2] =	stream.linear.scatter [tilespmem:s14], [sflag:$0x3], $0x4000, $0x38;
	[tilespmem:$0x8A00] =	vst v63  }
0x4d: {  	_ =	swait.ge [sflag:s17], $0x4000  }
0x4e: {  	[sflag:s17] =	ssyncset.done $0x0  }
0x4f: {  	[sflag:s17] =	ssyncadd.s32 $0xFFFFC000  }
0x50: {  	s22 =	sadd.s32 $0x1, s22;
	_ =	swait.ge [sflag:s19], $0x4000  }
0x51: {  	p0 =	sne.s32 s22, s6;
	[sflag:s19] =	ssyncset.done $0x0  }
.Ltmp1:
0x52: {  	[sflag:s19] =	ssyncadd.s32 $0xFFFFC000;
	(pc) =	sbr.rel @p0 .LBB2_1-.Ltmp1, $4  }
0x53: {  	[hbm4b:s9+s2] =	stream.linear.scatter [tilespmem:s15], [sflag:$0x4], $0x4000, $0x38;
	[tilespmem:$0x8A00] =	vst v63  }
0x54: {  	_ =	swait.ge [sflag:s20], $0x4000  }
0x55: {  	[sflag:s20] =	ssyncset.done $0x0  }
0x56: {  	[sflag:s20] =	ssyncadd.s32 $0xFFFFC000  }
0x57: {  	_ =	sfence.sel $0x180000  }
0x58: {  	[bflag:$0x0] =	sbarrier.arrive $0xFFFF  }
0x59: {  	p0 =	sne.s32 s0, $0x0;
	_ =	strace $0x90000050  }
0x5a: {  	s0 =	sadd.s32 @!p0 $0x100000, s1;
	[bflag:$0x2] =	sbarrier.arrive $0xFFFF  }
0x5b: {  	[sflag:s0] =	ssyncadd.tile.s32 @!p0 $0x1;
	_ =	shalt  }
.Lfunc_end2:
_tile_overlayer_lowered:
.L_overlay_start_2:
0x5c: {  	(tag) =	ssettag $0x2  }
0x5d: {  	s0 =	rddreg [dreg:$0x0];
	s2 =	stileid.u32  }
0x5e: {  	s1 =	rddreg [dreg:$0x1];
	p0 =	sne.s32 s2, $0x0  }
0x5f: {  	s3 =	rddreg [dreg:$0x2];
	[bflag:$0x3] =	sbarrier.arrive $0xFFFF;
	s2 =	simm.s32 @!p0 $0x1C05  }
0x60: {  	[timem:s3], [sflag:s2] =	dma.local @!p0 [hbm:s0], s1  }
0x61: {  	s0 =	simm.s32 @!p0 $0x5  }
0x62: {  	_ =	swait.ge @!p0 [sflag:s0], s1  }
0x63: {  	s1 =	ssub.s32 @!p0 $0x0, s1;
	[sflag:s0] =	ssyncset.done @!p0 $0x0  }
0x64: {  	[sflag:s0] =	ssyncadd.s32 @!p0 s1  }
0x65: {  	[bflag:$0x3] =	sbarrier.arrive $0xFFFF  }
0x66: {  	_ =	shalt  }

</sc_bundles>
